<compile_context>
chip_gen: v7x
topology: tpu7x:2x2x1
jax: 0.10.2.dev20260603
libtpu: 0.0.44.dev20260713+nightly
codegen_flags: <defaults>
</compile_context>

<pallas_src>
import functools

import jax
import jax.numpy as jnp
from jax import lax
from jax.experimental import pallas as pl
from jax.experimental.pallas import tpu as pltpu
from jax.experimental.pallas import tpu_sc as plsc

_N = 10000
_E = 160000
_D = 128

_NSUB = 16
_CHUNK = 128
_NCHUNKS = _E // _CHUNK
_BASE_CH = _NCHUNKS // _NSUB
_EXTRA = _NCHUNKS - _BASE_CH * _NSUB
_ROWS_PER_SUB = 624
_NROW = 3
_NIDX = 5
_UNROLL = 15


def _sc_segment_sums(x, ei1, ei2):
    mesh = plsc.VectorSubcoreMesh(core_axis_name="c", subcore_axis_name="s")

    @functools.partial(
        pl.kernel,
        mesh=mesh,
        out_type=jax.ShapeDtypeStruct((2, _N, _D), jnp.float32),
        scratch_types=[
            [pltpu.VMEM((2, _CHUNK), jnp.int32) for _ in range(_NIDX)],
            [pltpu.VMEM((_CHUNK, _D), jnp.float32) for _ in range(_NROW)],
            pltpu.VMEM_SHARED((_N, _D), jnp.float32),
            [pltpu.SemaphoreType.DMA for _ in range(_NIDX)],
            [pltpu.SemaphoreType.DMA for _ in range(_NROW)],
            pltpu.SemaphoreType.DMA,
        ],
    )
    def k(x_hbm, ei1_hbm, ei2_hbm, out_hbm, idx_bufs, row_bufs, acc_sh,
          isems, gsems, zsem):
        c = lax.axis_index("c")
        s = lax.axis_index("s")

        first = s * _BASE_CH + jnp.minimum(s, _EXTRA)
        n_s = _BASE_CH + jnp.where(s < _EXTRA, 1, 0)

        def issue_idx(ei_hbm, g, si):
            off = (first + g) * _CHUNK
            pltpu.make_async_copy(
                ei_hbm.at[pl.ds(0, 2), pl.ds(off, _CHUNK)],
                idx_bufs[si], isems[si]).start()

        def wait_idx(ei_hbm, si):
            pltpu.make_async_copy(
                ei_hbm.at[pl.ds(0, 2), pl.ds(0, _CHUNK)],
                idx_bufs[si], isems[si]).wait()

        def issue_gather(si, ri):
            pltpu.make_async_copy(
                x_hbm.at[idx_bufs[si].at[0]],
                row_bufs[ri], gsems[ri]).start()

        def wait_gather_scatter(si, ri):
            pltpu.make_async_copy(
                x_hbm.at[idx_bufs[si].at[0]],
                row_bufs[ri], gsems[ri]).wait()
            pltpu.sync_copy(row_bufs[ri],
                            acc_sh.at[idx_bufs[si].at[1]], add=True)

        def prologue(ei_hbm):
            for g in range(_NIDX):
                issue_idx(ei_hbm, g, g)

        def after_zero(ei_hbm):
            for g in range(_NROW):
                wait_idx(ei_hbm, g)
                issue_gather(g, g)

        def main(ei_hbm):
            def body(i, carry):
                for u in range(_UNROLL):
                    g = _UNROLL * i + u

                    @pl.when(g < n_s)
                    def _():
                        wait_gather_scatter(u % _NIDX, u % _NROW)

                    @pl.when(g + _NIDX < n_s)
                    def _():
                        issue_idx(ei_hbm, g + _NIDX, u % _NIDX)

                    @pl.when(g + _NROW < n_s)
                    def _():
                        wait_idx(ei_hbm, (u + _NROW) % _NIDX)
                        issue_gather((u + _NROW) % _NIDX, u % _NROW)
                return carry

            lax.fori_loop(0, (_BASE_CH + 1 + _UNROLL - 1) // _UNROLL,
                          body, None)

        @pl.when(c == 0)
        def _():
            prologue(ei1_hbm)

        @pl.when(c == 1)
        def _():
            prologue(ei2_hbm)

        zvec = jnp.zeros((16,), jnp.float32)

        def zrow(i, carry):
            for k8 in range(_D // 16):
                row_bufs[0][i, pl.ds(k8 * 16, 16)] = zvec
            return carry

        lax.fori_loop(0, _CHUNK, zrow, None)

        row0 = s * _ROWS_PER_SUB
        for j in range(5):
            pltpu.make_async_copy(
                row_bufs[0], acc_sh.at[pl.ds(row0 + j * _CHUNK, _CHUNK)],
                zsem).start()
        for j in range(5):
            pltpu.make_async_copy(
                row_bufs[0], acc_sh.at[pl.ds(row0 + j * _CHUNK, _CHUNK)],
                zsem).wait()

        @pl.when(c == 0)
        def _():
            after_zero(ei1_hbm)

        @pl.when(c == 1)
        def _():
            after_zero(ei2_hbm)

        plsc.subcore_barrier()

        @pl.when(c == 0)
        def _():
            main(ei1_hbm)

        @pl.when(c == 1)
        def _():
            main(ei2_hbm)

        plsc.subcore_barrier()

        pltpu.sync_copy(
            acc_sh.at[pl.ds(row0, _ROWS_PER_SUB)],
            out_hbm.at[c, pl.ds(row0, _ROWS_PER_SUB)],
        )
        @pl.when(s == 0)
        def _():
            pltpu.sync_copy(
                acc_sh.at[pl.ds(_NSUB * _ROWS_PER_SUB, _N - _NSUB * _ROWS_PER_SUB)],
                out_hbm.at[c, pl.ds(_NSUB * _ROWS_PER_SUB, _N - _NSUB * _ROWS_PER_SUB)],
            )

    return k(x, ei1, ei2)


def _tc_finalize(parts, W1, W2):
    bm = 2000

    def body(p_ref, w1_ref, w2_ref, o_ref):
        r = jnp.dot(p_ref[0], w1_ref[...], preferred_element_type=jnp.float32)
        r = r + jnp.dot(p_ref[1], w2_ref[...], preferred_element_type=jnp.float32)
        norm = jnp.sqrt(jnp.sum(r * r, axis=1, keepdims=True))
        r = r / jnp.maximum(norm, 1e-12)
        o_ref[...] = jnp.maximum(r, 0.0)

    return pl.pallas_call(
        body,
        grid=(_N // bm,),
        in_specs=[
            pl.BlockSpec((2, bm, _D), lambda i: (0, i, 0)),
            pl.BlockSpec((_D, _D), lambda i: (0, 0)),
            pl.BlockSpec((_D, _D), lambda i: (0, 0)),
        ],
        out_specs=pl.BlockSpec((bm, _D), lambda i: (i, 0)),
        out_shape=jax.ShapeDtypeStruct((_N, _D), jnp.float32),
    )(parts, W1, W2)


def kernel(x, edge_index1, edge_index2, W1, W2):
    parts = _sc_segment_sums(x, edge_index1, edge_index2)
    return _tc_finalize(parts, W1, W2)

# --- scband reference (transcript-rebuilt; emitter-appended) ---
"""Pipeline reference for scband-decagon-layer-25958782337229 (READ-ONLY COPY).

The authoritative reference and input builder live on the scoring server;
editing this copy changes nothing except your own understanding.
"""

import jax, jax.numpy as jnp
import numpy as np

N, E, D = 10000, 160000, 128

def setup_inputs(seed: int = 0) -> dict:
    key = jax.random.key(seed)
    k1, k2, k3, k4, k5 = jax.random.split(key, 5)
    x = jax.random.normal(k1, (N, D), dtype=jnp.float32)
    edge_index1 = jax.random.randint(k2, (2, E), 0, N, dtype=jnp.int32)
    edge_index2 = jax.random.randint(k3, (2, E), 0, N, dtype=jnp.int32)
    W1 = jax.random.normal(k4, (D, D), dtype=jnp.float32) * 0.05
    W2 = jax.random.normal(k5, (D, D), dtype=jnp.float32) * 0.05
    return {"x": x, "edge_index1": edge_index1, "edge_index2": edge_index2, "W1": W1, "W2": W2}

def _graph_conv(x, edge_index, W):
    # DropoutGraphConvActivation with keep_prob=1.0 and identity rel_activation:
    # adj @ (x @ W) implemented as gather-from-src + scatter-add-to-dst
    h = x @ W
    src = edge_index[0]
    dst = edge_index[1]
    msg = jnp.take(h, src, axis=0)
    out = jax.ops.segment_sum(msg, dst, num_segments=x.shape[0])
    return out

def reference(x, edge_index1, edge_index2, W1, W2):
    # Single node type, one relation family with two relation types.
    # repr_ = sum of convolutions, then L2-normalize rows (torch F.normalize p=2, dim=1),
    # then layer_activation = relu.
    r = _graph_conv(x, edge_index1, W1) + _graph_conv(x, edge_index2, W2)
    norm = jnp.linalg.norm(r, axis=1, keepdims=True)
    r = r / jnp.maximum(norm, 1e-12)
    out = jax.nn.relu(r)
    return out

if __name__ == "__main__":
    import jax
    _d = setup_inputs()
    print(jax.jit(kernel)(*tuple(_d.values())))

</pallas_src>

<mosaic_0001>
#map = affine_map<(d0, d1) -> (0, 0)>
#map1 = affine_map<(d0, d1) -> (0, 0, 0)>
module attributes {stable_mosaic.version = 14 : i64} {
  func.func @k(%arg0: i32, %arg1: i32, %arg2: memref<10000x128xf32, #tpu.memory_space<hbm>>, %arg3: memref<2x160000xi32, #tpu.memory_space<hbm>>, %arg4: memref<2x160000xi32, #tpu.memory_space<hbm>>, %arg5: memref<2x10000x128xf32, #tpu.memory_space<hbm>>, %arg6: memref<2x128xi32, #tpu.memory_space<vmem>>, %arg7: memref<2x128xi32, #tpu.memory_space<vmem>>, %arg8: memref<2x128xi32, #tpu.memory_space<vmem>>, %arg9: memref<2x128xi32, #tpu.memory_space<vmem>>, %arg10: memref<2x128xi32, #tpu.memory_space<vmem>>, %arg11: memref<128x128xf32, #tpu.memory_space<vmem>>, %arg12: memref<128x128xf32, #tpu.memory_space<vmem>>, %arg13: memref<128x128xf32, #tpu.memory_space<vmem>>, %arg14: memref<10000x128xf32, #tpu.memory_space<vmem_shared>>, %arg15: memref<!tpu.dma_semaphore, #tpu.memory_space<semaphore_mem>>, %arg16: memref<!tpu.dma_semaphore, #tpu.memory_space<semaphore_mem>>, %arg17: memref<!tpu.dma_semaphore, #tpu.memory_space<semaphore_mem>>, %arg18: memref<!tpu.dma_semaphore, #tpu.memory_space<semaphore_mem>>, %arg19: memref<!tpu.dma_semaphore, #tpu.memory_space<semaphore_mem>>, %arg20: memref<!tpu.dma_semaphore, #tpu.memory_space<semaphore_mem>>, %arg21: memref<!tpu.dma_semaphore, #tpu.memory_space<semaphore_mem>>, %arg22: memref<!tpu.dma_semaphore, #tpu.memory_space<semaphore_mem>>, %arg23: memref<!tpu.dma_semaphore, #tpu.memory_space<semaphore_mem>>) attributes {dimension_semantics = [#tpu.dimension_semantics<core_parallel>, #tpu.dimension_semantics<subcore_parallel>], iteration_bounds = array<i64: 2, 16>, scalar_prefetch = 0 : i64, scratch_operands = 18 : i64, tpu.core_type = #tpu.core_type<sc_vector_subcore>, window_params = [{transform_indices = #map}, {transform_indices = #map}, {transform_indices = #map}, {transform_indices = #map1}]} {
    %mul3A = arith.constant 78 : i32
    %mul3A_0 = arith.muli %arg1, %mul3A : i32
    %min3A = arith.constant 2 : i32
    %min3A_1 = arith.minsi %arg1, %min3A : i32
    %add3A = arith.addi %mul3A_0, %min3A_1 : i32
    %lt3A = arith.constant 2 : i32
    %lt3A_2 = arith.cmpi slt, %arg1, %lt3A : i32
    %jit3A = arith.constant 1 : i32
    %jit3A_3 = arith.constant 0 : i32
    %select_n3A = arith.select %lt3A_2, %jit3A, %jit3A_3 : i32
    %add3A_4 = arith.constant 78 : i32
    %add3A_5 = arith.addi %add3A_4, %select_n3A : i32
    %eq3A = arith.constant 0 : i32
    %eq3A_6 = arith.cmpi eq, %arg0, %eq3A : i32
    %convert_element_type3A = arith.extui %eq3A_6 : i1 to i32
    %cond3A = arith.constant 0 : i32
    %cond3A_7 = arith.cmpi ne, %convert_element_type3A, %cond3A : i32
    scf.if %cond3A_7 {
      %add3A_104 = arith.constant 0 : i32
      %add3A_105 = arith.addi %add3A, %add3A_104 : i32
      %mul3A_106 = arith.constant 128 : i32
      %mul3A_107 = arith.muli %add3A_105, %mul3A_106 : i32
      %dma_start3A_108 = arith.constant 0 : i32
      %dma_start3A_109 = tpu.memref_slice %arg3[%dma_start3A_108, %mul3A_107] : memref<2x160000xi32, #tpu.memory_space<hbm>> -> memref<2x128xi32, #tpu.memory_space<hbm>>
      %dma_start3A_110 = arith.constant 0 : i32
      %dma_start3A_111 = tpu.memref_slice %arg3[%dma_start3A_110, %mul3A_107] : memref<2x160000xi32, #tpu.memory_space<hbm>> -> memref<2x128xi32, #tpu.memory_space<hbm>>
      tpu.enqueue_dma source(%dma_start3A_111 : memref<2x128xi32, #tpu.memory_space<hbm>>) target(%arg6 : memref<2x128xi32, #tpu.memory_space<vmem>>) target_semaphore(%arg15 : memref<!tpu.dma_semaphore, #tpu.memory_space<semaphore_mem>>)
      %add3A_112 = arith.constant 1 : i32
      %add3A_113 = arith.addi %add3A, %add3A_112 : i32
      %mul3A_114 = arith.constant 128 : i32
      %mul3A_115 = arith.muli %add3A_113, %mul3A_114 : i32
      %dma_start3A_116 = arith.constant 0 : i32
      %dma_start3A_117 = tpu.memref_slice %arg3[%dma_start3A_116, %mul3A_115] : memref<2x160000xi32, #tpu.memory_space<hbm>> -> memref<2x128xi32, #tpu.memory_space<hbm>>
      %dma_start3A_118 = arith.constant 0 : i32
      %dma_start3A_119 = tpu.memref_slice %arg3[%dma_start3A_118, %mul3A_115] : memref<2x160000xi32, #tpu.memory_space<hbm>> -> memref<2x128xi32, #tpu.memory_space<hbm>>
      tpu.enqueue_dma source(%dma_start3A_119 : memref<2x128xi32, #tpu.memory_space<hbm>>) target(%arg7 : memref<2x128xi32, #tpu.memory_space<vmem>>) target_semaphore(%arg16 : memref<!tpu.dma_semaphore, #tpu.memory_space<semaphore_mem>>)
      %add3A_120 = arith.constant 2 : i32
      %add3A_121 = arith.addi %add3A, %add3A_120 : i32
      %mul3A_122 = arith.constant 128 : i32
      %mul3A_123 = arith.muli %add3A_121, %mul3A_122 : i32
      %dma_start3A_124 = arith.constant 0 : i32
      %dma_start3A_125 = tpu.memref_slice %arg3[%dma_start3A_124, %mul3A_123] : memref<2x160000xi32, #tpu.memory_space<hbm>> -> memref<2x128xi32, #tpu.memory_space<hbm>>
      %dma_start3A_126 = arith.constant 0 : i32
      %dma_start3A_127 = tpu.memref_slice %arg3[%dma_start3A_126, %mul3A_123] : memref<2x160000xi32, #tpu.memory_space<hbm>> -> memref<2x128xi32, #tpu.memory_space<hbm>>
      tpu.enqueue_dma source(%dma_start3A_127 : memref<2x128xi32, #tpu.memory_space<hbm>>) target(%arg8 : memref<2x128xi32, #tpu.memory_space<vmem>>) target_semaphore(%arg17 : memref<!tpu.dma_semaphore, #tpu.memory_space<semaphore_mem>>)
      %add3A_128 = arith.constant 3 : i32
      %add3A_129 = arith.addi %add3A, %add3A_128 : i32
      %mul3A_130 = arith.constant 128 : i32
      %mul3A_131 = arith.muli %add3A_129, %mul3A_130 : i32
      %dma_start3A_132 = arith.constant 0 : i32
      %dma_start3A_133 = tpu.memref_slice %arg3[%dma_start3A_132, %mul3A_131] : memref<2x160000xi32, #tpu.memory_space<hbm>> -> memref<2x128xi32, #tpu.memory_space<hbm>>
      %dma_start3A_134 = arith.constant 0 : i32
      %dma_start3A_135 = tpu.memref_slice %arg3[%dma_start3A_134, %mul3A_131] : memref<2x160000xi32, #tpu.memory_space<hbm>> -> memref<2x128xi32, #tpu.memory_space<hbm>>
      tpu.enqueue_dma source(%dma_start3A_135 : memref<2x128xi32, #tpu.memory_space<hbm>>) target(%arg9 : memref<2x128xi32, #tpu.memory_space<vmem>>) target_semaphore(%arg18 : memref<!tpu.dma_semaphore, #tpu.memory_space<semaphore_mem>>)
      %add3A_136 = arith.constant 4 : i32
      %add3A_137 = arith.addi %add3A, %add3A_136 : i32
      %mul3A_138 = arith.constant 128 : i32
      %mul3A_139 = arith.muli %add3A_137, %mul3A_138 : i32
      %dma_start3A_140 = arith.constant 0 : i32
      %dma_start3A_141 = tpu.memref_slice %arg3[%dma_start3A_140, %mul3A_139] : memref<2x160000xi32, #tpu.memory_space<hbm>> -> memref<2x128xi32, #tpu.memory_space<hbm>>
      %dma_start3A_142 = arith.constant 0 : i32
      %dma_start3A_143 = tpu.memref_slice %arg3[%dma_start3A_142, %mul3A_139] : memref<2x160000xi32, #tpu.memory_space<hbm>> -> memref<2x128xi32, #tpu.memory_space<hbm>>
      tpu.enqueue_dma source(%dma_start3A_143 : memref<2x128xi32, #tpu.memory_space<hbm>>) target(%arg10 : memref<2x128xi32, #tpu.memory_space<vmem>>) target_semaphore(%arg19 : memref<!tpu.dma_semaphore, #tpu.memory_space<semaphore_mem>>)
    } else {
    }
    %eq3A_8 = arith.constant 1 : i32
    %eq3A_9 = arith.cmpi eq, %arg0, %eq3A_8 : i32
    %convert_element_type3A_10 = arith.extui %eq3A_9 : i1 to i32
    %cond3A_11 = arith.constant 0 : i32
    %cond3A_12 = arith.cmpi ne, %convert_element_type3A_10, %cond3A_11 : i32
    scf.if %cond3A_12 {
      %add3A_104 = arith.constant 0 : i32
      %add3A_105 = arith.addi %add3A, %add3A_104 : i32
      %mul3A_106 = arith.constant 128 : i32
      %mul3A_107 = arith.muli %add3A_105, %mul3A_106 : i32
      %dma_start3A_108 = arith.constant 0 : i32
      %dma_start3A_109 = tpu.memref_slice %arg4[%dma_start3A_108, %mul3A_107] : memref<2x160000xi32, #tpu.memory_space<hbm>> -> memref<2x128xi32, #tpu.memory_space<hbm>>
      %dma_start3A_110 = arith.constant 0 : i32
      %dma_start3A_111 = tpu.memref_slice %arg4[%dma_start3A_110, %mul3A_107] : memref<2x160000xi32, #tpu.memory_space<hbm>> -> memref<2x128xi32, #tpu.memory_space<hbm>>
      tpu.enqueue_dma source(%dma_start3A_111 : memref<2x128xi32, #tpu.memory_space<hbm>>) target(%arg6 : memref<2x128xi32, #tpu.memory_space<vmem>>) target_semaphore(%arg15 : memref<!tpu.dma_semaphore, #tpu.memory_space<semaphore_mem>>)
      %add3A_112 = arith.constant 1 : i32
      %add3A_113 = arith.addi %add3A, %add3A_112 : i32
      %mul3A_114 = arith.constant 128 : i32
      %mul3A_115 = arith.muli %add3A_113, %mul3A_114 : i32
      %dma_start3A_116 = arith.constant 0 : i32
      %dma_start3A_117 = tpu.memref_slice %arg4[%dma_start3A_116, %mul3A_115] : memref<2x160000xi32, #tpu.memory_space<hbm>> -> memref<2x128xi32, #tpu.memory_space<hbm>>
      %dma_start3A_118 = arith.constant 0 : i32
      %dma_start3A_119 = tpu.memref_slice %arg4[%dma_start3A_118, %mul3A_115] : memref<2x160000xi32, #tpu.memory_space<hbm>> -> memref<2x128xi32, #tpu.memory_space<hbm>>
      tpu.enqueue_dma source(%dma_start3A_119 : memref<2x128xi32, #tpu.memory_space<hbm>>) target(%arg7 : memref<2x128xi32, #tpu.memory_space<vmem>>) target_semaphore(%arg16 : memref<!tpu.dma_semaphore, #tpu.memory_space<semaphore_mem>>)
      %add3A_120 = arith.constant 2 : i32
      %add3A_121 = arith.addi %add3A, %add3A_120 : i32
      %mul3A_122 = arith.constant 128 : i32
      %mul3A_123 = arith.muli %add3A_121, %mul3A_122 : i32
      %dma_start3A_124 = arith.constant 0 : i32
      %dma_start3A_125 = tpu.memref_slice %arg4[%dma_start3A_124, %mul3A_123] : memref<2x160000xi32, #tpu.memory_space<hbm>> -> memref<2x128xi32, #tpu.memory_space<hbm>>
      %dma_start3A_126 = arith.constant 0 : i32
      %dma_start3A_127 = tpu.memref_slice %arg4[%dma_start3A_126, %mul3A_123] : memref<2x160000xi32, #tpu.memory_space<hbm>> -> memref<2x128xi32, #tpu.memory_space<hbm>>
      tpu.enqueue_dma source(%dma_start3A_127 : memref<2x128xi32, #tpu.memory_space<hbm>>) target(%arg8 : memref<2x128xi32, #tpu.memory_space<vmem>>) target_semaphore(%arg17 : memref<!tpu.dma_semaphore, #tpu.memory_space<semaphore_mem>>)
      %add3A_128 = arith.constant 3 : i32
      %add3A_129 = arith.addi %add3A, %add3A_128 : i32
      %mul3A_130 = arith.constant 128 : i32
      %mul3A_131 = arith.muli %add3A_129, %mul3A_130 : i32
      %dma_start3A_132 = arith.constant 0 : i32
      %dma_start3A_133 = tpu.memref_slice %arg4[%dma_start3A_132, %mul3A_131] : memref<2x160000xi32, #tpu.memory_space<hbm>> -> memref<2x128xi32, #tpu.memory_space<hbm>>
      %dma_start3A_134 = arith.constant 0 : i32
      %dma_start3A_135 = tpu.memref_slice %arg4[%dma_start3A_134, %mul3A_131] : memref<2x160000xi32, #tpu.memory_space<hbm>> -> memref<2x128xi32, #tpu.memory_space<hbm>>
      tpu.enqueue_dma source(%dma_start3A_135 : memref<2x128xi32, #tpu.memory_space<hbm>>) target(%arg9 : memref<2x128xi32, #tpu.memory_space<vmem>>) target_semaphore(%arg18 : memref<!tpu.dma_semaphore, #tpu.memory_space<semaphore_mem>>)
      %add3A_136 = arith.constant 4 : i32
      %add3A_137 = arith.addi %add3A, %add3A_136 : i32
      %mul3A_138 = arith.constant 128 : i32
      %mul3A_139 = arith.muli %add3A_137, %mul3A_138 : i32
      %dma_start3A_140 = arith.constant 0 : i32
      %dma_start3A_141 = tpu.memref_slice %arg4[%dma_start3A_140, %mul3A_139] : memref<2x160000xi32, #tpu.memory_space<hbm>> -> memref<2x128xi32, #tpu.memory_space<hbm>>
      %dma_start3A_142 = arith.constant 0 : i32
      %dma_start3A_143 = tpu.memref_slice %arg4[%dma_start3A_142, %mul3A_139] : memref<2x160000xi32, #tpu.memory_space<hbm>> -> memref<2x128xi32, #tpu.memory_space<hbm>>
      tpu.enqueue_dma source(%dma_start3A_143 : memref<2x128xi32, #tpu.memory_space<hbm>>) target(%arg10 : memref<2x128xi32, #tpu.memory_space<vmem>>) target_semaphore(%arg19 : memref<!tpu.dma_semaphore, #tpu.memory_space<semaphore_mem>>)
    } else {
    }
    %broadcast_in_dim3A = arith.constant 0.000000e+00 : f32
    %broadcast_in_dim3A_13 = vector.broadcast %broadcast_in_dim3A : f32 to vector<16xf32>
    %scan3A = arith.constant 0 : i32
    %scan3A_14 = arith.constant 128 : i32
    %scan3A_15 = arith.addi %scan3A, %scan3A_14 : i32
    %scan3A_16 = arith.constant 1 : i32
    scf.for %scan3A_104 = %scan3A to %scan3A_15 step %scan3A_16  : i32 {
      %swap3A = arith.index_cast %scan3A_104 : i32 to index
      %swap3A_105 = arith.constant 0 : index
      %swap3A_106 = tpu.vector_load %arg11[%swap3A, %swap3A_105] {strides = array<i32>} : memref<128x128xf32, #tpu.memory_space<vmem>>, vector<1x16xf32>,
      %swap3A_107 = vector.shape_cast %swap3A_106 : vector<1x16xf32> to vector<16xf32>
      %swap3A_108 = vector.shape_cast %broadcast_in_dim3A_13 : vector<16xf32> to vector<1x16xf32>
      tpu.vector_store %arg11[%swap3A, %swap3A_105], %swap3A_108 {strides = array<i32>} : memref<128x128xf32, #tpu.memory_space<vmem>>, vector<1x16xf32>,
      %swap3A_109 = arith.index_cast %scan3A_104 : i32 to index
      %swap3A_110 = arith.constant 16 : index
      %swap3A_111 = tpu.vector_load %arg11[%swap3A_109, %swap3A_110] {strides = array<i32>} : memref<128x128xf32, #tpu.memory_space<vmem>>, vector<1x16xf32>,
      %swap3A_112 = vector.shape_cast %swap3A_111 : vector<1x16xf32> to vector<16xf32>
      %swap3A_113 = vector.shape_cast %broadcast_in_dim3A_13 : vector<16xf32> to vector<1x16xf32>
      tpu.vector_store %arg11[%swap3A_109, %swap3A_110], %swap3A_113 {strides = array<i32>} : memref<128x128xf32, #tpu.memory_space<vmem>>, vector<1x16xf32>,
      %swap3A_114 = arith.index_cast %scan3A_104 : i32 to index
      %swap3A_115 = arith.constant 32 : index
      %swap3A_116 = tpu.vector_load %arg11[%swap3A_114, %swap3A_115] {strides = array<i32>} : memref<128x128xf32, #tpu.memory_space<vmem>>, vector<1x16xf32>,
      %swap3A_117 = vector.shape_cast %swap3A_116 : vector<1x16xf32> to vector<16xf32>
      %swap3A_118 = vector.shape_cast %broadcast_in_dim3A_13 : vector<16xf32> to vector<1x16xf32>
      tpu.vector_store %arg11[%swap3A_114, %swap3A_115], %swap3A_118 {strides = array<i32>} : memref<128x128xf32, #tpu.memory_space<vmem>>, vector<1x16xf32>,
      %swap3A_119 = arith.index_cast %scan3A_104 : i32 to index
      %swap3A_120 = arith.constant 48 : index
      %swap3A_121 = tpu.vector_load %arg11[%swap3A_119, %swap3A_120] {strides = array<i32>} : memref<128x128xf32, #tpu.memory_space<vmem>>, vector<1x16xf32>,
      %swap3A_122 = vector.shape_cast %swap3A_121 : vector<1x16xf32> to vector<16xf32>
      %swap3A_123 = vector.shape_cast %broadcast_in_dim3A_13 : vector<16xf32> to vector<1x16xf32>
      tpu.vector_store %arg11[%swap3A_119, %swap3A_120], %swap3A_123 {strides = array<i32>} : memref<128x128xf32, #tpu.memory_space<vmem>>, vector<1x16xf32>,
      %swap3A_124 = arith.index_cast %scan3A_104 : i32 to index
      %swap3A_125 = arith.constant 64 : index
      %swap3A_126 = tpu.vector_load %arg11[%swap3A_124, %swap3A_125] {strides = array<i32>} : memref<128x128xf32, #tpu.memory_space<vmem>>, vector<1x16xf32>,
      %swap3A_127 = vector.shape_cast %swap3A_126 : vector<1x16xf32> to vector<16xf32>
      %swap3A_128 = vector.shape_cast %broadcast_in_dim3A_13 : vector<16xf32> to vector<1x16xf32>
      tpu.vector_store %arg11[%swap3A_124, %swap3A_125], %swap3A_128 {strides = array<i32>} : memref<128x128xf32, #tpu.memory_space<vmem>>, vector<1x16xf32>,
      %swap3A_129 = arith.index_cast %scan3A_104 : i32 to index
      %swap3A_130 = arith.constant 80 : index
      %swap3A_131 = tpu.vector_load %arg11[%swap3A_129, %swap3A_130] {strides = array<i32>} : memref<128x128xf32, #tpu.memory_space<vmem>>, vector<1x16xf32>,
      %swap3A_132 = vector.shape_cast %swap3A_131 : vector<1x16xf32> to vector<16xf32>
      %swap3A_133 = vector.shape_cast %broadcast_in_dim3A_13 : vector<16xf32> to vector<1x16xf32>
      tpu.vector_store %arg11[%swap3A_129, %swap3A_130], %swap3A_133 {strides = array<i32>} : memref<128x128xf32, #tpu.memory_space<vmem>>, vector<1x16xf32>,
      %swap3A_134 = arith.index_cast %scan3A_104 : i32 to index
      %swap3A_135 = arith.constant 96 : index
      %swap3A_136 = tpu.vector_load %arg11[%swap3A_134, %swap3A_135] {strides = array<i32>} : memref<128x128xf32, #tpu.memory_space<vmem>>, vector<1x16xf32>,
      %swap3A_137 = vector.shape_cast %swap3A_136 : vector<1x16xf32> to vector<16xf32>
      %swap3A_138 = vector.shape_cast %broadcast_in_dim3A_13 : vector<16xf32> to vector<1x16xf32>
      tpu.vector_store %arg11[%swap3A_134, %swap3A_135], %swap3A_138 {strides = array<i32>} : memref<128x128xf32, #tpu.memory_space<vmem>>, vector<1x16xf32>,
      %swap3A_139 = arith.index_cast %scan3A_104 : i32 to index
      %swap3A_140 = arith.constant 112 : index
      %swap3A_141 = tpu.vector_load %arg11[%swap3A_139, %swap3A_140] {strides = array<i32>} : memref<128x128xf32, #tpu.memory_space<vmem>>, vector<1x16xf32>,
      %swap3A_142 = vector.shape_cast %swap3A_141 : vector<1x16xf32> to vector<16xf32>
      %swap3A_143 = vector.shape_cast %broadcast_in_dim3A_13 : vector<16xf32> to vector<1x16xf32>
      tpu.vector_store %arg11[%swap3A_139, %swap3A_140], %swap3A_143 {strides = array<i32>} : memref<128x128xf32, #tpu.memory_space<vmem>>, vector<1x16xf32>,
    }
    %scan3A_17 = arith.constant 128 : i32
    %mul3A_18 = arith.constant 624 : i32
    %mul3A_19 = arith.muli %arg1, %mul3A_18 : i32
    %add3A_20 = arith.constant 0 : i32
    %add3A_21 = arith.addi %mul3A_19, %add3A_20 : i32
    %dma_start3A = arith.constant 0 : i32
    %dma_start3A_22 = tpu.memref_slice %arg14[%add3A_21, %dma_start3A] : memref<10000x128xf32, #tpu.memory_space<vmem_shared>> -> memref<128x128xf32, #tpu.memory_space<vmem_shared>>
    %dma_start3A_23 = arith.constant 0 : i32
    %dma_start3A_24 = tpu.memref_slice %arg14[%add3A_21, %dma_start3A_23] : memref<10000x128xf32, #tpu.memory_space<vmem_shared>> -> memref<128x128xf32, #tpu.memory_space<vmem_shared>>
    tpu.enqueue_dma source(%arg11 : memref<128x128xf32, #tpu.memory_space<vmem>>) target(%dma_start3A_24 : memref<128x128xf32, #tpu.memory_space<vmem_shared>>) target_semaphore(%arg23 : memref<!tpu.dma_semaphore, #tpu.memory_space<semaphore_mem>>)
    %add3A_25 = arith.constant 128 : i32
    %add3A_26 = arith.addi %mul3A_19, %add3A_25 : i32
    %dma_start3A_27 = arith.constant 0 : i32
    %dma_start3A_28 = tpu.memref_slice %arg14[%add3A_26, %dma_start3A_27] : memref<10000x128xf32, #tpu.memory_space<vmem_shared>> -> memref<128x128xf32, #tpu.memory_space<vmem_shared>>
    %dma_start3A_29 = arith.constant 0 : i32
    %dma_start3A_30 = tpu.memref_slice %arg14[%add3A_26, %dma_start3A_29] : memref<10000x128xf32, #tpu.memory_space<vmem_shared>> -> memref<128x128xf32, #tpu.memory_space<vmem_shared>>
    tpu.enqueue_dma source(%arg11 : memref<128x128xf32, #tpu.memory_space<vmem>>) target(%dma_start3A_30 : memref<128x128xf32, #tpu.memory_space<vmem_shared>>) target_semaphore(%arg23 : memref<!tpu.dma_semaphore, #tpu.memory_space<semaphore_mem>>)
    %add3A_31 = arith.constant 256 : i32
    %add3A_32 = arith.addi %mul3A_19, %add3A_31 : i32
    %dma_start3A_33 = arith.constant 0 : i32
    %dma_start3A_34 = tpu.memref_slice %arg14[%add3A_32, %dma_start3A_33] : memref<10000x128xf32, #tpu.memory_space<vmem_shared>> -> memref<128x128xf32, #tpu.memory_space<vmem_shared>>
    %dma_start3A_35 = arith.constant 0 : i32
    %dma_start3A_36 = tpu.memref_slice %arg14[%add3A_32, %dma_start3A_35] : memref<10000x128xf32, #tpu.memory_space<vmem_shared>> -> memref<128x128xf32, #tpu.memory_space<vmem_shared>>
    tpu.enqueue_dma source(%arg11 : memref<128x128xf32, #tpu.memory_space<vmem>>) target(%dma_start3A_36 : memref<128x128xf32, #tpu.memory_space<vmem_shared>>) target_semaphore(%arg23 : memref<!tpu.dma_semaphore, #tpu.memory_space<semaphore_mem>>)
    %add3A_37 = arith.constant 384 : i32
    %add3A_38 = arith.addi %mul3A_19, %add3A_37 : i32
    %dma_start3A_39 = arith.constant 0 : i32
    %dma_start3A_40 = tpu.memref_slice %arg14[%add3A_38, %dma_start3A_39] : memref<10000x128xf32, #tpu.memory_space<vmem_shared>> -> memref<128x128xf32, #tpu.memory_space<vmem_shared>>
    %dma_start3A_41 = arith.constant 0 : i32
    %dma_start3A_42 = tpu.memref_slice %arg14[%add3A_38, %dma_start3A_41] : memref<10000x128xf32, #tpu.memory_space<vmem_shared>> -> memref<128x128xf32, #tpu.memory_space<vmem_shared>>
    tpu.enqueue_dma source(%arg11 : memref<128x128xf32, #tpu.memory_space<vmem>>) target(%dma_start3A_42 : memref<128x128xf32, #tpu.memory_space<vmem_shared>>) target_semaphore(%arg23 : memref<!tpu.dma_semaphore, #tpu.memory_space<semaphore_mem>>)
    %add3A_43 = arith.constant 512 : i32
    %add3A_44 = arith.addi %mul3A_19, %add3A_43 : i32
    %dma_start3A_45 = arith.constant 0 : i32
    %dma_start3A_46 = tpu.memref_slice %arg14[%add3A_44, %dma_start3A_45] : memref<10000x128xf32, #tpu.memory_space<vmem_shared>> -> memref<128x128xf32, #tpu.memory_space<vmem_shared>>
    %dma_start3A_47 = arith.constant 0 : i32
    %dma_start3A_48 = tpu.memref_slice %arg14[%add3A_44, %dma_start3A_47] : memref<10000x128xf32, #tpu.memory_space<vmem_shared>> -> memref<128x128xf32, #tpu.memory_space<vmem_shared>>
    tpu.enqueue_dma source(%arg11 : memref<128x128xf32, #tpu.memory_space<vmem>>) target(%dma_start3A_48 : memref<128x128xf32, #tpu.memory_space<vmem_shared>>) target_semaphore(%arg23 : memref<!tpu.dma_semaphore, #tpu.memory_space<semaphore_mem>>)
    %add3A_49 = arith.constant 0 : i32
    %add3A_50 = arith.addi %mul3A_19, %add3A_49 : i32
    %dma_wait3A = arith.constant 0 : i32
    %dma_wait3A_51 = tpu.memref_slice %arg14[%add3A_50, %dma_wait3A] : memref<10000x128xf32, #tpu.memory_space<vmem_shared>> -> memref<128x128xf32, #tpu.memory_space<vmem_shared>>
    %dma_wait3A_52 = arith.constant 0 : i32
    %dma_wait3A_53 = tpu.memref_slice %arg14[%add3A_50, %dma_wait3A_52] : memref<10000x128xf32, #tpu.memory_space<vmem_shared>> -> memref<128x128xf32, #tpu.memory_space<vmem_shared>>
    tpu.wait_dma2 semaphore(%arg23 : memref<!tpu.dma_semaphore, #tpu.memory_space<semaphore_mem>>) src(%arg11 : memref<128x128xf32, #tpu.memory_space<vmem>>) dst(%dma_wait3A_53 : memref<128x128xf32, #tpu.memory_space<vmem_shared>>)
    %add3A_54 = arith.constant 128 : i32
    %add3A_55 = arith.addi %mul3A_19, %add3A_54 : i32
    %dma_wait3A_56 = arith.constant 0 : i32
    %dma_wait3A_57 = tpu.memref_slice %arg14[%add3A_55, %dma_wait3A_56] : memref<10000x128xf32, #tpu.memory_space<vmem_shared>> -> memref<128x128xf32, #tpu.memory_space<vmem_shared>>
    %dma_wait3A_58 = arith.constant 0 : i32
    %dma_wait3A_59 = tpu.memref_slice %arg14[%add3A_55, %dma_wait3A_58] : memref<10000x128xf32, #tpu.memory_space<vmem_shared>> -> memref<128x128xf32, #tpu.memory_space<vmem_shared>>
    tpu.wait_dma2 semaphore(%arg23 : memref<!tpu.dma_semaphore, #tpu.memory_space<semaphore_mem>>) src(%arg11 : memref<128x128xf32, #tpu.memory_space<vmem>>) dst(%dma_wait3A_59 : memref<128x128xf32, #tpu.memory_space<vmem_shared>>)
    %add3A_60 = arith.constant 256 : i32
    %add3A_61 = arith.addi %mul3A_19, %add3A_60 : i32
    %dma_wait3A_62 = arith.constant 0 : i32
    %dma_wait3A_63 = tpu.memref_slice %arg14[%add3A_61, %dma_wait3A_62] : memref<10000x128xf32, #tpu.memory_space<vmem_shared>> -> memref<128x128xf32, #tpu.memory_space<vmem_shared>>
    %dma_wait3A_64 = arith.constant 0 : i32
    %dma_wait3A_65 = tpu.memref_slice %arg14[%add3A_61, %dma_wait3A_64] : memref<10000x128xf32, #tpu.memory_space<vmem_shared>> -> memref<128x128xf32, #tpu.memory_space<vmem_shared>>
    tpu.wait_dma2 semaphore(%arg23 : memref<!tpu.dma_semaphore, #tpu.memory_space<semaphore_mem>>) src(%arg11 : memref<128x128xf32, #tpu.memory_space<vmem>>) dst(%dma_wait3A_65 : memref<128x128xf32, #tpu.memory_space<vmem_shared>>)
    %add3A_66 = arith.constant 384 : i32
    %add3A_67 = arith.addi %mul3A_19, %add3A_66 : i32
    %dma_wait3A_68 = arith.constant 0 : i32
    %dma_wait3A_69 = tpu.memref_slice %arg14[%add3A_67, %dma_wait3A_68] : memref<10000x128xf32, #tpu.memory_space<vmem_shared>> -> memref<128x128xf32, #tpu.memory_space<vmem_shared>>
    %dma_wait3A_70 = arith.constant 0 : i32
    %dma_wait3A_71 = tpu.memref_slice %arg14[%add3A_67, %dma_wait3A_70] : memref<10000x128xf32, #tpu.memory_space<vmem_shared>> -> memref<128x128xf32, #tpu.memory_space<vmem_shared>>
    tpu.wait_dma2 semaphore(%arg23 : memref<!tpu.dma_semaphore, #tpu.memory_space<semaphore_mem>>) src(%arg11 : memref<128x128xf32, #tpu.memory_space<vmem>>) dst(%dma_wait3A_71 : memref<128x128xf32, #tpu.memory_space<vmem_shared>>)
    %add3A_72 = arith.constant 512 : i32
    %add3A_73 = arith.addi %mul3A_19, %add3A_72 : i32
    %dma_wait3A_74 = arith.constant 0 : i32
    %dma_wait3A_75 = tpu.memref_slice %arg14[%add3A_73, %dma_wait3A_74] : memref<10000x128xf32, #tpu.memory_space<vmem_shared>> -> memref<128x128xf32, #tpu.memory_space<vmem_shared>>
    %dma_wait3A_76 = arith.constant 0 : i32
    %dma_wait3A_77 = tpu.memref_slice %arg14[%add3A_73, %dma_wait3A_76] : memref<10000x128xf32, #tpu.memory_space<vmem_shared>> -> memref<128x128xf32, #tpu.memory_space<vmem_shared>>
    tpu.wait_dma2 semaphore(%arg23 : memref<!tpu.dma_semaphore, #tpu.memory_space<semaphore_mem>>) src(%arg11 : memref<128x128xf32, #tpu.memory_space<vmem>>) dst(%dma_wait3A_77 : memref<128x128xf32, #tpu.memory_space<vmem_shared>>)
    %eq3A_78 = arith.constant 0 : i32
    %eq3A_79 = arith.cmpi eq, %arg0, %eq3A_78 : i32
    %convert_element_type3A_80 = arith.extui %eq3A_79 : i1 to i32
    %cond3A_81 = arith.constant 0 : i32
    %cond3A_82 = arith.cmpi ne, %convert_element_type3A_80, %cond3A_81 : i32
    scf.if %cond3A_82 {
      %dma_wait3A_104 = arith.constant 0 : i32
      %dma_wait3A_105 = arith.constant 0 : i32
      %dma_wait3A_106 = tpu.memref_slice %arg3[%dma_wait3A_104, %dma_wait3A_105] : memref<2x160000xi32, #tpu.memory_space<hbm>> -> memref<2x128xi32, #tpu.memory_space<hbm>>
      %dma_wait3A_107 = arith.constant 0 : i32
      %dma_wait3A_108 = arith.constant 0 : i32
      %dma_wait3A_109 = tpu.memref_slice %arg3[%dma_wait3A_107, %dma_wait3A_108] : memref<2x160000xi32, #tpu.memory_space<hbm>> -> memref<2x128xi32, #tpu.memory_space<hbm>>
      tpu.wait_dma2 semaphore(%arg15 : memref<!tpu.dma_semaphore, #tpu.memory_space<semaphore_mem>>) src(%dma_wait3A_109 : memref<2x128xi32, #tpu.memory_space<hbm>>) dst(%arg6 : memref<2x128xi32, #tpu.memory_space<vmem>>)
      %dma_start3A_110 = arith.constant 0 : i32
      %dma_start3A_111 = arith.constant 0 : i32
      %dma_start3A_112 = tpu.memref_slice %arg6[%dma_start3A_110, %dma_start3A_111] : memref<2x128xi32, #tpu.memory_space<vmem>> -> memref<1x128xi32, #tpu.memory_space<vmem>>
      %dma_start3A_113 = tpu.memref_squeeze %dma_start3A_112 : memref<1x128xi32, #tpu.memory_space<vmem>> -> memref<128xi32, #tpu.memory_space<vmem>>
      %dma_start3A_114 = arith.constant 0 : i32
      %dma_start3A_115 = arith.constant 0 : i32
      %dma_start3A_116 = tpu.memref_slice %arg2[%dma_start3A_114, %dma_start3A_115] : memref<10000x128xf32, #tpu.memory_space<hbm>> -> memref<10000x128xf32, #tpu.memory_space<hbm>>
      tpu.enqueue_indirect_dma source(%dma_start3A_116 : memref<10000x128xf32, #tpu.memory_space<hbm>>) target(%arg11 : memref<128x128xf32, #tpu.memory_space<vmem>>) offsets(%dma_start3A_113 : memref<128xi32, #tpu.memory_space<vmem>>) semaphore(%arg20 : memref<!tpu.dma_semaphore, #tpu.memory_space<semaphore_mem>>)
      %dma_wait3A_117 = arith.constant 0 : i32
      %dma_wait3A_118 = arith.constant 0 : i32
      %dma_wait3A_119 = tpu.memref_slice %arg3[%dma_wait3A_117, %dma_wait3A_118] : memref<2x160000xi32, #tpu.memory_space<hbm>> -> memref<2x128xi32, #tpu.memory_space<hbm>>
      %dma_wait3A_120 = arith.constant 0 : i32
      %dma_wait3A_121 = arith.constant 0 : i32
      %dma_wait3A_122 = tpu.memref_slice %arg3[%dma_wait3A_120, %dma_wait3A_121] : memref<2x160000xi32, #tpu.memory_space<hbm>> -> memref<2x128xi32, #tpu.memory_space<hbm>>
      tpu.wait_dma2 semaphore(%arg16 : memref<!tpu.dma_semaphore, #tpu.memory_space<semaphore_mem>>) src(%dma_wait3A_122 : memref<2x128xi32, #tpu.memory_space<hbm>>) dst(%arg7 : memref<2x128xi32, #tpu.memory_space<vmem>>)
      %dma_start3A_123 = arith.constant 0 : i32
      %dma_start3A_124 = arith.constant 0 : i32
      %dma_start3A_125 = tpu.memref_slice %arg7[%dma_start3A_123, %dma_start3A_124] : memref<2x128xi32, #tpu.memory_space<vmem>> -> memref<1x128xi32, #tpu.memory_space<vmem>>
      %dma_start3A_126 = tpu.memref_squeeze %dma_start3A_125 : memref<1x128xi32, #tpu.memory_space<vmem>> -> memref<128xi32, #tpu.memory_space<vmem>>
      %dma_start3A_127 = arith.constant 0 : i32
      %dma_start3A_128 = arith.constant 0 : i32
      %dma_start3A_129 = tpu.memref_slice %arg2[%dma_start3A_127, %dma_start3A_128] : memref<10000x128xf32, #tpu.memory_space<hbm>> -> memref<10000x128xf32, #tpu.memory_space<hbm>>
      tpu.enqueue_indirect_dma source(%dma_start3A_129 : memref<10000x128xf32, #tpu.memory_space<hbm>>) target(%arg12 : memref<128x128xf32, #tpu.memory_space<vmem>>) offsets(%dma_start3A_126 : memref<128xi32, #tpu.memory_space<vmem>>) semaphore(%arg21 : memref<!tpu.dma_semaphore, #tpu.memory_space<semaphore_mem>>)
      %dma_wait3A_130 = arith.constant 0 : i32
      %dma_wait3A_131 = arith.constant 0 : i32
      %dma_wait3A_132 = tpu.memref_slice %arg3[%dma_wait3A_130, %dma_wait3A_131] : memref<2x160000xi32, #tpu.memory_space<hbm>> -> memref<2x128xi32, #tpu.memory_space<hbm>>
      %dma_wait3A_133 = arith.constant 0 : i32
      %dma_wait3A_134 = arith.constant 0 : i32
      %dma_wait3A_135 = tpu.memref_slice %arg3[%dma_wait3A_133, %dma_wait3A_134] : memref<2x160000xi32, #tpu.memory_space<hbm>> -> memref<2x128xi32, #tpu.memory_space<hbm>>
      tpu.wait_dma2 semaphore(%arg17 : memref<!tpu.dma_semaphore, #tpu.memory_space<semaphore_mem>>) src(%dma_wait3A_135 : memref<2x128xi32, #tpu.memory_space<hbm>>) dst(%arg8 : memref<2x128xi32, #tpu.memory_space<vmem>>)
      %dma_start3A_136 = arith.constant 0 : i32
      %dma_start3A_137 = arith.constant 0 : i32
      %dma_start3A_138 = tpu.memref_slice %arg8[%dma_start3A_136, %dma_start3A_137] : memref<2x128xi32, #tpu.memory_space<vmem>> -> memref<1x128xi32, #tpu.memory_space<vmem>>
      %dma_start3A_139 = tpu.memref_squeeze %dma_start3A_138 : memref<1x128xi32, #tpu.memory_space<vmem>> -> memref<128xi32, #tpu.memory_space<vmem>>
      %dma_start3A_140 = arith.constant 0 : i32
      %dma_start3A_141 = arith.constant 0 : i32
      %dma_start3A_142 = tpu.memref_slice %arg2[%dma_start3A_140, %dma_start3A_141] : memref<10000x128xf32, #tpu.memory_space<hbm>> -> memref<10000x128xf32, #tpu.memory_space<hbm>>
      tpu.enqueue_indirect_dma source(%dma_start3A_142 : memref<10000x128xf32, #tpu.memory_space<hbm>>) target(%arg13 : memref<128x128xf32, #tpu.memory_space<vmem>>) offsets(%dma_start3A_139 : memref<128xi32, #tpu.memory_space<vmem>>) semaphore(%arg22 : memref<!tpu.dma_semaphore, #tpu.memory_space<semaphore_mem>>)
    } else {
    }
    %eq3A_83 = arith.constant 1 : i32
    %eq3A_84 = arith.cmpi eq, %arg0, %eq3A_83 : i32
    %convert_element_type3A_85 = arith.extui %eq3A_84 : i1 to i32
    %cond3A_86 = arith.constant 0 : i32
    %cond3A_87 = arith.cmpi ne, %convert_element_type3A_85, %cond3A_86 : i32
    scf.if %cond3A_87 {
      %dma_wait3A_104 = arith.constant 0 : i32
      %dma_wait3A_105 = arith.constant 0 : i32
      %dma_wait3A_106 = tpu.memref_slice %arg4[%dma_wait3A_104, %dma_wait3A_105] : memref<2x160000xi32, #tpu.memory_space<hbm>> -> memref<2x128xi32, #tpu.memory_space<hbm>>
      %dma_wait3A_107 = arith.constant 0 : i32
      %dma_wait3A_108 = arith.constant 0 : i32
      %dma_wait3A_109 = tpu.memref_slice %arg4[%dma_wait3A_107, %dma_wait3A_108] : memref<2x160000xi32, #tpu.memory_space<hbm>> -> memref<2x128xi32, #tpu.memory_space<hbm>>
      tpu.wait_dma2 semaphore(%arg15 : memref<!tpu.dma_semaphore, #tpu.memory_space<semaphore_mem>>) src(%dma_wait3A_109 : memref<2x128xi32, #tpu.memory_space<hbm>>) dst(%arg6 : memref<2x128xi32, #tpu.memory_space<vmem>>)
      %dma_start3A_110 = arith.constant 0 : i32
      %dma_start3A_111 = arith.constant 0 : i32
      %dma_start3A_112 = tpu.memref_slice %arg6[%dma_start3A_110, %dma_start3A_111] : memref<2x128xi32, #tpu.memory_space<vmem>> -> memref<1x128xi32, #tpu.memory_space<vmem>>
      %dma_start3A_113 = tpu.memref_squeeze %dma_start3A_112 : memref<1x128xi32, #tpu.memory_space<vmem>> -> memref<128xi32, #tpu.memory_space<vmem>>
      %dma_start3A_114 = arith.constant 0 : i32
      %dma_start3A_115 = arith.constant 0 : i32
      %dma_start3A_116 = tpu.memref_slice %arg2[%dma_start3A_114, %dma_start3A_115] : memref<10000x128xf32, #tpu.memory_space<hbm>> -> memref<10000x128xf32, #tpu.memory_space<hbm>>
      tpu.enqueue_indirect_dma source(%dma_start3A_116 : memref<10000x128xf32, #tpu.memory_space<hbm>>) target(%arg11 : memref<128x128xf32, #tpu.memory_space<vmem>>) offsets(%dma_start3A_113 : memref<128xi32, #tpu.memory_space<vmem>>) semaphore(%arg20 : memref<!tpu.dma_semaphore, #tpu.memory_space<semaphore_mem>>)
      %dma_wait3A_117 = arith.constant 0 : i32
      %dma_wait3A_118 = arith.constant 0 : i32
      %dma_wait3A_119 = tpu.memref_slice %arg4[%dma_wait3A_117, %dma_wait3A_118] : memref<2x160000xi32, #tpu.memory_space<hbm>> -> memref<2x128xi32, #tpu.memory_space<hbm>>
      %dma_wait3A_120 = arith.constant 0 : i32
      %dma_wait3A_121 = arith.constant 0 : i32
      %dma_wait3A_122 = tpu.memref_slice %arg4[%dma_wait3A_120, %dma_wait3A_121] : memref<2x160000xi32, #tpu.memory_space<hbm>> -> memref<2x128xi32, #tpu.memory_space<hbm>>
      tpu.wait_dma2 semaphore(%arg16 : memref<!tpu.dma_semaphore, #tpu.memory_space<semaphore_mem>>) src(%dma_wait3A_122 : memref<2x128xi32, #tpu.memory_space<hbm>>) dst(%arg7 : memref<2x128xi32, #tpu.memory_space<vmem>>)
      %dma_start3A_123 = arith.constant 0 : i32
      %dma_start3A_124 = arith.constant 0 : i32
      %dma_start3A_125 = tpu.memref_slice %arg7[%dma_start3A_123, %dma_start3A_124] : memref<2x128xi32, #tpu.memory_space<vmem>> -> memref<1x128xi32, #tpu.memory_space<vmem>>
      %dma_start3A_126 = tpu.memref_squeeze %dma_start3A_125 : memref<1x128xi32, #tpu.memory_space<vmem>> -> memref<128xi32, #tpu.memory_space<vmem>>
      %dma_start3A_127 = arith.constant 0 : i32
      %dma_start3A_128 = arith.constant 0 : i32
      %dma_start3A_129 = tpu.memref_slice %arg2[%dma_start3A_127, %dma_start3A_128] : memref<10000x128xf32, #tpu.memory_space<hbm>> -> memref<10000x128xf32, #tpu.memory_space<hbm>>
      tpu.enqueue_indirect_dma source(%dma_start3A_129 : memref<10000x128xf32, #tpu.memory_space<hbm>>) target(%arg12 : memref<128x128xf32, #tpu.memory_space<vmem>>) offsets(%dma_start3A_126 : memref<128xi32, #tpu.memory_space<vmem>>) semaphore(%arg21 : memref<!tpu.dma_semaphore, #tpu.memory_space<semaphore_mem>>)
      %dma_wait3A_130 = arith.constant 0 : i32
      %dma_wait3A_131 = arith.constant 0 : i32
      %dma_wait3A_132 = tpu.memref_slice %arg4[%dma_wait3A_130, %dma_wait3A_131] : memref<2x160000xi32, #tpu.memory_space<hbm>> -> memref<2x128xi32, #tpu.memory_space<hbm>>
      %dma_wait3A_133 = arith.constant 0 : i32
      %dma_wait3A_134 = arith.constant 0 : i32
      %dma_wait3A_135 = tpu.memref_slice %arg4[%dma_wait3A_133, %dma_wait3A_134] : memref<2x160000xi32, #tpu.memory_space<hbm>> -> memref<2x128xi32, #tpu.memory_space<hbm>>
      tpu.wait_dma2 semaphore(%arg17 : memref<!tpu.dma_semaphore, #tpu.memory_space<semaphore_mem>>) src(%dma_wait3A_135 : memref<2x128xi32, #tpu.memory_space<hbm>>) dst(%arg8 : memref<2x128xi32, #tpu.memory_space<vmem>>)
      %dma_start3A_136 = arith.constant 0 : i32
      %dma_start3A_137 = arith.constant 0 : i32
      %dma_start3A_138 = tpu.memref_slice %arg8[%dma_start3A_136, %dma_start3A_137] : memref<2x128xi32, #tpu.memory_space<vmem>> -> memref<1x128xi32, #tpu.memory_space<vmem>>
      %dma_start3A_139 = tpu.memref_squeeze %dma_start3A_138 : memref<1x128xi32, #tpu.memory_space<vmem>> -> memref<128xi32, #tpu.memory_space<vmem>>
      %dma_start3A_140 = arith.constant 0 : i32
      %dma_start3A_141 = arith.constant 0 : i32
      %dma_start3A_142 = tpu.memref_slice %arg2[%dma_start3A_140, %dma_start3A_141] : memref<10000x128xf32, #tpu.memory_space<hbm>> -> memref<10000x128xf32, #tpu.memory_space<hbm>>
      tpu.enqueue_indirect_dma source(%dma_start3A_142 : memref<10000x128xf32, #tpu.memory_space<hbm>>) target(%arg13 : memref<128x128xf32, #tpu.memory_space<vmem>>) offsets(%dma_start3A_139 : memref<128xi32, #tpu.memory_space<vmem>>) semaphore(%arg22 : memref<!tpu.dma_semaphore, #tpu.memory_space<semaphore_mem>>)
    } else {
    }
    %barrier3A = arith.constant 0 : index
    tpu.barrier barrier_id(%barrier3A)
    %eq3A_88 = arith.constant 0 : i32
    %eq3A_89 = arith.cmpi eq, %arg0, %eq3A_88 : i32
    %convert_element_type3A_90 = arith.extui %eq3A_89 : i1 to i32
    %cond3A_91 = arith.constant 0 : i32
    %cond3A_92 = arith.cmpi ne, %convert_element_type3A_90, %cond3A_91 : i32
    scf.if %cond3A_92 {
      %scan3A_104 = arith.constant 0 : i32
      %scan3A_105 = arith.constant 6 : i32
      %scan3A_106 = arith.addi %scan3A_104, %scan3A_105 : i32
      %scan3A_107 = arith.constant 1 : i32
      scf.for %scan3A_109 = %scan3A_104 to %scan3A_106 step %scan3A_107  : i32 {
        %mul3A_110 = arith.constant 15 : i32
        %mul3A_111 = arith.muli %mul3A_110, %scan3A_109 : i32
        %add3A_112 = arith.constant 0 : i32
        %add3A_113 = arith.addi %mul3A_111, %add3A_112 : i32
        %lt3A_114 = arith.cmpi slt, %add3A_113, %add3A_5 : i32
        %convert_element_type3A_115 = arith.extui %lt3A_114 : i1 to i32
        %cond3A_116 = arith.constant 0 : i32
        %cond3A_117 = arith.cmpi ne, %convert_element_type3A_115, %cond3A_116 : i32
        scf.if %cond3A_117 {
          %dma_wait3A_410 = arith.constant 0 : i32
          %dma_wait3A_411 = arith.constant 0 : i32
          %dma_wait3A_412 = tpu.memref_slice %arg6[%dma_wait3A_410, %dma_wait3A_411] : memref<2x128xi32, #tpu.memory_space<vmem>> -> memref<1x128xi32, #tpu.memory_space<vmem>>
          %dma_wait3A_413 = tpu.memref_squeeze %dma_wait3A_412 : memref<1x128xi32, #tpu.memory_space<vmem>> -> memref<128xi32, #tpu.memory_space<vmem>>
          %dma_wait3A_414 = arith.constant 0 : i32
          %dma_wait3A_415 = arith.constant 0 : i32
          %dma_wait3A_416 = tpu.memref_slice %arg2[%dma_wait3A_414, %dma_wait3A_415] : memref<10000x128xf32, #tpu.memory_space<hbm>> -> memref<10000x128xf32, #tpu.memory_space<hbm>>
          tpu.wait_indirect_dma semaphore(%arg20 : memref<!tpu.dma_semaphore, #tpu.memory_space<semaphore_mem>>) src(%dma_wait3A_416 : memref<10000x128xf32, #tpu.memory_space<hbm>>) dst(%arg11 : memref<128x128xf32, #tpu.memory_space<vmem>>)
          %run_scoped3A = arith.constant 1 : i32
          "tpu.region"() ({
            %run_scoped3A_417 = tpu.sem_alloc : memref<!tpu.dma_semaphore, #tpu.memory_space<semaphore_mem>>
            %dma_start3A_418 = arith.constant 0 : i32
            %dma_start3A_419 = tpu.memref_slice %arg6[%run_scoped3A, %dma_start3A_418] : memref<2x128xi32, #tpu.memory_space<vmem>> -> memref<1x128xi32, #tpu.memory_space<vmem>>
            %dma_start3A_420 = tpu.memref_squeeze %dma_start3A_419 : memref<1x128xi32, #tpu.memory_space<vmem>> -> memref<128xi32, #tpu.memory_space<vmem>>
            %dma_start3A_421 = arith.constant 0 : i32
            %dma_start3A_422 = arith.constant 0 : i32
            %dma_start3A_423 = tpu.memref_slice %arg14[%dma_start3A_421, %dma_start3A_422] : memref<10000x128xf32, #tpu.memory_space<vmem_shared>> -> memref<10000x128xf32, #tpu.memory_space<vmem_shared>>
            tpu.enqueue_indirect_dma source(%arg11 : memref<128x128xf32, #tpu.memory_space<vmem>>) target(%dma_start3A_423 : memref<10000x128xf32, #tpu.memory_space<vmem_shared>>) offsets(%dma_start3A_420 : memref<128xi32, #tpu.memory_space<vmem>>) semaphore(%run_scoped3A_417 : memref<!tpu.dma_semaphore, #tpu.memory_space<semaphore_mem>>) {add = true}
            %dma_wait3A_424 = arith.constant 0 : i32
            %dma_wait3A_425 = tpu.memref_slice %arg6[%run_scoped3A, %dma_wait3A_424] : memref<2x128xi32, #tpu.memory_space<vmem>> -> memref<1x128xi32, #tpu.memory_space<vmem>>
            %dma_wait3A_426 = tpu.memref_squeeze %dma_wait3A_425 : memref<1x128xi32, #tpu.memory_space<vmem>> -> memref<128xi32, #tpu.memory_space<vmem>>
            %dma_wait3A_427 = arith.constant 0 : i32
            %dma_wait3A_428 = arith.constant 0 : i32
            %dma_wait3A_429 = tpu.memref_slice %arg14[%dma_wait3A_427, %dma_wait3A_428] : memref<10000x128xf32, #tpu.memory_space<vmem_shared>> -> memref<10000x128xf32, #tpu.memory_space<vmem_shared>>
            tpu.wait_indirect_dma semaphore(%run_scoped3A_417 : memref<!tpu.dma_semaphore, #tpu.memory_space<semaphore_mem>>) src(%arg11 : memref<128x128xf32, #tpu.memory_space<vmem>>) dst(%dma_wait3A_429 : memref<10000x128xf32, #tpu.memory_space<vmem_shared>>)
            tpu.yield
          }) : () -> ()
        } else {
        }
        %add3A_118 = arith.constant 5 : i32
        %add3A_119 = arith.addi %add3A_113, %add3A_118 : i32
        %lt3A_120 = arith.cmpi slt, %add3A_119, %add3A_5 : i32
        %convert_element_type3A_121 = arith.extui %lt3A_120 : i1 to i32
        %cond3A_122 = arith.constant 0 : i32
        %cond3A_123 = arith.cmpi ne, %convert_element_type3A_121, %cond3A_122 : i32
        scf.if %cond3A_123 {
          %add3A_410 = arith.constant 5 : i32
          %add3A_411 = arith.addi %add3A_113, %add3A_410 : i32
          %add3A_412 = arith.addi %add3A, %add3A_411 : i32
          %mul3A_413 = arith.constant 128 : i32
          %mul3A_414 = arith.muli %add3A_412, %mul3A_413 : i32
          %dma_start3A_415 = arith.constant 0 : i32
          %dma_start3A_416 = tpu.memref_slice %arg3[%dma_start3A_415, %mul3A_414] : memref<2x160000xi32, #tpu.memory_space<hbm>> -> memref<2x128xi32, #tpu.memory_space<hbm>>
          %dma_start3A_417 = arith.constant 0 : i32
          %dma_start3A_418 = tpu.memref_slice %arg3[%dma_start3A_417, %mul3A_414] : memref<2x160000xi32, #tpu.memory_space<hbm>> -> memref<2x128xi32, #tpu.memory_space<hbm>>
          tpu.enqueue_dma source(%dma_start3A_418 : memref<2x128xi32, #tpu.memory_space<hbm>>) target(%arg6 : memref<2x128xi32, #tpu.memory_space<vmem>>) target_semaphore(%arg15 : memref<!tpu.dma_semaphore, #tpu.memory_space<semaphore_mem>>)
        } else {
        }
        %add3A_124 = arith.constant 3 : i32
        %add3A_125 = arith.addi %add3A_113, %add3A_124 : i32
        %lt3A_126 = arith.cmpi slt, %add3A_125, %add3A_5 : i32
        %convert_element_type3A_127 = arith.extui %lt3A_126 : i1 to i32
        %cond3A_128 = arith.constant 0 : i32
        %cond3A_129 = arith.cmpi ne, %convert_element_type3A_127, %cond3A_128 : i32
        scf.if %cond3A_129 {
          %dma_wait3A_410 = arith.constant 0 : i32
          %dma_wait3A_411 = arith.constant 0 : i32
          %dma_wait3A_412 = tpu.memref_slice %arg3[%dma_wait3A_410, %dma_wait3A_411] : memref<2x160000xi32, #tpu.memory_space<hbm>> -> memref<2x128xi32, #tpu.memory_space<hbm>>
          %dma_wait3A_413 = arith.constant 0 : i32
          %dma_wait3A_414 = arith.constant 0 : i32
          %dma_wait3A_415 = tpu.memref_slice %arg3[%dma_wait3A_413, %dma_wait3A_414] : memref<2x160000xi32, #tpu.memory_space<hbm>> -> memref<2x128xi32, #tpu.memory_space<hbm>>
          tpu.wait_dma2 semaphore(%arg18 : memref<!tpu.dma_semaphore, #tpu.memory_space<semaphore_mem>>) src(%dma_wait3A_415 : memref<2x128xi32, #tpu.memory_space<hbm>>) dst(%arg9 : memref<2x128xi32, #tpu.memory_space<vmem>>)
          %dma_start3A_416 = arith.constant 0 : i32
          %dma_start3A_417 = arith.constant 0 : i32
          %dma_start3A_418 = tpu.memref_slice %arg9[%dma_start3A_416, %dma_start3A_417] : memref<2x128xi32, #tpu.memory_space<vmem>> -> memref<1x128xi32, #tpu.memory_space<vmem>>
          %dma_start3A_419 = tpu.memref_squeeze %dma_start3A_418 : memref<1x128xi32, #tpu.memory_space<vmem>> -> memref<128xi32, #tpu.memory_space<vmem>>
          %dma_start3A_420 = arith.constant 0 : i32
          %dma_start3A_421 = arith.constant 0 : i32
          %dma_start3A_422 = tpu.memref_slice %arg2[%dma_start3A_420, %dma_start3A_421] : memref<10000x128xf32, #tpu.memory_space<hbm>> -> memref<10000x128xf32, #tpu.memory_space<hbm>>
          tpu.enqueue_indirect_dma source(%dma_start3A_422 : memref<10000x128xf32, #tpu.memory_space<hbm>>) target(%arg11 : memref<128x128xf32, #tpu.memory_space<vmem>>) offsets(%dma_start3A_419 : memref<128xi32, #tpu.memory_space<vmem>>) semaphore(%arg20 : memref<!tpu.dma_semaphore, #tpu.memory_space<semaphore_mem>>)
        } else {
        }
        %mul3A_130 = arith.constant 15 : i32
        %mul3A_131 = arith.muli %mul3A_130, %scan3A_109 : i32
        %add3A_132 = arith.constant 1 : i32
        %add3A_133 = arith.addi %mul3A_131, %add3A_132 : i32
        %lt3A_134 = arith.cmpi slt, %add3A_133, %add3A_5 : i32
        %convert_element_type3A_135 = arith.extui %lt3A_134 : i1 to i32
        %cond3A_136 = arith.constant 0 : i32
        %cond3A_137 = arith.cmpi ne, %convert_element_type3A_135, %cond3A_136 : i32
        scf.if %cond3A_137 {
          %dma_wait3A_410 = arith.constant 0 : i32
          %dma_wait3A_411 = arith.constant 0 : i32
          %dma_wait3A_412 = tpu.memref_slice %arg7[%dma_wait3A_410, %dma_wait3A_411] : memref<2x128xi32, #tpu.memory_space<vmem>> -> memref<1x128xi32, #tpu.memory_space<vmem>>
          %dma_wait3A_413 = tpu.memref_squeeze %dma_wait3A_412 : memref<1x128xi32, #tpu.memory_space<vmem>> -> memref<128xi32, #tpu.memory_space<vmem>>
          %dma_wait3A_414 = arith.constant 0 : i32
          %dma_wait3A_415 = arith.constant 0 : i32
          %dma_wait3A_416 = tpu.memref_slice %arg2[%dma_wait3A_414, %dma_wait3A_415] : memref<10000x128xf32, #tpu.memory_space<hbm>> -> memref<10000x128xf32, #tpu.memory_space<hbm>>
          tpu.wait_indirect_dma semaphore(%arg21 : memref<!tpu.dma_semaphore, #tpu.memory_space<semaphore_mem>>) src(%dma_wait3A_416 : memref<10000x128xf32, #tpu.memory_space<hbm>>) dst(%arg12 : memref<128x128xf32, #tpu.memory_space<vmem>>)
          %run_scoped3A = arith.constant 1 : i32
          "tpu.region"() ({
            %run_scoped3A_417 = tpu.sem_alloc : memref<!tpu.dma_semaphore, #tpu.memory_space<semaphore_mem>>
            %dma_start3A_418 = arith.constant 0 : i32
            %dma_start3A_419 = tpu.memref_slice %arg7[%run_scoped3A, %dma_start3A_418] : memref<2x128xi32, #tpu.memory_space<vmem>> -> memref<1x128xi32, #tpu.memory_space<vmem>>
            %dma_start3A_420 = tpu.memref_squeeze %dma_start3A_419 : memref<1x128xi32, #tpu.memory_space<vmem>> -> memref<128xi32, #tpu.memory_space<vmem>>
            %dma_start3A_421 = arith.constant 0 : i32
            %dma_start3A_422 = arith.constant 0 : i32
            %dma_start3A_423 = tpu.memref_slice %arg14[%dma_start3A_421, %dma_start3A_422] : memref<10000x128xf32, #tpu.memory_space<vmem_shared>> -> memref<10000x128xf32, #tpu.memory_space<vmem_shared>>
            tpu.enqueue_indirect_dma source(%arg12 : memref<128x128xf32, #tpu.memory_space<vmem>>) target(%dma_start3A_423 : memref<10000x128xf32, #tpu.memory_space<vmem_shared>>) offsets(%dma_start3A_420 : memref<128xi32, #tpu.memory_space<vmem>>) semaphore(%run_scoped3A_417 : memref<!tpu.dma_semaphore, #tpu.memory_space<semaphore_mem>>) {add = true}
            %dma_wait3A_424 = arith.constant 0 : i32
            %dma_wait3A_425 = tpu.memref_slice %arg7[%run_scoped3A, %dma_wait3A_424] : memref<2x128xi32, #tpu.memory_space<vmem>> -> memref<1x128xi32, #tpu.memory_space<vmem>>
            %dma_wait3A_426 = tpu.memref_squeeze %dma_wait3A_425 : memref<1x128xi32, #tpu.memory_space<vmem>> -> memref<128xi32, #tpu.memory_space<vmem>>
            %dma_wait3A_427 = arith.constant 0 : i32
            %dma_wait3A_428 = arith.constant 0 : i32
            %dma_wait3A_429 = tpu.memref_slice %arg14[%dma_wait3A_427, %dma_wait3A_428] : memref<10000x128xf32, #tpu.memory_space<vmem_shared>> -> memref<10000x128xf32, #tpu.memory_space<vmem_shared>>
            tpu.wait_indirect_dma semaphore(%run_scoped3A_417 : memref<!tpu.dma_semaphore, #tpu.memory_space<semaphore_mem>>) src(%arg12 : memref<128x128xf32, #tpu.memory_space<vmem>>) dst(%dma_wait3A_429 : memref<10000x128xf32, #tpu.memory_space<vmem_shared>>)
            tpu.yield
          }) : () -> ()
        } else {
        }
        %add3A_138 = arith.constant 5 : i32
        %add3A_139 = arith.addi %add3A_133, %add3A_138 : i32
        %lt3A_140 = arith.cmpi slt, %add3A_139, %add3A_5 : i32
        %convert_element_type3A_141 = arith.extui %lt3A_140 : i1 to i32
        %cond3A_142 = arith.constant 0 : i32
        %cond3A_143 = arith.cmpi ne, %convert_element_type3A_141, %cond3A_142 : i32
        scf.if %cond3A_143 {
          %add3A_410 = arith.constant 5 : i32
          %add3A_411 = arith.addi %add3A_133, %add3A_410 : i32
          %add3A_412 = arith.addi %add3A, %add3A_411 : i32
          %mul3A_413 = arith.constant 128 : i32
          %mul3A_414 = arith.muli %add3A_412, %mul3A_413 : i32
          %dma_start3A_415 = arith.constant 0 : i32
          %dma_start3A_416 = tpu.memref_slice %arg3[%dma_start3A_415, %mul3A_414] : memref<2x160000xi32, #tpu.memory_space<hbm>> -> memref<2x128xi32, #tpu.memory_space<hbm>>
          %dma_start3A_417 = arith.constant 0 : i32
          %dma_start3A_418 = tpu.memref_slice %arg3[%dma_start3A_417, %mul3A_414] : memref<2x160000xi32, #tpu.memory_space<hbm>> -> memref<2x128xi32, #tpu.memory_space<hbm>>
          tpu.enqueue_dma source(%dma_start3A_418 : memref<2x128xi32, #tpu.memory_space<hbm>>) target(%arg7 : memref<2x128xi32, #tpu.memory_space<vmem>>) target_semaphore(%arg16 : memref<!tpu.dma_semaphore, #tpu.memory_space<semaphore_mem>>)
        } else {
        }
        %add3A_144 = arith.constant 3 : i32
        %add3A_145 = arith.addi %add3A_133, %add3A_144 : i32
        %lt3A_146 = arith.cmpi slt, %add3A_145, %add3A_5 : i32
        %convert_element_type3A_147 = arith.extui %lt3A_146 : i1 to i32
        %cond3A_148 = arith.constant 0 : i32
        %cond3A_149 = arith.cmpi ne, %convert_element_type3A_147, %cond3A_148 : i32
        scf.if %cond3A_149 {
          %dma_wait3A_410 = arith.constant 0 : i32
          %dma_wait3A_411 = arith.constant 0 : i32
          %dma_wait3A_412 = tpu.memref_slice %arg3[%dma_wait3A_410, %dma_wait3A_411] : memref<2x160000xi32, #tpu.memory_space<hbm>> -> memref<2x128xi32, #tpu.memory_space<hbm>>
          %dma_wait3A_413 = arith.constant 0 : i32
          %dma_wait3A_414 = arith.constant 0 : i32
          %dma_wait3A_415 = tpu.memref_slice %arg3[%dma_wait3A_413, %dma_wait3A_414] : memref<2x160000xi32, #tpu.memory_space<hbm>> -> memref<2x128xi32, #tpu.memory_space<hbm>>
          tpu.wait_dma2 semaphore(%arg19 : memref<!tpu.dma_semaphore, #tpu.memory_space<semaphore_mem>>) src(%dma_wait3A_415 : memref<2x128xi32, #tpu.memory_space<hbm>>) dst(%arg10 : memref<2x128xi32, #tpu.memory_space<vmem>>)
          %dma_start3A_416 = arith.constant 0 : i32
          %dma_start3A_417 = arith.constant 0 : i32
          %dma_start3A_418 = tpu.memref_slice %arg10[%dma_start3A_416, %dma_start3A_417] : memref<2x128xi32, #tpu.memory_space<vmem>> -> memref<1x128xi32, #tpu.memory_space<vmem>>
          %dma_start3A_419 = tpu.memref_squeeze %dma_start3A_418 : memref<1x128xi32, #tpu.memory_space<vmem>> -> memref<128xi32, #tpu.memory_space<vmem>>
          %dma_start3A_420 = arith.constant 0 : i32
          %dma_start3A_421 = arith.constant 0 : i32
          %dma_start3A_422 = tpu.memref_slice %arg2[%dma_start3A_420, %dma_start3A_421] : memref<10000x128xf32, #tpu.memory_space<hbm>> -> memref<10000x128xf32, #tpu.memory_space<hbm>>
          tpu.enqueue_indirect_dma source(%dma_start3A_422 : memref<10000x128xf32, #tpu.memory_space<hbm>>) target(%arg12 : memref<128x128xf32, #tpu.memory_space<vmem>>) offsets(%dma_start3A_419 : memref<128xi32, #tpu.memory_space<vmem>>) semaphore(%arg21 : memref<!tpu.dma_semaphore, #tpu.memory_space<semaphore_mem>>)
        } else {
        }
        %mul3A_150 = arith.constant 15 : i32
        %mul3A_151 = arith.muli %mul3A_150, %scan3A_109 : i32
        %add3A_152 = arith.constant 2 : i32
        %add3A_153 = arith.addi %mul3A_151, %add3A_152 : i32
        %lt3A_154 = arith.cmpi slt, %add3A_153, %add3A_5 : i32
        %convert_element_type3A_155 = arith.extui %lt3A_154 : i1 to i32
        %cond3A_156 = arith.constant 0 : i32
        %cond3A_157 = arith.cmpi ne, %convert_element_type3A_155, %cond3A_156 : i32
        scf.if %cond3A_157 {
          %dma_wait3A_410 = arith.constant 0 : i32
          %dma_wait3A_411 = arith.constant 0 : i32
          %dma_wait3A_412 = tpu.memref_slice %arg8[%dma_wait3A_410, %dma_wait3A_411] : memref<2x128xi32, #tpu.memory_space<vmem>> -> memref<1x128xi32, #tpu.memory_space<vmem>>
          %dma_wait3A_413 = tpu.memref_squeeze %dma_wait3A_412 : memref<1x128xi32, #tpu.memory_space<vmem>> -> memref<128xi32, #tpu.memory_space<vmem>>
          %dma_wait3A_414 = arith.constant 0 : i32
          %dma_wait3A_415 = arith.constant 0 : i32
          %dma_wait3A_416 = tpu.memref_slice %arg2[%dma_wait3A_414, %dma_wait3A_415] : memref<10000x128xf32, #tpu.memory_space<hbm>> -> memref<10000x128xf32, #tpu.memory_space<hbm>>
          tpu.wait_indirect_dma semaphore(%arg22 : memref<!tpu.dma_semaphore, #tpu.memory_space<semaphore_mem>>) src(%dma_wait3A_416 : memref<10000x128xf32, #tpu.memory_space<hbm>>) dst(%arg13 : memref<128x128xf32, #tpu.memory_space<vmem>>)
          %run_scoped3A = arith.constant 1 : i32
          "tpu.region"() ({
            %run_scoped3A_417 = tpu.sem_alloc : memref<!tpu.dma_semaphore, #tpu.memory_space<semaphore_mem>>
            %dma_start3A_418 = arith.constant 0 : i32
            %dma_start3A_419 = tpu.memref_slice %arg8[%run_scoped3A, %dma_start3A_418] : memref<2x128xi32, #tpu.memory_space<vmem>> -> memref<1x128xi32, #tpu.memory_space<vmem>>
            %dma_start3A_420 = tpu.memref_squeeze %dma_start3A_419 : memref<1x128xi32, #tpu.memory_space<vmem>> -> memref<128xi32, #tpu.memory_space<vmem>>
            %dma_start3A_421 = arith.constant 0 : i32
            %dma_start3A_422 = arith.constant 0 : i32
            %dma_start3A_423 = tpu.memref_slice %arg14[%dma_start3A_421, %dma_start3A_422] : memref<10000x128xf32, #tpu.memory_space<vmem_shared>> -> memref<10000x128xf32, #tpu.memory_space<vmem_shared>>
            tpu.enqueue_indirect_dma source(%arg13 : memref<128x128xf32, #tpu.memory_space<vmem>>) target(%dma_start3A_423 : memref<10000x128xf32, #tpu.memory_space<vmem_shared>>) offsets(%dma_start3A_420 : memref<128xi32, #tpu.memory_space<vmem>>) semaphore(%run_scoped3A_417 : memref<!tpu.dma_semaphore, #tpu.memory_space<semaphore_mem>>) {add = true}
            %dma_wait3A_424 = arith.constant 0 : i32
            %dma_wait3A_425 = tpu.memref_slice %arg8[%run_scoped3A, %dma_wait3A_424] : memref<2x128xi32, #tpu.memory_space<vmem>> -> memref<1x128xi32, #tpu.memory_space<vmem>>
            %dma_wait3A_426 = tpu.memref_squeeze %dma_wait3A_425 : memref<1x128xi32, #tpu.memory_space<vmem>> -> memref<128xi32, #tpu.memory_space<vmem>>
            %dma_wait3A_427 = arith.constant 0 : i32
            %dma_wait3A_428 = arith.constant 0 : i32
            %dma_wait3A_429 = tpu.memref_slice %arg14[%dma_wait3A_427, %dma_wait3A_428] : memref<10000x128xf32, #tpu.memory_space<vmem_shared>> -> memref<10000x128xf32, #tpu.memory_space<vmem_shared>>
            tpu.wait_indirect_dma semaphore(%run_scoped3A_417 : memref<!tpu.dma_semaphore, #tpu.memory_space<semaphore_mem>>) src(%arg13 : memref<128x128xf32, #tpu.memory_space<vmem>>) dst(%dma_wait3A_429 : memref<10000x128xf32, #tpu.memory_space<vmem_shared>>)
            tpu.yield
          }) : () -> ()
        } else {
        }
        %add3A_158 = arith.constant 5 : i32
        %add3A_159 = arith.addi %add3A_153, %add3A_158 : i32
        %lt3A_160 = arith.cmpi slt, %add3A_159, %add3A_5 : i32
        %convert_element_type3A_161 = arith.extui %lt3A_160 : i1 to i32
        %cond3A_162 = arith.constant 0 : i32
        %cond3A_163 = arith.cmpi ne, %convert_element_type3A_161, %cond3A_162 : i32
        scf.if %cond3A_163 {
          %add3A_410 = arith.constant 5 : i32
          %add3A_411 = arith.addi %add3A_153, %add3A_410 : i32
          %add3A_412 = arith.addi %add3A, %add3A_411 : i32
          %mul3A_413 = arith.constant 128 : i32
          %mul3A_414 = arith.muli %add3A_412, %mul3A_413 : i32
          %dma_start3A_415 = arith.constant 0 : i32
          %dma_start3A_416 = tpu.memref_slice %arg3[%dma_start3A_415, %mul3A_414] : memref<2x160000xi32, #tpu.memory_space<hbm>> -> memref<2x128xi32, #tpu.memory_space<hbm>>
          %dma_start3A_417 = arith.constant 0 : i32
          %dma_start3A_418 = tpu.memref_slice %arg3[%dma_start3A_417, %mul3A_414] : memref<2x160000xi32, #tpu.memory_space<hbm>> -> memref<2x128xi32, #tpu.memory_space<hbm>>
          tpu.enqueue_dma source(%dma_start3A_418 : memref<2x128xi32, #tpu.memory_space<hbm>>) target(%arg8 : memref<2x128xi32, #tpu.memory_space<vmem>>) target_semaphore(%arg17 : memref<!tpu.dma_semaphore, #tpu.memory_space<semaphore_mem>>)
        } else {
        }
        %add3A_164 = arith.constant 3 : i32
        %add3A_165 = arith.addi %add3A_153, %add3A_164 : i32
        %lt3A_166 = arith.cmpi slt, %add3A_165, %add3A_5 : i32
        %convert_element_type3A_167 = arith.extui %lt3A_166 : i1 to i32
        %cond3A_168 = arith.constant 0 : i32
        %cond3A_169 = arith.cmpi ne, %convert_element_type3A_167, %cond3A_168 : i32
        scf.if %cond3A_169 {
          %dma_wait3A_410 = arith.constant 0 : i32
          %dma_wait3A_411 = arith.constant 0 : i32
          %dma_wait3A_412 = tpu.memref_slice %arg3[%dma_wait3A_410, %dma_wait3A_411] : memref<2x160000xi32, #tpu.memory_space<hbm>> -> memref<2x128xi32, #tpu.memory_space<hbm>>
          %dma_wait3A_413 = arith.constant 0 : i32
          %dma_wait3A_414 = arith.constant 0 : i32
          %dma_wait3A_415 = tpu.memref_slice %arg3[%dma_wait3A_413, %dma_wait3A_414] : memref<2x160000xi32, #tpu.memory_space<hbm>> -> memref<2x128xi32, #tpu.memory_space<hbm>>
          tpu.wait_dma2 semaphore(%arg15 : memref<!tpu.dma_semaphore, #tpu.memory_space<semaphore_mem>>) src(%dma_wait3A_415 : memref<2x128xi32, #tpu.memory_space<hbm>>) dst(%arg6 : memref<2x128xi32, #tpu.memory_space<vmem>>)
          %dma_start3A_416 = arith.constant 0 : i32
          %dma_start3A_417 = arith.constant 0 : i32
          %dma_start3A_418 = tpu.memref_slice %arg6[%dma_start3A_416, %dma_start3A_417] : memref<2x128xi32, #tpu.memory_space<vmem>> -> memref<1x128xi32, #tpu.memory_space<vmem>>
          %dma_start3A_419 = tpu.memref_squeeze %dma_start3A_418 : memref<1x128xi32, #tpu.memory_space<vmem>> -> memref<128xi32, #tpu.memory_space<vmem>>
          %dma_start3A_420 = arith.constant 0 : i32
          %dma_start3A_421 = arith.constant 0 : i32
          %dma_start3A_422 = tpu.memref_slice %arg2[%dma_start3A_420, %dma_start3A_421] : memref<10000x128xf32, #tpu.memory_space<hbm>> -> memref<10000x128xf32, #tpu.memory_space<hbm>>
          tpu.enqueue_indirect_dma source(%dma_start3A_422 : memref<10000x128xf32, #tpu.memory_space<hbm>>) target(%arg13 : memref<128x128xf32, #tpu.memory_space<vmem>>) offsets(%dma_start3A_419 : memref<128xi32, #tpu.memory_space<vmem>>) semaphore(%arg22 : memref<!tpu.dma_semaphore, #tpu.memory_space<semaphore_mem>>)
        } else {
        }
        %mul3A_170 = arith.constant 15 : i32
        %mul3A_171 = arith.muli %mul3A_170, %scan3A_109 : i32
        %add3A_172 = arith.constant 3 : i32
        %add3A_173 = arith.addi %mul3A_171, %add3A_172 : i32
        %lt3A_174 = arith.cmpi slt, %add3A_173, %add3A_5 : i32
        %convert_element_type3A_175 = arith.extui %lt3A_174 : i1 to i32
        %cond3A_176 = arith.constant 0 : i32
        %cond3A_177 = arith.cmpi ne, %convert_element_type3A_175, %cond3A_176 : i32
        scf.if %cond3A_177 {
          %dma_wait3A_410 = arith.constant 0 : i32
          %dma_wait3A_411 = arith.constant 0 : i32
          %dma_wait3A_412 = tpu.memref_slice %arg9[%dma_wait3A_410, %dma_wait3A_411] : memref<2x128xi32, #tpu.memory_space<vmem>> -> memref<1x128xi32, #tpu.memory_space<vmem>>
          %dma_wait3A_413 = tpu.memref_squeeze %dma_wait3A_412 : memref<1x128xi32, #tpu.memory_space<vmem>> -> memref<128xi32, #tpu.memory_space<vmem>>
          %dma_wait3A_414 = arith.constant 0 : i32
          %dma_wait3A_415 = arith.constant 0 : i32
          %dma_wait3A_416 = tpu.memref_slice %arg2[%dma_wait3A_414, %dma_wait3A_415] : memref<10000x128xf32, #tpu.memory_space<hbm>> -> memref<10000x128xf32, #tpu.memory_space<hbm>>
          tpu.wait_indirect_dma semaphore(%arg20 : memref<!tpu.dma_semaphore, #tpu.memory_space<semaphore_mem>>) src(%dma_wait3A_416 : memref<10000x128xf32, #tpu.memory_space<hbm>>) dst(%arg11 : memref<128x128xf32, #tpu.memory_space<vmem>>)
          %run_scoped3A = arith.constant 1 : i32
          "tpu.region"() ({
            %run_scoped3A_417 = tpu.sem_alloc : memref<!tpu.dma_semaphore, #tpu.memory_space<semaphore_mem>>
            %dma_start3A_418 = arith.constant 0 : i32
            %dma_start3A_419 = tpu.memref_slice %arg9[%run_scoped3A, %dma_start3A_418] : memref<2x128xi32, #tpu.memory_space<vmem>> -> memref<1x128xi32, #tpu.memory_space<vmem>>
            %dma_start3A_420 = tpu.memref_squeeze %dma_start3A_419 : memref<1x128xi32, #tpu.memory_space<vmem>> -> memref<128xi32, #tpu.memory_space<vmem>>
            %dma_start3A_421 = arith.constant 0 : i32
            %dma_start3A_422 = arith.constant 0 : i32
            %dma_start3A_423 = tpu.memref_slice %arg14[%dma_start3A_421, %dma_start3A_422] : memref<10000x128xf32, #tpu.memory_space<vmem_shared>> -> memref<10000x128xf32, #tpu.memory_space<vmem_shared>>
            tpu.enqueue_indirect_dma source(%arg11 : memref<128x128xf32, #tpu.memory_space<vmem>>) target(%dma_start3A_423 : memref<10000x128xf32, #tpu.memory_space<vmem_shared>>) offsets(%dma_start3A_420 : memref<128xi32, #tpu.memory_space<vmem>>) semaphore(%run_scoped3A_417 : memref<!tpu.dma_semaphore, #tpu.memory_space<semaphore_mem>>) {add = true}
            %dma_wait3A_424 = arith.constant 0 : i32
            %dma_wait3A_425 = tpu.memref_slice %arg9[%run_scoped3A, %dma_wait3A_424] : memref<2x128xi32, #tpu.memory_space<vmem>> -> memref<1x128xi32, #tpu.memory_space<vmem>>
            %dma_wait3A_426 = tpu.memref_squeeze %dma_wait3A_425 : memref<1x128xi32, #tpu.memory_space<vmem>> -> memref<128xi32, #tpu.memory_space<vmem>>
            %dma_wait3A_427 = arith.constant 0 : i32
            %dma_wait3A_428 = arith.constant 0 : i32
            %dma_wait3A_429 = tpu.memref_slice %arg14[%dma_wait3A_427, %dma_wait3A_428] : memref<10000x128xf32, #tpu.memory_space<vmem_shared>> -> memref<10000x128xf32, #tpu.memory_space<vmem_shared>>
            tpu.wait_indirect_dma semaphore(%run_scoped3A_417 : memref<!tpu.dma_semaphore, #tpu.memory_space<semaphore_mem>>) src(%arg11 : memref<128x128xf32, #tpu.memory_space<vmem>>) dst(%dma_wait3A_429 : memref<10000x128xf32, #tpu.memory_space<vmem_shared>>)
            tpu.yield
          }) : () -> ()
        } else {
        }
        %add3A_178 = arith.constant 5 : i32
        %add3A_179 = arith.addi %add3A_173, %add3A_178 : i32
        %lt3A_180 = arith.cmpi slt, %add3A_179, %add3A_5 : i32
        %convert_element_type3A_181 = arith.extui %lt3A_180 : i1 to i32
        %cond3A_182 = arith.constant 0 : i32
        %cond3A_183 = arith.cmpi ne, %convert_element_type3A_181, %cond3A_182 : i32
        scf.if %cond3A_183 {
          %add3A_410 = arith.constant 5 : i32
          %add3A_411 = arith.addi %add3A_173, %add3A_410 : i32
          %add3A_412 = arith.addi %add3A, %add3A_411 : i32
          %mul3A_413 = arith.constant 128 : i32
          %mul3A_414 = arith.muli %add3A_412, %mul3A_413 : i32
          %dma_start3A_415 = arith.constant 0 : i32
          %dma_start3A_416 = tpu.memref_slice %arg3[%dma_start3A_415, %mul3A_414] : memref<2x160000xi32, #tpu.memory_space<hbm>> -> memref<2x128xi32, #tpu.memory_space<hbm>>
          %dma_start3A_417 = arith.constant 0 : i32
          %dma_start3A_418 = tpu.memref_slice %arg3[%dma_start3A_417, %mul3A_414] : memref<2x160000xi32, #tpu.memory_space<hbm>> -> memref<2x128xi32, #tpu.memory_space<hbm>>
          tpu.enqueue_dma source(%dma_start3A_418 : memref<2x128xi32, #tpu.memory_space<hbm>>) target(%arg9 : memref<2x128xi32, #tpu.memory_space<vmem>>) target_semaphore(%arg18 : memref<!tpu.dma_semaphore, #tpu.memory_space<semaphore_mem>>)
        } else {
        }
        %add3A_184 = arith.constant 3 : i32
        %add3A_185 = arith.addi %add3A_173, %add3A_184 : i32
        %lt3A_186 = arith.cmpi slt, %add3A_185, %add3A_5 : i32
        %convert_element_type3A_187 = arith.extui %lt3A_186 : i1 to i32
        %cond3A_188 = arith.constant 0 : i32
        %cond3A_189 = arith.cmpi ne, %convert_element_type3A_187, %cond3A_188 : i32
        scf.if %cond3A_189 {
          %dma_wait3A_410 = arith.constant 0 : i32
          %dma_wait3A_411 = arith.constant 0 : i32
          %dma_wait3A_412 = tpu.memref_slice %arg3[%dma_wait3A_410, %dma_wait3A_411] : memref<2x160000xi32, #tpu.memory_space<hbm>> -> memref<2x128xi32, #tpu.memory_space<hbm>>
          %dma_wait3A_413 = arith.constant 0 : i32
          %dma_wait3A_414 = arith.constant 0 : i32
          %dma_wait3A_415 = tpu.memref_slice %arg3[%dma_wait3A_413, %dma_wait3A_414] : memref<2x160000xi32, #tpu.memory_space<hbm>> -> memref<2x128xi32, #tpu.memory_space<hbm>>
          tpu.wait_dma2 semaphore(%arg16 : memref<!tpu.dma_semaphore, #tpu.memory_space<semaphore_mem>>) src(%dma_wait3A_415 : memref<2x128xi32, #tpu.memory_space<hbm>>) dst(%arg7 : memref<2x128xi32, #tpu.memory_space<vmem>>)
          %dma_start3A_416 = arith.constant 0 : i32
          %dma_start3A_417 = arith.constant 0 : i32
          %dma_start3A_418 = tpu.memref_slice %arg7[%dma_start3A_416, %dma_start3A_417] : memref<2x128xi32, #tpu.memory_space<vmem>> -> memref<1x128xi32, #tpu.memory_space<vmem>>
          %dma_start3A_419 = tpu.memref_squeeze %dma_start3A_418 : memref<1x128xi32, #tpu.memory_space<vmem>> -> memref<128xi32, #tpu.memory_space<vmem>>
          %dma_start3A_420 = arith.constant 0 : i32
          %dma_start3A_421 = arith.constant 0 : i32
          %dma_start3A_422 = tpu.memref_slice %arg2[%dma_start3A_420, %dma_start3A_421] : memref<10000x128xf32, #tpu.memory_space<hbm>> -> memref<10000x128xf32, #tpu.memory_space<hbm>>
          tpu.enqueue_indirect_dma source(%dma_start3A_422 : memref<10000x128xf32, #tpu.memory_space<hbm>>) target(%arg11 : memref<128x128xf32, #tpu.memory_space<vmem>>) offsets(%dma_start3A_419 : memref<128xi32, #tpu.memory_space<vmem>>) semaphore(%arg20 : memref<!tpu.dma_semaphore, #tpu.memory_space<semaphore_mem>>)
        } else {
        }
        %mul3A_190 = arith.constant 15 : i32
        %mul3A_191 = arith.muli %mul3A_190, %scan3A_109 : i32
        %add3A_192 = arith.constant 4 : i32
        %add3A_193 = arith.addi %mul3A_191, %add3A_192 : i32
        %lt3A_194 = arith.cmpi slt, %add3A_193, %add3A_5 : i32
        %convert_element_type3A_195 = arith.extui %lt3A_194 : i1 to i32
        %cond3A_196 = arith.constant 0 : i32
        %cond3A_197 = arith.cmpi ne, %convert_element_type3A_195, %cond3A_196 : i32
        scf.if %cond3A_197 {
          %dma_wait3A_410 = arith.constant 0 : i32
          %dma_wait3A_411 = arith.constant 0 : i32
          %dma_wait3A_412 = tpu.memref_slice %arg10[%dma_wait3A_410, %dma_wait3A_411] : memref<2x128xi32, #tpu.memory_space<vmem>> -> memref<1x128xi32, #tpu.memory_space<vmem>>
          %dma_wait3A_413 = tpu.memref_squeeze %dma_wait3A_412 : memref<1x128xi32, #tpu.memory_space<vmem>> -> memref<128xi32, #tpu.memory_space<vmem>>
          %dma_wait3A_414 = arith.constant 0 : i32
          %dma_wait3A_415 = arith.constant 0 : i32
          %dma_wait3A_416 = tpu.memref_slice %arg2[%dma_wait3A_414, %dma_wait3A_415] : memref<10000x128xf32, #tpu.memory_space<hbm>> -> memref<10000x128xf32, #tpu.memory_space<hbm>>
          tpu.wait_indirect_dma semaphore(%arg21 : memref<!tpu.dma_semaphore, #tpu.memory_space<semaphore_mem>>) src(%dma_wait3A_416 : memref<10000x128xf32, #tpu.memory_space<hbm>>) dst(%arg12 : memref<128x128xf32, #tpu.memory_space<vmem>>)
          %run_scoped3A = arith.constant 1 : i32
          "tpu.region"() ({
            %run_scoped3A_417 = tpu.sem_alloc : memref<!tpu.dma_semaphore, #tpu.memory_space<semaphore_mem>>
            %dma_start3A_418 = arith.constant 0 : i32
            %dma_start3A_419 = tpu.memref_slice %arg10[%run_scoped3A, %dma_start3A_418] : memref<2x128xi32, #tpu.memory_space<vmem>> -> memref<1x128xi32, #tpu.memory_space<vmem>>
            %dma_start3A_420 = tpu.memref_squeeze %dma_start3A_419 : memref<1x128xi32, #tpu.memory_space<vmem>> -> memref<128xi32, #tpu.memory_space<vmem>>
            %dma_start3A_421 = arith.constant 0 : i32
            %dma_start3A_422 = arith.constant 0 : i32
            %dma_start3A_423 = tpu.memref_slice %arg14[%dma_start3A_421, %dma_start3A_422] : memref<10000x128xf32, #tpu.memory_space<vmem_shared>> -> memref<10000x128xf32, #tpu.memory_space<vmem_shared>>
            tpu.enqueue_indirect_dma source(%arg12 : memref<128x128xf32, #tpu.memory_space<vmem>>) target(%dma_start3A_423 : memref<10000x128xf32, #tpu.memory_space<vmem_shared>>) offsets(%dma_start3A_420 : memref<128xi32, #tpu.memory_space<vmem>>) semaphore(%run_scoped3A_417 : memref<!tpu.dma_semaphore, #tpu.memory_space<semaphore_mem>>) {add = true}
            %dma_wait3A_424 = arith.constant 0 : i32
            %dma_wait3A_425 = tpu.memref_slice %arg10[%run_scoped3A, %dma_wait3A_424] : memref<2x128xi32, #tpu.memory_space<vmem>> -> memref<1x128xi32, #tpu.memory_space<vmem>>
            %dma_wait3A_426 = tpu.memref_squeeze %dma_wait3A_425 : memref<1x128xi32, #tpu.memory_space<vmem>> -> memref<128xi32, #tpu.memory_space<vmem>>
            %dma_wait3A_427 = arith.constant 0 : i32
            %dma_wait3A_428 = arith.constant 0 : i32
            %dma_wait3A_429 = tpu.memref_slice %arg14[%dma_wait3A_427, %dma_wait3A_428] : memref<10000x128xf32, #tpu.memory_space<vmem_shared>> -> memref<10000x128xf32, #tpu.memory_space<vmem_shared>>
            tpu.wait_indirect_dma semaphore(%run_scoped3A_417 : memref<!tpu.dma_semaphore, #tpu.memory_space<semaphore_mem>>) src(%arg12 : memref<128x128xf32, #tpu.memory_space<vmem>>) dst(%dma_wait3A_429 : memref<10000x128xf32, #tpu.memory_space<vmem_shared>>)
            tpu.yield
          }) : () -> ()
        } else {
        }
        %add3A_198 = arith.constant 5 : i32
        %add3A_199 = arith.addi %add3A_193, %add3A_198 : i32
        %lt3A_200 = arith.cmpi slt, %add3A_199, %add3A_5 : i32
        %convert_element_type3A_201 = arith.extui %lt3A_200 : i1 to i32
        %cond3A_202 = arith.constant 0 : i32
        %cond3A_203 = arith.cmpi ne, %convert_element_type3A_201, %cond3A_202 : i32
        scf.if %cond3A_203 {
          %add3A_410 = arith.constant 5 : i32
          %add3A_411 = arith.addi %add3A_193, %add3A_410 : i32
          %add3A_412 = arith.addi %add3A, %add3A_411 : i32
          %mul3A_413 = arith.constant 128 : i32
          %mul3A_414 = arith.muli %add3A_412, %mul3A_413 : i32
          %dma_start3A_415 = arith.constant 0 : i32
          %dma_start3A_416 = tpu.memref_slice %arg3[%dma_start3A_415, %mul3A_414] : memref<2x160000xi32, #tpu.memory_space<hbm>> -> memref<2x128xi32, #tpu.memory_space<hbm>>
          %dma_start3A_417 = arith.constant 0 : i32
          %dma_start3A_418 = tpu.memref_slice %arg3[%dma_start3A_417, %mul3A_414] : memref<2x160000xi32, #tpu.memory_space<hbm>> -> memref<2x128xi32, #tpu.memory_space<hbm>>
          tpu.enqueue_dma source(%dma_start3A_418 : memref<2x128xi32, #tpu.memory_space<hbm>>) target(%arg10 : memref<2x128xi32, #tpu.memory_space<vmem>>) target_semaphore(%arg19 : memref<!tpu.dma_semaphore, #tpu.memory_space<semaphore_mem>>)
        } else {
        }
        %add3A_204 = arith.constant 3 : i32
        %add3A_205 = arith.addi %add3A_193, %add3A_204 : i32
        %lt3A_206 = arith.cmpi slt, %add3A_205, %add3A_5 : i32
        %convert_element_type3A_207 = arith.extui %lt3A_206 : i1 to i32
        %cond3A_208 = arith.constant 0 : i32
        %cond3A_209 = arith.cmpi ne, %convert_element_type3A_207, %cond3A_208 : i32
        scf.if %cond3A_209 {
          %dma_wait3A_410 = arith.constant 0 : i32
          %dma_wait3A_411 = arith.constant 0 : i32
          %dma_wait3A_412 = tpu.memref_slice %arg3[%dma_wait3A_410, %dma_wait3A_411] : memref<2x160000xi32, #tpu.memory_space<hbm>> -> memref<2x128xi32, #tpu.memory_space<hbm>>
          %dma_wait3A_413 = arith.constant 0 : i32
          %dma_wait3A_414 = arith.constant 0 : i32
          %dma_wait3A_415 = tpu.memref_slice %arg3[%dma_wait3A_413, %dma_wait3A_414] : memref<2x160000xi32, #tpu.memory_space<hbm>> -> memref<2x128xi32, #tpu.memory_space<hbm>>
          tpu.wait_dma2 semaphore(%arg17 : memref<!tpu.dma_semaphore, #tpu.memory_space<semaphore_mem>>) src(%dma_wait3A_415 : memref<2x128xi32, #tpu.memory_space<hbm>>) dst(%arg8 : memref<2x128xi32, #tpu.memory_space<vmem>>)
          %dma_start3A_416 = arith.constant 0 : i32
          %dma_start3A_417 = arith.constant 0 : i32
          %dma_start3A_418 = tpu.memref_slice %arg8[%dma_start3A_416, %dma_start3A_417] : memref<2x128xi32, #tpu.memory_space<vmem>> -> memref<1x128xi32, #tpu.memory_space<vmem>>
          %dma_start3A_419 = tpu.memref_squeeze %dma_start3A_418 : memref<1x128xi32, #tpu.memory_space<vmem>> -> memref<128xi32, #tpu.memory_space<vmem>>
          %dma_start3A_420 = arith.constant 0 : i32
          %dma_start3A_421 = arith.constant 0 : i32
          %dma_start3A_422 = tpu.memref_slice %arg2[%dma_start3A_420, %dma_start3A_421] : memref<10000x128xf32, #tpu.memory_space<hbm>> -> memref<10000x128xf32, #tpu.memory_space<hbm>>
          tpu.enqueue_indirect_dma source(%dma_start3A_422 : memref<10000x128xf32, #tpu.memory_space<hbm>>) target(%arg12 : memref<128x128xf32, #tpu.memory_space<vmem>>) offsets(%dma_start3A_419 : memref<128xi32, #tpu.memory_space<vmem>>) semaphore(%arg21 : memref<!tpu.dma_semaphore, #tpu.memory_space<semaphore_mem>>)
        } else {
        }
        %mul3A_210 = arith.constant 15 : i32
        %mul3A_211 = arith.muli %mul3A_210, %scan3A_109 : i32
        %add3A_212 = arith.constant 5 : i32
        %add3A_213 = arith.addi %mul3A_211, %add3A_212 : i32
        %lt3A_214 = arith.cmpi slt, %add3A_213, %add3A_5 : i32
        %convert_element_type3A_215 = arith.extui %lt3A_214 : i1 to i32
        %cond3A_216 = arith.constant 0 : i32
        %cond3A_217 = arith.cmpi ne, %convert_element_type3A_215, %cond3A_216 : i32
        scf.if %cond3A_217 {
          %dma_wait3A_410 = arith.constant 0 : i32
          %dma_wait3A_411 = arith.constant 0 : i32
          %dma_wait3A_412 = tpu.memref_slice %arg6[%dma_wait3A_410, %dma_wait3A_411] : memref<2x128xi32, #tpu.memory_space<vmem>> -> memref<1x128xi32, #tpu.memory_space<vmem>>
          %dma_wait3A_413 = tpu.memref_squeeze %dma_wait3A_412 : memref<1x128xi32, #tpu.memory_space<vmem>> -> memref<128xi32, #tpu.memory_space<vmem>>
          %dma_wait3A_414 = arith.constant 0 : i32
          %dma_wait3A_415 = arith.constant 0 : i32
          %dma_wait3A_416 = tpu.memref_slice %arg2[%dma_wait3A_414, %dma_wait3A_415] : memref<10000x128xf32, #tpu.memory_space<hbm>> -> memref<10000x128xf32, #tpu.memory_space<hbm>>
          tpu.wait_indirect_dma semaphore(%arg22 : memref<!tpu.dma_semaphore, #tpu.memory_space<semaphore_mem>>) src(%dma_wait3A_416 : memref<10000x128xf32, #tpu.memory_space<hbm>>) dst(%arg13 : memref<128x128xf32, #tpu.memory_space<vmem>>)
          %run_scoped3A = arith.constant 1 : i32
          "tpu.region"() ({
            %run_scoped3A_417 = tpu.sem_alloc : memref<!tpu.dma_semaphore, #tpu.memory_space<semaphore_mem>>
            %dma_start3A_418 = arith.constant 0 : i32
            %dma_start3A_419 = tpu.memref_slice %arg6[%run_scoped3A, %dma_start3A_418] : memref<2x128xi32, #tpu.memory_space<vmem>> -> memref<1x128xi32, #tpu.memory_space<vmem>>
            %dma_start3A_420 = tpu.memref_squeeze %dma_start3A_419 : memref<1x128xi32, #tpu.memory_space<vmem>> -> memref<128xi32, #tpu.memory_space<vmem>>
            %dma_start3A_421 = arith.constant 0 : i32
            %dma_start3A_422 = arith.constant 0 : i32
            %dma_start3A_423 = tpu.memref_slice %arg14[%dma_start3A_421, %dma_start3A_422] : memref<10000x128xf32, #tpu.memory_space<vmem_shared>> -> memref<10000x128xf32, #tpu.memory_space<vmem_shared>>
            tpu.enqueue_indirect_dma source(%arg13 : memref<128x128xf32, #tpu.memory_space<vmem>>) target(%dma_start3A_423 : memref<10000x128xf32, #tpu.memory_space<vmem_shared>>) offsets(%dma_start3A_420 : memref<128xi32, #tpu.memory_space<vmem>>) semaphore(%run_scoped3A_417 : memref<!tpu.dma_semaphore, #tpu.memory_space<semaphore_mem>>) {add = true}
            %dma_wait3A_424 = arith.constant 0 : i32
            %dma_wait3A_425 = tpu.memref_slice %arg6[%run_scoped3A, %dma_wait3A_424] : memref<2x128xi32, #tpu.memory_space<vmem>> -> memref<1x128xi32, #tpu.memory_space<vmem>>
            %dma_wait3A_426 = tpu.memref_squeeze %dma_wait3A_425 : memref<1x128xi32, #tpu.memory_space<vmem>> -> memref<128xi32, #tpu.memory_space<vmem>>
            %dma_wait3A_427 = arith.constant 0 : i32
            %dma_wait3A_428 = arith.constant 0 : i32
            %dma_wait3A_429 = tpu.memref_slice %arg14[%dma_wait3A_427, %dma_wait3A_428] : memref<10000x128xf32, #tpu.memory_space<vmem_shared>> -> memref<10000x128xf32, #tpu.memory_space<vmem_shared>>
            tpu.wait_indirect_dma semaphore(%run_scoped3A_417 : memref<!tpu.dma_semaphore, #tpu.memory_space<semaphore_mem>>) src(%arg13 : memref<128x128xf32, #tpu.memory_space<vmem>>) dst(%dma_wait3A_429 : memref<10000x128xf32, #tpu.memory_space<vmem_shared>>)
            tpu.yield
          }) : () -> ()
        } else {
        }
        %add3A_218 = arith.constant 5 : i32
        %add3A_219 = arith.addi %add3A_213, %add3A_218 : i32
        %lt3A_220 = arith.cmpi slt, %add3A_219, %add3A_5 : i32
        %convert_element_type3A_221 = arith.extui %lt3A_220 : i1 to i32
        %cond3A_222 = arith.constant 0 : i32
        %cond3A_223 = arith.cmpi ne, %convert_element_type3A_221, %cond3A_222 : i32
        scf.if %cond3A_223 {
          %add3A_410 = arith.constant 5 : i32
          %add3A_411 = arith.addi %add3A_213, %add3A_410 : i32
          %add3A_412 = arith.addi %add3A, %add3A_411 : i32
          %mul3A_413 = arith.constant 128 : i32
          %mul3A_414 = arith.muli %add3A_412, %mul3A_413 : i32
          %dma_start3A_415 = arith.constant 0 : i32
          %dma_start3A_416 = tpu.memref_slice %arg3[%dma_start3A_415, %mul3A_414] : memref<2x160000xi32, #tpu.memory_space<hbm>> -> memref<2x128xi32, #tpu.memory_space<hbm>>
          %dma_start3A_417 = arith.constant 0 : i32
          %dma_start3A_418 = tpu.memref_slice %arg3[%dma_start3A_417, %mul3A_414] : memref<2x160000xi32, #tpu.memory_space<hbm>> -> memref<2x128xi32, #tpu.memory_space<hbm>>
          tpu.enqueue_dma source(%dma_start3A_418 : memref<2x128xi32, #tpu.memory_space<hbm>>) target(%arg6 : memref<2x128xi32, #tpu.memory_space<vmem>>) target_semaphore(%arg15 : memref<!tpu.dma_semaphore, #tpu.memory_space<semaphore_mem>>)
        } else {
        }
        %add3A_224 = arith.constant 3 : i32
        %add3A_225 = arith.addi %add3A_213, %add3A_224 : i32
        %lt3A_226 = arith.cmpi slt, %add3A_225, %add3A_5 : i32
        %convert_element_type3A_227 = arith.extui %lt3A_226 : i1 to i32
        %cond3A_228 = arith.constant 0 : i32
        %cond3A_229 = arith.cmpi ne, %convert_element_type3A_227, %cond3A_228 : i32
        scf.if %cond3A_229 {
          %dma_wait3A_410 = arith.constant 0 : i32
          %dma_wait3A_411 = arith.constant 0 : i32
          %dma_wait3A_412 = tpu.memref_slice %arg3[%dma_wait3A_410, %dma_wait3A_411] : memref<2x160000xi32, #tpu.memory_space<hbm>> -> memref<2x128xi32, #tpu.memory_space<hbm>>
          %dma_wait3A_413 = arith.constant 0 : i32
          %dma_wait3A_414 = arith.constant 0 : i32
          %dma_wait3A_415 = tpu.memref_slice %arg3[%dma_wait3A_413, %dma_wait3A_414] : memref<2x160000xi32, #tpu.memory_space<hbm>> -> memref<2x128xi32, #tpu.memory_space<hbm>>
          tpu.wait_dma2 semaphore(%arg18 : memref<!tpu.dma_semaphore, #tpu.memory_space<semaphore_mem>>) src(%dma_wait3A_415 : memref<2x128xi32, #tpu.memory_space<hbm>>) dst(%arg9 : memref<2x128xi32, #tpu.memory_space<vmem>>)
          %dma_start3A_416 = arith.constant 0 : i32
          %dma_start3A_417 = arith.constant 0 : i32
          %dma_start3A_418 = tpu.memref_slice %arg9[%dma_start3A_416, %dma_start3A_417] : memref<2x128xi32, #tpu.memory_space<vmem>> -> memref<1x128xi32, #tpu.memory_space<vmem>>
          %dma_start3A_419 = tpu.memref_squeeze %dma_start3A_418 : memref<1x128xi32, #tpu.memory_space<vmem>> -> memref<128xi32, #tpu.memory_space<vmem>>
          %dma_start3A_420 = arith.constant 0 : i32
          %dma_start3A_421 = arith.constant 0 : i32
          %dma_start3A_422 = tpu.memref_slice %arg2[%dma_start3A_420, %dma_start3A_421] : memref<10000x128xf32, #tpu.memory_space<hbm>> -> memref<10000x128xf32, #tpu.memory_space<hbm>>
          tpu.enqueue_indirect_dma source(%dma_start3A_422 : memref<10000x128xf32, #tpu.memory_space<hbm>>) target(%arg13 : memref<128x128xf32, #tpu.memory_space<vmem>>) offsets(%dma_start3A_419 : memref<128xi32, #tpu.memory_space<vmem>>) semaphore(%arg22 : memref<!tpu.dma_semaphore, #tpu.memory_space<semaphore_mem>>)
        } else {
        }
        %mul3A_230 = arith.constant 15 : i32
        %mul3A_231 = arith.muli %mul3A_230, %scan3A_109 : i32
        %add3A_232 = arith.constant 6 : i32
        %add3A_233 = arith.addi %mul3A_231, %add3A_232 : i32
        %lt3A_234 = arith.cmpi slt, %add3A_233, %add3A_5 : i32
        %convert_element_type3A_235 = arith.extui %lt3A_234 : i1 to i32
        %cond3A_236 = arith.constant 0 : i32
        %cond3A_237 = arith.cmpi ne, %convert_element_type3A_235, %cond3A_236 : i32
        scf.if %cond3A_237 {
          %dma_wait3A_410 = arith.constant 0 : i32
          %dma_wait3A_411 = arith.constant 0 : i32
          %dma_wait3A_412 = tpu.memref_slice %arg7[%dma_wait3A_410, %dma_wait3A_411] : memref<2x128xi32, #tpu.memory_space<vmem>> -> memref<1x128xi32, #tpu.memory_space<vmem>>
          %dma_wait3A_413 = tpu.memref_squeeze %dma_wait3A_412 : memref<1x128xi32, #tpu.memory_space<vmem>> -> memref<128xi32, #tpu.memory_space<vmem>>
          %dma_wait3A_414 = arith.constant 0 : i32
          %dma_wait3A_415 = arith.constant 0 : i32
          %dma_wait3A_416 = tpu.memref_slice %arg2[%dma_wait3A_414, %dma_wait3A_415] : memref<10000x128xf32, #tpu.memory_space<hbm>> -> memref<10000x128xf32, #tpu.memory_space<hbm>>
          tpu.wait_indirect_dma semaphore(%arg20 : memref<!tpu.dma_semaphore, #tpu.memory_space<semaphore_mem>>) src(%dma_wait3A_416 : memref<10000x128xf32, #tpu.memory_space<hbm>>) dst(%arg11 : memref<128x128xf32, #tpu.memory_space<vmem>>)
          %run_scoped3A = arith.constant 1 : i32
          "tpu.region"() ({
            %run_scoped3A_417 = tpu.sem_alloc : memref<!tpu.dma_semaphore, #tpu.memory_space<semaphore_mem>>
            %dma_start3A_418 = arith.constant 0 : i32
            %dma_start3A_419 = tpu.memref_slice %arg7[%run_scoped3A, %dma_start3A_418] : memref<2x128xi32, #tpu.memory_space<vmem>> -> memref<1x128xi32, #tpu.memory_space<vmem>>
            %dma_start3A_420 = tpu.memref_squeeze %dma_start3A_419 : memref<1x128xi32, #tpu.memory_space<vmem>> -> memref<128xi32, #tpu.memory_space<vmem>>
            %dma_start3A_421 = arith.constant 0 : i32
            %dma_start3A_422 = arith.constant 0 : i32
            %dma_start3A_423 = tpu.memref_slice %arg14[%dma_start3A_421, %dma_start3A_422] : memref<10000x128xf32, #tpu.memory_space<vmem_shared>> -> memref<10000x128xf32, #tpu.memory_space<vmem_shared>>
            tpu.enqueue_indirect_dma source(%arg11 : memref<128x128xf32, #tpu.memory_space<vmem>>) target(%dma_start3A_423 : memref<10000x128xf32, #tpu.memory_space<vmem_shared>>) offsets(%dma_start3A_420 : memref<128xi32, #tpu.memory_space<vmem>>) semaphore(%run_scoped3A_417 : memref<!tpu.dma_semaphore, #tpu.memory_space<semaphore_mem>>) {add = true}
            %dma_wait3A_424 = arith.constant 0 : i32
            %dma_wait3A_425 = tpu.memref_slice %arg7[%run_scoped3A, %dma_wait3A_424] : memref<2x128xi32, #tpu.memory_space<vmem>> -> memref<1x128xi32, #tpu.memory_space<vmem>>
            %dma_wait3A_426 = tpu.memref_squeeze %dma_wait3A_425 : memref<1x128xi32, #tpu.memory_space<vmem>> -> memref<128xi32, #tpu.memory_space<vmem>>
            %dma_wait3A_427 = arith.constant 0 : i32
            %dma_wait3A_428 = arith.constant 0 : i32
            %dma_wait3A_429 = tpu.memref_slice %arg14[%dma_wait3A_427, %dma_wait3A_428] : memref<10000x128xf32, #tpu.memory_space<vmem_shared>> -> memref<10000x128xf32, #tpu.memory_space<vmem_shared>>
            tpu.wait_indirect_dma semaphore(%run_scoped3A_417 : memref<!tpu.dma_semaphore, #tpu.memory_space<semaphore_mem>>) src(%arg11 : memref<128x128xf32, #tpu.memory_space<vmem>>) dst(%dma_wait3A_429 : memref<10000x128xf32, #tpu.memory_space<vmem_shared>>)
            tpu.yield
          }) : () -> ()
        } else {
        }
        %add3A_238 = arith.constant 5 : i32
        %add3A_239 = arith.addi %add3A_233, %add3A_238 : i32
        %lt3A_240 = arith.cmpi slt, %add3A_239, %add3A_5 : i32
        %convert_element_type3A_241 = arith.extui %lt3A_240 : i1 to i32
        %cond3A_242 = arith.constant 0 : i32
        %cond3A_243 = arith.cmpi ne, %convert_element_type3A_241, %cond3A_242 : i32
        scf.if %cond3A_243 {
          %add3A_410 = arith.constant 5 : i32
          %add3A_411 = arith.addi %add3A_233, %add3A_410 : i32
          %add3A_412 = arith.addi %add3A, %add3A_411 : i32
          %mul3A_413 = arith.constant 128 : i32
          %mul3A_414 = arith.muli %add3A_412, %mul3A_413 : i32
          %dma_start3A_415 = arith.constant 0 : i32
          %dma_start3A_416 = tpu.memref_slice %arg3[%dma_start3A_415, %mul3A_414] : memref<2x160000xi32, #tpu.memory_space<hbm>> -> memref<2x128xi32, #tpu.memory_space<hbm>>
          %dma_start3A_417 = arith.constant 0 : i32
          %dma_start3A_418 = tpu.memref_slice %arg3[%dma_start3A_417, %mul3A_414] : memref<2x160000xi32, #tpu.memory_space<hbm>> -> memref<2x128xi32, #tpu.memory_space<hbm>>
          tpu.enqueue_dma source(%dma_start3A_418 : memref<2x128xi32, #tpu.memory_space<hbm>>) target(%arg7 : memref<2x128xi32, #tpu.memory_space<vmem>>) target_semaphore(%arg16 : memref<!tpu.dma_semaphore, #tpu.memory_space<semaphore_mem>>)
        } else {
        }
        %add3A_244 = arith.constant 3 : i32
        %add3A_245 = arith.addi %add3A_233, %add3A_244 : i32
        %lt3A_246 = arith.cmpi slt, %add3A_245, %add3A_5 : i32
        %convert_element_type3A_247 = arith.extui %lt3A_246 : i1 to i32
        %cond3A_248 = arith.constant 0 : i32
        %cond3A_249 = arith.cmpi ne, %convert_element_type3A_247, %cond3A_248 : i32
        scf.if %cond3A_249 {
          %dma_wait3A_410 = arith.constant 0 : i32
          %dma_wait3A_411 = arith.constant 0 : i32
          %dma_wait3A_412 = tpu.memref_slice %arg3[%dma_wait3A_410, %dma_wait3A_411] : memref<2x160000xi32, #tpu.memory_space<hbm>> -> memref<2x128xi32, #tpu.memory_space<hbm>>
          %dma_wait3A_413 = arith.constant 0 : i32
          %dma_wait3A_414 = arith.constant 0 : i32
          %dma_wait3A_415 = tpu.memref_slice %arg3[%dma_wait3A_413, %dma_wait3A_414] : memref<2x160000xi32, #tpu.memory_space<hbm>> -> memref<2x128xi32, #tpu.memory_space<hbm>>
          tpu.wait_dma2 semaphore(%arg19 : memref<!tpu.dma_semaphore, #tpu.memory_space<semaphore_mem>>) src(%dma_wait3A_415 : memref<2x128xi32, #tpu.memory_space<hbm>>) dst(%arg10 : memref<2x128xi32, #tpu.memory_space<vmem>>)
          %dma_start3A_416 = arith.constant 0 : i32
          %dma_start3A_417 = arith.constant 0 : i32
          %dma_start3A_418 = tpu.memref_slice %arg10[%dma_start3A_416, %dma_start3A_417] : memref<2x128xi32, #tpu.memory_space<vmem>> -> memref<1x128xi32, #tpu.memory_space<vmem>>
          %dma_start3A_419 = tpu.memref_squeeze %dma_start3A_418 : memref<1x128xi32, #tpu.memory_space<vmem>> -> memref<128xi32, #tpu.memory_space<vmem>>
          %dma_start3A_420 = arith.constant 0 : i32
          %dma_start3A_421 = arith.constant 0 : i32
          %dma_start3A_422 = tpu.memref_slice %arg2[%dma_start3A_420, %dma_start3A_421] : memref<10000x128xf32, #tpu.memory_space<hbm>> -> memref<10000x128xf32, #tpu.memory_space<hbm>>
          tpu.enqueue_indirect_dma source(%dma_start3A_422 : memref<10000x128xf32, #tpu.memory_space<hbm>>) target(%arg11 : memref<128x128xf32, #tpu.memory_space<vmem>>) offsets(%dma_start3A_419 : memref<128xi32, #tpu.memory_space<vmem>>) semaphore(%arg20 : memref<!tpu.dma_semaphore, #tpu.memory_space<semaphore_mem>>)
        } else {
        }
        %mul3A_250 = arith.constant 15 : i32
        %mul3A_251 = arith.muli %mul3A_250, %scan3A_109 : i32
        %add3A_252 = arith.constant 7 : i32
        %add3A_253 = arith.addi %mul3A_251, %add3A_252 : i32
        %lt3A_254 = arith.cmpi slt, %add3A_253, %add3A_5 : i32
        %convert_element_type3A_255 = arith.extui %lt3A_254 : i1 to i32
        %cond3A_256 = arith.constant 0 : i32
        %cond3A_257 = arith.cmpi ne, %convert_element_type3A_255, %cond3A_256 : i32
        scf.if %cond3A_257 {
          %dma_wait3A_410 = arith.constant 0 : i32
          %dma_wait3A_411 = arith.constant 0 : i32
          %dma_wait3A_412 = tpu.memref_slice %arg8[%dma_wait3A_410, %dma_wait3A_411] : memref<2x128xi32, #tpu.memory_space<vmem>> -> memref<1x128xi32, #tpu.memory_space<vmem>>
          %dma_wait3A_413 = tpu.memref_squeeze %dma_wait3A_412 : memref<1x128xi32, #tpu.memory_space<vmem>> -> memref<128xi32, #tpu.memory_space<vmem>>
          %dma_wait3A_414 = arith.constant 0 : i32
          %dma_wait3A_415 = arith.constant 0 : i32
          %dma_wait3A_416 = tpu.memref_slice %arg2[%dma_wait3A_414, %dma_wait3A_415] : memref<10000x128xf32, #tpu.memory_space<hbm>> -> memref<10000x128xf32, #tpu.memory_space<hbm>>
          tpu.wait_indirect_dma semaphore(%arg21 : memref<!tpu.dma_semaphore, #tpu.memory_space<semaphore_mem>>) src(%dma_wait3A_416 : memref<10000x128xf32, #tpu.memory_space<hbm>>) dst(%arg12 : memref<128x128xf32, #tpu.memory_space<vmem>>)
          %run_scoped3A = arith.constant 1 : i32
          "tpu.region"() ({
            %run_scoped3A_417 = tpu.sem_alloc : memref<!tpu.dma_semaphore, #tpu.memory_space<semaphore_mem>>
            %dma_start3A_418 = arith.constant 0 : i32
            %dma_start3A_419 = tpu.memref_slice %arg8[%run_scoped3A, %dma_start3A_418] : memref<2x128xi32, #tpu.memory_space<vmem>> -> memref<1x128xi32, #tpu.memory_space<vmem>>
            %dma_start3A_420 = tpu.memref_squeeze %dma_start3A_419 : memref<1x128xi32, #tpu.memory_space<vmem>> -> memref<128xi32, #tpu.memory_space<vmem>>
            %dma_start3A_421 = arith.constant 0 : i32
            %dma_start3A_422 = arith.constant 0 : i32
            %dma_start3A_423 = tpu.memref_slice %arg14[%dma_start3A_421, %dma_start3A_422] : memref<10000x128xf32, #tpu.memory_space<vmem_shared>> -> memref<10000x128xf32, #tpu.memory_space<vmem_shared>>
            tpu.enqueue_indirect_dma source(%arg12 : memref<128x128xf32, #tpu.memory_space<vmem>>) target(%dma_start3A_423 : memref<10000x128xf32, #tpu.memory_space<vmem_shared>>) offsets(%dma_start3A_420 : memref<128xi32, #tpu.memory_space<vmem>>) semaphore(%run_scoped3A_417 : memref<!tpu.dma_semaphore, #tpu.memory_space<semaphore_mem>>) {add = true}
            %dma_wait3A_424 = arith.constant 0 : i32
            %dma_wait3A_425 = tpu.memref_slice %arg8[%run_scoped3A, %dma_wait3A_424] : memref<2x128xi32, #tpu.memory_space<vmem>> -> memref<1x128xi32, #tpu.memory_space<vmem>>
            %dma_wait3A_426 = tpu.memref_squeeze %dma_wait3A_425 : memref<1x128xi32, #tpu.memory_space<vmem>> -> memref<128xi32, #tpu.memory_space<vmem>>
            %dma_wait3A_427 = arith.constant 0 : i32
            %dma_wait3A_428 = arith.constant 0 : i32
            %dma_wait3A_429 = tpu.memref_slice %arg14[%dma_wait3A_427, %dma_wait3A_428] : memref<10000x128xf32, #tpu.memory_space<vmem_shared>> -> memref<10000x128xf32, #tpu.memory_space<vmem_shared>>
            tpu.wait_indirect_dma semaphore(%run_scoped3A_417 : memref<!tpu.dma_semaphore, #tpu.memory_space<semaphore_mem>>) src(%arg12 : memref<128x128xf32, #tpu.memory_space<vmem>>) dst(%dma_wait3A_429 : memref<10000x128xf32, #tpu.memory_space<vmem_shared>>)
            tpu.yield
          }) : () -> ()
        } else {
        }
        %add3A_258 = arith.constant 5 : i32
        %add3A_259 = arith.addi %add3A_253, %add3A_258 : i32
        %lt3A_260 = arith.cmpi slt, %add3A_259, %add3A_5 : i32
        %convert_element_type3A_261 = arith.extui %lt3A_260 : i1 to i32
        %cond3A_262 = arith.constant 0 : i32
        %cond3A_263 = arith.cmpi ne, %convert_element_type3A_261, %cond3A_262 : i32
        scf.if %cond3A_263 {
          %add3A_410 = arith.constant 5 : i32
          %add3A_411 = arith.addi %add3A_253, %add3A_410 : i32
          %add3A_412 = arith.addi %add3A, %add3A_411 : i32
          %mul3A_413 = arith.constant 128 : i32
          %mul3A_414 = arith.muli %add3A_412, %mul3A_413 : i32
          %dma_start3A_415 = arith.constant 0 : i32
          %dma_start3A_416 = tpu.memref_slice %arg3[%dma_start3A_415, %mul3A_414] : memref<2x160000xi32, #tpu.memory_space<hbm>> -> memref<2x128xi32, #tpu.memory_space<hbm>>
          %dma_start3A_417 = arith.constant 0 : i32
          %dma_start3A_418 = tpu.memref_slice %arg3[%dma_start3A_417, %mul3A_414] : memref<2x160000xi32, #tpu.memory_space<hbm>> -> memref<2x128xi32, #tpu.memory_space<hbm>>
          tpu.enqueue_dma source(%dma_start3A_418 : memref<2x128xi32, #tpu.memory_space<hbm>>) target(%arg8 : memref<2x128xi32, #tpu.memory_space<vmem>>) target_semaphore(%arg17 : memref<!tpu.dma_semaphore, #tpu.memory_space<semaphore_mem>>)
        } else {
        }
        %add3A_264 = arith.constant 3 : i32
        %add3A_265 = arith.addi %add3A_253, %add3A_264 : i32
        %lt3A_266 = arith.cmpi slt, %add3A_265, %add3A_5 : i32
        %convert_element_type3A_267 = arith.extui %lt3A_266 : i1 to i32
        %cond3A_268 = arith.constant 0 : i32
        %cond3A_269 = arith.cmpi ne, %convert_element_type3A_267, %cond3A_268 : i32
        scf.if %cond3A_269 {
          %dma_wait3A_410 = arith.constant 0 : i32
          %dma_wait3A_411 = arith.constant 0 : i32
          %dma_wait3A_412 = tpu.memref_slice %arg3[%dma_wait3A_410, %dma_wait3A_411] : memref<2x160000xi32, #tpu.memory_space<hbm>> -> memref<2x128xi32, #tpu.memory_space<hbm>>
          %dma_wait3A_413 = arith.constant 0 : i32
          %dma_wait3A_414 = arith.constant 0 : i32
          %dma_wait3A_415 = tpu.memref_slice %arg3[%dma_wait3A_413, %dma_wait3A_414] : memref<2x160000xi32, #tpu.memory_space<hbm>> -> memref<2x128xi32, #tpu.memory_space<hbm>>
          tpu.wait_dma2 semaphore(%arg15 : memref<!tpu.dma_semaphore, #tpu.memory_space<semaphore_mem>>) src(%dma_wait3A_415 : memref<2x128xi32, #tpu.memory_space<hbm>>) dst(%arg6 : memref<2x128xi32, #tpu.memory_space<vmem>>)
          %dma_start3A_416 = arith.constant 0 : i32
          %dma_start3A_417 = arith.constant 0 : i32
          %dma_start3A_418 = tpu.memref_slice %arg6[%dma_start3A_416, %dma_start3A_417] : memref<2x128xi32, #tpu.memory_space<vmem>> -> memref<1x128xi32, #tpu.memory_space<vmem>>
          %dma_start3A_419 = tpu.memref_squeeze %dma_start3A_418 : memref<1x128xi32, #tpu.memory_space<vmem>> -> memref<128xi32, #tpu.memory_space<vmem>>
          %dma_start3A_420 = arith.constant 0 : i32
          %dma_start3A_421 = arith.constant 0 : i32
          %dma_start3A_422 = tpu.memref_slice %arg2[%dma_start3A_420, %dma_start3A_421] : memref<10000x128xf32, #tpu.memory_space<hbm>> -> memref<10000x128xf32, #tpu.memory_space<hbm>>
          tpu.enqueue_indirect_dma source(%dma_start3A_422 : memref<10000x128xf32, #tpu.memory_space<hbm>>) target(%arg12 : memref<128x128xf32, #tpu.memory_space<vmem>>) offsets(%dma_start3A_419 : memref<128xi32, #tpu.memory_space<vmem>>) semaphore(%arg21 : memref<!tpu.dma_semaphore, #tpu.memory_space<semaphore_mem>>)
        } else {
        }
        %mul3A_270 = arith.constant 15 : i32
        %mul3A_271 = arith.muli %mul3A_270, %scan3A_109 : i32
        %add3A_272 = arith.constant 8 : i32
        %add3A_273 = arith.addi %mul3A_271, %add3A_272 : i32
        %lt3A_274 = arith.cmpi slt, %add3A_273, %add3A_5 : i32
        %convert_element_type3A_275 = arith.extui %lt3A_274 : i1 to i32
        %cond3A_276 = arith.constant 0 : i32
        %cond3A_277 = arith.cmpi ne, %convert_element_type3A_275, %cond3A_276 : i32
        scf.if %cond3A_277 {
          %dma_wait3A_410 = arith.constant 0 : i32
          %dma_wait3A_411 = arith.constant 0 : i32
          %dma_wait3A_412 = tpu.memref_slice %arg9[%dma_wait3A_410, %dma_wait3A_411] : memref<2x128xi32, #tpu.memory_space<vmem>> -> memref<1x128xi32, #tpu.memory_space<vmem>>
          %dma_wait3A_413 = tpu.memref_squeeze %dma_wait3A_412 : memref<1x128xi32, #tpu.memory_space<vmem>> -> memref<128xi32, #tpu.memory_space<vmem>>
          %dma_wait3A_414 = arith.constant 0 : i32
          %dma_wait3A_415 = arith.constant 0 : i32
          %dma_wait3A_416 = tpu.memref_slice %arg2[%dma_wait3A_414, %dma_wait3A_415] : memref<10000x128xf32, #tpu.memory_space<hbm>> -> memref<10000x128xf32, #tpu.memory_space<hbm>>
          tpu.wait_indirect_dma semaphore(%arg22 : memref<!tpu.dma_semaphore, #tpu.memory_space<semaphore_mem>>) src(%dma_wait3A_416 : memref<10000x128xf32, #tpu.memory_space<hbm>>) dst(%arg13 : memref<128x128xf32, #tpu.memory_space<vmem>>)
          %run_scoped3A = arith.constant 1 : i32
          "tpu.region"() ({
            %run_scoped3A_417 = tpu.sem_alloc : memref<!tpu.dma_semaphore, #tpu.memory_space<semaphore_mem>>
            %dma_start3A_418 = arith.constant 0 : i32
            %dma_start3A_419 = tpu.memref_slice %arg9[%run_scoped3A, %dma_start3A_418] : memref<2x128xi32, #tpu.memory_space<vmem>> -> memref<1x128xi32, #tpu.memory_space<vmem>>
            %dma_start3A_420 = tpu.memref_squeeze %dma_start3A_419 : memref<1x128xi32, #tpu.memory_space<vmem>> -> memref<128xi32, #tpu.memory_space<vmem>>
            %dma_start3A_421 = arith.constant 0 : i32
            %dma_start3A_422 = arith.constant 0 : i32
            %dma_start3A_423 = tpu.memref_slice %arg14[%dma_start3A_421, %dma_start3A_422] : memref<10000x128xf32, #tpu.memory_space<vmem_shared>> -> memref<10000x128xf32, #tpu.memory_space<vmem_shared>>
            tpu.enqueue_indirect_dma source(%arg13 : memref<128x128xf32, #tpu.memory_space<vmem>>) target(%dma_start3A_423 : memref<10000x128xf32, #tpu.memory_space<vmem_shared>>) offsets(%dma_start3A_420 : memref<128xi32, #tpu.memory_space<vmem>>) semaphore(%run_scoped3A_417 : memref<!tpu.dma_semaphore, #tpu.memory_space<semaphore_mem>>) {add = true}
            %dma_wait3A_424 = arith.constant 0 : i32
            %dma_wait3A_425 = tpu.memref_slice %arg9[%run_scoped3A, %dma_wait3A_424] : memref<2x128xi32, #tpu.memory_space<vmem>> -> memref<1x128xi32, #tpu.memory_space<vmem>>
            %dma_wait3A_426 = tpu.memref_squeeze %dma_wait3A_425 : memref<1x128xi32, #tpu.memory_space<vmem>> -> memref<128xi32, #tpu.memory_space<vmem>>
            %dma_wait3A_427 = arith.constant 0 : i32
            %dma_wait3A_428 = arith.constant 0 : i32
            %dma_wait3A_429 = tpu.memref_slice %arg14[%dma_wait3A_427, %dma_wait3A_428] : memref<10000x128xf32, #tpu.memory_space<vmem_shared>> -> memref<10000x128xf32, #tpu.memory_space<vmem_shared>>
            tpu.wait_indirect_dma semaphore(%run_scoped3A_417 : memref<!tpu.dma_semaphore, #tpu.memory_space<semaphore_mem>>) src(%arg13 : memref<128x128xf32, #tpu.memory_space<vmem>>) dst(%dma_wait3A_429 : memref<10000x128xf32, #tpu.memory_space<vmem_shared>>)
            tpu.yield
          }) : () -> ()
        } else {
        }
        %add3A_278 = arith.constant 5 : i32
        %add3A_279 = arith.addi %add3A_273, %add3A_278 : i32
        %lt3A_280 = arith.cmpi slt, %add3A_279, %add3A_5 : i32
        %convert_element_type3A_281 = arith.extui %lt3A_280 : i1 to i32
        %cond3A_282 = arith.constant 0 : i32
        %cond3A_283 = arith.cmpi ne, %convert_element_type3A_281, %cond3A_282 : i32
        scf.if %cond3A_283 {
          %add3A_410 = arith.constant 5 : i32
          %add3A_411 = arith.addi %add3A_273, %add3A_410 : i32
          %add3A_412 = arith.addi %add3A, %add3A_411 : i32
          %mul3A_413 = arith.constant 128 : i32
          %mul3A_414 = arith.muli %add3A_412, %mul3A_413 : i32
          %dma_start3A_415 = arith.constant 0 : i32
          %dma_start3A_416 = tpu.memref_slice %arg3[%dma_start3A_415, %mul3A_414] : memref<2x160000xi32, #tpu.memory_space<hbm>> -> memref<2x128xi32, #tpu.memory_space<hbm>>
          %dma_start3A_417 = arith.constant 0 : i32
          %dma_start3A_418 = tpu.memref_slice %arg3[%dma_start3A_417, %mul3A_414] : memref<2x160000xi32, #tpu.memory_space<hbm>> -> memref<2x128xi32, #tpu.memory_space<hbm>>
          tpu.enqueue_dma source(%dma_start3A_418 : memref<2x128xi32, #tpu.memory_space<hbm>>) target(%arg9 : memref<2x128xi32, #tpu.memory_space<vmem>>) target_semaphore(%arg18 : memref<!tpu.dma_semaphore, #tpu.memory_space<semaphore_mem>>)
        } else {
        }
        %add3A_284 = arith.constant 3 : i32
        %add3A_285 = arith.addi %add3A_273, %add3A_284 : i32
        %lt3A_286 = arith.cmpi slt, %add3A_285, %add3A_5 : i32
        %convert_element_type3A_287 = arith.extui %lt3A_286 : i1 to i32
        %cond3A_288 = arith.constant 0 : i32
        %cond3A_289 = arith.cmpi ne, %convert_element_type3A_287, %cond3A_288 : i32
        scf.if %cond3A_289 {
          %dma_wait3A_410 = arith.constant 0 : i32
          %dma_wait3A_411 = arith.constant 0 : i32
          %dma_wait3A_412 = tpu.memref_slice %arg3[%dma_wait3A_410, %dma_wait3A_411] : memref<2x160000xi32, #tpu.memory_space<hbm>> -> memref<2x128xi32, #tpu.memory_space<hbm>>
          %dma_wait3A_413 = arith.constant 0 : i32
          %dma_wait3A_414 = arith.constant 0 : i32
          %dma_wait3A_415 = tpu.memref_slice %arg3[%dma_wait3A_413, %dma_wait3A_414] : memref<2x160000xi32, #tpu.memory_space<hbm>> -> memref<2x128xi32, #tpu.memory_space<hbm>>
          tpu.wait_dma2 semaphore(%arg16 : memref<!tpu.dma_semaphore, #tpu.memory_space<semaphore_mem>>) src(%dma_wait3A_415 : memref<2x128xi32, #tpu.memory_space<hbm>>) dst(%arg7 : memref<2x128xi32, #tpu.memory_space<vmem>>)
          %dma_start3A_416 = arith.constant 0 : i32
          %dma_start3A_417 = arith.constant 0 : i32
          %dma_start3A_418 = tpu.memref_slice %arg7[%dma_start3A_416, %dma_start3A_417] : memref<2x128xi32, #tpu.memory_space<vmem>> -> memref<1x128xi32, #tpu.memory_space<vmem>>
          %dma_start3A_419 = tpu.memref_squeeze %dma_start3A_418 : memref<1x128xi32, #tpu.memory_space<vmem>> -> memref<128xi32, #tpu.memory_space<vmem>>
          %dma_start3A_420 = arith.constant 0 : i32
          %dma_start3A_421 = arith.constant 0 : i32
          %dma_start3A_422 = tpu.memref_slice %arg2[%dma_start3A_420, %dma_start3A_421] : memref<10000x128xf32, #tpu.memory_space<hbm>> -> memref<10000x128xf32, #tpu.memory_space<hbm>>
          tpu.enqueue_indirect_dma source(%dma_start3A_422 : memref<10000x128xf32, #tpu.memory_space<hbm>>) target(%arg13 : memref<128x128xf32, #tpu.memory_space<vmem>>) offsets(%dma_start3A_419 : memref<128xi32, #tpu.memory_space<vmem>>) semaphore(%arg22 : memref<!tpu.dma_semaphore, #tpu.memory_space<semaphore_mem>>)
        } else {
        }
        %mul3A_290 = arith.constant 15 : i32
        %mul3A_291 = arith.muli %mul3A_290, %scan3A_109 : i32
        %add3A_292 = arith.constant 9 : i32
        %add3A_293 = arith.addi %mul3A_291, %add3A_292 : i32
        %lt3A_294 = arith.cmpi slt, %add3A_293, %add3A_5 : i32
        %convert_element_type3A_295 = arith.extui %lt3A_294 : i1 to i32
        %cond3A_296 = arith.constant 0 : i32
        %cond3A_297 = arith.cmpi ne, %convert_element_type3A_295, %cond3A_296 : i32
        scf.if %cond3A_297 {
          %dma_wait3A_410 = arith.constant 0 : i32
          %dma_wait3A_411 = arith.constant 0 : i32
          %dma_wait3A_412 = tpu.memref_slice %arg10[%dma_wait3A_410, %dma_wait3A_411] : memref<2x128xi32, #tpu.memory_space<vmem>> -> memref<1x128xi32, #tpu.memory_space<vmem>>
          %dma_wait3A_413 = tpu.memref_squeeze %dma_wait3A_412 : memref<1x128xi32, #tpu.memory_space<vmem>> -> memref<128xi32, #tpu.memory_space<vmem>>
          %dma_wait3A_414 = arith.constant 0 : i32
          %dma_wait3A_415 = arith.constant 0 : i32
          %dma_wait3A_416 = tpu.memref_slice %arg2[%dma_wait3A_414, %dma_wait3A_415] : memref<10000x128xf32, #tpu.memory_space<hbm>> -> memref<10000x128xf32, #tpu.memory_space<hbm>>
          tpu.wait_indirect_dma semaphore(%arg20 : memref<!tpu.dma_semaphore, #tpu.memory_space<semaphore_mem>>) src(%dma_wait3A_416 : memref<10000x128xf32, #tpu.memory_space<hbm>>) dst(%arg11 : memref<128x128xf32, #tpu.memory_space<vmem>>)
          %run_scoped3A = arith.constant 1 : i32
          "tpu.region"() ({
            %run_scoped3A_417 = tpu.sem_alloc : memref<!tpu.dma_semaphore, #tpu.memory_space<semaphore_mem>>
            %dma_start3A_418 = arith.constant 0 : i32
            %dma_start3A_419 = tpu.memref_slice %arg10[%run_scoped3A, %dma_start3A_418] : memref<2x128xi32, #tpu.memory_space<vmem>> -> memref<1x128xi32, #tpu.memory_space<vmem>>
            %dma_start3A_420 = tpu.memref_squeeze %dma_start3A_419 : memref<1x128xi32, #tpu.memory_space<vmem>> -> memref<128xi32, #tpu.memory_space<vmem>>
            %dma_start3A_421 = arith.constant 0 : i32
            %dma_start3A_422 = arith.constant 0 : i32
            %dma_start3A_423 = tpu.memref_slice %arg14[%dma_start3A_421, %dma_start3A_422] : memref<10000x128xf32, #tpu.memory_space<vmem_shared>> -> memref<10000x128xf32, #tpu.memory_space<vmem_shared>>
            tpu.enqueue_indirect_dma source(%arg11 : memref<128x128xf32, #tpu.memory_space<vmem>>) target(%dma_start3A_423 : memref<10000x128xf32, #tpu.memory_space<vmem_shared>>) offsets(%dma_start3A_420 : memref<128xi32, #tpu.memory_space<vmem>>) semaphore(%run_scoped3A_417 : memref<!tpu.dma_semaphore, #tpu.memory_space<semaphore_mem>>) {add = true}
            %dma_wait3A_424 = arith.constant 0 : i32
            %dma_wait3A_425 = tpu.memref_slice %arg10[%run_scoped3A, %dma_wait3A_424] : memref<2x128xi32, #tpu.memory_space<vmem>> -> memref<1x128xi32, #tpu.memory_space<vmem>>
            %dma_wait3A_426 = tpu.memref_squeeze %dma_wait3A_425 : memref<1x128xi32, #tpu.memory_space<vmem>> -> memref<128xi32, #tpu.memory_space<vmem>>
            %dma_wait3A_427 = arith.constant 0 : i32
            %dma_wait3A_428 = arith.constant 0 : i32
            %dma_wait3A_429 = tpu.memref_slice %arg14[%dma_wait3A_427, %dma_wait3A_428] : memref<10000x128xf32, #tpu.memory_space<vmem_shared>> -> memref<10000x128xf32, #tpu.memory_space<vmem_shared>>
            tpu.wait_indirect_dma semaphore(%run_scoped3A_417 : memref<!tpu.dma_semaphore, #tpu.memory_space<semaphore_mem>>) src(%arg11 : memref<128x128xf32, #tpu.memory_space<vmem>>) dst(%dma_wait3A_429 : memref<10000x128xf32, #tpu.memory_space<vmem_shared>>)
            tpu.yield
          }) : () -> ()
        } else {
        }
        %add3A_298 = arith.constant 5 : i32
        %add3A_299 = arith.addi %add3A_293, %add3A_298 : i32
        %lt3A_300 = arith.cmpi slt, %add3A_299, %add3A_5 : i32
        %convert_element_type3A_301 = arith.extui %lt3A_300 : i1 to i32
        %cond3A_302 = arith.constant 0 : i32
        %cond3A_303 = arith.cmpi ne, %convert_element_type3A_301, %cond3A_302 : i32
        scf.if %cond3A_303 {
          %add3A_410 = arith.constant 5 : i32
          %add3A_411 = arith.addi %add3A_293, %add3A_410 : i32
          %add3A_412 = arith.addi %add3A, %add3A_411 : i32
          %mul3A_413 = arith.constant 128 : i32
          %mul3A_414 = arith.muli %add3A_412, %mul3A_413 : i32
          %dma_start3A_415 = arith.constant 0 : i32
          %dma_start3A_416 = tpu.memref_slice %arg3[%dma_start3A_415, %mul3A_414] : memref<2x160000xi32, #tpu.memory_space<hbm>> -> memref<2x128xi32, #tpu.memory_space<hbm>>
          %dma_start3A_417 = arith.constant 0 : i32
          %dma_start3A_418 = tpu.memref_slice %arg3[%dma_start3A_417, %mul3A_414] : memref<2x160000xi32, #tpu.memory_space<hbm>> -> memref<2x128xi32, #tpu.memory_space<hbm>>
          tpu.enqueue_dma source(%dma_start3A_418 : memref<2x128xi32, #tpu.memory_space<hbm>>) target(%arg10 : memref<2x128xi32, #tpu.memory_space<vmem>>) target_semaphore(%arg19 : memref<!tpu.dma_semaphore, #tpu.memory_space<semaphore_mem>>)
        } else {
        }
        %add3A_304 = arith.constant 3 : i32
        %add3A_305 = arith.addi %add3A_293, %add3A_304 : i32
        %lt3A_306 = arith.cmpi slt, %add3A_305, %add3A_5 : i32
        %convert_element_type3A_307 = arith.extui %lt3A_306 : i1 to i32
        %cond3A_308 = arith.constant 0 : i32
        %cond3A_309 = arith.cmpi ne, %convert_element_type3A_307, %cond3A_308 : i32
        scf.if %cond3A_309 {
          %dma_wait3A_410 = arith.constant 0 : i32
          %dma_wait3A_411 = arith.constant 0 : i32
          %dma_wait3A_412 = tpu.memref_slice %arg3[%dma_wait3A_410, %dma_wait3A_411] : memref<2x160000xi32, #tpu.memory_space<hbm>> -> memref<2x128xi32, #tpu.memory_space<hbm>>
          %dma_wait3A_413 = arith.constant 0 : i32
          %dma_wait3A_414 = arith.constant 0 : i32
          %dma_wait3A_415 = tpu.memref_slice %arg3[%dma_wait3A_413, %dma_wait3A_414] : memref<2x160000xi32, #tpu.memory_space<hbm>> -> memref<2x128xi32, #tpu.memory_space<hbm>>
          tpu.wait_dma2 semaphore(%arg17 : memref<!tpu.dma_semaphore, #tpu.memory_space<semaphore_mem>>) src(%dma_wait3A_415 : memref<2x128xi32, #tpu.memory_space<hbm>>) dst(%arg8 : memref<2x128xi32, #tpu.memory_space<vmem>>)
          %dma_start3A_416 = arith.constant 0 : i32
          %dma_start3A_417 = arith.constant 0 : i32
          %dma_start3A_418 = tpu.memref_slice %arg8[%dma_start3A_416, %dma_start3A_417] : memref<2x128xi32, #tpu.memory_space<vmem>> -> memref<1x128xi32, #tpu.memory_space<vmem>>
          %dma_start3A_419 = tpu.memref_squeeze %dma_start3A_418 : memref<1x128xi32, #tpu.memory_space<vmem>> -> memref<128xi32, #tpu.memory_space<vmem>>
          %dma_start3A_420 = arith.constant 0 : i32
          %dma_start3A_421 = arith.constant 0 : i32
          %dma_start3A_422 = tpu.memref_slice %arg2[%dma_start3A_420, %dma_start3A_421] : memref<10000x128xf32, #tpu.memory_space<hbm>> -> memref<10000x128xf32, #tpu.memory_space<hbm>>
          tpu.enqueue_indirect_dma source(%dma_start3A_422 : memref<10000x128xf32, #tpu.memory_space<hbm>>) target(%arg11 : memref<128x128xf32, #tpu.memory_space<vmem>>) offsets(%dma_start3A_419 : memref<128xi32, #tpu.memory_space<vmem>>) semaphore(%arg20 : memref<!tpu.dma_semaphore, #tpu.memory_space<semaphore_mem>>)
        } else {
        }
        %mul3A_310 = arith.constant 15 : i32
        %mul3A_311 = arith.muli %mul3A_310, %scan3A_109 : i32
        %add3A_312 = arith.constant 10 : i32
        %add3A_313 = arith.addi %mul3A_311, %add3A_312 : i32
        %lt3A_314 = arith.cmpi slt, %add3A_313, %add3A_5 : i32
        %convert_element_type3A_315 = arith.extui %lt3A_314 : i1 to i32
        %cond3A_316 = arith.constant 0 : i32
        %cond3A_317 = arith.cmpi ne, %convert_element_type3A_315, %cond3A_316 : i32
        scf.if %cond3A_317 {
          %dma_wait3A_410 = arith.constant 0 : i32
          %dma_wait3A_411 = arith.constant 0 : i32
          %dma_wait3A_412 = tpu.memref_slice %arg6[%dma_wait3A_410, %dma_wait3A_411] : memref<2x128xi32, #tpu.memory_space<vmem>> -> memref<1x128xi32, #tpu.memory_space<vmem>>
          %dma_wait3A_413 = tpu.memref_squeeze %dma_wait3A_412 : memref<1x128xi32, #tpu.memory_space<vmem>> -> memref<128xi32, #tpu.memory_space<vmem>>
          %dma_wait3A_414 = arith.constant 0 : i32
          %dma_wait3A_415 = arith.constant 0 : i32
          %dma_wait3A_416 = tpu.memref_slice %arg2[%dma_wait3A_414, %dma_wait3A_415] : memref<10000x128xf32, #tpu.memory_space<hbm>> -> memref<10000x128xf32, #tpu.memory_space<hbm>>
          tpu.wait_indirect_dma semaphore(%arg21 : memref<!tpu.dma_semaphore, #tpu.memory_space<semaphore_mem>>) src(%dma_wait3A_416 : memref<10000x128xf32, #tpu.memory_space<hbm>>) dst(%arg12 : memref<128x128xf32, #tpu.memory_space<vmem>>)
          %run_scoped3A = arith.constant 1 : i32
          "tpu.region"() ({
            %run_scoped3A_417 = tpu.sem_alloc : memref<!tpu.dma_semaphore, #tpu.memory_space<semaphore_mem>>
            %dma_start3A_418 = arith.constant 0 : i32
            %dma_start3A_419 = tpu.memref_slice %arg6[%run_scoped3A, %dma_start3A_418] : memref<2x128xi32, #tpu.memory_space<vmem>> -> memref<1x128xi32, #tpu.memory_space<vmem>>
            %dma_start3A_420 = tpu.memref_squeeze %dma_start3A_419 : memref<1x128xi32, #tpu.memory_space<vmem>> -> memref<128xi32, #tpu.memory_space<vmem>>
            %dma_start3A_421 = arith.constant 0 : i32
            %dma_start3A_422 = arith.constant 0 : i32
            %dma_start3A_423 = tpu.memref_slice %arg14[%dma_start3A_421, %dma_start3A_422] : memref<10000x128xf32, #tpu.memory_space<vmem_shared>> -> memref<10000x128xf32, #tpu.memory_space<vmem_shared>>
            tpu.enqueue_indirect_dma source(%arg12 : memref<128x128xf32, #tpu.memory_space<vmem>>) target(%dma_start3A_423 : memref<10000x128xf32, #tpu.memory_space<vmem_shared>>) offsets(%dma_start3A_420 : memref<128xi32, #tpu.memory_space<vmem>>) semaphore(%run_scoped3A_417 : memref<!tpu.dma_semaphore, #tpu.memory_space<semaphore_mem>>) {add = true}
            %dma_wait3A_424 = arith.constant 0 : i32
            %dma_wait3A_425 = tpu.memref_slice %arg6[%run_scoped3A, %dma_wait3A_424] : memref<2x128xi32, #tpu.memory_space<vmem>> -> memref<1x128xi32, #tpu.memory_space<vmem>>
            %dma_wait3A_426 = tpu.memref_squeeze %dma_wait3A_425 : memref<1x128xi32, #tpu.memory_space<vmem>> -> memref<128xi32, #tpu.memory_space<vmem>>
            %dma_wait3A_427 = arith.constant 0 : i32
            %dma_wait3A_428 = arith.constant 0 : i32
            %dma_wait3A_429 = tpu.memref_slice %arg14[%dma_wait3A_427, %dma_wait3A_428] : memref<10000x128xf32, #tpu.memory_space<vmem_shared>> -> memref<10000x128xf32, #tpu.memory_space<vmem_shared>>
            tpu.wait_indirect_dma semaphore(%run_scoped3A_417 : memref<!tpu.dma_semaphore, #tpu.memory_space<semaphore_mem>>) src(%arg12 : memref<128x128xf32, #tpu.memory_space<vmem>>) dst(%dma_wait3A_429 : memref<10000x128xf32, #tpu.memory_space<vmem_shared>>)
            tpu.yield
          }) : () -> ()
        } else {
        }
        %add3A_318 = arith.constant 5 : i32
        %add3A_319 = arith.addi %add3A_313, %add3A_318 : i32
        %lt3A_320 = arith.cmpi slt, %add3A_319, %add3A_5 : i32
        %convert_element_type3A_321 = arith.extui %lt3A_320 : i1 to i32
        %cond3A_322 = arith.constant 0 : i32
        %cond3A_323 = arith.cmpi ne, %convert_element_type3A_321, %cond3A_322 : i32
        scf.if %cond3A_323 {
          %add3A_410 = arith.constant 5 : i32
          %add3A_411 = arith.addi %add3A_313, %add3A_410 : i32
          %add3A_412 = arith.addi %add3A, %add3A_411 : i32
          %mul3A_413 = arith.constant 128 : i32
          %mul3A_414 = arith.muli %add3A_412, %mul3A_413 : i32
          %dma_start3A_415 = arith.constant 0 : i32
          %dma_start3A_416 = tpu.memref_slice %arg3[%dma_start3A_415, %mul3A_414] : memref<2x160000xi32, #tpu.memory_space<hbm>> -> memref<2x128xi32, #tpu.memory_space<hbm>>
          %dma_start3A_417 = arith.constant 0 : i32
          %dma_start3A_418 = tpu.memref_slice %arg3[%dma_start3A_417, %mul3A_414] : memref<2x160000xi32, #tpu.memory_space<hbm>> -> memref<2x128xi32, #tpu.memory_space<hbm>>
          tpu.enqueue_dma source(%dma_start3A_418 : memref<2x128xi32, #tpu.memory_space<hbm>>) target(%arg6 : memref<2x128xi32, #tpu.memory_space<vmem>>) target_semaphore(%arg15 : memref<!tpu.dma_semaphore, #tpu.memory_space<semaphore_mem>>)
        } else {
        }
        %add3A_324 = arith.constant 3 : i32
        %add3A_325 = arith.addi %add3A_313, %add3A_324 : i32
        %lt3A_326 = arith.cmpi slt, %add3A_325, %add3A_5 : i32
        %convert_element_type3A_327 = arith.extui %lt3A_326 : i1 to i32
        %cond3A_328 = arith.constant 0 : i32
        %cond3A_329 = arith.cmpi ne, %convert_element_type3A_327, %cond3A_328 : i32
        scf.if %cond3A_329 {
          %dma_wait3A_410 = arith.constant 0 : i32
          %dma_wait3A_411 = arith.constant 0 : i32
          %dma_wait3A_412 = tpu.memref_slice %arg3[%dma_wait3A_410, %dma_wait3A_411] : memref<2x160000xi32, #tpu.memory_space<hbm>> -> memref<2x128xi32, #tpu.memory_space<hbm>>
          %dma_wait3A_413 = arith.constant 0 : i32
          %dma_wait3A_414 = arith.constant 0 : i32
          %dma_wait3A_415 = tpu.memref_slice %arg3[%dma_wait3A_413, %dma_wait3A_414] : memref<2x160000xi32, #tpu.memory_space<hbm>> -> memref<2x128xi32, #tpu.memory_space<hbm>>
          tpu.wait_dma2 semaphore(%arg18 : memref<!tpu.dma_semaphore, #tpu.memory_space<semaphore_mem>>) src(%dma_wait3A_415 : memref<2x128xi32, #tpu.memory_space<hbm>>) dst(%arg9 : memref<2x128xi32, #tpu.memory_space<vmem>>)
          %dma_start3A_416 = arith.constant 0 : i32
          %dma_start3A_417 = arith.constant 0 : i32
          %dma_start3A_418 = tpu.memref_slice %arg9[%dma_start3A_416, %dma_start3A_417] : memref<2x128xi32, #tpu.memory_space<vmem>> -> memref<1x128xi32, #tpu.memory_space<vmem>>
          %dma_start3A_419 = tpu.memref_squeeze %dma_start3A_418 : memref<1x128xi32, #tpu.memory_space<vmem>> -> memref<128xi32, #tpu.memory_space<vmem>>
          %dma_start3A_420 = arith.constant 0 : i32
          %dma_start3A_421 = arith.constant 0 : i32
          %dma_start3A_422 = tpu.memref_slice %arg2[%dma_start3A_420, %dma_start3A_421] : memref<10000x128xf32, #tpu.memory_space<hbm>> -> memref<10000x128xf32, #tpu.memory_space<hbm>>
          tpu.enqueue_indirect_dma source(%dma_start3A_422 : memref<10000x128xf32, #tpu.memory_space<hbm>>) target(%arg12 : memref<128x128xf32, #tpu.memory_space<vmem>>) offsets(%dma_start3A_419 : memref<128xi32, #tpu.memory_space<vmem>>) semaphore(%arg21 : memref<!tpu.dma_semaphore, #tpu.memory_space<semaphore_mem>>)
        } else {
        }
        %mul3A_330 = arith.constant 15 : i32
        %mul3A_331 = arith.muli %mul3A_330, %scan3A_109 : i32
        %add3A_332 = arith.constant 11 : i32
        %add3A_333 = arith.addi %mul3A_331, %add3A_332 : i32
        %lt3A_334 = arith.cmpi slt, %add3A_333, %add3A_5 : i32
        %convert_element_type3A_335 = arith.extui %lt3A_334 : i1 to i32
        %cond3A_336 = arith.constant 0 : i32
        %cond3A_337 = arith.cmpi ne, %convert_element_type3A_335, %cond3A_336 : i32
        scf.if %cond3A_337 {
          %dma_wait3A_410 = arith.constant 0 : i32
          %dma_wait3A_411 = arith.constant 0 : i32
          %dma_wait3A_412 = tpu.memref_slice %arg7[%dma_wait3A_410, %dma_wait3A_411] : memref<2x128xi32, #tpu.memory_space<vmem>> -> memref<1x128xi32, #tpu.memory_space<vmem>>
          %dma_wait3A_413 = tpu.memref_squeeze %dma_wait3A_412 : memref<1x128xi32, #tpu.memory_space<vmem>> -> memref<128xi32, #tpu.memory_space<vmem>>
          %dma_wait3A_414 = arith.constant 0 : i32
          %dma_wait3A_415 = arith.constant 0 : i32
          %dma_wait3A_416 = tpu.memref_slice %arg2[%dma_wait3A_414, %dma_wait3A_415] : memref<10000x128xf32, #tpu.memory_space<hbm>> -> memref<10000x128xf32, #tpu.memory_space<hbm>>
          tpu.wait_indirect_dma semaphore(%arg22 : memref<!tpu.dma_semaphore, #tpu.memory_space<semaphore_mem>>) src(%dma_wait3A_416 : memref<10000x128xf32, #tpu.memory_space<hbm>>) dst(%arg13 : memref<128x128xf32, #tpu.memory_space<vmem>>)
          %run_scoped3A = arith.constant 1 : i32
          "tpu.region"() ({
            %run_scoped3A_417 = tpu.sem_alloc : memref<!tpu.dma_semaphore, #tpu.memory_space<semaphore_mem>>
            %dma_start3A_418 = arith.constant 0 : i32
            %dma_start3A_419 = tpu.memref_slice %arg7[%run_scoped3A, %dma_start3A_418] : memref<2x128xi32, #tpu.memory_space<vmem>> -> memref<1x128xi32, #tpu.memory_space<vmem>>
            %dma_start3A_420 = tpu.memref_squeeze %dma_start3A_419 : memref<1x128xi32, #tpu.memory_space<vmem>> -> memref<128xi32, #tpu.memory_space<vmem>>
            %dma_start3A_421 = arith.constant 0 : i32
            %dma_start3A_422 = arith.constant 0 : i32
            %dma_start3A_423 = tpu.memref_slice %arg14[%dma_start3A_421, %dma_start3A_422] : memref<10000x128xf32, #tpu.memory_space<vmem_shared>> -> memref<10000x128xf32, #tpu.memory_space<vmem_shared>>
            tpu.enqueue_indirect_dma source(%arg13 : memref<128x128xf32, #tpu.memory_space<vmem>>) target(%dma_start3A_423 : memref<10000x128xf32, #tpu.memory_space<vmem_shared>>) offsets(%dma_start3A_420 : memref<128xi32, #tpu.memory_space<vmem>>) semaphore(%run_scoped3A_417 : memref<!tpu.dma_semaphore, #tpu.memory_space<semaphore_mem>>) {add = true}
            %dma_wait3A_424 = arith.constant 0 : i32
            %dma_wait3A_425 = tpu.memref_slice %arg7[%run_scoped3A, %dma_wait3A_424] : memref<2x128xi32, #tpu.memory_space<vmem>> -> memref<1x128xi32, #tpu.memory_space<vmem>>
            %dma_wait3A_426 = tpu.memref_squeeze %dma_wait3A_425 : memref<1x128xi32, #tpu.memory_space<vmem>> -> memref<128xi32, #tpu.memory_space<vmem>>
            %dma_wait3A_427 = arith.constant 0 : i32
            %dma_wait3A_428 = arith.constant 0 : i32
            %dma_wait3A_429 = tpu.memref_slice %arg14[%dma_wait3A_427, %dma_wait3A_428] : memref<10000x128xf32, #tpu.memory_space<vmem_shared>> -> memref<10000x128xf32, #tpu.memory_space<vmem_shared>>
            tpu.wait_indirect_dma semaphore(%run_scoped3A_417 : memref<!tpu.dma_semaphore, #tpu.memory_space<semaphore_mem>>) src(%arg13 : memref<128x128xf32, #tpu.memory_space<vmem>>) dst(%dma_wait3A_429 : memref<10000x128xf32, #tpu.memory_space<vmem_shared>>)
            tpu.yield
          }) : () -> ()
        } else {
        }
        %add3A_338 = arith.constant 5 : i32
        %add3A_339 = arith.addi %add3A_333, %add3A_338 : i32
        %lt3A_340 = arith.cmpi slt, %add3A_339, %add3A_5 : i32
        %convert_element_type3A_341 = arith.extui %lt3A_340 : i1 to i32
        %cond3A_342 = arith.constant 0 : i32
        %cond3A_343 = arith.cmpi ne, %convert_element_type3A_341, %cond3A_342 : i32
        scf.if %cond3A_343 {
          %add3A_410 = arith.constant 5 : i32
          %add3A_411 = arith.addi %add3A_333, %add3A_410 : i32
          %add3A_412 = arith.addi %add3A, %add3A_411 : i32
          %mul3A_413 = arith.constant 128 : i32
          %mul3A_414 = arith.muli %add3A_412, %mul3A_413 : i32
          %dma_start3A_415 = arith.constant 0 : i32
          %dma_start3A_416 = tpu.memref_slice %arg3[%dma_start3A_415, %mul3A_414] : memref<2x160000xi32, #tpu.memory_space<hbm>> -> memref<2x128xi32, #tpu.memory_space<hbm>>
          %dma_start3A_417 = arith.constant 0 : i32
          %dma_start3A_418 = tpu.memref_slice %arg3[%dma_start3A_417, %mul3A_414] : memref<2x160000xi32, #tpu.memory_space<hbm>> -> memref<2x128xi32, #tpu.memory_space<hbm>>
          tpu.enqueue_dma source(%dma_start3A_418 : memref<2x128xi32, #tpu.memory_space<hbm>>) target(%arg7 : memref<2x128xi32, #tpu.memory_space<vmem>>) target_semaphore(%arg16 : memref<!tpu.dma_semaphore, #tpu.memory_space<semaphore_mem>>)
        } else {
        }
        %add3A_344 = arith.constant 3 : i32
        %add3A_345 = arith.addi %add3A_333, %add3A_344 : i32
        %lt3A_346 = arith.cmpi slt, %add3A_345, %add3A_5 : i32
        %convert_element_type3A_347 = arith.extui %lt3A_346 : i1 to i32
        %cond3A_348 = arith.constant 0 : i32
        %cond3A_349 = arith.cmpi ne, %convert_element_type3A_347, %cond3A_348 : i32
        scf.if %cond3A_349 {
          %dma_wait3A_410 = arith.constant 0 : i32
          %dma_wait3A_411 = arith.constant 0 : i32
          %dma_wait3A_412 = tpu.memref_slice %arg3[%dma_wait3A_410, %dma_wait3A_411] : memref<2x160000xi32, #tpu.memory_space<hbm>> -> memref<2x128xi32, #tpu.memory_space<hbm>>
          %dma_wait3A_413 = arith.constant 0 : i32
          %dma_wait3A_414 = arith.constant 0 : i32
          %dma_wait3A_415 = tpu.memref_slice %arg3[%dma_wait3A_413, %dma_wait3A_414] : memref<2x160000xi32, #tpu.memory_space<hbm>> -> memref<2x128xi32, #tpu.memory_space<hbm>>
          tpu.wait_dma2 semaphore(%arg19 : memref<!tpu.dma_semaphore, #tpu.memory_space<semaphore_mem>>) src(%dma_wait3A_415 : memref<2x128xi32, #tpu.memory_space<hbm>>) dst(%arg10 : memref<2x128xi32, #tpu.memory_space<vmem>>)
          %dma_start3A_416 = arith.constant 0 : i32
          %dma_start3A_417 = arith.constant 0 : i32
          %dma_start3A_418 = tpu.memref_slice %arg10[%dma_start3A_416, %dma_start3A_417] : memref<2x128xi32, #tpu.memory_space<vmem>> -> memref<1x128xi32, #tpu.memory_space<vmem>>
          %dma_start3A_419 = tpu.memref_squeeze %dma_start3A_418 : memref<1x128xi32, #tpu.memory_space<vmem>> -> memref<128xi32, #tpu.memory_space<vmem>>
          %dma_start3A_420 = arith.constant 0 : i32
          %dma_start3A_421 = arith.constant 0 : i32
          %dma_start3A_422 = tpu.memref_slice %arg2[%dma_start3A_420, %dma_start3A_421] : memref<10000x128xf32, #tpu.memory_space<hbm>> -> memref<10000x128xf32, #tpu.memory_space<hbm>>
          tpu.enqueue_indirect_dma source(%dma_start3A_422 : memref<10000x128xf32, #tpu.memory_space<hbm>>) target(%arg13 : memref<128x128xf32, #tpu.memory_space<vmem>>) offsets(%dma_start3A_419 : memref<128xi32, #tpu.memory_space<vmem>>) semaphore(%arg22 : memref<!tpu.dma_semaphore, #tpu.memory_space<semaphore_mem>>)
        } else {
        }
        %mul3A_350 = arith.constant 15 : i32
        %mul3A_351 = arith.muli %mul3A_350, %scan3A_109 : i32
        %add3A_352 = arith.constant 12 : i32
        %add3A_353 = arith.addi %mul3A_351, %add3A_352 : i32
        %lt3A_354 = arith.cmpi slt, %add3A_353, %add3A_5 : i32
        %convert_element_type3A_355 = arith.extui %lt3A_354 : i1 to i32
        %cond3A_356 = arith.constant 0 : i32
        %cond3A_357 = arith.cmpi ne, %convert_element_type3A_355, %cond3A_356 : i32
        scf.if %cond3A_357 {
          %dma_wait3A_410 = arith.constant 0 : i32
          %dma_wait3A_411 = arith.constant 0 : i32
          %dma_wait3A_412 = tpu.memref_slice %arg8[%dma_wait3A_410, %dma_wait3A_411] : memref<2x128xi32, #tpu.memory_space<vmem>> -> memref<1x128xi32, #tpu.memory_space<vmem>>
          %dma_wait3A_413 = tpu.memref_squeeze %dma_wait3A_412 : memref<1x128xi32, #tpu.memory_space<vmem>> -> memref<128xi32, #tpu.memory_space<vmem>>
          %dma_wait3A_414 = arith.constant 0 : i32
          %dma_wait3A_415 = arith.constant 0 : i32
          %dma_wait3A_416 = tpu.memref_slice %arg2[%dma_wait3A_414, %dma_wait3A_415] : memref<10000x128xf32, #tpu.memory_space<hbm>> -> memref<10000x128xf32, #tpu.memory_space<hbm>>
          tpu.wait_indirect_dma semaphore(%arg20 : memref<!tpu.dma_semaphore, #tpu.memory_space<semaphore_mem>>) src(%dma_wait3A_416 : memref<10000x128xf32, #tpu.memory_space<hbm>>) dst(%arg11 : memref<128x128xf32, #tpu.memory_space<vmem>>)
          %run_scoped3A = arith.constant 1 : i32
          "tpu.region"() ({
            %run_scoped3A_417 = tpu.sem_alloc : memref<!tpu.dma_semaphore, #tpu.memory_space<semaphore_mem>>
            %dma_start3A_418 = arith.constant 0 : i32
            %dma_start3A_419 = tpu.memref_slice %arg8[%run_scoped3A, %dma_start3A_418] : memref<2x128xi32, #tpu.memory_space<vmem>> -> memref<1x128xi32, #tpu.memory_space<vmem>>
            %dma_start3A_420 = tpu.memref_squeeze %dma_start3A_419 : memref<1x128xi32, #tpu.memory_space<vmem>> -> memref<128xi32, #tpu.memory_space<vmem>>
            %dma_start3A_421 = arith.constant 0 : i32
            %dma_start3A_422 = arith.constant 0 : i32
            %dma_start3A_423 = tpu.memref_slice %arg14[%dma_start3A_421, %dma_start3A_422] : memref<10000x128xf32, #tpu.memory_space<vmem_shared>> -> memref<10000x128xf32, #tpu.memory_space<vmem_shared>>
            tpu.enqueue_indirect_dma source(%arg11 : memref<128x128xf32, #tpu.memory_space<vmem>>) target(%dma_start3A_423 : memref<10000x128xf32, #tpu.memory_space<vmem_shared>>) offsets(%dma_start3A_420 : memref<128xi32, #tpu.memory_space<vmem>>) semaphore(%run_scoped3A_417 : memref<!tpu.dma_semaphore, #tpu.memory_space<semaphore_mem>>) {add = true}
            %dma_wait3A_424 = arith.constant 0 : i32
            %dma_wait3A_425 = tpu.memref_slice %arg8[%run_scoped3A, %dma_wait3A_424] : memref<2x128xi32, #tpu.memory_space<vmem>> -> memref<1x128xi32, #tpu.memory_space<vmem>>
            %dma_wait3A_426 = tpu.memref_squeeze %dma_wait3A_425 : memref<1x128xi32, #tpu.memory_space<vmem>> -> memref<128xi32, #tpu.memory_space<vmem>>
            %dma_wait3A_427 = arith.constant 0 : i32
            %dma_wait3A_428 = arith.constant 0 : i32
            %dma_wait3A_429 = tpu.memref_slice %arg14[%dma_wait3A_427, %dma_wait3A_428] : memref<10000x128xf32, #tpu.memory_space<vmem_shared>> -> memref<10000x128xf32, #tpu.memory_space<vmem_shared>>
            tpu.wait_indirect_dma semaphore(%run_scoped3A_417 : memref<!tpu.dma_semaphore, #tpu.memory_space<semaphore_mem>>) src(%arg11 : memref<128x128xf32, #tpu.memory_space<vmem>>) dst(%dma_wait3A_429 : memref<10000x128xf32, #tpu.memory_space<vmem_shared>>)
            tpu.yield
          }) : () -> ()
        } else {
        }
        %add3A_358 = arith.constant 5 : i32
        %add3A_359 = arith.addi %add3A_353, %add3A_358 : i32
        %lt3A_360 = arith.cmpi slt, %add3A_359, %add3A_5 : i32
        %convert_element_type3A_361 = arith.extui %lt3A_360 : i1 to i32
        %cond3A_362 = arith.constant 0 : i32
        %cond3A_363 = arith.cmpi ne, %convert_element_type3A_361, %cond3A_362 : i32
        scf.if %cond3A_363 {
          %add3A_410 = arith.constant 5 : i32
          %add3A_411 = arith.addi %add3A_353, %add3A_410 : i32
          %add3A_412 = arith.addi %add3A, %add3A_411 : i32
          %mul3A_413 = arith.constant 128 : i32
          %mul3A_414 = arith.muli %add3A_412, %mul3A_413 : i32
          %dma_start3A_415 = arith.constant 0 : i32
          %dma_start3A_416 = tpu.memref_slice %arg3[%dma_start3A_415, %mul3A_414] : memref<2x160000xi32, #tpu.memory_space<hbm>> -> memref<2x128xi32, #tpu.memory_space<hbm>>
          %dma_start3A_417 = arith.constant 0 : i32
          %dma_start3A_418 = tpu.memref_slice %arg3[%dma_start3A_417, %mul3A_414] : memref<2x160000xi32, #tpu.memory_space<hbm>> -> memref<2x128xi32, #tpu.memory_space<hbm>>
          tpu.enqueue_dma source(%dma_start3A_418 : memref<2x128xi32, #tpu.memory_space<hbm>>) target(%arg8 : memref<2x128xi32, #tpu.memory_space<vmem>>) target_semaphore(%arg17 : memref<!tpu.dma_semaphore, #tpu.memory_space<semaphore_mem>>)
        } else {
        }
        %add3A_364 = arith.constant 3 : i32
        %add3A_365 = arith.addi %add3A_353, %add3A_364 : i32
        %lt3A_366 = arith.cmpi slt, %add3A_365, %add3A_5 : i32
        %convert_element_type3A_367 = arith.extui %lt3A_366 : i1 to i32
        %cond3A_368 = arith.constant 0 : i32
        %cond3A_369 = arith.cmpi ne, %convert_element_type3A_367, %cond3A_368 : i32
        scf.if %cond3A_369 {
          %dma_wait3A_410 = arith.constant 0 : i32
          %dma_wait3A_411 = arith.constant 0 : i32
          %dma_wait3A_412 = tpu.memref_slice %arg3[%dma_wait3A_410, %dma_wait3A_411] : memref<2x160000xi32, #tpu.memory_space<hbm>> -> memref<2x128xi32, #tpu.memory_space<hbm>>
          %dma_wait3A_413 = arith.constant 0 : i32
          %dma_wait3A_414 = arith.constant 0 : i32
          %dma_wait3A_415 = tpu.memref_slice %arg3[%dma_wait3A_413, %dma_wait3A_414] : memref<2x160000xi32, #tpu.memory_space<hbm>> -> memref<2x128xi32, #tpu.memory_space<hbm>>
          tpu.wait_dma2 semaphore(%arg15 : memref<!tpu.dma_semaphore, #tpu.memory_space<semaphore_mem>>) src(%dma_wait3A_415 : memref<2x128xi32, #tpu.memory_space<hbm>>) dst(%arg6 : memref<2x128xi32, #tpu.memory_space<vmem>>)
          %dma_start3A_416 = arith.constant 0 : i32
          %dma_start3A_417 = arith.constant 0 : i32
          %dma_start3A_418 = tpu.memref_slice %arg6[%dma_start3A_416, %dma_start3A_417] : memref<2x128xi32, #tpu.memory_space<vmem>> -> memref<1x128xi32, #tpu.memory_space<vmem>>
          %dma_start3A_419 = tpu.memref_squeeze %dma_start3A_418 : memref<1x128xi32, #tpu.memory_space<vmem>> -> memref<128xi32, #tpu.memory_space<vmem>>
          %dma_start3A_420 = arith.constant 0 : i32
          %dma_start3A_421 = arith.constant 0 : i32
          %dma_start3A_422 = tpu.memref_slice %arg2[%dma_start3A_420, %dma_start3A_421] : memref<10000x128xf32, #tpu.memory_space<hbm>> -> memref<10000x128xf32, #tpu.memory_space<hbm>>
          tpu.enqueue_indirect_dma source(%dma_start3A_422 : memref<10000x128xf32, #tpu.memory_space<hbm>>) target(%arg11 : memref<128x128xf32, #tpu.memory_space<vmem>>) offsets(%dma_start3A_419 : memref<128xi32, #tpu.memory_space<vmem>>) semaphore(%arg20 : memref<!tpu.dma_semaphore, #tpu.memory_space<semaphore_mem>>)
        } else {
        }
        %mul3A_370 = arith.constant 15 : i32
        %mul3A_371 = arith.muli %mul3A_370, %scan3A_109 : i32
        %add3A_372 = arith.constant 13 : i32
        %add3A_373 = arith.addi %mul3A_371, %add3A_372 : i32
        %lt3A_374 = arith.cmpi slt, %add3A_373, %add3A_5 : i32
        %convert_element_type3A_375 = arith.extui %lt3A_374 : i1 to i32
        %cond3A_376 = arith.constant 0 : i32
        %cond3A_377 = arith.cmpi ne, %convert_element_type3A_375, %cond3A_376 : i32
        scf.if %cond3A_377 {
          %dma_wait3A_410 = arith.constant 0 : i32
          %dma_wait3A_411 = arith.constant 0 : i32
          %dma_wait3A_412 = tpu.memref_slice %arg9[%dma_wait3A_410, %dma_wait3A_411] : memref<2x128xi32, #tpu.memory_space<vmem>> -> memref<1x128xi32, #tpu.memory_space<vmem>>
          %dma_wait3A_413 = tpu.memref_squeeze %dma_wait3A_412 : memref<1x128xi32, #tpu.memory_space<vmem>> -> memref<128xi32, #tpu.memory_space<vmem>>
          %dma_wait3A_414 = arith.constant 0 : i32
          %dma_wait3A_415 = arith.constant 0 : i32
          %dma_wait3A_416 = tpu.memref_slice %arg2[%dma_wait3A_414, %dma_wait3A_415] : memref<10000x128xf32, #tpu.memory_space<hbm>> -> memref<10000x128xf32, #tpu.memory_space<hbm>>
          tpu.wait_indirect_dma semaphore(%arg21 : memref<!tpu.dma_semaphore, #tpu.memory_space<semaphore_mem>>) src(%dma_wait3A_416 : memref<10000x128xf32, #tpu.memory_space<hbm>>) dst(%arg12 : memref<128x128xf32, #tpu.memory_space<vmem>>)
          %run_scoped3A = arith.constant 1 : i32
          "tpu.region"() ({
            %run_scoped3A_417 = tpu.sem_alloc : memref<!tpu.dma_semaphore, #tpu.memory_space<semaphore_mem>>
            %dma_start3A_418 = arith.constant 0 : i32
            %dma_start3A_419 = tpu.memref_slice %arg9[%run_scoped3A, %dma_start3A_418] : memref<2x128xi32, #tpu.memory_space<vmem>> -> memref<1x128xi32, #tpu.memory_space<vmem>>
            %dma_start3A_420 = tpu.memref_squeeze %dma_start3A_419 : memref<1x128xi32, #tpu.memory_space<vmem>> -> memref<128xi32, #tpu.memory_space<vmem>>
            %dma_start3A_421 = arith.constant 0 : i32
            %dma_start3A_422 = arith.constant 0 : i32
            %dma_start3A_423 = tpu.memref_slice %arg14[%dma_start3A_421, %dma_start3A_422] : memref<10000x128xf32, #tpu.memory_space<vmem_shared>> -> memref<10000x128xf32, #tpu.memory_space<vmem_shared>>
            tpu.enqueue_indirect_dma source(%arg12 : memref<128x128xf32, #tpu.memory_space<vmem>>) target(%dma_start3A_423 : memref<10000x128xf32, #tpu.memory_space<vmem_shared>>) offsets(%dma_start3A_420 : memref<128xi32, #tpu.memory_space<vmem>>) semaphore(%run_scoped3A_417 : memref<!tpu.dma_semaphore, #tpu.memory_space<semaphore_mem>>) {add = true}
            %dma_wait3A_424 = arith.constant 0 : i32
            %dma_wait3A_425 = tpu.memref_slice %arg9[%run_scoped3A, %dma_wait3A_424] : memref<2x128xi32, #tpu.memory_space<vmem>> -> memref<1x128xi32, #tpu.memory_space<vmem>>
            %dma_wait3A_426 = tpu.memref_squeeze %dma_wait3A_425 : memref<1x128xi32, #tpu.memory_space<vmem>> -> memref<128xi32, #tpu.memory_space<vmem>>
            %dma_wait3A_427 = arith.constant 0 : i32
            %dma_wait3A_428 = arith.constant 0 : i32
            %dma_wait3A_429 = tpu.memref_slice %arg14[%dma_wait3A_427, %dma_wait3A_428] : memref<10000x128xf32, #tpu.memory_space<vmem_shared>> -> memref<10000x128xf32, #tpu.memory_space<vmem_shared>>
            tpu.wait_indirect_dma semaphore(%run_scoped3A_417 : memref<!tpu.dma_semaphore, #tpu.memory_space<semaphore_mem>>) src(%arg12 : memref<128x128xf32, #tpu.memory_space<vmem>>) dst(%dma_wait3A_429 : memref<10000x128xf32, #tpu.memory_space<vmem_shared>>)
            tpu.yield
          }) : () -> ()
        } else {
        }
        %add3A_378 = arith.constant 5 : i32
        %add3A_379 = arith.addi %add3A_373, %add3A_378 : i32
        %lt3A_380 = arith.cmpi slt, %add3A_379, %add3A_5 : i32
        %convert_element_type3A_381 = arith.extui %lt3A_380 : i1 to i32
        %cond3A_382 = arith.constant 0 : i32
        %cond3A_383 = arith.cmpi ne, %convert_element_type3A_381, %cond3A_382 : i32
        scf.if %cond3A_383 {
          %add3A_410 = arith.constant 5 : i32
          %add3A_411 = arith.addi %add3A_373, %add3A_410 : i32
          %add3A_412 = arith.addi %add3A, %add3A_411 : i32
          %mul3A_413 = arith.constant 128 : i32
          %mul3A_414 = arith.muli %add3A_412, %mul3A_413 : i32
          %dma_start3A_415 = arith.constant 0 : i32
          %dma_start3A_416 = tpu.memref_slice %arg3[%dma_start3A_415, %mul3A_414] : memref<2x160000xi32, #tpu.memory_space<hbm>> -> memref<2x128xi32, #tpu.memory_space<hbm>>
          %dma_start3A_417 = arith.constant 0 : i32
          %dma_start3A_418 = tpu.memref_slice %arg3[%dma_start3A_417, %mul3A_414] : memref<2x160000xi32, #tpu.memory_space<hbm>> -> memref<2x128xi32, #tpu.memory_space<hbm>>
          tpu.enqueue_dma source(%dma_start3A_418 : memref<2x128xi32, #tpu.memory_space<hbm>>) target(%arg9 : memref<2x128xi32, #tpu.memory_space<vmem>>) target_semaphore(%arg18 : memref<!tpu.dma_semaphore, #tpu.memory_space<semaphore_mem>>)
        } else {
        }
        %add3A_384 = arith.constant 3 : i32
        %add3A_385 = arith.addi %add3A_373, %add3A_384 : i32
        %lt3A_386 = arith.cmpi slt, %add3A_385, %add3A_5 : i32
        %convert_element_type3A_387 = arith.extui %lt3A_386 : i1 to i32
        %cond3A_388 = arith.constant 0 : i32
        %cond3A_389 = arith.cmpi ne, %convert_element_type3A_387, %cond3A_388 : i32
        scf.if %cond3A_389 {
          %dma_wait3A_410 = arith.constant 0 : i32
          %dma_wait3A_411 = arith.constant 0 : i32
          %dma_wait3A_412 = tpu.memref_slice %arg3[%dma_wait3A_410, %dma_wait3A_411] : memref<2x160000xi32, #tpu.memory_space<hbm>> -> memref<2x128xi32, #tpu.memory_space<hbm>>
          %dma_wait3A_413 = arith.constant 0 : i32
          %dma_wait3A_414 = arith.constant 0 : i32
          %dma_wait3A_415 = tpu.memref_slice %arg3[%dma_wait3A_413, %dma_wait3A_414] : memref<2x160000xi32, #tpu.memory_space<hbm>> -> memref<2x128xi32, #tpu.memory_space<hbm>>
          tpu.wait_dma2 semaphore(%arg16 : memref<!tpu.dma_semaphore, #tpu.memory_space<semaphore_mem>>) src(%dma_wait3A_415 : memref<2x128xi32, #tpu.memory_space<hbm>>) dst(%arg7 : memref<2x128xi32, #tpu.memory_space<vmem>>)
          %dma_start3A_416 = arith.constant 0 : i32
          %dma_start3A_417 = arith.constant 0 : i32
          %dma_start3A_418 = tpu.memref_slice %arg7[%dma_start3A_416, %dma_start3A_417] : memref<2x128xi32, #tpu.memory_space<vmem>> -> memref<1x128xi32, #tpu.memory_space<vmem>>
          %dma_start3A_419 = tpu.memref_squeeze %dma_start3A_418 : memref<1x128xi32, #tpu.memory_space<vmem>> -> memref<128xi32, #tpu.memory_space<vmem>>
          %dma_start3A_420 = arith.constant 0 : i32
          %dma_start3A_421 = arith.constant 0 : i32
          %dma_start3A_422 = tpu.memref_slice %arg2[%dma_start3A_420, %dma_start3A_421] : memref<10000x128xf32, #tpu.memory_space<hbm>> -> memref<10000x128xf32, #tpu.memory_space<hbm>>
          tpu.enqueue_indirect_dma source(%dma_start3A_422 : memref<10000x128xf32, #tpu.memory_space<hbm>>) target(%arg12 : memref<128x128xf32, #tpu.memory_space<vmem>>) offsets(%dma_start3A_419 : memref<128xi32, #tpu.memory_space<vmem>>) semaphore(%arg21 : memref<!tpu.dma_semaphore, #tpu.memory_space<semaphore_mem>>)
        } else {
        }
        %mul3A_390 = arith.constant 15 : i32
        %mul3A_391 = arith.muli %mul3A_390, %scan3A_109 : i32
        %add3A_392 = arith.constant 14 : i32
        %add3A_393 = arith.addi %mul3A_391, %add3A_392 : i32
        %lt3A_394 = arith.cmpi slt, %add3A_393, %add3A_5 : i32
        %convert_element_type3A_395 = arith.extui %lt3A_394 : i1 to i32
        %cond3A_396 = arith.constant 0 : i32
        %cond3A_397 = arith.cmpi ne, %convert_element_type3A_395, %cond3A_396 : i32
        scf.if %cond3A_397 {
          %dma_wait3A_410 = arith.constant 0 : i32
          %dma_wait3A_411 = arith.constant 0 : i32
          %dma_wait3A_412 = tpu.memref_slice %arg10[%dma_wait3A_410, %dma_wait3A_411] : memref<2x128xi32, #tpu.memory_space<vmem>> -> memref<1x128xi32, #tpu.memory_space<vmem>>
          %dma_wait3A_413 = tpu.memref_squeeze %dma_wait3A_412 : memref<1x128xi32, #tpu.memory_space<vmem>> -> memref<128xi32, #tpu.memory_space<vmem>>
          %dma_wait3A_414 = arith.constant 0 : i32
          %dma_wait3A_415 = arith.constant 0 : i32
          %dma_wait3A_416 = tpu.memref_slice %arg2[%dma_wait3A_414, %dma_wait3A_415] : memref<10000x128xf32, #tpu.memory_space<hbm>> -> memref<10000x128xf32, #tpu.memory_space<hbm>>
          tpu.wait_indirect_dma semaphore(%arg22 : memref<!tpu.dma_semaphore, #tpu.memory_space<semaphore_mem>>) src(%dma_wait3A_416 : memref<10000x128xf32, #tpu.memory_space<hbm>>) dst(%arg13 : memref<128x128xf32, #tpu.memory_space<vmem>>)
          %run_scoped3A = arith.constant 1 : i32
          "tpu.region"() ({
            %run_scoped3A_417 = tpu.sem_alloc : memref<!tpu.dma_semaphore, #tpu.memory_space<semaphore_mem>>
            %dma_start3A_418 = arith.constant 0 : i32
            %dma_start3A_419 = tpu.memref_slice %arg10[%run_scoped3A, %dma_start3A_418] : memref<2x128xi32, #tpu.memory_space<vmem>> -> memref<1x128xi32, #tpu.memory_space<vmem>>
            %dma_start3A_420 = tpu.memref_squeeze %dma_start3A_419 : memref<1x128xi32, #tpu.memory_space<vmem>> -> memref<128xi32, #tpu.memory_space<vmem>>
            %dma_start3A_421 = arith.constant 0 : i32
            %dma_start3A_422 = arith.constant 0 : i32
            %dma_start3A_423 = tpu.memref_slice %arg14[%dma_start3A_421, %dma_start3A_422] : memref<10000x128xf32, #tpu.memory_space<vmem_shared>> -> memref<10000x128xf32, #tpu.memory_space<vmem_shared>>
            tpu.enqueue_indirect_dma source(%arg13 : memref<128x128xf32, #tpu.memory_space<vmem>>) target(%dma_start3A_423 : memref<10000x128xf32, #tpu.memory_space<vmem_shared>>) offsets(%dma_start3A_420 : memref<128xi32, #tpu.memory_space<vmem>>) semaphore(%run_scoped3A_417 : memref<!tpu.dma_semaphore, #tpu.memory_space<semaphore_mem>>) {add = true}
            %dma_wait3A_424 = arith.constant 0 : i32
            %dma_wait3A_425 = tpu.memref_slice %arg10[%run_scoped3A, %dma_wait3A_424] : memref<2x128xi32, #tpu.memory_space<vmem>> -> memref<1x128xi32, #tpu.memory_space<vmem>>
            %dma_wait3A_426 = tpu.memref_squeeze %dma_wait3A_425 : memref<1x128xi32, #tpu.memory_space<vmem>> -> memref<128xi32, #tpu.memory_space<vmem>>
            %dma_wait3A_427 = arith.constant 0 : i32
            %dma_wait3A_428 = arith.constant 0 : i32
            %dma_wait3A_429 = tpu.memref_slice %arg14[%dma_wait3A_427, %dma_wait3A_428] : memref<10000x128xf32, #tpu.memory_space<vmem_shared>> -> memref<10000x128xf32, #tpu.memory_space<vmem_shared>>
            tpu.wait_indirect_dma semaphore(%run_scoped3A_417 : memref<!tpu.dma_semaphore, #tpu.memory_space<semaphore_mem>>) src(%arg13 : memref<128x128xf32, #tpu.memory_space<vmem>>) dst(%dma_wait3A_429 : memref<10000x128xf32, #tpu.memory_space<vmem_shared>>)
            tpu.yield
          }) : () -> ()
        } else {
        }
        %add3A_398 = arith.constant 5 : i32
        %add3A_399 = arith.addi %add3A_393, %add3A_398 : i32
        %lt3A_400 = arith.cmpi slt, %add3A_399, %add3A_5 : i32
        %convert_element_type3A_401 = arith.extui %lt3A_400 : i1 to i32
        %cond3A_402 = arith.constant 0 : i32
        %cond3A_403 = arith.cmpi ne, %convert_element_type3A_401, %cond3A_402 : i32
        scf.if %cond3A_403 {
          %add3A_410 = arith.constant 5 : i32
          %add3A_411 = arith.addi %add3A_393, %add3A_410 : i32
          %add3A_412 = arith.addi %add3A, %add3A_411 : i32
          %mul3A_413 = arith.constant 128 : i32
          %mul3A_414 = arith.muli %add3A_412, %mul3A_413 : i32
          %dma_start3A_415 = arith.constant 0 : i32
          %dma_start3A_416 = tpu.memref_slice %arg3[%dma_start3A_415, %mul3A_414] : memref<2x160000xi32, #tpu.memory_space<hbm>> -> memref<2x128xi32, #tpu.memory_space<hbm>>
          %dma_start3A_417 = arith.constant 0 : i32
          %dma_start3A_418 = tpu.memref_slice %arg3[%dma_start3A_417, %mul3A_414] : memref<2x160000xi32, #tpu.memory_space<hbm>> -> memref<2x128xi32, #tpu.memory_space<hbm>>
          tpu.enqueue_dma source(%dma_start3A_418 : memref<2x128xi32, #tpu.memory_space<hbm>>) target(%arg10 : memref<2x128xi32, #tpu.memory_space<vmem>>) target_semaphore(%arg19 : memref<!tpu.dma_semaphore, #tpu.memory_space<semaphore_mem>>)
        } else {
        }
        %add3A_404 = arith.constant 3 : i32
        %add3A_405 = arith.addi %add3A_393, %add3A_404 : i32
        %lt3A_406 = arith.cmpi slt, %add3A_405, %add3A_5 : i32
        %convert_element_type3A_407 = arith.extui %lt3A_406 : i1 to i32
        %cond3A_408 = arith.constant 0 : i32
        %cond3A_409 = arith.cmpi ne, %convert_element_type3A_407, %cond3A_408 : i32
        scf.if %cond3A_409 {
          %dma_wait3A_410 = arith.constant 0 : i32
          %dma_wait3A_411 = arith.constant 0 : i32
          %dma_wait3A_412 = tpu.memref_slice %arg3[%dma_wait3A_410, %dma_wait3A_411] : memref<2x160000xi32, #tpu.memory_space<hbm>> -> memref<2x128xi32, #tpu.memory_space<hbm>>
          %dma_wait3A_413 = arith.constant 0 : i32
          %dma_wait3A_414 = arith.constant 0 : i32
          %dma_wait3A_415 = tpu.memref_slice %arg3[%dma_wait3A_413, %dma_wait3A_414] : memref<2x160000xi32, #tpu.memory_space<hbm>> -> memref<2x128xi32, #tpu.memory_space<hbm>>
          tpu.wait_dma2 semaphore(%arg17 : memref<!tpu.dma_semaphore, #tpu.memory_space<semaphore_mem>>) src(%dma_wait3A_415 : memref<2x128xi32, #tpu.memory_space<hbm>>) dst(%arg8 : memref<2x128xi32, #tpu.memory_space<vmem>>)
          %dma_start3A_416 = arith.constant 0 : i32
          %dma_start3A_417 = arith.constant 0 : i32
          %dma_start3A_418 = tpu.memref_slice %arg8[%dma_start3A_416, %dma_start3A_417] : memref<2x128xi32, #tpu.memory_space<vmem>> -> memref<1x128xi32, #tpu.memory_space<vmem>>
          %dma_start3A_419 = tpu.memref_squeeze %dma_start3A_418 : memref<1x128xi32, #tpu.memory_space<vmem>> -> memref<128xi32, #tpu.memory_space<vmem>>
          %dma_start3A_420 = arith.constant 0 : i32
          %dma_start3A_421 = arith.constant 0 : i32
          %dma_start3A_422 = tpu.memref_slice %arg2[%dma_start3A_420, %dma_start3A_421] : memref<10000x128xf32, #tpu.memory_space<hbm>> -> memref<10000x128xf32, #tpu.memory_space<hbm>>
          tpu.enqueue_indirect_dma source(%dma_start3A_422 : memref<10000x128xf32, #tpu.memory_space<hbm>>) target(%arg13 : memref<128x128xf32, #tpu.memory_space<vmem>>) offsets(%dma_start3A_419 : memref<128xi32, #tpu.memory_space<vmem>>) semaphore(%arg22 : memref<!tpu.dma_semaphore, #tpu.memory_space<semaphore_mem>>)
        } else {
        }
      }
      %scan3A_108 = arith.constant 6 : i32
    } else {
    }
    %eq3A_93 = arith.constant 1 : i32
    %eq3A_94 = arith.cmpi eq, %arg0, %eq3A_93 : i32
    %convert_element_type3A_95 = arith.extui %eq3A_94 : i1 to i32
    %cond3A_96 = arith.constant 0 : i32
    %cond3A_97 = arith.cmpi ne, %convert_element_type3A_95, %cond3A_96 : i32
    scf.if %cond3A_97 {
      %scan3A_104 = arith.constant 0 : i32
      %scan3A_105 = arith.constant 6 : i32
      %scan3A_106 = arith.addi %scan3A_104, %scan3A_105 : i32
      %scan3A_107 = arith.constant 1 : i32
      scf.for %scan3A_109 = %scan3A_104 to %scan3A_106 step %scan3A_107  : i32 {
        %mul3A_110 = arith.constant 15 : i32
        %mul3A_111 = arith.muli %mul3A_110, %scan3A_109 : i32
        %add3A_112 = arith.constant 0 : i32
        %add3A_113 = arith.addi %mul3A_111, %add3A_112 : i32
        %lt3A_114 = arith.cmpi slt, %add3A_113, %add3A_5 : i32
        %convert_element_type3A_115 = arith.extui %lt3A_114 : i1 to i32
        %cond3A_116 = arith.constant 0 : i32
        %cond3A_117 = arith.cmpi ne, %convert_element_type3A_115, %cond3A_116 : i32
        scf.if %cond3A_117 {
          %dma_wait3A_410 = arith.constant 0 : i32
          %dma_wait3A_411 = arith.constant 0 : i32
          %dma_wait3A_412 = tpu.memref_slice %arg6[%dma_wait3A_410, %dma_wait3A_411] : memref<2x128xi32, #tpu.memory_space<vmem>> -> memref<1x128xi32, #tpu.memory_space<vmem>>
          %dma_wait3A_413 = tpu.memref_squeeze %dma_wait3A_412 : memref<1x128xi32, #tpu.memory_space<vmem>> -> memref<128xi32, #tpu.memory_space<vmem>>
          %dma_wait3A_414 = arith.constant 0 : i32
          %dma_wait3A_415 = arith.constant 0 : i32
          %dma_wait3A_416 = tpu.memref_slice %arg2[%dma_wait3A_414, %dma_wait3A_415] : memref<10000x128xf32, #tpu.memory_space<hbm>> -> memref<10000x128xf32, #tpu.memory_space<hbm>>
          tpu.wait_indirect_dma semaphore(%arg20 : memref<!tpu.dma_semaphore, #tpu.memory_space<semaphore_mem>>) src(%dma_wait3A_416 : memref<10000x128xf32, #tpu.memory_space<hbm>>) dst(%arg11 : memref<128x128xf32, #tpu.memory_space<vmem>>)
          %run_scoped3A = arith.constant 1 : i32
          "tpu.region"() ({
            %run_scoped3A_417 = tpu.sem_alloc : memref<!tpu.dma_semaphore, #tpu.memory_space<semaphore_mem>>
            %dma_start3A_418 = arith.constant 0 : i32
            %dma_start3A_419 = tpu.memref_slice %arg6[%run_scoped3A, %dma_start3A_418] : memref<2x128xi32, #tpu.memory_space<vmem>> -> memref<1x128xi32, #tpu.memory_space<vmem>>
            %dma_start3A_420 = tpu.memref_squeeze %dma_start3A_419 : memref<1x128xi32, #tpu.memory_space<vmem>> -> memref<128xi32, #tpu.memory_space<vmem>>
            %dma_start3A_421 = arith.constant 0 : i32
            %dma_start3A_422 = arith.constant 0 : i32
            %dma_start3A_423 = tpu.memref_slice %arg14[%dma_start3A_421, %dma_start3A_422] : memref<10000x128xf32, #tpu.memory_space<vmem_shared>> -> memref<10000x128xf32, #tpu.memory_space<vmem_shared>>
            tpu.enqueue_indirect_dma source(%arg11 : memref<128x128xf32, #tpu.memory_space<vmem>>) target(%dma_start3A_423 : memref<10000x128xf32, #tpu.memory_space<vmem_shared>>) offsets(%dma_start3A_420 : memref<128xi32, #tpu.memory_space<vmem>>) semaphore(%run_scoped3A_417 : memref<!tpu.dma_semaphore, #tpu.memory_space<semaphore_mem>>) {add = true}
            %dma_wait3A_424 = arith.constant 0 : i32
            %dma_wait3A_425 = tpu.memref_slice %arg6[%run_scoped3A, %dma_wait3A_424] : memref<2x128xi32, #tpu.memory_space<vmem>> -> memref<1x128xi32, #tpu.memory_space<vmem>>
            %dma_wait3A_426 = tpu.memref_squeeze %dma_wait3A_425 : memref<1x128xi32, #tpu.memory_space<vmem>> -> memref<128xi32, #tpu.memory_space<vmem>>
            %dma_wait3A_427 = arith.constant 0 : i32
            %dma_wait3A_428 = arith.constant 0 : i32
            %dma_wait3A_429 = tpu.memref_slice %arg14[%dma_wait3A_427, %dma_wait3A_428] : memref<10000x128xf32, #tpu.memory_space<vmem_shared>> -> memref<10000x128xf32, #tpu.memory_space<vmem_shared>>
            tpu.wait_indirect_dma semaphore(%run_scoped3A_417 : memref<!tpu.dma_semaphore, #tpu.memory_space<semaphore_mem>>) src(%arg11 : memref<128x128xf32, #tpu.memory_space<vmem>>) dst(%dma_wait3A_429 : memref<10000x128xf32, #tpu.memory_space<vmem_shared>>)
            tpu.yield
          }) : () -> ()
        } else {
        }
        %add3A_118 = arith.constant 5 : i32
        %add3A_119 = arith.addi %add3A_113, %add3A_118 : i32
        %lt3A_120 = arith.cmpi slt, %add3A_119, %add3A_5 : i32
        %convert_element_type3A_121 = arith.extui %lt3A_120 : i1 to i32
        %cond3A_122 = arith.constant 0 : i32
        %cond3A_123 = arith.cmpi ne, %convert_element_type3A_121, %cond3A_122 : i32
        scf.if %cond3A_123 {
          %add3A_410 = arith.constant 5 : i32
          %add3A_411 = arith.addi %add3A_113, %add3A_410 : i32
          %add3A_412 = arith.addi %add3A, %add3A_411 : i32
          %mul3A_413 = arith.constant 128 : i32
          %mul3A_414 = arith.muli %add3A_412, %mul3A_413 : i32
          %dma_start3A_415 = arith.constant 0 : i32
          %dma_start3A_416 = tpu.memref_slice %arg4[%dma_start3A_415, %mul3A_414] : memref<2x160000xi32, #tpu.memory_space<hbm>> -> memref<2x128xi32, #tpu.memory_space<hbm>>
          %dma_start3A_417 = arith.constant 0 : i32
          %dma_start3A_418 = tpu.memref_slice %arg4[%dma_start3A_417, %mul3A_414] : memref<2x160000xi32, #tpu.memory_space<hbm>> -> memref<2x128xi32, #tpu.memory_space<hbm>>
          tpu.enqueue_dma source(%dma_start3A_418 : memref<2x128xi32, #tpu.memory_space<hbm>>) target(%arg6 : memref<2x128xi32, #tpu.memory_space<vmem>>) target_semaphore(%arg15 : memref<!tpu.dma_semaphore, #tpu.memory_space<semaphore_mem>>)
        } else {
        }
        %add3A_124 = arith.constant 3 : i32
        %add3A_125 = arith.addi %add3A_113, %add3A_124 : i32
        %lt3A_126 = arith.cmpi slt, %add3A_125, %add3A_5 : i32
        %convert_element_type3A_127 = arith.extui %lt3A_126 : i1 to i32
        %cond3A_128 = arith.constant 0 : i32
        %cond3A_129 = arith.cmpi ne, %convert_element_type3A_127, %cond3A_128 : i32
        scf.if %cond3A_129 {
          %dma_wait3A_410 = arith.constant 0 : i32
          %dma_wait3A_411 = arith.constant 0 : i32
          %dma_wait3A_412 = tpu.memref_slice %arg4[%dma_wait3A_410, %dma_wait3A_411] : memref<2x160000xi32, #tpu.memory_space<hbm>> -> memref<2x128xi32, #tpu.memory_space<hbm>>
          %dma_wait3A_413 = arith.constant 0 : i32
          %dma_wait3A_414 = arith.constant 0 : i32
          %dma_wait3A_415 = tpu.memref_slice %arg4[%dma_wait3A_413, %dma_wait3A_414] : memref<2x160000xi32, #tpu.memory_space<hbm>> -> memref<2x128xi32, #tpu.memory_space<hbm>>
          tpu.wait_dma2 semaphore(%arg18 : memref<!tpu.dma_semaphore, #tpu.memory_space<semaphore_mem>>) src(%dma_wait3A_415 : memref<2x128xi32, #tpu.memory_space<hbm>>) dst(%arg9 : memref<2x128xi32, #tpu.memory_space<vmem>>)
          %dma_start3A_416 = arith.constant 0 : i32
          %dma_start3A_417 = arith.constant 0 : i32
          %dma_start3A_418 = tpu.memref_slice %arg9[%dma_start3A_416, %dma_start3A_417] : memref<2x128xi32, #tpu.memory_space<vmem>> -> memref<1x128xi32, #tpu.memory_space<vmem>>
          %dma_start3A_419 = tpu.memref_squeeze %dma_start3A_418 : memref<1x128xi32, #tpu.memory_space<vmem>> -> memref<128xi32, #tpu.memory_space<vmem>>
          %dma_start3A_420 = arith.constant 0 : i32
          %dma_start3A_421 = arith.constant 0 : i32
          %dma_start3A_422 = tpu.memref_slice %arg2[%dma_start3A_420, %dma_start3A_421] : memref<10000x128xf32, #tpu.memory_space<hbm>> -> memref<10000x128xf32, #tpu.memory_space<hbm>>
          tpu.enqueue_indirect_dma source(%dma_start3A_422 : memref<10000x128xf32, #tpu.memory_space<hbm>>) target(%arg11 : memref<128x128xf32, #tpu.memory_space<vmem>>) offsets(%dma_start3A_419 : memref<128xi32, #tpu.memory_space<vmem>>) semaphore(%arg20 : memref<!tpu.dma_semaphore, #tpu.memory_space<semaphore_mem>>)
        } else {
        }
        %mul3A_130 = arith.constant 15 : i32
        %mul3A_131 = arith.muli %mul3A_130, %scan3A_109 : i32
        %add3A_132 = arith.constant 1 : i32
        %add3A_133 = arith.addi %mul3A_131, %add3A_132 : i32
        %lt3A_134 = arith.cmpi slt, %add3A_133, %add3A_5 : i32
        %convert_element_type3A_135 = arith.extui %lt3A_134 : i1 to i32
        %cond3A_136 = arith.constant 0 : i32
        %cond3A_137 = arith.cmpi ne, %convert_element_type3A_135, %cond3A_136 : i32
        scf.if %cond3A_137 {
          %dma_wait3A_410 = arith.constant 0 : i32
          %dma_wait3A_411 = arith.constant 0 : i32
          %dma_wait3A_412 = tpu.memref_slice %arg7[%dma_wait3A_410, %dma_wait3A_411] : memref<2x128xi32, #tpu.memory_space<vmem>> -> memref<1x128xi32, #tpu.memory_space<vmem>>
          %dma_wait3A_413 = tpu.memref_squeeze %dma_wait3A_412 : memref<1x128xi32, #tpu.memory_space<vmem>> -> memref<128xi32, #tpu.memory_space<vmem>>
          %dma_wait3A_414 = arith.constant 0 : i32
          %dma_wait3A_415 = arith.constant 0 : i32
          %dma_wait3A_416 = tpu.memref_slice %arg2[%dma_wait3A_414, %dma_wait3A_415] : memref<10000x128xf32, #tpu.memory_space<hbm>> -> memref<10000x128xf32, #tpu.memory_space<hbm>>
          tpu.wait_indirect_dma semaphore(%arg21 : memref<!tpu.dma_semaphore, #tpu.memory_space<semaphore_mem>>) src(%dma_wait3A_416 : memref<10000x128xf32, #tpu.memory_space<hbm>>) dst(%arg12 : memref<128x128xf32, #tpu.memory_space<vmem>>)
          %run_scoped3A = arith.constant 1 : i32
          "tpu.region"() ({
            %run_scoped3A_417 = tpu.sem_alloc : memref<!tpu.dma_semaphore, #tpu.memory_space<semaphore_mem>>
            %dma_start3A_418 = arith.constant 0 : i32
            %dma_start3A_419 = tpu.memref_slice %arg7[%run_scoped3A, %dma_start3A_418] : memref<2x128xi32, #tpu.memory_space<vmem>> -> memref<1x128xi32, #tpu.memory_space<vmem>>
            %dma_start3A_420 = tpu.memref_squeeze %dma_start3A_419 : memref<1x128xi32, #tpu.memory_space<vmem>> -> memref<128xi32, #tpu.memory_space<vmem>>
            %dma_start3A_421 = arith.constant 0 : i32
            %dma_start3A_422 = arith.constant 0 : i32
            %dma_start3A_423 = tpu.memref_slice %arg14[%dma_start3A_421, %dma_start3A_422] : memref<10000x128xf32, #tpu.memory_space<vmem_shared>> -> memref<10000x128xf32, #tpu.memory_space<vmem_shared>>
            tpu.enqueue_indirect_dma source(%arg12 : memref<128x128xf32, #tpu.memory_space<vmem>>) target(%dma_start3A_423 : memref<10000x128xf32, #tpu.memory_space<vmem_shared>>) offsets(%dma_start3A_420 : memref<128xi32, #tpu.memory_space<vmem>>) semaphore(%run_scoped3A_417 : memref<!tpu.dma_semaphore, #tpu.memory_space<semaphore_mem>>) {add = true}
            %dma_wait3A_424 = arith.constant 0 : i32
            %dma_wait3A_425 = tpu.memref_slice %arg7[%run_scoped3A, %dma_wait3A_424] : memref<2x128xi32, #tpu.memory_space<vmem>> -> memref<1x128xi32, #tpu.memory_space<vmem>>
            %dma_wait3A_426 = tpu.memref_squeeze %dma_wait3A_425 : memref<1x128xi32, #tpu.memory_space<vmem>> -> memref<128xi32, #tpu.memory_space<vmem>>
            %dma_wait3A_427 = arith.constant 0 : i32
            %dma_wait3A_428 = arith.constant 0 : i32
            %dma_wait3A_429 = tpu.memref_slice %arg14[%dma_wait3A_427, %dma_wait3A_428] : memref<10000x128xf32, #tpu.memory_space<vmem_shared>> -> memref<10000x128xf32, #tpu.memory_space<vmem_shared>>
            tpu.wait_indirect_dma semaphore(%run_scoped3A_417 : memref<!tpu.dma_semaphore, #tpu.memory_space<semaphore_mem>>) src(%arg12 : memref<128x128xf32, #tpu.memory_space<vmem>>) dst(%dma_wait3A_429 : memref<10000x128xf32, #tpu.memory_space<vmem_shared>>)
            tpu.yield
          }) : () -> ()
        } else {
        }
        %add3A_138 = arith.constant 5 : i32
        %add3A_139 = arith.addi %add3A_133, %add3A_138 : i32
        %lt3A_140 = arith.cmpi slt, %add3A_139, %add3A_5 : i32
        %convert_element_type3A_141 = arith.extui %lt3A_140 : i1 to i32
        %cond3A_142 = arith.constant 0 : i32
        %cond3A_143 = arith.cmpi ne, %convert_element_type3A_141, %cond3A_142 : i32
        scf.if %cond3A_143 {
          %add3A_410 = arith.constant 5 : i32
          %add3A_411 = arith.addi %add3A_133, %add3A_410 : i32
          %add3A_412 = arith.addi %add3A, %add3A_411 : i32
          %mul3A_413 = arith.constant 128 : i32
          %mul3A_414 = arith.muli %add3A_412, %mul3A_413 : i32
          %dma_start3A_415 = arith.constant 0 : i32
          %dma_start3A_416 = tpu.memref_slice %arg4[%dma_start3A_415, %mul3A_414] : memref<2x160000xi32, #tpu.memory_space<hbm>> -> memref<2x128xi32, #tpu.memory_space<hbm>>
          %dma_start3A_417 = arith.constant 0 : i32
          %dma_start3A_418 = tpu.memref_slice %arg4[%dma_start3A_417, %mul3A_414] : memref<2x160000xi32, #tpu.memory_space<hbm>> -> memref<2x128xi32, #tpu.memory_space<hbm>>
          tpu.enqueue_dma source(%dma_start3A_418 : memref<2x128xi32, #tpu.memory_space<hbm>>) target(%arg7 : memref<2x128xi32, #tpu.memory_space<vmem>>) target_semaphore(%arg16 : memref<!tpu.dma_semaphore, #tpu.memory_space<semaphore_mem>>)
        } else {
        }
        %add3A_144 = arith.constant 3 : i32
        %add3A_145 = arith.addi %add3A_133, %add3A_144 : i32
        %lt3A_146 = arith.cmpi slt, %add3A_145, %add3A_5 : i32
        %convert_element_type3A_147 = arith.extui %lt3A_146 : i1 to i32
        %cond3A_148 = arith.constant 0 : i32
        %cond3A_149 = arith.cmpi ne, %convert_element_type3A_147, %cond3A_148 : i32
        scf.if %cond3A_149 {
          %dma_wait3A_410 = arith.constant 0 : i32
          %dma_wait3A_411 = arith.constant 0 : i32
          %dma_wait3A_412 = tpu.memref_slice %arg4[%dma_wait3A_410, %dma_wait3A_411] : memref<2x160000xi32, #tpu.memory_space<hbm>> -> memref<2x128xi32, #tpu.memory_space<hbm>>
          %dma_wait3A_413 = arith.constant 0 : i32
          %dma_wait3A_414 = arith.constant 0 : i32
          %dma_wait3A_415 = tpu.memref_slice %arg4[%dma_wait3A_413, %dma_wait3A_414] : memref<2x160000xi32, #tpu.memory_space<hbm>> -> memref<2x128xi32, #tpu.memory_space<hbm>>
          tpu.wait_dma2 semaphore(%arg19 : memref<!tpu.dma_semaphore, #tpu.memory_space<semaphore_mem>>) src(%dma_wait3A_415 : memref<2x128xi32, #tpu.memory_space<hbm>>) dst(%arg10 : memref<2x128xi32, #tpu.memory_space<vmem>>)
          %dma_start3A_416 = arith.constant 0 : i32
          %dma_start3A_417 = arith.constant 0 : i32
          %dma_start3A_418 = tpu.memref_slice %arg10[%dma_start3A_416, %dma_start3A_417] : memref<2x128xi32, #tpu.memory_space<vmem>> -> memref<1x128xi32, #tpu.memory_space<vmem>>
          %dma_start3A_419 = tpu.memref_squeeze %dma_start3A_418 : memref<1x128xi32, #tpu.memory_space<vmem>> -> memref<128xi32, #tpu.memory_space<vmem>>
          %dma_start3A_420 = arith.constant 0 : i32
          %dma_start3A_421 = arith.constant 0 : i32
          %dma_start3A_422 = tpu.memref_slice %arg2[%dma_start3A_420, %dma_start3A_421] : memref<10000x128xf32, #tpu.memory_space<hbm>> -> memref<10000x128xf32, #tpu.memory_space<hbm>>
          tpu.enqueue_indirect_dma source(%dma_start3A_422 : memref<10000x128xf32, #tpu.memory_space<hbm>>) target(%arg12 : memref<128x128xf32, #tpu.memory_space<vmem>>) offsets(%dma_start3A_419 : memref<128xi32, #tpu.memory_space<vmem>>) semaphore(%arg21 : memref<!tpu.dma_semaphore, #tpu.memory_space<semaphore_mem>>)
        } else {
        }
        %mul3A_150 = arith.constant 15 : i32
        %mul3A_151 = arith.muli %mul3A_150, %scan3A_109 : i32
        %add3A_152 = arith.constant 2 : i32
        %add3A_153 = arith.addi %mul3A_151, %add3A_152 : i32
        %lt3A_154 = arith.cmpi slt, %add3A_153, %add3A_5 : i32
        %convert_element_type3A_155 = arith.extui %lt3A_154 : i1 to i32
        %cond3A_156 = arith.constant 0 : i32
        %cond3A_157 = arith.cmpi ne, %convert_element_type3A_155, %cond3A_156 : i32
        scf.if %cond3A_157 {
          %dma_wait3A_410 = arith.constant 0 : i32
          %dma_wait3A_411 = arith.constant 0 : i32
          %dma_wait3A_412 = tpu.memref_slice %arg8[%dma_wait3A_410, %dma_wait3A_411] : memref<2x128xi32, #tpu.memory_space<vmem>> -> memref<1x128xi32, #tpu.memory_space<vmem>>
          %dma_wait3A_413 = tpu.memref_squeeze %dma_wait3A_412 : memref<1x128xi32, #tpu.memory_space<vmem>> -> memref<128xi32, #tpu.memory_space<vmem>>
          %dma_wait3A_414 = arith.constant 0 : i32
          %dma_wait3A_415 = arith.constant 0 : i32
          %dma_wait3A_416 = tpu.memref_slice %arg2[%dma_wait3A_414, %dma_wait3A_415] : memref<10000x128xf32, #tpu.memory_space<hbm>> -> memref<10000x128xf32, #tpu.memory_space<hbm>>
          tpu.wait_indirect_dma semaphore(%arg22 : memref<!tpu.dma_semaphore, #tpu.memory_space<semaphore_mem>>) src(%dma_wait3A_416 : memref<10000x128xf32, #tpu.memory_space<hbm>>) dst(%arg13 : memref<128x128xf32, #tpu.memory_space<vmem>>)
          %run_scoped3A = arith.constant 1 : i32
          "tpu.region"() ({
            %run_scoped3A_417 = tpu.sem_alloc : memref<!tpu.dma_semaphore, #tpu.memory_space<semaphore_mem>>
            %dma_start3A_418 = arith.constant 0 : i32
            %dma_start3A_419 = tpu.memref_slice %arg8[%run_scoped3A, %dma_start3A_418] : memref<2x128xi32, #tpu.memory_space<vmem>> -> memref<1x128xi32, #tpu.memory_space<vmem>>
            %dma_start3A_420 = tpu.memref_squeeze %dma_start3A_419 : memref<1x128xi32, #tpu.memory_space<vmem>> -> memref<128xi32, #tpu.memory_space<vmem>>
            %dma_start3A_421 = arith.constant 0 : i32
            %dma_start3A_422 = arith.constant 0 : i32
            %dma_start3A_423 = tpu.memref_slice %arg14[%dma_start3A_421, %dma_start3A_422] : memref<10000x128xf32, #tpu.memory_space<vmem_shared>> -> memref<10000x128xf32, #tpu.memory_space<vmem_shared>>
            tpu.enqueue_indirect_dma source(%arg13 : memref<128x128xf32, #tpu.memory_space<vmem>>) target(%dma_start3A_423 : memref<10000x128xf32, #tpu.memory_space<vmem_shared>>) offsets(%dma_start3A_420 : memref<128xi32, #tpu.memory_space<vmem>>) semaphore(%run_scoped3A_417 : memref<!tpu.dma_semaphore, #tpu.memory_space<semaphore_mem>>) {add = true}
            %dma_wait3A_424 = arith.constant 0 : i32
            %dma_wait3A_425 = tpu.memref_slice %arg8[%run_scoped3A, %dma_wait3A_424] : memref<2x128xi32, #tpu.memory_space<vmem>> -> memref<1x128xi32, #tpu.memory_space<vmem>>
            %dma_wait3A_426 = tpu.memref_squeeze %dma_wait3A_425 : memref<1x128xi32, #tpu.memory_space<vmem>> -> memref<128xi32, #tpu.memory_space<vmem>>
            %dma_wait3A_427 = arith.constant 0 : i32
            %dma_wait3A_428 = arith.constant 0 : i32
            %dma_wait3A_429 = tpu.memref_slice %arg14[%dma_wait3A_427, %dma_wait3A_428] : memref<10000x128xf32, #tpu.memory_space<vmem_shared>> -> memref<10000x128xf32, #tpu.memory_space<vmem_shared>>
            tpu.wait_indirect_dma semaphore(%run_scoped3A_417 : memref<!tpu.dma_semaphore, #tpu.memory_space<semaphore_mem>>) src(%arg13 : memref<128x128xf32, #tpu.memory_space<vmem>>) dst(%dma_wait3A_429 : memref<10000x128xf32, #tpu.memory_space<vmem_shared>>)
            tpu.yield
          }) : () -> ()
        } else {
        }
        %add3A_158 = arith.constant 5 : i32
        %add3A_159 = arith.addi %add3A_153, %add3A_158 : i32
        %lt3A_160 = arith.cmpi slt, %add3A_159, %add3A_5 : i32
        %convert_element_type3A_161 = arith.extui %lt3A_160 : i1 to i32
        %cond3A_162 = arith.constant 0 : i32
        %cond3A_163 = arith.cmpi ne, %convert_element_type3A_161, %cond3A_162 : i32
        scf.if %cond3A_163 {
          %add3A_410 = arith.constant 5 : i32
          %add3A_411 = arith.addi %add3A_153, %add3A_410 : i32
          %add3A_412 = arith.addi %add3A, %add3A_411 : i32
          %mul3A_413 = arith.constant 128 : i32
          %mul3A_414 = arith.muli %add3A_412, %mul3A_413 : i32
          %dma_start3A_415 = arith.constant 0 : i32
          %dma_start3A_416 = tpu.memref_slice %arg4[%dma_start3A_415, %mul3A_414] : memref<2x160000xi32, #tpu.memory_space<hbm>> -> memref<2x128xi32, #tpu.memory_space<hbm>>
          %dma_start3A_417 = arith.constant 0 : i32
          %dma_start3A_418 = tpu.memref_slice %arg4[%dma_start3A_417, %mul3A_414] : memref<2x160000xi32, #tpu.memory_space<hbm>> -> memref<2x128xi32, #tpu.memory_space<hbm>>
          tpu.enqueue_dma source(%dma_start3A_418 : memref<2x128xi32, #tpu.memory_space<hbm>>) target(%arg8 : memref<2x128xi32, #tpu.memory_space<vmem>>) target_semaphore(%arg17 : memref<!tpu.dma_semaphore, #tpu.memory_space<semaphore_mem>>)
        } else {
        }
        %add3A_164 = arith.constant 3 : i32
        %add3A_165 = arith.addi %add3A_153, %add3A_164 : i32
        %lt3A_166 = arith.cmpi slt, %add3A_165, %add3A_5 : i32
        %convert_element_type3A_167 = arith.extui %lt3A_166 : i1 to i32
        %cond3A_168 = arith.constant 0 : i32
        %cond3A_169 = arith.cmpi ne, %convert_element_type3A_167, %cond3A_168 : i32
        scf.if %cond3A_169 {
          %dma_wait3A_410 = arith.constant 0 : i32
          %dma_wait3A_411 = arith.constant 0 : i32
          %dma_wait3A_412 = tpu.memref_slice %arg4[%dma_wait3A_410, %dma_wait3A_411] : memref<2x160000xi32, #tpu.memory_space<hbm>> -> memref<2x128xi32, #tpu.memory_space<hbm>>
          %dma_wait3A_413 = arith.constant 0 : i32
          %dma_wait3A_414 = arith.constant 0 : i32
          %dma_wait3A_415 = tpu.memref_slice %arg4[%dma_wait3A_413, %dma_wait3A_414] : memref<2x160000xi32, #tpu.memory_space<hbm>> -> memref<2x128xi32, #tpu.memory_space<hbm>>
          tpu.wait_dma2 semaphore(%arg15 : memref<!tpu.dma_semaphore, #tpu.memory_space<semaphore_mem>>) src(%dma_wait3A_415 : memref<2x128xi32, #tpu.memory_space<hbm>>) dst(%arg6 : memref<2x128xi32, #tpu.memory_space<vmem>>)
          %dma_start3A_416 = arith.constant 0 : i32
          %dma_start3A_417 = arith.constant 0 : i32
          %dma_start3A_418 = tpu.memref_slice %arg6[%dma_start3A_416, %dma_start3A_417] : memref<2x128xi32, #tpu.memory_space<vmem>> -> memref<1x128xi32, #tpu.memory_space<vmem>>
          %dma_start3A_419 = tpu.memref_squeeze %dma_start3A_418 : memref<1x128xi32, #tpu.memory_space<vmem>> -> memref<128xi32, #tpu.memory_space<vmem>>
          %dma_start3A_420 = arith.constant 0 : i32
          %dma_start3A_421 = arith.constant 0 : i32
          %dma_start3A_422 = tpu.memref_slice %arg2[%dma_start3A_420, %dma_start3A_421] : memref<10000x128xf32, #tpu.memory_space<hbm>> -> memref<10000x128xf32, #tpu.memory_space<hbm>>
          tpu.enqueue_indirect_dma source(%dma_start3A_422 : memref<10000x128xf32, #tpu.memory_space<hbm>>) target(%arg13 : memref<128x128xf32, #tpu.memory_space<vmem>>) offsets(%dma_start3A_419 : memref<128xi32, #tpu.memory_space<vmem>>) semaphore(%arg22 : memref<!tpu.dma_semaphore, #tpu.memory_space<semaphore_mem>>)
        } else {
        }
        %mul3A_170 = arith.constant 15 : i32
        %mul3A_171 = arith.muli %mul3A_170, %scan3A_109 : i32
        %add3A_172 = arith.constant 3 : i32
        %add3A_173 = arith.addi %mul3A_171, %add3A_172 : i32
        %lt3A_174 = arith.cmpi slt, %add3A_173, %add3A_5 : i32
        %convert_element_type3A_175 = arith.extui %lt3A_174 : i1 to i32
        %cond3A_176 = arith.constant 0 : i32
        %cond3A_177 = arith.cmpi ne, %convert_element_type3A_175, %cond3A_176 : i32
        scf.if %cond3A_177 {
          %dma_wait3A_410 = arith.constant 0 : i32
          %dma_wait3A_411 = arith.constant 0 : i32
          %dma_wait3A_412 = tpu.memref_slice %arg9[%dma_wait3A_410, %dma_wait3A_411] : memref<2x128xi32, #tpu.memory_space<vmem>> -> memref<1x128xi32, #tpu.memory_space<vmem>>
          %dma_wait3A_413 = tpu.memref_squeeze %dma_wait3A_412 : memref<1x128xi32, #tpu.memory_space<vmem>> -> memref<128xi32, #tpu.memory_space<vmem>>
          %dma_wait3A_414 = arith.constant 0 : i32
          %dma_wait3A_415 = arith.constant 0 : i32
          %dma_wait3A_416 = tpu.memref_slice %arg2[%dma_wait3A_414, %dma_wait3A_415] : memref<10000x128xf32, #tpu.memory_space<hbm>> -> memref<10000x128xf32, #tpu.memory_space<hbm>>
          tpu.wait_indirect_dma semaphore(%arg20 : memref<!tpu.dma_semaphore, #tpu.memory_space<semaphore_mem>>) src(%dma_wait3A_416 : memref<10000x128xf32, #tpu.memory_space<hbm>>) dst(%arg11 : memref<128x128xf32, #tpu.memory_space<vmem>>)
          %run_scoped3A = arith.constant 1 : i32
          "tpu.region"() ({
            %run_scoped3A_417 = tpu.sem_alloc : memref<!tpu.dma_semaphore, #tpu.memory_space<semaphore_mem>>
            %dma_start3A_418 = arith.constant 0 : i32
            %dma_start3A_419 = tpu.memref_slice %arg9[%run_scoped3A, %dma_start3A_418] : memref<2x128xi32, #tpu.memory_space<vmem>> -> memref<1x128xi32, #tpu.memory_space<vmem>>
            %dma_start3A_420 = tpu.memref_squeeze %dma_start3A_419 : memref<1x128xi32, #tpu.memory_space<vmem>> -> memref<128xi32, #tpu.memory_space<vmem>>
            %dma_start3A_421 = arith.constant 0 : i32
            %dma_start3A_422 = arith.constant 0 : i32
            %dma_start3A_423 = tpu.memref_slice %arg14[%dma_start3A_421, %dma_start3A_422] : memref<10000x128xf32, #tpu.memory_space<vmem_shared>> -> memref<10000x128xf32, #tpu.memory_space<vmem_shared>>
            tpu.enqueue_indirect_dma source(%arg11 : memref<128x128xf32, #tpu.memory_space<vmem>>) target(%dma_start3A_423 : memref<10000x128xf32, #tpu.memory_space<vmem_shared>>) offsets(%dma_start3A_420 : memref<128xi32, #tpu.memory_space<vmem>>) semaphore(%run_scoped3A_417 : memref<!tpu.dma_semaphore, #tpu.memory_space<semaphore_mem>>) {add = true}
            %dma_wait3A_424 = arith.constant 0 : i32
            %dma_wait3A_425 = tpu.memref_slice %arg9[%run_scoped3A, %dma_wait3A_424] : memref<2x128xi32, #tpu.memory_space<vmem>> -> memref<1x128xi32, #tpu.memory_space<vmem>>
            %dma_wait3A_426 = tpu.memref_squeeze %dma_wait3A_425 : memref<1x128xi32, #tpu.memory_space<vmem>> -> memref<128xi32, #tpu.memory_space<vmem>>
            %dma_wait3A_427 = arith.constant 0 : i32
            %dma_wait3A_428 = arith.constant 0 : i32
            %dma_wait3A_429 = tpu.memref_slice %arg14[%dma_wait3A_427, %dma_wait3A_428] : memref<10000x128xf32, #tpu.memory_space<vmem_shared>> -> memref<10000x128xf32, #tpu.memory_space<vmem_shared>>
            tpu.wait_indirect_dma semaphore(%run_scoped3A_417 : memref<!tpu.dma_semaphore, #tpu.memory_space<semaphore_mem>>) src(%arg11 : memref<128x128xf32, #tpu.memory_space<vmem>>) dst(%dma_wait3A_429 : memref<10000x128xf32, #tpu.memory_space<vmem_shared>>)
            tpu.yield
          }) : () -> ()
        } else {
        }
        %add3A_178 = arith.constant 5 : i32
        %add3A_179 = arith.addi %add3A_173, %add3A_178 : i32
        %lt3A_180 = arith.cmpi slt, %add3A_179, %add3A_5 : i32
        %convert_element_type3A_181 = arith.extui %lt3A_180 : i1 to i32
        %cond3A_182 = arith.constant 0 : i32
        %cond3A_183 = arith.cmpi ne, %convert_element_type3A_181, %cond3A_182 : i32
        scf.if %cond3A_183 {
          %add3A_410 = arith.constant 5 : i32
          %add3A_411 = arith.addi %add3A_173, %add3A_410 : i32
          %add3A_412 = arith.addi %add3A, %add3A_411 : i32
          %mul3A_413 = arith.constant 128 : i32
          %mul3A_414 = arith.muli %add3A_412, %mul3A_413 : i32
          %dma_start3A_415 = arith.constant 0 : i32
          %dma_start3A_416 = tpu.memref_slice %arg4[%dma_start3A_415, %mul3A_414] : memref<2x160000xi32, #tpu.memory_space<hbm>> -> memref<2x128xi32, #tpu.memory_space<hbm>>
          %dma_start3A_417 = arith.constant 0 : i32
          %dma_start3A_418 = tpu.memref_slice %arg4[%dma_start3A_417, %mul3A_414] : memref<2x160000xi32, #tpu.memory_space<hbm>> -> memref<2x128xi32, #tpu.memory_space<hbm>>
          tpu.enqueue_dma source(%dma_start3A_418 : memref<2x128xi32, #tpu.memory_space<hbm>>) target(%arg9 : memref<2x128xi32, #tpu.memory_space<vmem>>) target_semaphore(%arg18 : memref<!tpu.dma_semaphore, #tpu.memory_space<semaphore_mem>>)
        } else {
        }
        %add3A_184 = arith.constant 3 : i32
        %add3A_185 = arith.addi %add3A_173, %add3A_184 : i32
        %lt3A_186 = arith.cmpi slt, %add3A_185, %add3A_5 : i32
        %convert_element_type3A_187 = arith.extui %lt3A_186 : i1 to i32
        %cond3A_188 = arith.constant 0 : i32
        %cond3A_189 = arith.cmpi ne, %convert_element_type3A_187, %cond3A_188 : i32
        scf.if %cond3A_189 {
          %dma_wait3A_410 = arith.constant 0 : i32
          %dma_wait3A_411 = arith.constant 0 : i32
          %dma_wait3A_412 = tpu.memref_slice %arg4[%dma_wait3A_410, %dma_wait3A_411] : memref<2x160000xi32, #tpu.memory_space<hbm>> -> memref<2x128xi32, #tpu.memory_space<hbm>>
          %dma_wait3A_413 = arith.constant 0 : i32
          %dma_wait3A_414 = arith.constant 0 : i32
          %dma_wait3A_415 = tpu.memref_slice %arg4[%dma_wait3A_413, %dma_wait3A_414] : memref<2x160000xi32, #tpu.memory_space<hbm>> -> memref<2x128xi32, #tpu.memory_space<hbm>>
          tpu.wait_dma2 semaphore(%arg16 : memref<!tpu.dma_semaphore, #tpu.memory_space<semaphore_mem>>) src(%dma_wait3A_415 : memref<2x128xi32, #tpu.memory_space<hbm>>) dst(%arg7 : memref<2x128xi32, #tpu.memory_space<vmem>>)
          %dma_start3A_416 = arith.constant 0 : i32
          %dma_start3A_417 = arith.constant 0 : i32
          %dma_start3A_418 = tpu.memref_slice %arg7[%dma_start3A_416, %dma_start3A_417] : memref<2x128xi32, #tpu.memory_space<vmem>> -> memref<1x128xi32, #tpu.memory_space<vmem>>
          %dma_start3A_419 = tpu.memref_squeeze %dma_start3A_418 : memref<1x128xi32, #tpu.memory_space<vmem>> -> memref<128xi32, #tpu.memory_space<vmem>>
          %dma_start3A_420 = arith.constant 0 : i32
          %dma_start3A_421 = arith.constant 0 : i32
          %dma_start3A_422 = tpu.memref_slice %arg2[%dma_start3A_420, %dma_start3A_421] : memref<10000x128xf32, #tpu.memory_space<hbm>> -> memref<10000x128xf32, #tpu.memory_space<hbm>>
          tpu.enqueue_indirect_dma source(%dma_start3A_422 : memref<10000x128xf32, #tpu.memory_space<hbm>>) target(%arg11 : memref<128x128xf32, #tpu.memory_space<vmem>>) offsets(%dma_start3A_419 : memref<128xi32, #tpu.memory_space<vmem>>) semaphore(%arg20 : memref<!tpu.dma_semaphore, #tpu.memory_space<semaphore_mem>>)
        } else {
        }
        %mul3A_190 = arith.constant 15 : i32
        %mul3A_191 = arith.muli %mul3A_190, %scan3A_109 : i32
        %add3A_192 = arith.constant 4 : i32
        %add3A_193 = arith.addi %mul3A_191, %add3A_192 : i32
        %lt3A_194 = arith.cmpi slt, %add3A_193, %add3A_5 : i32
        %convert_element_type3A_195 = arith.extui %lt3A_194 : i1 to i32
        %cond3A_196 = arith.constant 0 : i32
        %cond3A_197 = arith.cmpi ne, %convert_element_type3A_195, %cond3A_196 : i32
        scf.if %cond3A_197 {
          %dma_wait3A_410 = arith.constant 0 : i32
          %dma_wait3A_411 = arith.constant 0 : i32
          %dma_wait3A_412 = tpu.memref_slice %arg10[%dma_wait3A_410, %dma_wait3A_411] : memref<2x128xi32, #tpu.memory_space<vmem>> -> memref<1x128xi32, #tpu.memory_space<vmem>>
          %dma_wait3A_413 = tpu.memref_squeeze %dma_wait3A_412 : memref<1x128xi32, #tpu.memory_space<vmem>> -> memref<128xi32, #tpu.memory_space<vmem>>
          %dma_wait3A_414 = arith.constant 0 : i32
          %dma_wait3A_415 = arith.constant 0 : i32
          %dma_wait3A_416 = tpu.memref_slice %arg2[%dma_wait3A_414, %dma_wait3A_415] : memref<10000x128xf32, #tpu.memory_space<hbm>> -> memref<10000x128xf32, #tpu.memory_space<hbm>>
          tpu.wait_indirect_dma semaphore(%arg21 : memref<!tpu.dma_semaphore, #tpu.memory_space<semaphore_mem>>) src(%dma_wait3A_416 : memref<10000x128xf32, #tpu.memory_space<hbm>>) dst(%arg12 : memref<128x128xf32, #tpu.memory_space<vmem>>)
          %run_scoped3A = arith.constant 1 : i32
          "tpu.region"() ({
            %run_scoped3A_417 = tpu.sem_alloc : memref<!tpu.dma_semaphore, #tpu.memory_space<semaphore_mem>>
            %dma_start3A_418 = arith.constant 0 : i32
            %dma_start3A_419 = tpu.memref_slice %arg10[%run_scoped3A, %dma_start3A_418] : memref<2x128xi32, #tpu.memory_space<vmem>> -> memref<1x128xi32, #tpu.memory_space<vmem>>
            %dma_start3A_420 = tpu.memref_squeeze %dma_start3A_419 : memref<1x128xi32, #tpu.memory_space<vmem>> -> memref<128xi32, #tpu.memory_space<vmem>>
            %dma_start3A_421 = arith.constant 0 : i32
            %dma_start3A_422 = arith.constant 0 : i32
            %dma_start3A_423 = tpu.memref_slice %arg14[%dma_start3A_421, %dma_start3A_422] : memref<10000x128xf32, #tpu.memory_space<vmem_shared>> -> memref<10000x128xf32, #tpu.memory_space<vmem_shared>>
            tpu.enqueue_indirect_dma source(%arg12 : memref<128x128xf32, #tpu.memory_space<vmem>>) target(%dma_start3A_423 : memref<10000x128xf32, #tpu.memory_space<vmem_shared>>) offsets(%dma_start3A_420 : memref<128xi32, #tpu.memory_space<vmem>>) semaphore(%run_scoped3A_417 : memref<!tpu.dma_semaphore, #tpu.memory_space<semaphore_mem>>) {add = true}
            %dma_wait3A_424 = arith.constant 0 : i32
            %dma_wait3A_425 = tpu.memref_slice %arg10[%run_scoped3A, %dma_wait3A_424] : memref<2x128xi32, #tpu.memory_space<vmem>> -> memref<1x128xi32, #tpu.memory_space<vmem>>
            %dma_wait3A_426 = tpu.memref_squeeze %dma_wait3A_425 : memref<1x128xi32, #tpu.memory_space<vmem>> -> memref<128xi32, #tpu.memory_space<vmem>>
            %dma_wait3A_427 = arith.constant 0 : i32
            %dma_wait3A_428 = arith.constant 0 : i32
            %dma_wait3A_429 = tpu.memref_slice %arg14[%dma_wait3A_427, %dma_wait3A_428] : memref<10000x128xf32, #tpu.memory_space<vmem_shared>> -> memref<10000x128xf32, #tpu.memory_space<vmem_shared>>
            tpu.wait_indirect_dma semaphore(%run_scoped3A_417 : memref<!tpu.dma_semaphore, #tpu.memory_space<semaphore_mem>>) src(%arg12 : memref<128x128xf32, #tpu.memory_space<vmem>>) dst(%dma_wait3A_429 : memref<10000x128xf32, #tpu.memory_space<vmem_shared>>)
            tpu.yield
          }) : () -> ()
        } else {
        }
        %add3A_198 = arith.constant 5 : i32
        %add3A_199 = arith.addi %add3A_193, %add3A_198 : i32
        %lt3A_200 = arith.cmpi slt, %add3A_199, %add3A_5 : i32
        %convert_element_type3A_201 = arith.extui %lt3A_200 : i1 to i32
        %cond3A_202 = arith.constant 0 : i32
        %cond3A_203 = arith.cmpi ne, %convert_element_type3A_201, %cond3A_202 : i32
        scf.if %cond3A_203 {
          %add3A_410 = arith.constant 5 : i32
          %add3A_411 = arith.addi %add3A_193, %add3A_410 : i32
          %add3A_412 = arith.addi %add3A, %add3A_411 : i32
          %mul3A_413 = arith.constant 128 : i32
          %mul3A_414 = arith.muli %add3A_412, %mul3A_413 : i32
          %dma_start3A_415 = arith.constant 0 : i32
          %dma_start3A_416 = tpu.memref_slice %arg4[%dma_start3A_415, %mul3A_414] : memref<2x160000xi32, #tpu.memory_space<hbm>> -> memref<2x128xi32, #tpu.memory_space<hbm>>
          %dma_start3A_417 = arith.constant 0 : i32
          %dma_start3A_418 = tpu.memref_slice %arg4[%dma_start3A_417, %mul3A_414] : memref<2x160000xi32, #tpu.memory_space<hbm>> -> memref<2x128xi32, #tpu.memory_space<hbm>>
          tpu.enqueue_dma source(%dma_start3A_418 : memref<2x128xi32, #tpu.memory_space<hbm>>) target(%arg10 : memref<2x128xi32, #tpu.memory_space<vmem>>) target_semaphore(%arg19 : memref<!tpu.dma_semaphore, #tpu.memory_space<semaphore_mem>>)
        } else {
        }
        %add3A_204 = arith.constant 3 : i32
        %add3A_205 = arith.addi %add3A_193, %add3A_204 : i32
        %lt3A_206 = arith.cmpi slt, %add3A_205, %add3A_5 : i32
        %convert_element_type3A_207 = arith.extui %lt3A_206 : i1 to i32
        %cond3A_208 = arith.constant 0 : i32
        %cond3A_209 = arith.cmpi ne, %convert_element_type3A_207, %cond3A_208 : i32
        scf.if %cond3A_209 {
          %dma_wait3A_410 = arith.constant 0 : i32
          %dma_wait3A_411 = arith.constant 0 : i32
          %dma_wait3A_412 = tpu.memref_slice %arg4[%dma_wait3A_410, %dma_wait3A_411] : memref<2x160000xi32, #tpu.memory_space<hbm>> -> memref<2x128xi32, #tpu.memory_space<hbm>>
          %dma_wait3A_413 = arith.constant 0 : i32
          %dma_wait3A_414 = arith.constant 0 : i32
          %dma_wait3A_415 = tpu.memref_slice %arg4[%dma_wait3A_413, %dma_wait3A_414] : memref<2x160000xi32, #tpu.memory_space<hbm>> -> memref<2x128xi32, #tpu.memory_space<hbm>>
          tpu.wait_dma2 semaphore(%arg17 : memref<!tpu.dma_semaphore, #tpu.memory_space<semaphore_mem>>) src(%dma_wait3A_415 : memref<2x128xi32, #tpu.memory_space<hbm>>) dst(%arg8 : memref<2x128xi32, #tpu.memory_space<vmem>>)
          %dma_start3A_416 = arith.constant 0 : i32
          %dma_start3A_417 = arith.constant 0 : i32
          %dma_start3A_418 = tpu.memref_slice %arg8[%dma_start3A_416, %dma_start3A_417] : memref<2x128xi32, #tpu.memory_space<vmem>> -> memref<1x128xi32, #tpu.memory_space<vmem>>
          %dma_start3A_419 = tpu.memref_squeeze %dma_start3A_418 : memref<1x128xi32, #tpu.memory_space<vmem>> -> memref<128xi32, #tpu.memory_space<vmem>>
          %dma_start3A_420 = arith.constant 0 : i32
          %dma_start3A_421 = arith.constant 0 : i32
          %dma_start3A_422 = tpu.memref_slice %arg2[%dma_start3A_420, %dma_start3A_421] : memref<10000x128xf32, #tpu.memory_space<hbm>> -> memref<10000x128xf32, #tpu.memory_space<hbm>>
          tpu.enqueue_indirect_dma source(%dma_start3A_422 : memref<10000x128xf32, #tpu.memory_space<hbm>>) target(%arg12 : memref<128x128xf32, #tpu.memory_space<vmem>>) offsets(%dma_start3A_419 : memref<128xi32, #tpu.memory_space<vmem>>) semaphore(%arg21 : memref<!tpu.dma_semaphore, #tpu.memory_space<semaphore_mem>>)
        } else {
        }
        %mul3A_210 = arith.constant 15 : i32
        %mul3A_211 = arith.muli %mul3A_210, %scan3A_109 : i32
        %add3A_212 = arith.constant 5 : i32
        %add3A_213 = arith.addi %mul3A_211, %add3A_212 : i32
        %lt3A_214 = arith.cmpi slt, %add3A_213, %add3A_5 : i32
        %convert_element_type3A_215 = arith.extui %lt3A_214 : i1 to i32
        %cond3A_216 = arith.constant 0 : i32
        %cond3A_217 = arith.cmpi ne, %convert_element_type3A_215, %cond3A_216 : i32
        scf.if %cond3A_217 {
          %dma_wait3A_410 = arith.constant 0 : i32
          %dma_wait3A_411 = arith.constant 0 : i32
          %dma_wait3A_412 = tpu.memref_slice %arg6[%dma_wait3A_410, %dma_wait3A_411] : memref<2x128xi32, #tpu.memory_space<vmem>> -> memref<1x128xi32, #tpu.memory_space<vmem>>
          %dma_wait3A_413 = tpu.memref_squeeze %dma_wait3A_412 : memref<1x128xi32, #tpu.memory_space<vmem>> -> memref<128xi32, #tpu.memory_space<vmem>>
          %dma_wait3A_414 = arith.constant 0 : i32
          %dma_wait3A_415 = arith.constant 0 : i32
          %dma_wait3A_416 = tpu.memref_slice %arg2[%dma_wait3A_414, %dma_wait3A_415] : memref<10000x128xf32, #tpu.memory_space<hbm>> -> memref<10000x128xf32, #tpu.memory_space<hbm>>
          tpu.wait_indirect_dma semaphore(%arg22 : memref<!tpu.dma_semaphore, #tpu.memory_space<semaphore_mem>>) src(%dma_wait3A_416 : memref<10000x128xf32, #tpu.memory_space<hbm>>) dst(%arg13 : memref<128x128xf32, #tpu.memory_space<vmem>>)
          %run_scoped3A = arith.constant 1 : i32
          "tpu.region"() ({
            %run_scoped3A_417 = tpu.sem_alloc : memref<!tpu.dma_semaphore, #tpu.memory_space<semaphore_mem>>
            %dma_start3A_418 = arith.constant 0 : i32
            %dma_start3A_419 = tpu.memref_slice %arg6[%run_scoped3A, %dma_start3A_418] : memref<2x128xi32, #tpu.memory_space<vmem>> -> memref<1x128xi32, #tpu.memory_space<vmem>>
            %dma_start3A_420 = tpu.memref_squeeze %dma_start3A_419 : memref<1x128xi32, #tpu.memory_space<vmem>> -> memref<128xi32, #tpu.memory_space<vmem>>
            %dma_start3A_421 = arith.constant 0 : i32
            %dma_start3A_422 = arith.constant 0 : i32
            %dma_start3A_423 = tpu.memref_slice %arg14[%dma_start3A_421, %dma_start3A_422] : memref<10000x128xf32, #tpu.memory_space<vmem_shared>> -> memref<10000x128xf32, #tpu.memory_space<vmem_shared>>
            tpu.enqueue_indirect_dma source(%arg13 : memref<128x128xf32, #tpu.memory_space<vmem>>) target(%dma_start3A_423 : memref<10000x128xf32, #tpu.memory_space<vmem_shared>>) offsets(%dma_start3A_420 : memref<128xi32, #tpu.memory_space<vmem>>) semaphore(%run_scoped3A_417 : memref<!tpu.dma_semaphore, #tpu.memory_space<semaphore_mem>>) {add = true}
            %dma_wait3A_424 = arith.constant 0 : i32
            %dma_wait3A_425 = tpu.memref_slice %arg6[%run_scoped3A, %dma_wait3A_424] : memref<2x128xi32, #tpu.memory_space<vmem>> -> memref<1x128xi32, #tpu.memory_space<vmem>>
            %dma_wait3A_426 = tpu.memref_squeeze %dma_wait3A_425 : memref<1x128xi32, #tpu.memory_space<vmem>> -> memref<128xi32, #tpu.memory_space<vmem>>
            %dma_wait3A_427 = arith.constant 0 : i32
            %dma_wait3A_428 = arith.constant 0 : i32
            %dma_wait3A_429 = tpu.memref_slice %arg14[%dma_wait3A_427, %dma_wait3A_428] : memref<10000x128xf32, #tpu.memory_space<vmem_shared>> -> memref<10000x128xf32, #tpu.memory_space<vmem_shared>>
            tpu.wait_indirect_dma semaphore(%run_scoped3A_417 : memref<!tpu.dma_semaphore, #tpu.memory_space<semaphore_mem>>) src(%arg13 : memref<128x128xf32, #tpu.memory_space<vmem>>) dst(%dma_wait3A_429 : memref<10000x128xf32, #tpu.memory_space<vmem_shared>>)
            tpu.yield
          }) : () -> ()
        } else {
        }
        %add3A_218 = arith.constant 5 : i32
        %add3A_219 = arith.addi %add3A_213, %add3A_218 : i32
        %lt3A_220 = arith.cmpi slt, %add3A_219, %add3A_5 : i32
        %convert_element_type3A_221 = arith.extui %lt3A_220 : i1 to i32
        %cond3A_222 = arith.constant 0 : i32
        %cond3A_223 = arith.cmpi ne, %convert_element_type3A_221, %cond3A_222 : i32
        scf.if %cond3A_223 {
          %add3A_410 = arith.constant 5 : i32
          %add3A_411 = arith.addi %add3A_213, %add3A_410 : i32
          %add3A_412 = arith.addi %add3A, %add3A_411 : i32
          %mul3A_413 = arith.constant 128 : i32
          %mul3A_414 = arith.muli %add3A_412, %mul3A_413 : i32
          %dma_start3A_415 = arith.constant 0 : i32
          %dma_start3A_416 = tpu.memref_slice %arg4[%dma_start3A_415, %mul3A_414] : memref<2x160000xi32, #tpu.memory_space<hbm>> -> memref<2x128xi32, #tpu.memory_space<hbm>>
          %dma_start3A_417 = arith.constant 0 : i32
          %dma_start3A_418 = tpu.memref_slice %arg4[%dma_start3A_417, %mul3A_414] : memref<2x160000xi32, #tpu.memory_space<hbm>> -> memref<2x128xi32, #tpu.memory_space<hbm>>
          tpu.enqueue_dma source(%dma_start3A_418 : memref<2x128xi32, #tpu.memory_space<hbm>>) target(%arg6 : memref<2x128xi32, #tpu.memory_space<vmem>>) target_semaphore(%arg15 : memref<!tpu.dma_semaphore, #tpu.memory_space<semaphore_mem>>)
        } else {
        }
        %add3A_224 = arith.constant 3 : i32
        %add3A_225 = arith.addi %add3A_213, %add3A_224 : i32
        %lt3A_226 = arith.cmpi slt, %add3A_225, %add3A_5 : i32
        %convert_element_type3A_227 = arith.extui %lt3A_226 : i1 to i32
        %cond3A_228 = arith.constant 0 : i32
        %cond3A_229 = arith.cmpi ne, %convert_element_type3A_227, %cond3A_228 : i32
        scf.if %cond3A_229 {
          %dma_wait3A_410 = arith.constant 0 : i32
          %dma_wait3A_411 = arith.constant 0 : i32
          %dma_wait3A_412 = tpu.memref_slice %arg4[%dma_wait3A_410, %dma_wait3A_411] : memref<2x160000xi32, #tpu.memory_space<hbm>> -> memref<2x128xi32, #tpu.memory_space<hbm>>
          %dma_wait3A_413 = arith.constant 0 : i32
          %dma_wait3A_414 = arith.constant 0 : i32
          %dma_wait3A_415 = tpu.memref_slice %arg4[%dma_wait3A_413, %dma_wait3A_414] : memref<2x160000xi32, #tpu.memory_space<hbm>> -> memref<2x128xi32, #tpu.memory_space<hbm>>
          tpu.wait_dma2 semaphore(%arg18 : memref<!tpu.dma_semaphore, #tpu.memory_space<semaphore_mem>>) src(%dma_wait3A_415 : memref<2x128xi32, #tpu.memory_space<hbm>>) dst(%arg9 : memref<2x128xi32, #tpu.memory_space<vmem>>)
          %dma_start3A_416 = arith.constant 0 : i32
          %dma_start3A_417 = arith.constant 0 : i32
          %dma_start3A_418 = tpu.memref_slice %arg9[%dma_start3A_416, %dma_start3A_417] : memref<2x128xi32, #tpu.memory_space<vmem>> -> memref<1x128xi32, #tpu.memory_space<vmem>>
          %dma_start3A_419 = tpu.memref_squeeze %dma_start3A_418 : memref<1x128xi32, #tpu.memory_space<vmem>> -> memref<128xi32, #tpu.memory_space<vmem>>
          %dma_start3A_420 = arith.constant 0 : i32
          %dma_start3A_421 = arith.constant 0 : i32
          %dma_start3A_422 = tpu.memref_slice %arg2[%dma_start3A_420, %dma_start3A_421] : memref<10000x128xf32, #tpu.memory_space<hbm>> -> memref<10000x128xf32, #tpu.memory_space<hbm>>
          tpu.enqueue_indirect_dma source(%dma_start3A_422 : memref<10000x128xf32, #tpu.memory_space<hbm>>) target(%arg13 : memref<128x128xf32, #tpu.memory_space<vmem>>) offsets(%dma_start3A_419 : memref<128xi32, #tpu.memory_space<vmem>>) semaphore(%arg22 : memref<!tpu.dma_semaphore, #tpu.memory_space<semaphore_mem>>)
        } else {
        }
        %mul3A_230 = arith.constant 15 : i32
        %mul3A_231 = arith.muli %mul3A_230, %scan3A_109 : i32
        %add3A_232 = arith.constant 6 : i32
        %add3A_233 = arith.addi %mul3A_231, %add3A_232 : i32
        %lt3A_234 = arith.cmpi slt, %add3A_233, %add3A_5 : i32
        %convert_element_type3A_235 = arith.extui %lt3A_234 : i1 to i32
        %cond3A_236 = arith.constant 0 : i32
        %cond3A_237 = arith.cmpi ne, %convert_element_type3A_235, %cond3A_236 : i32
        scf.if %cond3A_237 {
          %dma_wait3A_410 = arith.constant 0 : i32
          %dma_wait3A_411 = arith.constant 0 : i32
          %dma_wait3A_412 = tpu.memref_slice %arg7[%dma_wait3A_410, %dma_wait3A_411] : memref<2x128xi32, #tpu.memory_space<vmem>> -> memref<1x128xi32, #tpu.memory_space<vmem>>
          %dma_wait3A_413 = tpu.memref_squeeze %dma_wait3A_412 : memref<1x128xi32, #tpu.memory_space<vmem>> -> memref<128xi32, #tpu.memory_space<vmem>>
          %dma_wait3A_414 = arith.constant 0 : i32
          %dma_wait3A_415 = arith.constant 0 : i32
          %dma_wait3A_416 = tpu.memref_slice %arg2[%dma_wait3A_414, %dma_wait3A_415] : memref<10000x128xf32, #tpu.memory_space<hbm>> -> memref<10000x128xf32, #tpu.memory_space<hbm>>
          tpu.wait_indirect_dma semaphore(%arg20 : memref<!tpu.dma_semaphore, #tpu.memory_space<semaphore_mem>>) src(%dma_wait3A_416 : memref<10000x128xf32, #tpu.memory_space<hbm>>) dst(%arg11 : memref<128x128xf32, #tpu.memory_space<vmem>>)
          %run_scoped3A = arith.constant 1 : i32
          "tpu.region"() ({
            %run_scoped3A_417 = tpu.sem_alloc : memref<!tpu.dma_semaphore, #tpu.memory_space<semaphore_mem>>
            %dma_start3A_418 = arith.constant 0 : i32
            %dma_start3A_419 = tpu.memref_slice %arg7[%run_scoped3A, %dma_start3A_418] : memref<2x128xi32, #tpu.memory_space<vmem>> -> memref<1x128xi32, #tpu.memory_space<vmem>>
            %dma_start3A_420 = tpu.memref_squeeze %dma_start3A_419 : memref<1x128xi32, #tpu.memory_space<vmem>> -> memref<128xi32, #tpu.memory_space<vmem>>
            %dma_start3A_421 = arith.constant 0 : i32
            %dma_start3A_422 = arith.constant 0 : i32
            %dma_start3A_423 = tpu.memref_slice %arg14[%dma_start3A_421, %dma_start3A_422] : memref<10000x128xf32, #tpu.memory_space<vmem_shared>> -> memref<10000x128xf32, #tpu.memory_space<vmem_shared>>
            tpu.enqueue_indirect_dma source(%arg11 : memref<128x128xf32, #tpu.memory_space<vmem>>) target(%dma_start3A_423 : memref<10000x128xf32, #tpu.memory_space<vmem_shared>>) offsets(%dma_start3A_420 : memref<128xi32, #tpu.memory_space<vmem>>) semaphore(%run_scoped3A_417 : memref<!tpu.dma_semaphore, #tpu.memory_space<semaphore_mem>>) {add = true}
            %dma_wait3A_424 = arith.constant 0 : i32
            %dma_wait3A_425 = tpu.memref_slice %arg7[%run_scoped3A, %dma_wait3A_424] : memref<2x128xi32, #tpu.memory_space<vmem>> -> memref<1x128xi32, #tpu.memory_space<vmem>>
            %dma_wait3A_426 = tpu.memref_squeeze %dma_wait3A_425 : memref<1x128xi32, #tpu.memory_space<vmem>> -> memref<128xi32, #tpu.memory_space<vmem>>
            %dma_wait3A_427 = arith.constant 0 : i32
            %dma_wait3A_428 = arith.constant 0 : i32
            %dma_wait3A_429 = tpu.memref_slice %arg14[%dma_wait3A_427, %dma_wait3A_428] : memref<10000x128xf32, #tpu.memory_space<vmem_shared>> -> memref<10000x128xf32, #tpu.memory_space<vmem_shared>>
            tpu.wait_indirect_dma semaphore(%run_scoped3A_417 : memref<!tpu.dma_semaphore, #tpu.memory_space<semaphore_mem>>) src(%arg11 : memref<128x128xf32, #tpu.memory_space<vmem>>) dst(%dma_wait3A_429 : memref<10000x128xf32, #tpu.memory_space<vmem_shared>>)
            tpu.yield
          }) : () -> ()
        } else {
        }
        %add3A_238 = arith.constant 5 : i32
        %add3A_239 = arith.addi %add3A_233, %add3A_238 : i32
        %lt3A_240 = arith.cmpi slt, %add3A_239, %add3A_5 : i32
        %convert_element_type3A_241 = arith.extui %lt3A_240 : i1 to i32
        %cond3A_242 = arith.constant 0 : i32
        %cond3A_243 = arith.cmpi ne, %convert_element_type3A_241, %cond3A_242 : i32
        scf.if %cond3A_243 {
          %add3A_410 = arith.constant 5 : i32
          %add3A_411 = arith.addi %add3A_233, %add3A_410 : i32
          %add3A_412 = arith.addi %add3A, %add3A_411 : i32
          %mul3A_413 = arith.constant 128 : i32
          %mul3A_414 = arith.muli %add3A_412, %mul3A_413 : i32
          %dma_start3A_415 = arith.constant 0 : i32
          %dma_start3A_416 = tpu.memref_slice %arg4[%dma_start3A_415, %mul3A_414] : memref<2x160000xi32, #tpu.memory_space<hbm>> -> memref<2x128xi32, #tpu.memory_space<hbm>>
          %dma_start3A_417 = arith.constant 0 : i32
          %dma_start3A_418 = tpu.memref_slice %arg4[%dma_start3A_417, %mul3A_414] : memref<2x160000xi32, #tpu.memory_space<hbm>> -> memref<2x128xi32, #tpu.memory_space<hbm>>
          tpu.enqueue_dma source(%dma_start3A_418 : memref<2x128xi32, #tpu.memory_space<hbm>>) target(%arg7 : memref<2x128xi32, #tpu.memory_space<vmem>>) target_semaphore(%arg16 : memref<!tpu.dma_semaphore, #tpu.memory_space<semaphore_mem>>)
        } else {
        }
        %add3A_244 = arith.constant 3 : i32
        %add3A_245 = arith.addi %add3A_233, %add3A_244 : i32
        %lt3A_246 = arith.cmpi slt, %add3A_245, %add3A_5 : i32
        %convert_element_type3A_247 = arith.extui %lt3A_246 : i1 to i32
        %cond3A_248 = arith.constant 0 : i32
        %cond3A_249 = arith.cmpi ne, %convert_element_type3A_247, %cond3A_248 : i32
        scf.if %cond3A_249 {
          %dma_wait3A_410 = arith.constant 0 : i32
          %dma_wait3A_411 = arith.constant 0 : i32
          %dma_wait3A_412 = tpu.memref_slice %arg4[%dma_wait3A_410, %dma_wait3A_411] : memref<2x160000xi32, #tpu.memory_space<hbm>> -> memref<2x128xi32, #tpu.memory_space<hbm>>
          %dma_wait3A_413 = arith.constant 0 : i32
          %dma_wait3A_414 = arith.constant 0 : i32
          %dma_wait3A_415 = tpu.memref_slice %arg4[%dma_wait3A_413, %dma_wait3A_414] : memref<2x160000xi32, #tpu.memory_space<hbm>> -> memref<2x128xi32, #tpu.memory_space<hbm>>
          tpu.wait_dma2 semaphore(%arg19 : memref<!tpu.dma_semaphore, #tpu.memory_space<semaphore_mem>>) src(%dma_wait3A_415 : memref<2x128xi32, #tpu.memory_space<hbm>>) dst(%arg10 : memref<2x128xi32, #tpu.memory_space<vmem>>)
          %dma_start3A_416 = arith.constant 0 : i32
          %dma_start3A_417 = arith.constant 0 : i32
          %dma_start3A_418 = tpu.memref_slice %arg10[%dma_start3A_416, %dma_start3A_417] : memref<2x128xi32, #tpu.memory_space<vmem>> -> memref<1x128xi32, #tpu.memory_space<vmem>>
          %dma_start3A_419 = tpu.memref_squeeze %dma_start3A_418 : memref<1x128xi32, #tpu.memory_space<vmem>> -> memref<128xi32, #tpu.memory_space<vmem>>
          %dma_start3A_420 = arith.constant 0 : i32
          %dma_start3A_421 = arith.constant 0 : i32
          %dma_start3A_422 = tpu.memref_slice %arg2[%dma_start3A_420, %dma_start3A_421] : memref<10000x128xf32, #tpu.memory_space<hbm>> -> memref<10000x128xf32, #tpu.memory_space<hbm>>
          tpu.enqueue_indirect_dma source(%dma_start3A_422 : memref<10000x128xf32, #tpu.memory_space<hbm>>) target(%arg11 : memref<128x128xf32, #tpu.memory_space<vmem>>) offsets(%dma_start3A_419 : memref<128xi32, #tpu.memory_space<vmem>>) semaphore(%arg20 : memref<!tpu.dma_semaphore, #tpu.memory_space<semaphore_mem>>)
        } else {
        }
        %mul3A_250 = arith.constant 15 : i32
        %mul3A_251 = arith.muli %mul3A_250, %scan3A_109 : i32
        %add3A_252 = arith.constant 7 : i32
        %add3A_253 = arith.addi %mul3A_251, %add3A_252 : i32
        %lt3A_254 = arith.cmpi slt, %add3A_253, %add3A_5 : i32
        %convert_element_type3A_255 = arith.extui %lt3A_254 : i1 to i32
        %cond3A_256 = arith.constant 0 : i32
        %cond3A_257 = arith.cmpi ne, %convert_element_type3A_255, %cond3A_256 : i32
        scf.if %cond3A_257 {
          %dma_wait3A_410 = arith.constant 0 : i32
          %dma_wait3A_411 = arith.constant 0 : i32
          %dma_wait3A_412 = tpu.memref_slice %arg8[%dma_wait3A_410, %dma_wait3A_411] : memref<2x128xi32, #tpu.memory_space<vmem>> -> memref<1x128xi32, #tpu.memory_space<vmem>>
          %dma_wait3A_413 = tpu.memref_squeeze %dma_wait3A_412 : memref<1x128xi32, #tpu.memory_space<vmem>> -> memref<128xi32, #tpu.memory_space<vmem>>
          %dma_wait3A_414 = arith.constant 0 : i32
          %dma_wait3A_415 = arith.constant 0 : i32
          %dma_wait3A_416 = tpu.memref_slice %arg2[%dma_wait3A_414, %dma_wait3A_415] : memref<10000x128xf32, #tpu.memory_space<hbm>> -> memref<10000x128xf32, #tpu.memory_space<hbm>>
          tpu.wait_indirect_dma semaphore(%arg21 : memref<!tpu.dma_semaphore, #tpu.memory_space<semaphore_mem>>) src(%dma_wait3A_416 : memref<10000x128xf32, #tpu.memory_space<hbm>>) dst(%arg12 : memref<128x128xf32, #tpu.memory_space<vmem>>)
          %run_scoped3A = arith.constant 1 : i32
          "tpu.region"() ({
            %run_scoped3A_417 = tpu.sem_alloc : memref<!tpu.dma_semaphore, #tpu.memory_space<semaphore_mem>>
            %dma_start3A_418 = arith.constant 0 : i32
            %dma_start3A_419 = tpu.memref_slice %arg8[%run_scoped3A, %dma_start3A_418] : memref<2x128xi32, #tpu.memory_space<vmem>> -> memref<1x128xi32, #tpu.memory_space<vmem>>
            %dma_start3A_420 = tpu.memref_squeeze %dma_start3A_419 : memref<1x128xi32, #tpu.memory_space<vmem>> -> memref<128xi32, #tpu.memory_space<vmem>>
            %dma_start3A_421 = arith.constant 0 : i32
            %dma_start3A_422 = arith.constant 0 : i32
            %dma_start3A_423 = tpu.memref_slice %arg14[%dma_start3A_421, %dma_start3A_422] : memref<10000x128xf32, #tpu.memory_space<vmem_shared>> -> memref<10000x128xf32, #tpu.memory_space<vmem_shared>>
            tpu.enqueue_indirect_dma source(%arg12 : memref<128x128xf32, #tpu.memory_space<vmem>>) target(%dma_start3A_423 : memref<10000x128xf32, #tpu.memory_space<vmem_shared>>) offsets(%dma_start3A_420 : memref<128xi32, #tpu.memory_space<vmem>>) semaphore(%run_scoped3A_417 : memref<!tpu.dma_semaphore, #tpu.memory_space<semaphore_mem>>) {add = true}
            %dma_wait3A_424 = arith.constant 0 : i32
            %dma_wait3A_425 = tpu.memref_slice %arg8[%run_scoped3A, %dma_wait3A_424] : memref<2x128xi32, #tpu.memory_space<vmem>> -> memref<1x128xi32, #tpu.memory_space<vmem>>
            %dma_wait3A_426 = tpu.memref_squeeze %dma_wait3A_425 : memref<1x128xi32, #tpu.memory_space<vmem>> -> memref<128xi32, #tpu.memory_space<vmem>>
            %dma_wait3A_427 = arith.constant 0 : i32
            %dma_wait3A_428 = arith.constant 0 : i32
            %dma_wait3A_429 = tpu.memref_slice %arg14[%dma_wait3A_427, %dma_wait3A_428] : memref<10000x128xf32, #tpu.memory_space<vmem_shared>> -> memref<10000x128xf32, #tpu.memory_space<vmem_shared>>
            tpu.wait_indirect_dma semaphore(%run_scoped3A_417 : memref<!tpu.dma_semaphore, #tpu.memory_space<semaphore_mem>>) src(%arg12 : memref<128x128xf32, #tpu.memory_space<vmem>>) dst(%dma_wait3A_429 : memref<10000x128xf32, #tpu.memory_space<vmem_shared>>)
            tpu.yield
          }) : () -> ()
        } else {
        }
        %add3A_258 = arith.constant 5 : i32
        %add3A_259 = arith.addi %add3A_253, %add3A_258 : i32
        %lt3A_260 = arith.cmpi slt, %add3A_259, %add3A_5 : i32
        %convert_element_type3A_261 = arith.extui %lt3A_260 : i1 to i32
        %cond3A_262 = arith.constant 0 : i32
        %cond3A_263 = arith.cmpi ne, %convert_element_type3A_261, %cond3A_262 : i32
        scf.if %cond3A_263 {
          %add3A_410 = arith.constant 5 : i32
          %add3A_411 = arith.addi %add3A_253, %add3A_410 : i32
          %add3A_412 = arith.addi %add3A, %add3A_411 : i32
          %mul3A_413 = arith.constant 128 : i32
          %mul3A_414 = arith.muli %add3A_412, %mul3A_413 : i32
          %dma_start3A_415 = arith.constant 0 : i32
          %dma_start3A_416 = tpu.memref_slice %arg4[%dma_start3A_415, %mul3A_414] : memref<2x160000xi32, #tpu.memory_space<hbm>> -> memref<2x128xi32, #tpu.memory_space<hbm>>
          %dma_start3A_417 = arith.constant 0 : i32
          %dma_start3A_418 = tpu.memref_slice %arg4[%dma_start3A_417, %mul3A_414] : memref<2x160000xi32, #tpu.memory_space<hbm>> -> memref<2x128xi32, #tpu.memory_space<hbm>>
          tpu.enqueue_dma source(%dma_start3A_418 : memref<2x128xi32, #tpu.memory_space<hbm>>) target(%arg8 : memref<2x128xi32, #tpu.memory_space<vmem>>) target_semaphore(%arg17 : memref<!tpu.dma_semaphore, #tpu.memory_space<semaphore_mem>>)
        } else {
        }
        %add3A_264 = arith.constant 3 : i32
        %add3A_265 = arith.addi %add3A_253, %add3A_264 : i32
        %lt3A_266 = arith.cmpi slt, %add3A_265, %add3A_5 : i32
        %convert_element_type3A_267 = arith.extui %lt3A_266 : i1 to i32
        %cond3A_268 = arith.constant 0 : i32
        %cond3A_269 = arith.cmpi ne, %convert_element_type3A_267, %cond3A_268 : i32
        scf.if %cond3A_269 {
          %dma_wait3A_410 = arith.constant 0 : i32
          %dma_wait3A_411 = arith.constant 0 : i32
          %dma_wait3A_412 = tpu.memref_slice %arg4[%dma_wait3A_410, %dma_wait3A_411] : memref<2x160000xi32, #tpu.memory_space<hbm>> -> memref<2x128xi32, #tpu.memory_space<hbm>>
          %dma_wait3A_413 = arith.constant 0 : i32
          %dma_wait3A_414 = arith.constant 0 : i32
          %dma_wait3A_415 = tpu.memref_slice %arg4[%dma_wait3A_413, %dma_wait3A_414] : memref<2x160000xi32, #tpu.memory_space<hbm>> -> memref<2x128xi32, #tpu.memory_space<hbm>>
          tpu.wait_dma2 semaphore(%arg15 : memref<!tpu.dma_semaphore, #tpu.memory_space<semaphore_mem>>) src(%dma_wait3A_415 : memref<2x128xi32, #tpu.memory_space<hbm>>) dst(%arg6 : memref<2x128xi32, #tpu.memory_space<vmem>>)
          %dma_start3A_416 = arith.constant 0 : i32
          %dma_start3A_417 = arith.constant 0 : i32
          %dma_start3A_418 = tpu.memref_slice %arg6[%dma_start3A_416, %dma_start3A_417] : memref<2x128xi32, #tpu.memory_space<vmem>> -> memref<1x128xi32, #tpu.memory_space<vmem>>
          %dma_start3A_419 = tpu.memref_squeeze %dma_start3A_418 : memref<1x128xi32, #tpu.memory_space<vmem>> -> memref<128xi32, #tpu.memory_space<vmem>>
          %dma_start3A_420 = arith.constant 0 : i32
          %dma_start3A_421 = arith.constant 0 : i32
          %dma_start3A_422 = tpu.memref_slice %arg2[%dma_start3A_420, %dma_start3A_421] : memref<10000x128xf32, #tpu.memory_space<hbm>> -> memref<10000x128xf32, #tpu.memory_space<hbm>>
          tpu.enqueue_indirect_dma source(%dma_start3A_422 : memref<10000x128xf32, #tpu.memory_space<hbm>>) target(%arg12 : memref<128x128xf32, #tpu.memory_space<vmem>>) offsets(%dma_start3A_419 : memref<128xi32, #tpu.memory_space<vmem>>) semaphore(%arg21 : memref<!tpu.dma_semaphore, #tpu.memory_space<semaphore_mem>>)
        } else {
        }
        %mul3A_270 = arith.constant 15 : i32
        %mul3A_271 = arith.muli %mul3A_270, %scan3A_109 : i32
        %add3A_272 = arith.constant 8 : i32
        %add3A_273 = arith.addi %mul3A_271, %add3A_272 : i32
        %lt3A_274 = arith.cmpi slt, %add3A_273, %add3A_5 : i32
        %convert_element_type3A_275 = arith.extui %lt3A_274 : i1 to i32
        %cond3A_276 = arith.constant 0 : i32
        %cond3A_277 = arith.cmpi ne, %convert_element_type3A_275, %cond3A_276 : i32
        scf.if %cond3A_277 {
          %dma_wait3A_410 = arith.constant 0 : i32
          %dma_wait3A_411 = arith.constant 0 : i32
          %dma_wait3A_412 = tpu.memref_slice %arg9[%dma_wait3A_410, %dma_wait3A_411] : memref<2x128xi32, #tpu.memory_space<vmem>> -> memref<1x128xi32, #tpu.memory_space<vmem>>
          %dma_wait3A_413 = tpu.memref_squeeze %dma_wait3A_412 : memref<1x128xi32, #tpu.memory_space<vmem>> -> memref<128xi32, #tpu.memory_space<vmem>>
          %dma_wait3A_414 = arith.constant 0 : i32
          %dma_wait3A_415 = arith.constant 0 : i32
          %dma_wait3A_416 = tpu.memref_slice %arg2[%dma_wait3A_414, %dma_wait3A_415] : memref<10000x128xf32, #tpu.memory_space<hbm>> -> memref<10000x128xf32, #tpu.memory_space<hbm>>
          tpu.wait_indirect_dma semaphore(%arg22 : memref<!tpu.dma_semaphore, #tpu.memory_space<semaphore_mem>>) src(%dma_wait3A_416 : memref<10000x128xf32, #tpu.memory_space<hbm>>) dst(%arg13 : memref<128x128xf32, #tpu.memory_space<vmem>>)
          %run_scoped3A = arith.constant 1 : i32
          "tpu.region"() ({
            %run_scoped3A_417 = tpu.sem_alloc : memref<!tpu.dma_semaphore, #tpu.memory_space<semaphore_mem>>
            %dma_start3A_418 = arith.constant 0 : i32
            %dma_start3A_419 = tpu.memref_slice %arg9[%run_scoped3A, %dma_start3A_418] : memref<2x128xi32, #tpu.memory_space<vmem>> -> memref<1x128xi32, #tpu.memory_space<vmem>>
            %dma_start3A_420 = tpu.memref_squeeze %dma_start3A_419 : memref<1x128xi32, #tpu.memory_space<vmem>> -> memref<128xi32, #tpu.memory_space<vmem>>
            %dma_start3A_421 = arith.constant 0 : i32
            %dma_start3A_422 = arith.constant 0 : i32
            %dma_start3A_423 = tpu.memref_slice %arg14[%dma_start3A_421, %dma_start3A_422] : memref<10000x128xf32, #tpu.memory_space<vmem_shared>> -> memref<10000x128xf32, #tpu.memory_space<vmem_shared>>
            tpu.enqueue_indirect_dma source(%arg13 : memref<128x128xf32, #tpu.memory_space<vmem>>) target(%dma_start3A_423 : memref<10000x128xf32, #tpu.memory_space<vmem_shared>>) offsets(%dma_start3A_420 : memref<128xi32, #tpu.memory_space<vmem>>) semaphore(%run_scoped3A_417 : memref<!tpu.dma_semaphore, #tpu.memory_space<semaphore_mem>>) {add = true}
            %dma_wait3A_424 = arith.constant 0 : i32
            %dma_wait3A_425 = tpu.memref_slice %arg9[%run_scoped3A, %dma_wait3A_424] : memref<2x128xi32, #tpu.memory_space<vmem>> -> memref<1x128xi32, #tpu.memory_space<vmem>>
            %dma_wait3A_426 = tpu.memref_squeeze %dma_wait3A_425 : memref<1x128xi32, #tpu.memory_space<vmem>> -> memref<128xi32, #tpu.memory_space<vmem>>
            %dma_wait3A_427 = arith.constant 0 : i32
            %dma_wait3A_428 = arith.constant 0 : i32
            %dma_wait3A_429 = tpu.memref_slice %arg14[%dma_wait3A_427, %dma_wait3A_428] : memref<10000x128xf32, #tpu.memory_space<vmem_shared>> -> memref<10000x128xf32, #tpu.memory_space<vmem_shared>>
            tpu.wait_indirect_dma semaphore(%run_scoped3A_417 : memref<!tpu.dma_semaphore, #tpu.memory_space<semaphore_mem>>) src(%arg13 : memref<128x128xf32, #tpu.memory_space<vmem>>) dst(%dma_wait3A_429 : memref<10000x128xf32, #tpu.memory_space<vmem_shared>>)
            tpu.yield
          }) : () -> ()
        } else {
        }
        %add3A_278 = arith.constant 5 : i32
        %add3A_279 = arith.addi %add3A_273, %add3A_278 : i32
        %lt3A_280 = arith.cmpi slt, %add3A_279, %add3A_5 : i32
        %convert_element_type3A_281 = arith.extui %lt3A_280 : i1 to i32
        %cond3A_282 = arith.constant 0 : i32
        %cond3A_283 = arith.cmpi ne, %convert_element_type3A_281, %cond3A_282 : i32
        scf.if %cond3A_283 {
          %add3A_410 = arith.constant 5 : i32
          %add3A_411 = arith.addi %add3A_273, %add3A_410 : i32
          %add3A_412 = arith.addi %add3A, %add3A_411 : i32
          %mul3A_413 = arith.constant 128 : i32
          %mul3A_414 = arith.muli %add3A_412, %mul3A_413 : i32
          %dma_start3A_415 = arith.constant 0 : i32
          %dma_start3A_416 = tpu.memref_slice %arg4[%dma_start3A_415, %mul3A_414] : memref<2x160000xi32, #tpu.memory_space<hbm>> -> memref<2x128xi32, #tpu.memory_space<hbm>>
          %dma_start3A_417 = arith.constant 0 : i32
          %dma_start3A_418 = tpu.memref_slice %arg4[%dma_start3A_417, %mul3A_414] : memref<2x160000xi32, #tpu.memory_space<hbm>> -> memref<2x128xi32, #tpu.memory_space<hbm>>
          tpu.enqueue_dma source(%dma_start3A_418 : memref<2x128xi32, #tpu.memory_space<hbm>>) target(%arg9 : memref<2x128xi32, #tpu.memory_space<vmem>>) target_semaphore(%arg18 : memref<!tpu.dma_semaphore, #tpu.memory_space<semaphore_mem>>)
        } else {
        }
        %add3A_284 = arith.constant 3 : i32
        %add3A_285 = arith.addi %add3A_273, %add3A_284 : i32
        %lt3A_286 = arith.cmpi slt, %add3A_285, %add3A_5 : i32
        %convert_element_type3A_287 = arith.extui %lt3A_286 : i1 to i32
        %cond3A_288 = arith.constant 0 : i32
        %cond3A_289 = arith.cmpi ne, %convert_element_type3A_287, %cond3A_288 : i32
        scf.if %cond3A_289 {
          %dma_wait3A_410 = arith.constant 0 : i32
          %dma_wait3A_411 = arith.constant 0 : i32
          %dma_wait3A_412 = tpu.memref_slice %arg4[%dma_wait3A_410, %dma_wait3A_411] : memref<2x160000xi32, #tpu.memory_space<hbm>> -> memref<2x128xi32, #tpu.memory_space<hbm>>
          %dma_wait3A_413 = arith.constant 0 : i32
          %dma_wait3A_414 = arith.constant 0 : i32
          %dma_wait3A_415 = tpu.memref_slice %arg4[%dma_wait3A_413, %dma_wait3A_414] : memref<2x160000xi32, #tpu.memory_space<hbm>> -> memref<2x128xi32, #tpu.memory_space<hbm>>
          tpu.wait_dma2 semaphore(%arg16 : memref<!tpu.dma_semaphore, #tpu.memory_space<semaphore_mem>>) src(%dma_wait3A_415 : memref<2x128xi32, #tpu.memory_space<hbm>>) dst(%arg7 : memref<2x128xi32, #tpu.memory_space<vmem>>)
          %dma_start3A_416 = arith.constant 0 : i32
          %dma_start3A_417 = arith.constant 0 : i32
          %dma_start3A_418 = tpu.memref_slice %arg7[%dma_start3A_416, %dma_start3A_417] : memref<2x128xi32, #tpu.memory_space<vmem>> -> memref<1x128xi32, #tpu.memory_space<vmem>>
          %dma_start3A_419 = tpu.memref_squeeze %dma_start3A_418 : memref<1x128xi32, #tpu.memory_space<vmem>> -> memref<128xi32, #tpu.memory_space<vmem>>
          %dma_start3A_420 = arith.constant 0 : i32
          %dma_start3A_421 = arith.constant 0 : i32
          %dma_start3A_422 = tpu.memref_slice %arg2[%dma_start3A_420, %dma_start3A_421] : memref<10000x128xf32, #tpu.memory_space<hbm>> -> memref<10000x128xf32, #tpu.memory_space<hbm>>
          tpu.enqueue_indirect_dma source(%dma_start3A_422 : memref<10000x128xf32, #tpu.memory_space<hbm>>) target(%arg13 : memref<128x128xf32, #tpu.memory_space<vmem>>) offsets(%dma_start3A_419 : memref<128xi32, #tpu.memory_space<vmem>>) semaphore(%arg22 : memref<!tpu.dma_semaphore, #tpu.memory_space<semaphore_mem>>)
        } else {
        }
        %mul3A_290 = arith.constant 15 : i32
        %mul3A_291 = arith.muli %mul3A_290, %scan3A_109 : i32
        %add3A_292 = arith.constant 9 : i32
        %add3A_293 = arith.addi %mul3A_291, %add3A_292 : i32
        %lt3A_294 = arith.cmpi slt, %add3A_293, %add3A_5 : i32
        %convert_element_type3A_295 = arith.extui %lt3A_294 : i1 to i32
        %cond3A_296 = arith.constant 0 : i32
        %cond3A_297 = arith.cmpi ne, %convert_element_type3A_295, %cond3A_296 : i32
        scf.if %cond3A_297 {
          %dma_wait3A_410 = arith.constant 0 : i32
          %dma_wait3A_411 = arith.constant 0 : i32
          %dma_wait3A_412 = tpu.memref_slice %arg10[%dma_wait3A_410, %dma_wait3A_411] : memref<2x128xi32, #tpu.memory_space<vmem>> -> memref<1x128xi32, #tpu.memory_space<vmem>>
          %dma_wait3A_413 = tpu.memref_squeeze %dma_wait3A_412 : memref<1x128xi32, #tpu.memory_space<vmem>> -> memref<128xi32, #tpu.memory_space<vmem>>
          %dma_wait3A_414 = arith.constant 0 : i32
          %dma_wait3A_415 = arith.constant 0 : i32
          %dma_wait3A_416 = tpu.memref_slice %arg2[%dma_wait3A_414, %dma_wait3A_415] : memref<10000x128xf32, #tpu.memory_space<hbm>> -> memref<10000x128xf32, #tpu.memory_space<hbm>>
          tpu.wait_indirect_dma semaphore(%arg20 : memref<!tpu.dma_semaphore, #tpu.memory_space<semaphore_mem>>) src(%dma_wait3A_416 : memref<10000x128xf32, #tpu.memory_space<hbm>>) dst(%arg11 : memref<128x128xf32, #tpu.memory_space<vmem>>)
          %run_scoped3A = arith.constant 1 : i32
          "tpu.region"() ({
            %run_scoped3A_417 = tpu.sem_alloc : memref<!tpu.dma_semaphore, #tpu.memory_space<semaphore_mem>>
            %dma_start3A_418 = arith.constant 0 : i32
            %dma_start3A_419 = tpu.memref_slice %arg10[%run_scoped3A, %dma_start3A_418] : memref<2x128xi32, #tpu.memory_space<vmem>> -> memref<1x128xi32, #tpu.memory_space<vmem>>
            %dma_start3A_420 = tpu.memref_squeeze %dma_start3A_419 : memref<1x128xi32, #tpu.memory_space<vmem>> -> memref<128xi32, #tpu.memory_space<vmem>>
            %dma_start3A_421 = arith.constant 0 : i32
            %dma_start3A_422 = arith.constant 0 : i32
            %dma_start3A_423 = tpu.memref_slice %arg14[%dma_start3A_421, %dma_start3A_422] : memref<10000x128xf32, #tpu.memory_space<vmem_shared>> -> memref<10000x128xf32, #tpu.memory_space<vmem_shared>>
            tpu.enqueue_indirect_dma source(%arg11 : memref<128x128xf32, #tpu.memory_space<vmem>>) target(%dma_start3A_423 : memref<10000x128xf32, #tpu.memory_space<vmem_shared>>) offsets(%dma_start3A_420 : memref<128xi32, #tpu.memory_space<vmem>>) semaphore(%run_scoped3A_417 : memref<!tpu.dma_semaphore, #tpu.memory_space<semaphore_mem>>) {add = true}
            %dma_wait3A_424 = arith.constant 0 : i32
            %dma_wait3A_425 = tpu.memref_slice %arg10[%run_scoped3A, %dma_wait3A_424] : memref<2x128xi32, #tpu.memory_space<vmem>> -> memref<1x128xi32, #tpu.memory_space<vmem>>
            %dma_wait3A_426 = tpu.memref_squeeze %dma_wait3A_425 : memref<1x128xi32, #tpu.memory_space<vmem>> -> memref<128xi32, #tpu.memory_space<vmem>>
            %dma_wait3A_427 = arith.constant 0 : i32
            %dma_wait3A_428 = arith.constant 0 : i32
            %dma_wait3A_429 = tpu.memref_slice %arg14[%dma_wait3A_427, %dma_wait3A_428] : memref<10000x128xf32, #tpu.memory_space<vmem_shared>> -> memref<10000x128xf32, #tpu.memory_space<vmem_shared>>
            tpu.wait_indirect_dma semaphore(%run_scoped3A_417 : memref<!tpu.dma_semaphore, #tpu.memory_space<semaphore_mem>>) src(%arg11 : memref<128x128xf32, #tpu.memory_space<vmem>>) dst(%dma_wait3A_429 : memref<10000x128xf32, #tpu.memory_space<vmem_shared>>)
            tpu.yield
          }) : () -> ()
        } else {
        }
        %add3A_298 = arith.constant 5 : i32
        %add3A_299 = arith.addi %add3A_293, %add3A_298 : i32
        %lt3A_300 = arith.cmpi slt, %add3A_299, %add3A_5 : i32
        %convert_element_type3A_301 = arith.extui %lt3A_300 : i1 to i32
        %cond3A_302 = arith.constant 0 : i32
        %cond3A_303 = arith.cmpi ne, %convert_element_type3A_301, %cond3A_302 : i32
        scf.if %cond3A_303 {
          %add3A_410 = arith.constant 5 : i32
          %add3A_411 = arith.addi %add3A_293, %add3A_410 : i32
          %add3A_412 = arith.addi %add3A, %add3A_411 : i32
          %mul3A_413 = arith.constant 128 : i32
          %mul3A_414 = arith.muli %add3A_412, %mul3A_413 : i32
          %dma_start3A_415 = arith.constant 0 : i32
          %dma_start3A_416 = tpu.memref_slice %arg4[%dma_start3A_415, %mul3A_414] : memref<2x160000xi32, #tpu.memory_space<hbm>> -> memref<2x128xi32, #tpu.memory_space<hbm>>
          %dma_start3A_417 = arith.constant 0 : i32
          %dma_start3A_418 = tpu.memref_slice %arg4[%dma_start3A_417, %mul3A_414] : memref<2x160000xi32, #tpu.memory_space<hbm>> -> memref<2x128xi32, #tpu.memory_space<hbm>>
          tpu.enqueue_dma source(%dma_start3A_418 : memref<2x128xi32, #tpu.memory_space<hbm>>) target(%arg10 : memref<2x128xi32, #tpu.memory_space<vmem>>) target_semaphore(%arg19 : memref<!tpu.dma_semaphore, #tpu.memory_space<semaphore_mem>>)
        } else {
        }
        %add3A_304 = arith.constant 3 : i32
        %add3A_305 = arith.addi %add3A_293, %add3A_304 : i32
        %lt3A_306 = arith.cmpi slt, %add3A_305, %add3A_5 : i32
        %convert_element_type3A_307 = arith.extui %lt3A_306 : i1 to i32
        %cond3A_308 = arith.constant 0 : i32
        %cond3A_309 = arith.cmpi ne, %convert_element_type3A_307, %cond3A_308 : i32
        scf.if %cond3A_309 {
          %dma_wait3A_410 = arith.constant 0 : i32
          %dma_wait3A_411 = arith.constant 0 : i32
          %dma_wait3A_412 = tpu.memref_slice %arg4[%dma_wait3A_410, %dma_wait3A_411] : memref<2x160000xi32, #tpu.memory_space<hbm>> -> memref<2x128xi32, #tpu.memory_space<hbm>>
          %dma_wait3A_413 = arith.constant 0 : i32
          %dma_wait3A_414 = arith.constant 0 : i32
          %dma_wait3A_415 = tpu.memref_slice %arg4[%dma_wait3A_413, %dma_wait3A_414] : memref<2x160000xi32, #tpu.memory_space<hbm>> -> memref<2x128xi32, #tpu.memory_space<hbm>>
          tpu.wait_dma2 semaphore(%arg17 : memref<!tpu.dma_semaphore, #tpu.memory_space<semaphore_mem>>) src(%dma_wait3A_415 : memref<2x128xi32, #tpu.memory_space<hbm>>) dst(%arg8 : memref<2x128xi32, #tpu.memory_space<vmem>>)
          %dma_start3A_416 = arith.constant 0 : i32
          %dma_start3A_417 = arith.constant 0 : i32
          %dma_start3A_418 = tpu.memref_slice %arg8[%dma_start3A_416, %dma_start3A_417] : memref<2x128xi32, #tpu.memory_space<vmem>> -> memref<1x128xi32, #tpu.memory_space<vmem>>
          %dma_start3A_419 = tpu.memref_squeeze %dma_start3A_418 : memref<1x128xi32, #tpu.memory_space<vmem>> -> memref<128xi32, #tpu.memory_space<vmem>>
          %dma_start3A_420 = arith.constant 0 : i32
          %dma_start3A_421 = arith.constant 0 : i32
          %dma_start3A_422 = tpu.memref_slice %arg2[%dma_start3A_420, %dma_start3A_421] : memref<10000x128xf32, #tpu.memory_space<hbm>> -> memref<10000x128xf32, #tpu.memory_space<hbm>>
          tpu.enqueue_indirect_dma source(%dma_start3A_422 : memref<10000x128xf32, #tpu.memory_space<hbm>>) target(%arg11 : memref<128x128xf32, #tpu.memory_space<vmem>>) offsets(%dma_start3A_419 : memref<128xi32, #tpu.memory_space<vmem>>) semaphore(%arg20 : memref<!tpu.dma_semaphore, #tpu.memory_space<semaphore_mem>>)
        } else {
        }
        %mul3A_310 = arith.constant 15 : i32
        %mul3A_311 = arith.muli %mul3A_310, %scan3A_109 : i32
        %add3A_312 = arith.constant 10 : i32
        %add3A_313 = arith.addi %mul3A_311, %add3A_312 : i32
        %lt3A_314 = arith.cmpi slt, %add3A_313, %add3A_5 : i32
        %convert_element_type3A_315 = arith.extui %lt3A_314 : i1 to i32
        %cond3A_316 = arith.constant 0 : i32
        %cond3A_317 = arith.cmpi ne, %convert_element_type3A_315, %cond3A_316 : i32
        scf.if %cond3A_317 {
          %dma_wait3A_410 = arith.constant 0 : i32
          %dma_wait3A_411 = arith.constant 0 : i32
          %dma_wait3A_412 = tpu.memref_slice %arg6[%dma_wait3A_410, %dma_wait3A_411] : memref<2x128xi32, #tpu.memory_space<vmem>> -> memref<1x128xi32, #tpu.memory_space<vmem>>
          %dma_wait3A_413 = tpu.memref_squeeze %dma_wait3A_412 : memref<1x128xi32, #tpu.memory_space<vmem>> -> memref<128xi32, #tpu.memory_space<vmem>>
          %dma_wait3A_414 = arith.constant 0 : i32
          %dma_wait3A_415 = arith.constant 0 : i32
          %dma_wait3A_416 = tpu.memref_slice %arg2[%dma_wait3A_414, %dma_wait3A_415] : memref<10000x128xf32, #tpu.memory_space<hbm>> -> memref<10000x128xf32, #tpu.memory_space<hbm>>
          tpu.wait_indirect_dma semaphore(%arg21 : memref<!tpu.dma_semaphore, #tpu.memory_space<semaphore_mem>>) src(%dma_wait3A_416 : memref<10000x128xf32, #tpu.memory_space<hbm>>) dst(%arg12 : memref<128x128xf32, #tpu.memory_space<vmem>>)
          %run_scoped3A = arith.constant 1 : i32
          "tpu.region"() ({
            %run_scoped3A_417 = tpu.sem_alloc : memref<!tpu.dma_semaphore, #tpu.memory_space<semaphore_mem>>
            %dma_start3A_418 = arith.constant 0 : i32
            %dma_start3A_419 = tpu.memref_slice %arg6[%run_scoped3A, %dma_start3A_418] : memref<2x128xi32, #tpu.memory_space<vmem>> -> memref<1x128xi32, #tpu.memory_space<vmem>>
            %dma_start3A_420 = tpu.memref_squeeze %dma_start3A_419 : memref<1x128xi32, #tpu.memory_space<vmem>> -> memref<128xi32, #tpu.memory_space<vmem>>
            %dma_start3A_421 = arith.constant 0 : i32
            %dma_start3A_422 = arith.constant 0 : i32
            %dma_start3A_423 = tpu.memref_slice %arg14[%dma_start3A_421, %dma_start3A_422] : memref<10000x128xf32, #tpu.memory_space<vmem_shared>> -> memref<10000x128xf32, #tpu.memory_space<vmem_shared>>
            tpu.enqueue_indirect_dma source(%arg12 : memref<128x128xf32, #tpu.memory_space<vmem>>) target(%dma_start3A_423 : memref<10000x128xf32, #tpu.memory_space<vmem_shared>>) offsets(%dma_start3A_420 : memref<128xi32, #tpu.memory_space<vmem>>) semaphore(%run_scoped3A_417 : memref<!tpu.dma_semaphore, #tpu.memory_space<semaphore_mem>>) {add = true}
            %dma_wait3A_424 = arith.constant 0 : i32
            %dma_wait3A_425 = tpu.memref_slice %arg6[%run_scoped3A, %dma_wait3A_424] : memref<2x128xi32, #tpu.memory_space<vmem>> -> memref<1x128xi32, #tpu.memory_space<vmem>>
            %dma_wait3A_426 = tpu.memref_squeeze %dma_wait3A_425 : memref<1x128xi32, #tpu.memory_space<vmem>> -> memref<128xi32, #tpu.memory_space<vmem>>
            %dma_wait3A_427 = arith.constant 0 : i32
            %dma_wait3A_428 = arith.constant 0 : i32
            %dma_wait3A_429 = tpu.memref_slice %arg14[%dma_wait3A_427, %dma_wait3A_428] : memref<10000x128xf32, #tpu.memory_space<vmem_shared>> -> memref<10000x128xf32, #tpu.memory_space<vmem_shared>>
            tpu.wait_indirect_dma semaphore(%run_scoped3A_417 : memref<!tpu.dma_semaphore, #tpu.memory_space<semaphore_mem>>) src(%arg12 : memref<128x128xf32, #tpu.memory_space<vmem>>) dst(%dma_wait3A_429 : memref<10000x128xf32, #tpu.memory_space<vmem_shared>>)
            tpu.yield
          }) : () -> ()
        } else {
        }
        %add3A_318 = arith.constant 5 : i32
        %add3A_319 = arith.addi %add3A_313, %add3A_318 : i32
        %lt3A_320 = arith.cmpi slt, %add3A_319, %add3A_5 : i32
        %convert_element_type3A_321 = arith.extui %lt3A_320 : i1 to i32
        %cond3A_322 = arith.constant 0 : i32
        %cond3A_323 = arith.cmpi ne, %convert_element_type3A_321, %cond3A_322 : i32
        scf.if %cond3A_323 {
          %add3A_410 = arith.constant 5 : i32
          %add3A_411 = arith.addi %add3A_313, %add3A_410 : i32
          %add3A_412 = arith.addi %add3A, %add3A_411 : i32
          %mul3A_413 = arith.constant 128 : i32
          %mul3A_414 = arith.muli %add3A_412, %mul3A_413 : i32
          %dma_start3A_415 = arith.constant 0 : i32
          %dma_start3A_416 = tpu.memref_slice %arg4[%dma_start3A_415, %mul3A_414] : memref<2x160000xi32, #tpu.memory_space<hbm>> -> memref<2x128xi32, #tpu.memory_space<hbm>>
          %dma_start3A_417 = arith.constant 0 : i32
          %dma_start3A_418 = tpu.memref_slice %arg4[%dma_start3A_417, %mul3A_414] : memref<2x160000xi32, #tpu.memory_space<hbm>> -> memref<2x128xi32, #tpu.memory_space<hbm>>
          tpu.enqueue_dma source(%dma_start3A_418 : memref<2x128xi32, #tpu.memory_space<hbm>>) target(%arg6 : memref<2x128xi32, #tpu.memory_space<vmem>>) target_semaphore(%arg15 : memref<!tpu.dma_semaphore, #tpu.memory_space<semaphore_mem>>)
        } else {
        }
        %add3A_324 = arith.constant 3 : i32
        %add3A_325 = arith.addi %add3A_313, %add3A_324 : i32
        %lt3A_326 = arith.cmpi slt, %add3A_325, %add3A_5 : i32
        %convert_element_type3A_327 = arith.extui %lt3A_326 : i1 to i32
        %cond3A_328 = arith.constant 0 : i32
        %cond3A_329 = arith.cmpi ne, %convert_element_type3A_327, %cond3A_328 : i32
        scf.if %cond3A_329 {
          %dma_wait3A_410 = arith.constant 0 : i32
          %dma_wait3A_411 = arith.constant 0 : i32
          %dma_wait3A_412 = tpu.memref_slice %arg4[%dma_wait3A_410, %dma_wait3A_411] : memref<2x160000xi32, #tpu.memory_space<hbm>> -> memref<2x128xi32, #tpu.memory_space<hbm>>
          %dma_wait3A_413 = arith.constant 0 : i32
          %dma_wait3A_414 = arith.constant 0 : i32
          %dma_wait3A_415 = tpu.memref_slice %arg4[%dma_wait3A_413, %dma_wait3A_414] : memref<2x160000xi32, #tpu.memory_space<hbm>> -> memref<2x128xi32, #tpu.memory_space<hbm>>
          tpu.wait_dma2 semaphore(%arg18 : memref<!tpu.dma_semaphore, #tpu.memory_space<semaphore_mem>>) src(%dma_wait3A_415 : memref<2x128xi32, #tpu.memory_space<hbm>>) dst(%arg9 : memref<2x128xi32, #tpu.memory_space<vmem>>)
          %dma_start3A_416 = arith.constant 0 : i32
          %dma_start3A_417 = arith.constant 0 : i32
          %dma_start3A_418 = tpu.memref_slice %arg9[%dma_start3A_416, %dma_start3A_417] : memref<2x128xi32, #tpu.memory_space<vmem>> -> memref<1x128xi32, #tpu.memory_space<vmem>>
          %dma_start3A_419 = tpu.memref_squeeze %dma_start3A_418 : memref<1x128xi32, #tpu.memory_space<vmem>> -> memref<128xi32, #tpu.memory_space<vmem>>
          %dma_start3A_420 = arith.constant 0 : i32
          %dma_start3A_421 = arith.constant 0 : i32
          %dma_start3A_422 = tpu.memref_slice %arg2[%dma_start3A_420, %dma_start3A_421] : memref<10000x128xf32, #tpu.memory_space<hbm>> -> memref<10000x128xf32, #tpu.memory_space<hbm>>
          tpu.enqueue_indirect_dma source(%dma_start3A_422 : memref<10000x128xf32, #tpu.memory_space<hbm>>) target(%arg12 : memref<128x128xf32, #tpu.memory_space<vmem>>) offsets(%dma_start3A_419 : memref<128xi32, #tpu.memory_space<vmem>>) semaphore(%arg21 : memref<!tpu.dma_semaphore, #tpu.memory_space<semaphore_mem>>)
        } else {
        }
        %mul3A_330 = arith.constant 15 : i32
        %mul3A_331 = arith.muli %mul3A_330, %scan3A_109 : i32
        %add3A_332 = arith.constant 11 : i32
        %add3A_333 = arith.addi %mul3A_331, %add3A_332 : i32
        %lt3A_334 = arith.cmpi slt, %add3A_333, %add3A_5 : i32
        %convert_element_type3A_335 = arith.extui %lt3A_334 : i1 to i32
        %cond3A_336 = arith.constant 0 : i32
        %cond3A_337 = arith.cmpi ne, %convert_element_type3A_335, %cond3A_336 : i32
        scf.if %cond3A_337 {
          %dma_wait3A_410 = arith.constant 0 : i32
          %dma_wait3A_411 = arith.constant 0 : i32
          %dma_wait3A_412 = tpu.memref_slice %arg7[%dma_wait3A_410, %dma_wait3A_411] : memref<2x128xi32, #tpu.memory_space<vmem>> -> memref<1x128xi32, #tpu.memory_space<vmem>>
          %dma_wait3A_413 = tpu.memref_squeeze %dma_wait3A_412 : memref<1x128xi32, #tpu.memory_space<vmem>> -> memref<128xi32, #tpu.memory_space<vmem>>
          %dma_wait3A_414 = arith.constant 0 : i32
          %dma_wait3A_415 = arith.constant 0 : i32
          %dma_wait3A_416 = tpu.memref_slice %arg2[%dma_wait3A_414, %dma_wait3A_415] : memref<10000x128xf32, #tpu.memory_space<hbm>> -> memref<10000x128xf32, #tpu.memory_space<hbm>>
          tpu.wait_indirect_dma semaphore(%arg22 : memref<!tpu.dma_semaphore, #tpu.memory_space<semaphore_mem>>) src(%dma_wait3A_416 : memref<10000x128xf32, #tpu.memory_space<hbm>>) dst(%arg13 : memref<128x128xf32, #tpu.memory_space<vmem>>)
          %run_scoped3A = arith.constant 1 : i32
          "tpu.region"() ({
            %run_scoped3A_417 = tpu.sem_alloc : memref<!tpu.dma_semaphore, #tpu.memory_space<semaphore_mem>>
            %dma_start3A_418 = arith.constant 0 : i32
            %dma_start3A_419 = tpu.memref_slice %arg7[%run_scoped3A, %dma_start3A_418] : memref<2x128xi32, #tpu.memory_space<vmem>> -> memref<1x128xi32, #tpu.memory_space<vmem>>
            %dma_start3A_420 = tpu.memref_squeeze %dma_start3A_419 : memref<1x128xi32, #tpu.memory_space<vmem>> -> memref<128xi32, #tpu.memory_space<vmem>>
            %dma_start3A_421 = arith.constant 0 : i32
            %dma_start3A_422 = arith.constant 0 : i32
            %dma_start3A_423 = tpu.memref_slice %arg14[%dma_start3A_421, %dma_start3A_422] : memref<10000x128xf32, #tpu.memory_space<vmem_shared>> -> memref<10000x128xf32, #tpu.memory_space<vmem_shared>>
            tpu.enqueue_indirect_dma source(%arg13 : memref<128x128xf32, #tpu.memory_space<vmem>>) target(%dma_start3A_423 : memref<10000x128xf32, #tpu.memory_space<vmem_shared>>) offsets(%dma_start3A_420 : memref<128xi32, #tpu.memory_space<vmem>>) semaphore(%run_scoped3A_417 : memref<!tpu.dma_semaphore, #tpu.memory_space<semaphore_mem>>) {add = true}
            %dma_wait3A_424 = arith.constant 0 : i32
            %dma_wait3A_425 = tpu.memref_slice %arg7[%run_scoped3A, %dma_wait3A_424] : memref<2x128xi32, #tpu.memory_space<vmem>> -> memref<1x128xi32, #tpu.memory_space<vmem>>
            %dma_wait3A_426 = tpu.memref_squeeze %dma_wait3A_425 : memref<1x128xi32, #tpu.memory_space<vmem>> -> memref<128xi32, #tpu.memory_space<vmem>>
            %dma_wait3A_427 = arith.constant 0 : i32
            %dma_wait3A_428 = arith.constant 0 : i32
            %dma_wait3A_429 = tpu.memref_slice %arg14[%dma_wait3A_427, %dma_wait3A_428] : memref<10000x128xf32, #tpu.memory_space<vmem_shared>> -> memref<10000x128xf32, #tpu.memory_space<vmem_shared>>
            tpu.wait_indirect_dma semaphore(%run_scoped3A_417 : memref<!tpu.dma_semaphore, #tpu.memory_space<semaphore_mem>>) src(%arg13 : memref<128x128xf32, #tpu.memory_space<vmem>>) dst(%dma_wait3A_429 : memref<10000x128xf32, #tpu.memory_space<vmem_shared>>)
            tpu.yield
          }) : () -> ()
        } else {
        }
        %add3A_338 = arith.constant 5 : i32
        %add3A_339 = arith.addi %add3A_333, %add3A_338 : i32
        %lt3A_340 = arith.cmpi slt, %add3A_339, %add3A_5 : i32
        %convert_element_type3A_341 = arith.extui %lt3A_340 : i1 to i32
        %cond3A_342 = arith.constant 0 : i32
        %cond3A_343 = arith.cmpi ne, %convert_element_type3A_341, %cond3A_342 : i32
        scf.if %cond3A_343 {
          %add3A_410 = arith.constant 5 : i32
          %add3A_411 = arith.addi %add3A_333, %add3A_410 : i32
          %add3A_412 = arith.addi %add3A, %add3A_411 : i32
          %mul3A_413 = arith.constant 128 : i32
          %mul3A_414 = arith.muli %add3A_412, %mul3A_413 : i32
          %dma_start3A_415 = arith.constant 0 : i32
          %dma_start3A_416 = tpu.memref_slice %arg4[%dma_start3A_415, %mul3A_414] : memref<2x160000xi32, #tpu.memory_space<hbm>> -> memref<2x128xi32, #tpu.memory_space<hbm>>
          %dma_start3A_417 = arith.constant 0 : i32
          %dma_start3A_418 = tpu.memref_slice %arg4[%dma_start3A_417, %mul3A_414] : memref<2x160000xi32, #tpu.memory_space<hbm>> -> memref<2x128xi32, #tpu.memory_space<hbm>>
          tpu.enqueue_dma source(%dma_start3A_418 : memref<2x128xi32, #tpu.memory_space<hbm>>) target(%arg7 : memref<2x128xi32, #tpu.memory_space<vmem>>) target_semaphore(%arg16 : memref<!tpu.dma_semaphore, #tpu.memory_space<semaphore_mem>>)
        } else {
        }
        %add3A_344 = arith.constant 3 : i32
        %add3A_345 = arith.addi %add3A_333, %add3A_344 : i32
        %lt3A_346 = arith.cmpi slt, %add3A_345, %add3A_5 : i32
        %convert_element_type3A_347 = arith.extui %lt3A_346 : i1 to i32
        %cond3A_348 = arith.constant 0 : i32
        %cond3A_349 = arith.cmpi ne, %convert_element_type3A_347, %cond3A_348 : i32
        scf.if %cond3A_349 {
          %dma_wait3A_410 = arith.constant 0 : i32
          %dma_wait3A_411 = arith.constant 0 : i32
          %dma_wait3A_412 = tpu.memref_slice %arg4[%dma_wait3A_410, %dma_wait3A_411] : memref<2x160000xi32, #tpu.memory_space<hbm>> -> memref<2x128xi32, #tpu.memory_space<hbm>>
          %dma_wait3A_413 = arith.constant 0 : i32
          %dma_wait3A_414 = arith.constant 0 : i32
          %dma_wait3A_415 = tpu.memref_slice %arg4[%dma_wait3A_413, %dma_wait3A_414] : memref<2x160000xi32, #tpu.memory_space<hbm>> -> memref<2x128xi32, #tpu.memory_space<hbm>>
          tpu.wait_dma2 semaphore(%arg19 : memref<!tpu.dma_semaphore, #tpu.memory_space<semaphore_mem>>) src(%dma_wait3A_415 : memref<2x128xi32, #tpu.memory_space<hbm>>) dst(%arg10 : memref<2x128xi32, #tpu.memory_space<vmem>>)
          %dma_start3A_416 = arith.constant 0 : i32
          %dma_start3A_417 = arith.constant 0 : i32
          %dma_start3A_418 = tpu.memref_slice %arg10[%dma_start3A_416, %dma_start3A_417] : memref<2x128xi32, #tpu.memory_space<vmem>> -> memref<1x128xi32, #tpu.memory_space<vmem>>
          %dma_start3A_419 = tpu.memref_squeeze %dma_start3A_418 : memref<1x128xi32, #tpu.memory_space<vmem>> -> memref<128xi32, #tpu.memory_space<vmem>>
          %dma_start3A_420 = arith.constant 0 : i32
          %dma_start3A_421 = arith.constant 0 : i32
          %dma_start3A_422 = tpu.memref_slice %arg2[%dma_start3A_420, %dma_start3A_421] : memref<10000x128xf32, #tpu.memory_space<hbm>> -> memref<10000x128xf32, #tpu.memory_space<hbm>>
          tpu.enqueue_indirect_dma source(%dma_start3A_422 : memref<10000x128xf32, #tpu.memory_space<hbm>>) target(%arg13 : memref<128x128xf32, #tpu.memory_space<vmem>>) offsets(%dma_start3A_419 : memref<128xi32, #tpu.memory_space<vmem>>) semaphore(%arg22 : memref<!tpu.dma_semaphore, #tpu.memory_space<semaphore_mem>>)
        } else {
        }
        %mul3A_350 = arith.constant 15 : i32
        %mul3A_351 = arith.muli %mul3A_350, %scan3A_109 : i32
        %add3A_352 = arith.constant 12 : i32
        %add3A_353 = arith.addi %mul3A_351, %add3A_352 : i32
        %lt3A_354 = arith.cmpi slt, %add3A_353, %add3A_5 : i32
        %convert_element_type3A_355 = arith.extui %lt3A_354 : i1 to i32
        %cond3A_356 = arith.constant 0 : i32
        %cond3A_357 = arith.cmpi ne, %convert_element_type3A_355, %cond3A_356 : i32
        scf.if %cond3A_357 {
          %dma_wait3A_410 = arith.constant 0 : i32
          %dma_wait3A_411 = arith.constant 0 : i32
          %dma_wait3A_412 = tpu.memref_slice %arg8[%dma_wait3A_410, %dma_wait3A_411] : memref<2x128xi32, #tpu.memory_space<vmem>> -> memref<1x128xi32, #tpu.memory_space<vmem>>
          %dma_wait3A_413 = tpu.memref_squeeze %dma_wait3A_412 : memref<1x128xi32, #tpu.memory_space<vmem>> -> memref<128xi32, #tpu.memory_space<vmem>>
          %dma_wait3A_414 = arith.constant 0 : i32
          %dma_wait3A_415 = arith.constant 0 : i32
          %dma_wait3A_416 = tpu.memref_slice %arg2[%dma_wait3A_414, %dma_wait3A_415] : memref<10000x128xf32, #tpu.memory_space<hbm>> -> memref<10000x128xf32, #tpu.memory_space<hbm>>
          tpu.wait_indirect_dma semaphore(%arg20 : memref<!tpu.dma_semaphore, #tpu.memory_space<semaphore_mem>>) src(%dma_wait3A_416 : memref<10000x128xf32, #tpu.memory_space<hbm>>) dst(%arg11 : memref<128x128xf32, #tpu.memory_space<vmem>>)
          %run_scoped3A = arith.constant 1 : i32
          "tpu.region"() ({
            %run_scoped3A_417 = tpu.sem_alloc : memref<!tpu.dma_semaphore, #tpu.memory_space<semaphore_mem>>
            %dma_start3A_418 = arith.constant 0 : i32
            %dma_start3A_419 = tpu.memref_slice %arg8[%run_scoped3A, %dma_start3A_418] : memref<2x128xi32, #tpu.memory_space<vmem>> -> memref<1x128xi32, #tpu.memory_space<vmem>>
            %dma_start3A_420 = tpu.memref_squeeze %dma_start3A_419 : memref<1x128xi32, #tpu.memory_space<vmem>> -> memref<128xi32, #tpu.memory_space<vmem>>
            %dma_start3A_421 = arith.constant 0 : i32
            %dma_start3A_422 = arith.constant 0 : i32
            %dma_start3A_423 = tpu.memref_slice %arg14[%dma_start3A_421, %dma_start3A_422] : memref<10000x128xf32, #tpu.memory_space<vmem_shared>> -> memref<10000x128xf32, #tpu.memory_space<vmem_shared>>
            tpu.enqueue_indirect_dma source(%arg11 : memref<128x128xf32, #tpu.memory_space<vmem>>) target(%dma_start3A_423 : memref<10000x128xf32, #tpu.memory_space<vmem_shared>>) offsets(%dma_start3A_420 : memref<128xi32, #tpu.memory_space<vmem>>) semaphore(%run_scoped3A_417 : memref<!tpu.dma_semaphore, #tpu.memory_space<semaphore_mem>>) {add = true}
            %dma_wait3A_424 = arith.constant 0 : i32
            %dma_wait3A_425 = tpu.memref_slice %arg8[%run_scoped3A, %dma_wait3A_424] : memref<2x128xi32, #tpu.memory_space<vmem>> -> memref<1x128xi32, #tpu.memory_space<vmem>>
            %dma_wait3A_426 = tpu.memref_squeeze %dma_wait3A_425 : memref<1x128xi32, #tpu.memory_space<vmem>> -> memref<128xi32, #tpu.memory_space<vmem>>
            %dma_wait3A_427 = arith.constant 0 : i32
            %dma_wait3A_428 = arith.constant 0 : i32
            %dma_wait3A_429 = tpu.memref_slice %arg14[%dma_wait3A_427, %dma_wait3A_428] : memref<10000x128xf32, #tpu.memory_space<vmem_shared>> -> memref<10000x128xf32, #tpu.memory_space<vmem_shared>>
            tpu.wait_indirect_dma semaphore(%run_scoped3A_417 : memref<!tpu.dma_semaphore, #tpu.memory_space<semaphore_mem>>) src(%arg11 : memref<128x128xf32, #tpu.memory_space<vmem>>) dst(%dma_wait3A_429 : memref<10000x128xf32, #tpu.memory_space<vmem_shared>>)
            tpu.yield
          }) : () -> ()
        } else {
        }
        %add3A_358 = arith.constant 5 : i32
        %add3A_359 = arith.addi %add3A_353, %add3A_358 : i32
        %lt3A_360 = arith.cmpi slt, %add3A_359, %add3A_5 : i32
        %convert_element_type3A_361 = arith.extui %lt3A_360 : i1 to i32
        %cond3A_362 = arith.constant 0 : i32
        %cond3A_363 = arith.cmpi ne, %convert_element_type3A_361, %cond3A_362 : i32
        scf.if %cond3A_363 {
          %add3A_410 = arith.constant 5 : i32
          %add3A_411 = arith.addi %add3A_353, %add3A_410 : i32
          %add3A_412 = arith.addi %add3A, %add3A_411 : i32
          %mul3A_413 = arith.constant 128 : i32
          %mul3A_414 = arith.muli %add3A_412, %mul3A_413 : i32
          %dma_start3A_415 = arith.constant 0 : i32
          %dma_start3A_416 = tpu.memref_slice %arg4[%dma_start3A_415, %mul3A_414] : memref<2x160000xi32, #tpu.memory_space<hbm>> -> memref<2x128xi32, #tpu.memory_space<hbm>>
          %dma_start3A_417 = arith.constant 0 : i32
          %dma_start3A_418 = tpu.memref_slice %arg4[%dma_start3A_417, %mul3A_414] : memref<2x160000xi32, #tpu.memory_space<hbm>> -> memref<2x128xi32, #tpu.memory_space<hbm>>
          tpu.enqueue_dma source(%dma_start3A_418 : memref<2x128xi32, #tpu.memory_space<hbm>>) target(%arg8 : memref<2x128xi32, #tpu.memory_space<vmem>>) target_semaphore(%arg17 : memref<!tpu.dma_semaphore, #tpu.memory_space<semaphore_mem>>)
        } else {
        }
        %add3A_364 = arith.constant 3 : i32
        %add3A_365 = arith.addi %add3A_353, %add3A_364 : i32
        %lt3A_366 = arith.cmpi slt, %add3A_365, %add3A_5 : i32
        %convert_element_type3A_367 = arith.extui %lt3A_366 : i1 to i32
        %cond3A_368 = arith.constant 0 : i32
        %cond3A_369 = arith.cmpi ne, %convert_element_type3A_367, %cond3A_368 : i32
        scf.if %cond3A_369 {
          %dma_wait3A_410 = arith.constant 0 : i32
          %dma_wait3A_411 = arith.constant 0 : i32
          %dma_wait3A_412 = tpu.memref_slice %arg4[%dma_wait3A_410, %dma_wait3A_411] : memref<2x160000xi32, #tpu.memory_space<hbm>> -> memref<2x128xi32, #tpu.memory_space<hbm>>
          %dma_wait3A_413 = arith.constant 0 : i32
          %dma_wait3A_414 = arith.constant 0 : i32
          %dma_wait3A_415 = tpu.memref_slice %arg4[%dma_wait3A_413, %dma_wait3A_414] : memref<2x160000xi32, #tpu.memory_space<hbm>> -> memref<2x128xi32, #tpu.memory_space<hbm>>
          tpu.wait_dma2 semaphore(%arg15 : memref<!tpu.dma_semaphore, #tpu.memory_space<semaphore_mem>>) src(%dma_wait3A_415 : memref<2x128xi32, #tpu.memory_space<hbm>>) dst(%arg6 : memref<2x128xi32, #tpu.memory_space<vmem>>)
          %dma_start3A_416 = arith.constant 0 : i32
          %dma_start3A_417 = arith.constant 0 : i32
          %dma_start3A_418 = tpu.memref_slice %arg6[%dma_start3A_416, %dma_start3A_417] : memref<2x128xi32, #tpu.memory_space<vmem>> -> memref<1x128xi32, #tpu.memory_space<vmem>>
          %dma_start3A_419 = tpu.memref_squeeze %dma_start3A_418 : memref<1x128xi32, #tpu.memory_space<vmem>> -> memref<128xi32, #tpu.memory_space<vmem>>
          %dma_start3A_420 = arith.constant 0 : i32
          %dma_start3A_421 = arith.constant 0 : i32
          %dma_start3A_422 = tpu.memref_slice %arg2[%dma_start3A_420, %dma_start3A_421] : memref<10000x128xf32, #tpu.memory_space<hbm>> -> memref<10000x128xf32, #tpu.memory_space<hbm>>
          tpu.enqueue_indirect_dma source(%dma_start3A_422 : memref<10000x128xf32, #tpu.memory_space<hbm>>) target(%arg11 : memref<128x128xf32, #tpu.memory_space<vmem>>) offsets(%dma_start3A_419 : memref<128xi32, #tpu.memory_space<vmem>>) semaphore(%arg20 : memref<!tpu.dma_semaphore, #tpu.memory_space<semaphore_mem>>)
        } else {
        }
        %mul3A_370 = arith.constant 15 : i32
        %mul3A_371 = arith.muli %mul3A_370, %scan3A_109 : i32
        %add3A_372 = arith.constant 13 : i32
        %add3A_373 = arith.addi %mul3A_371, %add3A_372 : i32
        %lt3A_374 = arith.cmpi slt, %add3A_373, %add3A_5 : i32
        %convert_element_type3A_375 = arith.extui %lt3A_374 : i1 to i32
        %cond3A_376 = arith.constant 0 : i32
        %cond3A_377 = arith.cmpi ne, %convert_element_type3A_375, %cond3A_376 : i32
        scf.if %cond3A_377 {
          %dma_wait3A_410 = arith.constant 0 : i32
          %dma_wait3A_411 = arith.constant 0 : i32
          %dma_wait3A_412 = tpu.memref_slice %arg9[%dma_wait3A_410, %dma_wait3A_411] : memref<2x128xi32, #tpu.memory_space<vmem>> -> memref<1x128xi32, #tpu.memory_space<vmem>>
          %dma_wait3A_413 = tpu.memref_squeeze %dma_wait3A_412 : memref<1x128xi32, #tpu.memory_space<vmem>> -> memref<128xi32, #tpu.memory_space<vmem>>
          %dma_wait3A_414 = arith.constant 0 : i32
          %dma_wait3A_415 = arith.constant 0 : i32
          %dma_wait3A_416 = tpu.memref_slice %arg2[%dma_wait3A_414, %dma_wait3A_415] : memref<10000x128xf32, #tpu.memory_space<hbm>> -> memref<10000x128xf32, #tpu.memory_space<hbm>>
          tpu.wait_indirect_dma semaphore(%arg21 : memref<!tpu.dma_semaphore, #tpu.memory_space<semaphore_mem>>) src(%dma_wait3A_416 : memref<10000x128xf32, #tpu.memory_space<hbm>>) dst(%arg12 : memref<128x128xf32, #tpu.memory_space<vmem>>)
          %run_scoped3A = arith.constant 1 : i32
          "tpu.region"() ({
            %run_scoped3A_417 = tpu.sem_alloc : memref<!tpu.dma_semaphore, #tpu.memory_space<semaphore_mem>>
            %dma_start3A_418 = arith.constant 0 : i32
            %dma_start3A_419 = tpu.memref_slice %arg9[%run_scoped3A, %dma_start3A_418] : memref<2x128xi32, #tpu.memory_space<vmem>> -> memref<1x128xi32, #tpu.memory_space<vmem>>
            %dma_start3A_420 = tpu.memref_squeeze %dma_start3A_419 : memref<1x128xi32, #tpu.memory_space<vmem>> -> memref<128xi32, #tpu.memory_space<vmem>>
            %dma_start3A_421 = arith.constant 0 : i32
            %dma_start3A_422 = arith.constant 0 : i32
            %dma_start3A_423 = tpu.memref_slice %arg14[%dma_start3A_421, %dma_start3A_422] : memref<10000x128xf32, #tpu.memory_space<vmem_shared>> -> memref<10000x128xf32, #tpu.memory_space<vmem_shared>>
            tpu.enqueue_indirect_dma source(%arg12 : memref<128x128xf32, #tpu.memory_space<vmem>>) target(%dma_start3A_423 : memref<10000x128xf32, #tpu.memory_space<vmem_shared>>) offsets(%dma_start3A_420 : memref<128xi32, #tpu.memory_space<vmem>>) semaphore(%run_scoped3A_417 : memref<!tpu.dma_semaphore, #tpu.memory_space<semaphore_mem>>) {add = true}
            %dma_wait3A_424 = arith.constant 0 : i32
            %dma_wait3A_425 = tpu.memref_slice %arg9[%run_scoped3A, %dma_wait3A_424] : memref<2x128xi32, #tpu.memory_space<vmem>> -> memref<1x128xi32, #tpu.memory_space<vmem>>
            %dma_wait3A_426 = tpu.memref_squeeze %dma_wait3A_425 : memref<1x128xi32, #tpu.memory_space<vmem>> -> memref<128xi32, #tpu.memory_space<vmem>>
            %dma_wait3A_427 = arith.constant 0 : i32
            %dma_wait3A_428 = arith.constant 0 : i32
            %dma_wait3A_429 = tpu.memref_slice %arg14[%dma_wait3A_427, %dma_wait3A_428] : memref<10000x128xf32, #tpu.memory_space<vmem_shared>> -> memref<10000x128xf32, #tpu.memory_space<vmem_shared>>
            tpu.wait_indirect_dma semaphore(%run_scoped3A_417 : memref<!tpu.dma_semaphore, #tpu.memory_space<semaphore_mem>>) src(%arg12 : memref<128x128xf32, #tpu.memory_space<vmem>>) dst(%dma_wait3A_429 : memref<10000x128xf32, #tpu.memory_space<vmem_shared>>)
            tpu.yield
          }) : () -> ()
        } else {
        }
        %add3A_378 = arith.constant 5 : i32
        %add3A_379 = arith.addi %add3A_373, %add3A_378 : i32
        %lt3A_380 = arith.cmpi slt, %add3A_379, %add3A_5 : i32
        %convert_element_type3A_381 = arith.extui %lt3A_380 : i1 to i32
        %cond3A_382 = arith.constant 0 : i32
        %cond3A_383 = arith.cmpi ne, %convert_element_type3A_381, %cond3A_382 : i32
        scf.if %cond3A_383 {
          %add3A_410 = arith.constant 5 : i32
          %add3A_411 = arith.addi %add3A_373, %add3A_410 : i32
          %add3A_412 = arith.addi %add3A, %add3A_411 : i32
          %mul3A_413 = arith.constant 128 : i32
          %mul3A_414 = arith.muli %add3A_412, %mul3A_413 : i32
          %dma_start3A_415 = arith.constant 0 : i32
          %dma_start3A_416 = tpu.memref_slice %arg4[%dma_start3A_415, %mul3A_414] : memref<2x160000xi32, #tpu.memory_space<hbm>> -> memref<2x128xi32, #tpu.memory_space<hbm>>
          %dma_start3A_417 = arith.constant 0 : i32
          %dma_start3A_418 = tpu.memref_slice %arg4[%dma_start3A_417, %mul3A_414] : memref<2x160000xi32, #tpu.memory_space<hbm>> -> memref<2x128xi32, #tpu.memory_space<hbm>>
          tpu.enqueue_dma source(%dma_start3A_418 : memref<2x128xi32, #tpu.memory_space<hbm>>) target(%arg9 : memref<2x128xi32, #tpu.memory_space<vmem>>) target_semaphore(%arg18 : memref<!tpu.dma_semaphore, #tpu.memory_space<semaphore_mem>>)
        } else {
        }
        %add3A_384 = arith.constant 3 : i32
        %add3A_385 = arith.addi %add3A_373, %add3A_384 : i32
        %lt3A_386 = arith.cmpi slt, %add3A_385, %add3A_5 : i32
        %convert_element_type3A_387 = arith.extui %lt3A_386 : i1 to i32
        %cond3A_388 = arith.constant 0 : i32
        %cond3A_389 = arith.cmpi ne, %convert_element_type3A_387, %cond3A_388 : i32
        scf.if %cond3A_389 {
          %dma_wait3A_410 = arith.constant 0 : i32
          %dma_wait3A_411 = arith.constant 0 : i32
          %dma_wait3A_412 = tpu.memref_slice %arg4[%dma_wait3A_410, %dma_wait3A_411] : memref<2x160000xi32, #tpu.memory_space<hbm>> -> memref<2x128xi32, #tpu.memory_space<hbm>>
          %dma_wait3A_413 = arith.constant 0 : i32
          %dma_wait3A_414 = arith.constant 0 : i32
          %dma_wait3A_415 = tpu.memref_slice %arg4[%dma_wait3A_413, %dma_wait3A_414] : memref<2x160000xi32, #tpu.memory_space<hbm>> -> memref<2x128xi32, #tpu.memory_space<hbm>>
          tpu.wait_dma2 semaphore(%arg16 : memref<!tpu.dma_semaphore, #tpu.memory_space<semaphore_mem>>) src(%dma_wait3A_415 : memref<2x128xi32, #tpu.memory_space<hbm>>) dst(%arg7 : memref<2x128xi32, #tpu.memory_space<vmem>>)
          %dma_start3A_416 = arith.constant 0 : i32
          %dma_start3A_417 = arith.constant 0 : i32
          %dma_start3A_418 = tpu.memref_slice %arg7[%dma_start3A_416, %dma_start3A_417] : memref<2x128xi32, #tpu.memory_space<vmem>> -> memref<1x128xi32, #tpu.memory_space<vmem>>
          %dma_start3A_419 = tpu.memref_squeeze %dma_start3A_418 : memref<1x128xi32, #tpu.memory_space<vmem>> -> memref<128xi32, #tpu.memory_space<vmem>>
          %dma_start3A_420 = arith.constant 0 : i32
          %dma_start3A_421 = arith.constant 0 : i32
          %dma_start3A_422 = tpu.memref_slice %arg2[%dma_start3A_420, %dma_start3A_421] : memref<10000x128xf32, #tpu.memory_space<hbm>> -> memref<10000x128xf32, #tpu.memory_space<hbm>>
          tpu.enqueue_indirect_dma source(%dma_start3A_422 : memref<10000x128xf32, #tpu.memory_space<hbm>>) target(%arg12 : memref<128x128xf32, #tpu.memory_space<vmem>>) offsets(%dma_start3A_419 : memref<128xi32, #tpu.memory_space<vmem>>) semaphore(%arg21 : memref<!tpu.dma_semaphore, #tpu.memory_space<semaphore_mem>>)
        } else {
        }
        %mul3A_390 = arith.constant 15 : i32
        %mul3A_391 = arith.muli %mul3A_390, %scan3A_109 : i32
        %add3A_392 = arith.constant 14 : i32
        %add3A_393 = arith.addi %mul3A_391, %add3A_392 : i32
        %lt3A_394 = arith.cmpi slt, %add3A_393, %add3A_5 : i32
        %convert_element_type3A_395 = arith.extui %lt3A_394 : i1 to i32
        %cond3A_396 = arith.constant 0 : i32
        %cond3A_397 = arith.cmpi ne, %convert_element_type3A_395, %cond3A_396 : i32
        scf.if %cond3A_397 {
          %dma_wait3A_410 = arith.constant 0 : i32
          %dma_wait3A_411 = arith.constant 0 : i32
          %dma_wait3A_412 = tpu.memref_slice %arg10[%dma_wait3A_410, %dma_wait3A_411] : memref<2x128xi32, #tpu.memory_space<vmem>> -> memref<1x128xi32, #tpu.memory_space<vmem>>
          %dma_wait3A_413 = tpu.memref_squeeze %dma_wait3A_412 : memref<1x128xi32, #tpu.memory_space<vmem>> -> memref<128xi32, #tpu.memory_space<vmem>>
          %dma_wait3A_414 = arith.constant 0 : i32
          %dma_wait3A_415 = arith.constant 0 : i32
          %dma_wait3A_416 = tpu.memref_slice %arg2[%dma_wait3A_414, %dma_wait3A_415] : memref<10000x128xf32, #tpu.memory_space<hbm>> -> memref<10000x128xf32, #tpu.memory_space<hbm>>
          tpu.wait_indirect_dma semaphore(%arg22 : memref<!tpu.dma_semaphore, #tpu.memory_space<semaphore_mem>>) src(%dma_wait3A_416 : memref<10000x128xf32, #tpu.memory_space<hbm>>) dst(%arg13 : memref<128x128xf32, #tpu.memory_space<vmem>>)
          %run_scoped3A = arith.constant 1 : i32
          "tpu.region"() ({
            %run_scoped3A_417 = tpu.sem_alloc : memref<!tpu.dma_semaphore, #tpu.memory_space<semaphore_mem>>
            %dma_start3A_418 = arith.constant 0 : i32
            %dma_start3A_419 = tpu.memref_slice %arg10[%run_scoped3A, %dma_start3A_418] : memref<2x128xi32, #tpu.memory_space<vmem>> -> memref<1x128xi32, #tpu.memory_space<vmem>>
            %dma_start3A_420 = tpu.memref_squeeze %dma_start3A_419 : memref<1x128xi32, #tpu.memory_space<vmem>> -> memref<128xi32, #tpu.memory_space<vmem>>
            %dma_start3A_421 = arith.constant 0 : i32
            %dma_start3A_422 = arith.constant 0 : i32
            %dma_start3A_423 = tpu.memref_slice %arg14[%dma_start3A_421, %dma_start3A_422] : memref<10000x128xf32, #tpu.memory_space<vmem_shared>> -> memref<10000x128xf32, #tpu.memory_space<vmem_shared>>
            tpu.enqueue_indirect_dma source(%arg13 : memref<128x128xf32, #tpu.memory_space<vmem>>) target(%dma_start3A_423 : memref<10000x128xf32, #tpu.memory_space<vmem_shared>>) offsets(%dma_start3A_420 : memref<128xi32, #tpu.memory_space<vmem>>) semaphore(%run_scoped3A_417 : memref<!tpu.dma_semaphore, #tpu.memory_space<semaphore_mem>>) {add = true}
            %dma_wait3A_424 = arith.constant 0 : i32
            %dma_wait3A_425 = tpu.memref_slice %arg10[%run_scoped3A, %dma_wait3A_424] : memref<2x128xi32, #tpu.memory_space<vmem>> -> memref<1x128xi32, #tpu.memory_space<vmem>>
            %dma_wait3A_426 = tpu.memref_squeeze %dma_wait3A_425 : memref<1x128xi32, #tpu.memory_space<vmem>> -> memref<128xi32, #tpu.memory_space<vmem>>
            %dma_wait3A_427 = arith.constant 0 : i32
            %dma_wait3A_428 = arith.constant 0 : i32
            %dma_wait3A_429 = tpu.memref_slice %arg14[%dma_wait3A_427, %dma_wait3A_428] : memref<10000x128xf32, #tpu.memory_space<vmem_shared>> -> memref<10000x128xf32, #tpu.memory_space<vmem_shared>>
            tpu.wait_indirect_dma semaphore(%run_scoped3A_417 : memref<!tpu.dma_semaphore, #tpu.memory_space<semaphore_mem>>) src(%arg13 : memref<128x128xf32, #tpu.memory_space<vmem>>) dst(%dma_wait3A_429 : memref<10000x128xf32, #tpu.memory_space<vmem_shared>>)
            tpu.yield
          }) : () -> ()
        } else {
        }
        %add3A_398 = arith.constant 5 : i32
        %add3A_399 = arith.addi %add3A_393, %add3A_398 : i32
        %lt3A_400 = arith.cmpi slt, %add3A_399, %add3A_5 : i32
        %convert_element_type3A_401 = arith.extui %lt3A_400 : i1 to i32
        %cond3A_402 = arith.constant 0 : i32
        %cond3A_403 = arith.cmpi ne, %convert_element_type3A_401, %cond3A_402 : i32
        scf.if %cond3A_403 {
          %add3A_410 = arith.constant 5 : i32
          %add3A_411 = arith.addi %add3A_393, %add3A_410 : i32
          %add3A_412 = arith.addi %add3A, %add3A_411 : i32
          %mul3A_413 = arith.constant 128 : i32
          %mul3A_414 = arith.muli %add3A_412, %mul3A_413 : i32
          %dma_start3A_415 = arith.constant 0 : i32
          %dma_start3A_416 = tpu.memref_slice %arg4[%dma_start3A_415, %mul3A_414] : memref<2x160000xi32, #tpu.memory_space<hbm>> -> memref<2x128xi32, #tpu.memory_space<hbm>>
          %dma_start3A_417 = arith.constant 0 : i32
          %dma_start3A_418 = tpu.memref_slice %arg4[%dma_start3A_417, %mul3A_414] : memref<2x160000xi32, #tpu.memory_space<hbm>> -> memref<2x128xi32, #tpu.memory_space<hbm>>
          tpu.enqueue_dma source(%dma_start3A_418 : memref<2x128xi32, #tpu.memory_space<hbm>>) target(%arg10 : memref<2x128xi32, #tpu.memory_space<vmem>>) target_semaphore(%arg19 : memref<!tpu.dma_semaphore, #tpu.memory_space<semaphore_mem>>)
        } else {
        }
        %add3A_404 = arith.constant 3 : i32
        %add3A_405 = arith.addi %add3A_393, %add3A_404 : i32
        %lt3A_406 = arith.cmpi slt, %add3A_405, %add3A_5 : i32
        %convert_element_type3A_407 = arith.extui %lt3A_406 : i1 to i32
        %cond3A_408 = arith.constant 0 : i32
        %cond3A_409 = arith.cmpi ne, %convert_element_type3A_407, %cond3A_408 : i32
        scf.if %cond3A_409 {
          %dma_wait3A_410 = arith.constant 0 : i32
          %dma_wait3A_411 = arith.constant 0 : i32
          %dma_wait3A_412 = tpu.memref_slice %arg4[%dma_wait3A_410, %dma_wait3A_411] : memref<2x160000xi32, #tpu.memory_space<hbm>> -> memref<2x128xi32, #tpu.memory_space<hbm>>
          %dma_wait3A_413 = arith.constant 0 : i32
          %dma_wait3A_414 = arith.constant 0 : i32
          %dma_wait3A_415 = tpu.memref_slice %arg4[%dma_wait3A_413, %dma_wait3A_414] : memref<2x160000xi32, #tpu.memory_space<hbm>> -> memref<2x128xi32, #tpu.memory_space<hbm>>
          tpu.wait_dma2 semaphore(%arg17 : memref<!tpu.dma_semaphore, #tpu.memory_space<semaphore_mem>>) src(%dma_wait3A_415 : memref<2x128xi32, #tpu.memory_space<hbm>>) dst(%arg8 : memref<2x128xi32, #tpu.memory_space<vmem>>)
          %dma_start3A_416 = arith.constant 0 : i32
          %dma_start3A_417 = arith.constant 0 : i32
          %dma_start3A_418 = tpu.memref_slice %arg8[%dma_start3A_416, %dma_start3A_417] : memref<2x128xi32, #tpu.memory_space<vmem>> -> memref<1x128xi32, #tpu.memory_space<vmem>>
          %dma_start3A_419 = tpu.memref_squeeze %dma_start3A_418 : memref<1x128xi32, #tpu.memory_space<vmem>> -> memref<128xi32, #tpu.memory_space<vmem>>
          %dma_start3A_420 = arith.constant 0 : i32
          %dma_start3A_421 = arith.constant 0 : i32
          %dma_start3A_422 = tpu.memref_slice %arg2[%dma_start3A_420, %dma_start3A_421] : memref<10000x128xf32, #tpu.memory_space<hbm>> -> memref<10000x128xf32, #tpu.memory_space<hbm>>
          tpu.enqueue_indirect_dma source(%dma_start3A_422 : memref<10000x128xf32, #tpu.memory_space<hbm>>) target(%arg13 : memref<128x128xf32, #tpu.memory_space<vmem>>) offsets(%dma_start3A_419 : memref<128xi32, #tpu.memory_space<vmem>>) semaphore(%arg22 : memref<!tpu.dma_semaphore, #tpu.memory_space<semaphore_mem>>)
        } else {
        }
      }
      %scan3A_108 = arith.constant 6 : i32
    } else {
    }
    %barrier3A_98 = arith.constant 0 : index
    tpu.barrier barrier_id(%barrier3A_98)
    "tpu.region"() ({
      %run_scoped3A = tpu.sem_alloc : memref<!tpu.dma_semaphore, #tpu.memory_space<semaphore_mem>>
      %dma_start3A_104 = arith.constant 0 : i32
      %dma_start3A_105 = tpu.memref_slice %arg5[%arg0, %mul3A_19, %dma_start3A_104] : memref<2x10000x128xf32, #tpu.memory_space<hbm>> -> memref<1x624x128xf32, #tpu.memory_space<hbm>>
      %dma_start3A_106 = tpu.memref_squeeze %dma_start3A_105 : memref<1x624x128xf32, #tpu.memory_space<hbm>> -> memref<624x128xf32, #tpu.memory_space<hbm>>
      %dma_start3A_107 = arith.constant 0 : i32
      %dma_start3A_108 = tpu.memref_slice %arg14[%mul3A_19, %dma_start3A_107] : memref<10000x128xf32, #tpu.memory_space<vmem_shared>> -> memref<624x128xf32, #tpu.memory_space<vmem_shared>>
      tpu.enqueue_dma source(%dma_start3A_108 : memref<624x128xf32, #tpu.memory_space<vmem_shared>>) target(%dma_start3A_106 : memref<624x128xf32, #tpu.memory_space<hbm>>) target_semaphore(%run_scoped3A : memref<!tpu.dma_semaphore, #tpu.memory_space<semaphore_mem>>)
      %dma_wait3A_109 = arith.constant 0 : i32
      %dma_wait3A_110 = tpu.memref_slice %arg5[%arg0, %mul3A_19, %dma_wait3A_109] : memref<2x10000x128xf32, #tpu.memory_space<hbm>> -> memref<1x624x128xf32, #tpu.memory_space<hbm>>
      %dma_wait3A_111 = tpu.memref_squeeze %dma_wait3A_110 : memref<1x624x128xf32, #tpu.memory_space<hbm>> -> memref<624x128xf32, #tpu.memory_space<hbm>>
      %dma_wait3A_112 = arith.constant 0 : i32
      %dma_wait3A_113 = tpu.memref_slice %arg14[%mul3A_19, %dma_wait3A_112] : memref<10000x128xf32, #tpu.memory_space<vmem_shared>> -> memref<624x128xf32, #tpu.memory_space<vmem_shared>>
      tpu.wait_dma2 semaphore(%run_scoped3A : memref<!tpu.dma_semaphore, #tpu.memory_space<semaphore_mem>>) src(%dma_wait3A_113 : memref<624x128xf32, #tpu.memory_space<vmem_shared>>) dst(%dma_wait3A_111 : memref<624x128xf32, #tpu.memory_space<hbm>>)
      tpu.yield
    }) : () -> ()
    %eq3A_99 = arith.constant 0 : i32
    %eq3A_100 = arith.cmpi eq, %arg1, %eq3A_99 : i32
    %convert_element_type3A_101 = arith.extui %eq3A_100 : i1 to i32
    %cond3A_102 = arith.constant 0 : i32
    %cond3A_103 = arith.cmpi ne, %convert_element_type3A_101, %cond3A_102 : i32
    scf.if %cond3A_103 {
      "tpu.region"() ({
        %run_scoped3A = tpu.sem_alloc : memref<!tpu.dma_semaphore, #tpu.memory_space<semaphore_mem>>
        %dma_start3A_104 = arith.constant 9984 : i32
        %dma_start3A_105 = arith.constant 0 : i32
        %dma_start3A_106 = tpu.memref_slice %arg5[%arg0, %dma_start3A_104, %dma_start3A_105] : memref<2x10000x128xf32, #tpu.memory_space<hbm>> -> memref<1x16x128xf32, #tpu.memory_space<hbm>>
        %dma_start3A_107 = tpu.memref_squeeze %dma_start3A_106 : memref<1x16x128xf32, #tpu.memory_space<hbm>> -> memref<16x128xf32, #tpu.memory_space<hbm>>
        %dma_start3A_108 = arith.constant 9984 : i32
        %dma_start3A_109 = arith.constant 0 : i32
        %dma_start3A_110 = tpu.memref_slice %arg14[%dma_start3A_108, %dma_start3A_109] : memref<10000x128xf32, #tpu.memory_space<vmem_shared>> -> memref<16x128xf32, #tpu.memory_space<vmem_shared>>
        tpu.enqueue_dma source(%dma_start3A_110 : memref<16x128xf32, #tpu.memory_space<vmem_shared>>) target(%dma_start3A_107 : memref<16x128xf32, #tpu.memory_space<hbm>>) target_semaphore(%run_scoped3A : memref<!tpu.dma_semaphore, #tpu.memory_space<semaphore_mem>>)
        %dma_wait3A_111 = arith.constant 9984 : i32
        %dma_wait3A_112 = arith.constant 0 : i32
        %dma_wait3A_113 = tpu.memref_slice %arg5[%arg0, %dma_wait3A_111, %dma_wait3A_112] : memref<2x10000x128xf32, #tpu.memory_space<hbm>> -> memref<1x16x128xf32, #tpu.memory_space<hbm>>
        %dma_wait3A_114 = tpu.memref_squeeze %dma_wait3A_113 : memref<1x16x128xf32, #tpu.memory_space<hbm>> -> memref<16x128xf32, #tpu.memory_space<hbm>>
        %dma_wait3A_115 = arith.constant 9984 : i32
        %dma_wait3A_116 = arith.constant 0 : i32
        %dma_wait3A_117 = tpu.memref_slice %arg14[%dma_wait3A_115, %dma_wait3A_116] : memref<10000x128xf32, #tpu.memory_space<vmem_shared>> -> memref<16x128xf32, #tpu.memory_space<vmem_shared>>
        tpu.wait_dma2 semaphore(%run_scoped3A : memref<!tpu.dma_semaphore, #tpu.memory_space<semaphore_mem>>) src(%dma_wait3A_117 : memref<16x128xf32, #tpu.memory_space<vmem_shared>>) dst(%dma_wait3A_114 : memref<16x128xf32, #tpu.memory_space<hbm>>)
        tpu.yield
      }) : () -> ()
    } else {
    }
    return
  }
}

module attributes {stable_mosaic.version = 14 : i64} {
  func.func @body(%arg0: i32, %arg1: memref<2x2000x128xf32, #tpu.memory_space<vmem>>, %arg2: memref<128x128xf32, #tpu.memory_space<vmem>>, %arg3: memref<128x128xf32, #tpu.memory_space<vmem>>, %arg4: memref<2000x128xf32, #tpu.memory_space<vmem>>) attributes {dimension_semantics = [#tpu.dimension_semantics<arbitrary>], iteration_bounds = array<i64: 5>, scalar_prefetch = 0 : i64, scratch_operands = 0 : i64, tpu.core_type = #tpu.core_type<tc>, window_params = [{transform_indices = @transform_0, window_bounds = array<i64: 2, 2000, 128>}, {pipeline_mode = #tpu.pipeline_mode<synchronous>, transform_indices = @transform_1, window_bounds = array<i64: 128, 128>}, {pipeline_mode = #tpu.pipeline_mode<synchronous>, transform_indices = @transform_2, window_bounds = array<i64: 128, 128>}, {transform_indices = @transform_3, window_bounds = array<i64: 2000, 128>}]} {
    %get3A = arith.constant 0 : index
    %get3A_0 = arith.constant 0 : index
    %get3A_1 = arith.constant 0 : index
    %get3A_2 = vector.load %arg1[%get3A, %get3A_0, %get3A_1] : memref<2x2000x128xf32, #tpu.memory_space<vmem>>, vector<1x2000x128xf32>
    %get3A_3 = vector.shape_cast %get3A_2 : vector<1x2000x128xf32> to vector<2000x128xf32>
    %get3A_4 = arith.constant 0 : index
    %get3A_5 = arith.constant 0 : index
    %get3A_6 = vector.load %arg2[%get3A_4, %get3A_5] : memref<128x128xf32, #tpu.memory_space<vmem>>, vector<128x128xf32>
    %dot_general3A = arith.constant dense<0.000000e+00> : vector<2000x128xf32>
    %dot_general3A_7 = tpu.matmul %get3A_3, %get3A_6, %dot_general3A {dimension_numbers = #tpu.dot_dimension_numbers<[1], [0], [0], [1], [0, 0, 1, 1], [], []>, transpose_lhs_hint = false} : vector<2000x128xf32>, vector<128x128xf32>, vector<2000x128xf32> -> vector<2000x128xf32>
    %get3A_8 = arith.constant 1 : index
    %get3A_9 = arith.constant 0 : index
    %get3A_10 = arith.constant 0 : index
    %get3A_11 = vector.load %arg1[%get3A_8, %get3A_9, %get3A_10] : memref<2x2000x128xf32, #tpu.memory_space<vmem>>, vector<1x2000x128xf32>
    %get3A_12 = vector.shape_cast %get3A_11 : vector<1x2000x128xf32> to vector<2000x128xf32>
    %get3A_13 = arith.constant 0 : index
    %get3A_14 = arith.constant 0 : index
    %get3A_15 = vector.load %arg3[%get3A_13, %get3A_14] : memref<128x128xf32, #tpu.memory_space<vmem>>, vector<128x128xf32>
    %dot_general3A_16 = arith.constant dense<0.000000e+00> : vector<2000x128xf32>
    %dot_general3A_17 = tpu.matmul %get3A_12, %get3A_15, %dot_general3A_16 {dimension_numbers = #tpu.dot_dimension_numbers<[1], [0], [0], [1], [0, 0, 1, 1], [], []>, transpose_lhs_hint = false} : vector<2000x128xf32>, vector<128x128xf32>, vector<2000x128xf32> -> vector<2000x128xf32>
    %add3A = arith.addf %dot_general3A_7, %dot_general3A_17 : vector<2000x128xf32>
    %mul3A = arith.mulf %add3A, %add3A : vector<2000x128xf32>
    %reduce_sum3A = arith.constant dense<0.000000e+00> : vector<2000xf32>
    %reduce_sum3A_18 = vector.multi_reduction <add>, %mul3A, %reduce_sum3A [1] : vector<2000x128xf32> to vector<2000xf32>
    %broadcast_in_dim3A = vector.shape_cast %reduce_sum3A_18 : vector<2000xf32> to vector<2000x1xf32>
    %sqrt3A = math.sqrt %broadcast_in_dim3A : vector<2000x1xf32>
    %max3A = arith.constant 9.99999996E-13 : f32
    %max3A_19 = vector.broadcast %max3A : f32 to vector<2000x1xf32>
    %max3A_20 = arith.maximumf %sqrt3A, %max3A_19 : vector<2000x1xf32>
    %div3A = vector.broadcast %max3A_20 : vector<2000x1xf32> to vector<2000x128xf32>
    %div3A_21 = arith.divf %add3A, %div3A : vector<2000x128xf32>
    %max3A_22 = arith.constant 0.000000e+00 : f32
    %max3A_23 = vector.broadcast %max3A_22 : f32 to vector<2000x128xf32>
    %max3A_24 = arith.maximumf %div3A_21, %max3A_23 : vector<2000x128xf32>
    %swap3A = arith.constant 0 : index
    %swap3A_25 = arith.constant 0 : index
    %swap3A_26 = vector.load %arg4[%swap3A, %swap3A_25] : memref<2000x128xf32, #tpu.memory_space<vmem>>, vector<2000x128xf32>
    tpu.vector_store %arg4[%swap3A, %swap3A_25], %max3A_24 {strides = array<i32>} : memref<2000x128xf32, #tpu.memory_space<vmem>>, vector<2000x128xf32>,
    return
  }
  func.func @transform_0(%arg0: i32) -> (i32, i32, i32) {
    %c0_i32 = arith.constant 0 : i32
    %c0_i32_0 = arith.constant 0 : i32
    %c0_i32_1 = arith.constant 0 : i32
    return %c0_i32, %arg0, %c0_i32_0 : i32, i32, i32
  }
  func.func @transform_1(%arg0: i32) -> (i32, i32) {
    %c0_i32 = arith.constant 0 : i32
    %c0_i32_0 = arith.constant 0 : i32
    %c0_i32_1 = arith.constant 0 : i32
    return %c0_i32, %c0_i32_0 : i32, i32
  }
  func.func @transform_2(%arg0: i32) -> (i32, i32) {
    %c0_i32 = arith.constant 0 : i32
    %c0_i32_0 = arith.constant 0 : i32
    %c0_i32_1 = arith.constant 0 : i32
    return %c0_i32, %c0_i32_0 : i32, i32
  }
  func.func @transform_3(%arg0: i32) -> (i32, i32) {
    %c0_i32 = arith.constant 0 : i32
    %c0_i32_0 = arith.constant 0 : i32
    return %arg0, %c0_i32 : i32, i32
  }
}

</mosaic_0001>

<sc_bundles>
// kernel: kernel.4.cloned.1.call-start
scs
__scs_entry_jumppad:
0x0: {  	(pc) =	sbr.rel $0x88, $3  }
0x1: {  	(tag) =	ssettag $0x0;
	lr =	simm.s32 $0x1  }
0x2: {  	[smem:$0x3F9C] =	sst lr;
	_ =	strace $0xD0000000  }
0x3: {  	_ = 	snop  }
0x4: {  	_ = 	snop  }
0x5: {  	_ = 	snop  }
0x6: {  	_ = 	snop  }
0x7: {  	_ = 	snop  }
__scs_overlays_trampoline_lowered:
0x8: {  	[smem:$0x3FAB] =	sst s0  }
0x9: {  	[smem:$0x3FAC] =	sst s1  }
0xa: {  	[smem:$0x3FAD] =	sst s2  }
0xb: {  	[smem:$0x3FAE] =	sst s3  }
0xc: {  	[smem:$0x3FAF] =	sst s4  }
0xd: {  	[smem:$0x3FB0] =	sst s5  }
0xe: {  	[smem:$0x3FB1] =	sst s6  }
0xf: {  	[smem:$0x3FB2] =	sst s7  }
0x10: {  	[smem:$0x3FB3] =	sst s8  }
0x11: {  	[smem:$0x3FB4] =	sst s9;
	s0 =	simm.s32 @!p0 $0x0  }
0x12: {  	s1 =	sld [smem:$0x3F9A];
	s0 =	simm.s32 @p0 $0x1  }
0x13: {  	[smem:$0x3FB5] =	sst s0;
	s0 =	simm.s32 @!p1 $0x0  }
0x14: {  	s2 =	sld [smem:$0x3F99];
	s0 =	simm.s32 @p1 $0x1  }
0x15: {  	[smem:$0x3FB6] =	sst s0;
	s0 =	simm.s32 @!p2 $0x0  }
0x16: {  	s3 =	sld [smem:$0x3FDB];
	s0 =	simm.s32 @p2 $0x1  }
0x17: {  	s4 =	simm.s32 $0x1BF5;
	[smem:$0x3FB8] =	sst s0  }
0x18: {  	s0 =	sld [smem:$0x3F9B];
	_ =	swait.ge [sflag:s4], $0x0  }
0x19: {  	s7 =	sld [smem:$0x3F9C]  }
0x1a: {  	s8 =	sadd.s32 $0xFFFFE003, lr  }
0x1b: {  	s9 =	sadd.s32 $0xFFFFFEF7, lr;
	s5 =	simm.s32 $0xFFFFFFFF;
	p2 =	slt.u32 s8, $0xFFFFF086  }
0x1c: {  	p1 =	slt.u32 s9, $0xF7A;
	s5 =	simm.s32 @!p2 $0x0  }
0x1d: {  	s5 =	simm.s32 @p1 $0x1;
	p0 =	seq.s32 s7, s2  }
0x1e: {  	s7 =	smul.u32 @!p0 $0xF7A, s2;
	p2 =	seq.s32 @!p0 s5, $0x0  }
0x1f: {  	s9 =	smul.u32 $0xF7A, s1;
	s8 =	simm.s32 @!p0 $0x1BF5;
	p2 =	por !p2, p0  }
0x20: {  	[sflag:s8] =	ssyncset.s32 @!p0 $0xFFFFF086;
	s6 =	sadd.s32 @!p0 s3, s7;
	s7 =	simm.s32 @!p0 $0x108  }
0x21: {  	s3 =	sadd.s32 s3, s9;
	s6 =	sadd.s32 @!p0 $0x88, s6;
	s7 =	simm.s32 @p2 $0x1082  }
0x22: {  	[simem:s7], [sflag:s8] =	dma.local @!p0 [hbm:s6], $0xF7A  }
0x23: {  	s9 =	sor.u32 $0xD0000000, s2;
	s6 =	simm.s32 $0x108;
	_ =	swait.ge @!p0 [sflag:s8], $0x0  }
0x24: {  	s3 =	sadd.s32 $0x88, s3;
	s6 =	simm.s32 @!p1 $0x1082;
	[sflag:s4] =	ssyncset.s32 $0xFFFFF086  }
0x25: {  	[simem:s6], [sflag:s4] =	dma.local [hbm:s3], $0xF7A  }
0x26: {  	[smem:$0x3F9C] =	sst s1;
	(tag) =	ssettag s2;
	_ =	strace s9  }
0x27: {  	s1 =	sld [smem:$0x3FAC]  }
0x28: {  	s2 =	sld [smem:$0x3FAD]  }
0x29: {  	s4 =	sld [smem:$0x3FAF]  }
0x2a: {  	p0 =	seq.s32 s5, $0x0;
	s5 =	sld [smem:$0x3FB0]  }
0x2b: {  	s6 =	sld [smem:$0x3FB1]  }
0x2c: {  	s7 =	sld [smem:$0x3FB2]  }
0x2d: {  	s3 =	simm.s32 $0x108;
	s8 =	sld [smem:$0x3FB3]  }
0x2e: {  	s3 =	simm.s32 @!p0 $0x1082;
	s9 =	sld [smem:$0x3FB4]  }
0x2f: {  	lr =	sadd.s32 s0, s3;
	s0 =	sld [smem:$0x3FAB]  }
0x30: {  	s3 =	sld [smem:$0x3FAE]  }
0x31: {  	[smem:$0x3FB7] =	sst s10  }
0x32: {  	s10 =	sld [smem:$0x3FB5];
	_ =	sdelay $0x3  }
0x33: {  	p0 =	seq.s32 s10, $0x1;
	s10 =	sld [smem:$0x3FB7];
	_ =	sdelay $0x3  }
0x34: {  	[smem:$0x3FB7] =	sst s10  }
0x35: {  	s10 =	sld [smem:$0x3FB6];
	_ =	sdelay $0x3  }
0x36: {  	p1 =	seq.s32 s10, $0x1;
	s10 =	sld [smem:$0x3FB7];
	_ =	sdelay $0x3  }
0x37: {  	[smem:$0x3FB7] =	sst s10  }
0x38: {  	s10 =	sld [smem:$0x3FB8]  }
0x39: {  	_ = 	snop;
	(pc) =	sbr.ind lr, $3  }
0x3a: {  	_ = 	snop  }
0x3b: {  	_ = 	snop  }
0x3c: {  	p2 =	seq.s32 s10, $0x1;
	s10 =	sld [smem:$0x3FB7]  }
0x3d: {  	_ =	shalt  }
0x3e: {  	_ =	shalt  }
0x3f: {  	_ =	shalt  }
0x40: {  	_ =	shalt  }
0x41: {  	_ =	shalt  }
0x42: {  	_ =	shalt  }
0x43: {  	_ =	shalt  }
0x44: {  	_ =	shalt  }
0x45: {  	_ =	shalt  }
0x46: {  	_ =	shalt  }
0x47: {  	_ =	shalt  }
0x48: {  	_ =	shalt  }
0x49: {  	_ =	shalt  }
0x4a: {  	_ =	shalt  }
0x4b: {  	_ =	shalt  }
0x4c: {  	_ =	shalt  }
0x4d: {  	_ =	shalt  }
0x4e: {  	_ =	shalt  }
0x4f: {  	_ =	shalt  }
0x50: {  	_ =	shalt  }
0x51: {  	_ =	shalt  }
0x52: {  	_ =	shalt  }
0x53: {  	_ =	shalt  }
0x54: {  	_ =	shalt  }
0x55: {  	_ =	shalt  }
0x56: {  	_ =	shalt  }
0x57: {  	_ =	shalt  }
0x58: {  	_ =	shalt  }
0x59: {  	_ =	shalt  }
0x5a: {  	_ =	shalt  }
0x5b: {  	_ =	shalt  }
0x5c: {  	_ =	shalt  }
0x5d: {  	_ =	shalt  }
0x5e: {  	_ =	shalt  }
0x5f: {  	_ =	shalt  }
0x60: {  	_ =	shalt  }
0x61: {  	_ =	shalt  }
0x62: {  	_ =	shalt  }
0x63: {  	_ =	shalt  }
0x64: {  	_ =	shalt  }
0x65: {  	_ =	shalt  }
0x66: {  	_ =	shalt  }
0x67: {  	_ =	shalt  }
0x68: {  	_ =	shalt  }
0x69: {  	_ =	shalt  }
0x6a: {  	_ =	shalt  }
0x6b: {  	_ =	shalt  }
0x6c: {  	_ =	shalt  }
0x6d: {  	_ =	shalt  }
0x6e: {  	_ =	shalt  }
0x6f: {  	_ =	shalt  }
0x70: {  	_ =	shalt  }
0x71: {  	_ =	shalt  }
0x72: {  	_ =	shalt  }
0x73: {  	_ =	shalt  }
0x74: {  	_ =	shalt  }
0x75: {  	_ =	shalt  }
0x76: {  	_ =	shalt  }
0x77: {  	_ =	shalt  }
0x78: {  	_ =	shalt  }
0x79: {  	_ =	shalt  }
0x7a: {  	_ =	shalt  }
0x7b: {  	_ =	shalt  }
0x7c: {  	_ =	shalt  }
0x7d: {  	_ =	shalt  }
0x7e: {  	_ =	shalt  }
0x7f: {  	_ =	shalt  }
0x80: {  	_ =	shalt  }
0x81: {  	_ =	shalt  }
0x82: {  	_ =	shalt  }
0x83: {  	_ =	shalt  }
0x84: {  	_ =	shalt  }
0x85: {  	_ =	shalt  }
0x86: {  	_ =	shalt  }
0x87: {  	_ =	shalt  }
.Lfunc_end0:
.L_simem_size_0:
called_computation_lowered:
.L_overlay_start_0:
0x88: {  	s2 =	sld [smem:$0x3FD9]  }
0x89: {  	s3 =	sld [smem:$0x3FFE];
	_ =	sdelay $0x1  }
0x8a: {  	s1 =	srdreg.scid  }
0x8b: {  	s0 =	sand.u32 $0x1, s1  }
0x8c: {  	s17 =	sshll.u32 s0, $0xA;
	s2 =	sadd.s32 s3, s2  }
0x8d: {  	s2 =	sadd.s32 s2, s17  }
0x8e: {  	[smem:$0x3FC3] =	sst s2  }
0x8f: {  	_ = 	snop  }
0x90: {  	s2 =	sld [smem:$0x3FC9]  }
0x91: {  	s18 =	sld [smem:$0x3FC8]  }
0x92: {  	s4 =	sld [smem:$0x3FC7];
	(tm) =	ssettm $0x1  }
0x93: {  	s5 =	sld [smem:$0x3FFB];
	_ =	sdelay $0x3  }
0x94: {  	_ =	strace s5  }
0x95: {  	s5 =	sld [smem:$0x3FFC];
	_ =	sdelay $0x3  }
0x96: {  	_ =	strace s5  }
0x97: {  	s5 =	sld [smem:$0x3FFD];
	_ =	sdelay $0x3  }
0x98: {  	_ =	strace s5  }
0x99: {  	_ =	strace $0x8FFFFFFF  }
0x9a: {  	s19 =	sld [smem:$0x3FDB];
	_ =	sdelay $0x1  }
0x9b: {  	s6 =	simm.s32 $_scs_section_size  }
0x9c: {  	s7 =	simm.s32 $_size__tile_overlayer_lowered;
	s8 =	simm.s32 $_tile_overlayer_lowered  }
0x9d: {  	s22 =	simm.s32 $0x1BFF;
	s21 =	sshll.u32 s8, $0x1;
	s5 =	sadd.s32 s6, s19  }
0x9e: {  	s9 =	simm.s32 $0x0;
	s20 =	sshll.u32 s7, $0x1;
	s7 =	sadd.s32 s21, s5  }
0x9f: {  	[timem:s9], [sflag:s22] =	dma.local [hbm:s7], s20  }
0xa0: {  	_ =	swait.ge [sflag:s22], s20  }
0xa1: {  	s6 =	ssub.s32 $0x0, s20;
	[sflag:s22] =	ssyncset.done $0x0  }
0xa2: {  	[sflag:s22] =	ssyncadd.s32 s6;
	_ =	sdelay $0x1  }
0xa3: {  	s23 =	simm.s32 $0x1B8B  }
0xa4: {  	_ =	swait.ge [sflag:s23], $0x1  }
0xa5: {  	[sflag:s23] =	ssyncset.done $0x0  }
0xa6: {  	s25 =	simm.s32 $0x1B8E;
	s24 =	sld [smem:$0x3FFE];
	[sflag:s23] =	ssyncadd.s32 $0xFFFFFFFF  }
0xa7: {  	s26 =	simm.s32 $execute0_lowered;
	[smem:$0x3FD2] =	sst s25  }
0xa8: {  	s7 =	sshll.u32 s26, $0x1;
	_ =	strace $0x80000046;
	[dreg:$0x1] =	wrdreg $0xFFFFFFFF  }
0xa9: {  	s28 =	simm.s32 $_size_execute0_lowered;
	s5 =	sadd.s32 s5, s7;
	[dreg:$0x0] =	wrdreg $0x0  }
0xaa: {  	s7 =	sshll.u32 s28, $0x1;
	[dreg:$0x2] =	wrdreg s5  }
0xab: {  	[dreg:$0x3] =	wrdreg s7  }
0xac: {  	[dreg:$0x4] =	wrdreg $0xC0  }
0xad: {  	_ =	task [dreg:s9], $0x5FFFF  }
0xae: {  	[dreg:$0x1] =	wrdreg $0xFFFFFFFF  }
0xaf: {  	[dreg:$0x0] =	wrdreg $0x60  }
0xb0: {  	[dreg:$0x2] =	wrdreg s2  }
0xb1: {  	[dreg:$0x3] =	wrdreg s18  }
0xb2: {  	[dreg:$0x4] =	wrdreg s4  }
0xb3: {  	[dreg:$0x5] =	wrdreg s24  }
0xb4: {  	[dreg:$0x6] =	wrdreg $0xC5000  }
0xb5: {  	[dreg:$0x7] =	wrdreg $0x9  }
0xb6: {  	_ =	task.clear_ibuf [dreg:s9], $0x8FFFF;
	_ =	strace $0x90000046  }
0xb7: {  	s29 =	simm.s32 $0x9;
	_ =	strace $0x80000048  }
0xb8: {  	_ =	swait.ge [sflag:s29], $0x1  }
0xb9: {  	[sflag:s29] =	ssyncadd.s32 $0xFFFFFFFF  }
0xba: {  	_ =	strace $0x90000048  }
0xbb: {  	_ =	sfence  }
0xbc: {  	s30 =	sld [smem:$0x0];
	_ =	sdelay $0x2  }
0xbd: {  	s31 =	sshll.u32 s1, $0xD;
	s1 =	sshrl.u32 s1, $0x2  }
0xbe: {  	s3 =	sand.u32 $0x4000, s31;
	s1 =	sadd.s32 s1, s30  }
0xbf: {  	s0 =	sor.u32 s3, s0;
	s1 =	sshll.u32 s1, $0x11  }
0xc0: {  	s0 =	sor.u32 s1, s0  }
0xc1: {  	s0 =	sadd.s32 $0x8F2B, s0  }
0xc2: {  	[sflag:s0] =	ssyncadd.remote.s32 $0x1  }
0xc3: {  	_ =	sfence.sel $0xFFFF  }
0xc4: {  	[dreg:$0x0] =	wrdreg $0xFFFFFFFF;
	(pc) =	sbr.abs _section_cstart, $3  }
0xc5: {  	[dreg:$0x1] =	wrdreg $0xFFFFFFFF  }
0xc6: {  	_ =	task.clear_ibuf [dreg:s9], $0x2FFFF;
	_ =	strace $0x9FFFFFFF  }
0xc7: {  	(tm) =	ssettm $0x7FFFFFFF  }
tec
execute0_lowered:
.L_overlay_start_1:
0x0: {  	(tag) =	ssettag $0x1  }
0x1: {  	s1 =	rddreg [dreg:$0x0]  }
0x2: {  	s0 =	rddreg [dreg:$0x1]  }
0x3: {  	s3 =	rddreg [dreg:$0x2]  }
0x4: {  	s4 =	rddreg [dreg:$0x3]  }
0x5: {  	s2 =	rddreg [dreg:$0x4];
	s28 =	simm.s32 $0x0;
	s15 =	stileid.u32  }
0x6: {  	s5 =	srdreg.scid;
	s29 =	simm.s32 $0x500;
	s9 =	smul.u32 $0x4E, s15  }
0x7: {  	[smem:$0x7FF] =	sst s28;
	s6 =	sand.u32 $0x1, s5;
	s11 =	smul.u32 $0x4E000, s15  }
0x8: {  	s4 =	sadd.s32 $0xA00, s4;
	s10 =	smin.u32 s15, $0x2;
	s17 =	smul.u32 $0x13800, s15  }
0x9: {  	p0 =	slt.u32 s15, $0x2;
	s5 =	simm.s32 $0x4F;
	s22 =	smul.u32 $0x9C0, s15  }
0xa: {  	s23 =	sadd.s32 $0x138000, s2;
	s15 =	simm.s32 $0x0;
	_ =	strace $0x80000047  }
0xb: {  	s7 =	ssub.s32 $0x2, s6;
	s5 =	simm.s32 @!p0 $0x4E;
	p0 =	seq.s32 s6, $0x0  }
0xc: {  	s13 =	smul.u32 $0x138800, s6;
	[dreg:$0xe] =	wrdreg s23;
	s26 =	sshll.u32 s10, $0x5  }
0xd: {  	s8 =	sshrl.u32 s7, $0x1;
	s14 =	sadd.s32 s10, s9;
	s16 =	sshrl.u32 s11, $0x2  }
0xe: {  	s11 =	sadd.s32 $0xFFFFFFFD, s5;
	s12 =	sadd.s32 $0xFFFFFFFC, s5;
	s10 =	simm.s32 $0x180  }
0xf: {  	s7 =	ssub.s32 s7, s8;
	s8 =	sshll.u32 s14, $0x5;
	s16 =	sadd.s32 s16, s2  }
0x10: {  	s9 =	sadd.s32 s17, s13;
	s13 =	sshrl.u32 s13, $0x3;
	s14 =	smov.u32 s3  }
0x11: {  	s3 =	sadd.s32 s22, s3;
	s18 =	sadd.s32 $0x4000, s16;
	s19 =	sadd.s32 $0x8000, s16  }
0x12: {  	s20 =	sadd.s32 $0xC000, s16;
	s21 =	sadd.s32 $0x10000, s16;
	[dreg:$0x6] =	wrdreg s16  }
0x13: {  	s9 =	sshrl.u32 s9, $0x3;
	s14 =	smov.u32 @p0 s0;
	[dreg:$0x7] =	wrdreg s18  }
0x14: {  	s7 =	smax.u32 s7, $0x1;
	s3 =	sadd.s32 s26, s3;
	[dreg:$0x8] =	wrdreg s19  }
0x15: {  	s0 =	sadd.s32 s22, s0;
	p0 =	sne.s32 s6, $0x0;
	[dreg:$0x9] =	wrdreg s20  }
0x16: {  	s6 =	simm.s32 $0x200;
	[dreg:$0xa] =	wrdreg s21;
	s9 =	sadd.s32 s4, s9  }
0x17: {  	s4 =	sadd.s32 s4, s13;
	s8 =	sadd.s32 s14, s8;
	[dreg:$0xf] =	wrdreg s7  }
0x18: {  	s3 =	sadd.s32 $0x260, s3;
	s0 =	sadd.s32 s26, s0;
	[dreg:$0xb] =	wrdreg s9  }
0x19: {  	s7 =	simm.s32 $0x100;
	s21 =	simm.s32 $0x4500;
	[dreg:$0xd] =	wrdreg s8  }
0x1a: {  	s13 =	simm.s32 $0x8;
	s4 =	sadd.s32 $0x27000, s4;
	[dreg:$0x14] =	wrdreg s3  }
0x1b: {  	s14 =	simm.s32 $0x280;
	s24 =	sadd.s32 $0x20, s8;
	[dreg:$0xc] =	wrdreg s4  }
0x1c: {  	s25 =	sadd.s32 $0x40, s8;
	s30 =	sadd.s32 $0x60, s8;
	[dreg:$0x10] =	wrdreg s24  }
.Ltmp0:
0x1d: {  	s31 =	sadd.s32 $0x80, s8;
	[dreg:$0x11] =	wrdreg s25;
	(pc) =	sbr.rel .LBB2_1-.Ltmp0, $4  }
0x1e: {  	s0 =	sadd.s32 $0x260, s0;
	s8 =	simm.s32 $0x6;
	[dreg:$0x12] =	wrdreg s30  }
0x1f: {  	s9 =	simm.s32 $0xA;
	[dreg:$0x15] =	wrdreg s0;
	s0 =	simm.s32 @!p0 $0x0  }
0x20: {  	[dreg:$0x13] =	wrdreg s31;
	s24 =	simm.s32 $0x8500;
	s0 =	simm.s32 @p0 $0x1  }
0x21: {  	v0 =	vimm.f32 $0.0e+00;
	s25 =	simm.s32 $0x7;
	[smem:$0x7FD] =	sst s0;
	s0 =	simm.s32 $0x80  }
.LBB2_9:
0x22: {  	s16 =	rddreg [dreg:$0x6]  }
0x23: {  	[sflag:s3] =	ssyncadd.s32 @!p0 $0xFFFFFF00;
	s15 =	rddreg [dreg:$0x16]  }
0x24: {  	[tilespmem:s6], [sflag:$0x8] =	stream.indirect.gather @!p0 [hbm4b:s1+s4], $0x80, s20, s4, $0xb8;
	[tilespmem:$0x1FD80] =	vst v63  }
.LBB2_10:
0x25: {  	s6 =	stileid.u32  }
0x26: {  	[bflag:$0x0] =	sbarrier.arrive $0xFFFF;
	s3 =	sshll.u32 s6, $0x6  }
0x27: {  	s4 =	sshrl.u32 s16, $0x3;
	s7 =	rddreg [dreg:$0xb];
	s3 =	sor.u32 $0x1C0A, s3  }
0x28: {  	[hbm:s7], [sflag:s3] =	dma.local [spmem:s4], $0x2700  }
0x29: {  	_ =	swait.ge [sflag:s9], $0x2700  }
0x2a: {  	p0 =	sne.s32 s6, $0x0;
	[sflag:s9] =	ssyncset.done $0x0;
	s4 =	rddreg [dreg:$0xe]  }
0x2b: {  	s6 =	rddreg [dreg:$0xc];
	[sflag:s9] =	ssyncadd.s32 $0xFFFFD900;
	s4 =	sshrl.u32 @!p0 s4, $0x3  }
0x2c: {  	[hbm:s6], [sflag:s3] =	dma.local @!p0 [spmem:s4], $0x100  }
0x2d: {  	s3 =	simm.s32 @!p0 $0xA  }
0x2e: {  	_ =	swait.ge @!p0 [sflag:s3], $0x100  }
0x2f: {  	s15 =	sadd.s32 $0x1, s15;
	s31 =	rddreg [dreg:$0xf]  }
0x30: {  	p1 =	sne.s32 s15, s31  }
.Ltmp1:
0x31: {  	_ = 	snop;
	(pc) =	sbr.rel @!p1 .LBB2_11-.Ltmp1, $3  }
0x32: {  	_ =	sdelay $0x1  }
0x33: {  	[sflag:s3] =	ssyncset.done @!p0 $0x0  }
0x34: {  	s7 =	simm.s32 $0x100;
	s6 =	simm.s32 $0x200;
	[sflag:s3] =	ssyncadd.s32 @!p0 $0xFFFFFF00  }
.LBB2_1:
0x35: {  	s3 =	rddreg [dreg:$0xd]  }
0x36: {  	s22 =	rddreg [dreg:$0x10]  }
0x37: {  	[tilespmem:s28], [sflag:$0x1] =	stream.linear.gather [hbm4b:s3+s28], $0x100, $0x38;
	[tilespmem:$0x1FD80] =	vst v63  }
0x38: {  	s23 =	rddreg [dreg:$0x11]  }
0x39: {  	[tilespmem:s7], [sflag:$0x2] =	stream.linear.gather [hbm4b:s22+s28], $0x100, $0x38;
	[tilespmem:$0x1FD80] =	vst v63  }
0x3a: {  	s26 =	rddreg [dreg:$0x12]  }
0x3b: {  	[tilespmem:s6], [sflag:$0x3] =	stream.linear.gather [hbm4b:s23+s28], $0x100, $0x38;
	[tilespmem:$0x1FD80] =	vst v63  }
0x3c: {  	s4 =	simm.s32 $0x300;
	s30 =	rddreg [dreg:$0x13]  }
0x3d: {  	[tilespmem:s4], [sflag:$0x4] =	stream.linear.gather [hbm4b:s26+s28], $0x100, $0x38;
	[tilespmem:$0x1FD80] =	vst v63  }
0x3e: {  	s31 =	simm.s32 $0x400;
	s3 =	simm.s32 $0x0;
	s4 =	simm.s32 $0x200  }
0x3f: {  	[tilespmem:s31], [sflag:$0x5] =	stream.linear.gather [hbm4b:s30+s28], $0x100, $0x38;
	[tilespmem:$0x1FD80] =	vst v63  }
.LBB2_2:
0x40: {  	p0 =	sne.s32 s4, $0xFE00;
	[tilespmem:s3+$0x570] =	vst v0  }
0x41: {  	[tilespmem:s3+$0x500] =	vst v0  }
0x42: {  	[tilespmem:s3+$0x510] =	vst v0  }
.Ltmp2:
0x43: {  	[tilespmem:s3+$0x520] =	vst v0;
	(pc) =	sbr.rel @p0 .LBB2_2-.Ltmp2, $4  }
0x44: {  	[tilespmem:s3+$0x530] =	vst v0  }
0x45: {  	[tilespmem:s3+$0x540] =	vst v0  }
0x46: {  	[tilespmem:s3+$0x550] =	vst v0  }
0x47: {  	[tilespmem:s3+$0x560] =	vst v0;
	s3 =	sshra.s32 s4, $0x2;
	s4 =	sadd.s32 $0x200, s4  }
0x48: {  	[tilespmem:s3+$0x570] =	vst v0  }
0x49: {  	[tilespmem:s3+$0x500] =	vst v0  }
0x4a: {  	[tilespmem:s3+$0x510] =	vst v0  }
0x4b: {  	[tilespmem:s3+$0x520] =	vst v0  }
0x4c: {  	[tilespmem:s3+$0x530] =	vst v0  }
0x4d: {  	[tilespmem:s3+$0x540] =	vst v0  }
0x4e: {  	[tilespmem:s3+$0x550] =	vst v0  }
0x4f: {  	[dreg:$0x16] =	wrdreg s15;
	[tilespmem:s3+$0x560] =	vst v0  }
0x50: {  	[spmem:s16] =	stream.linear.scatter [tilespmem:s29], [sflag:$0x9], $0x4000, $0x38;
	[tilespmem:$0x1FD80] =	vst v63  }
0x51: {  	s16 =	rddreg [dreg:$0x7]  }
0x52: {  	[spmem:s16] =	stream.linear.scatter [tilespmem:s29], [sflag:$0x9], $0x4000, $0x38;
	[tilespmem:$0x1FD80] =	vst v63  }
0x53: {  	s17 =	rddreg [dreg:$0x8]  }
0x54: {  	[spmem:s17] =	stream.linear.scatter [tilespmem:s29], [sflag:$0x9], $0x4000, $0x38;
	[tilespmem:$0x1FD80] =	vst v63  }
0x55: {  	s18 =	rddreg [dreg:$0x9]  }
0x56: {  	[spmem:s18] =	stream.linear.scatter [tilespmem:s29], [sflag:$0x9], $0x4000, $0x38;
	[tilespmem:$0x1FD80] =	vst v63  }
0x57: {  	s19 =	rddreg [dreg:$0xa];
	s20 =	simm.s32 $0x9  }
0x58: {  	[spmem:s19] =	stream.linear.scatter [tilespmem:s29], [sflag:$0x9], $0x4000, $0x38;
	[tilespmem:$0x1FD80] =	vst v63  }
0x59: {  	_ =	swait.ge [sflag:s20], $0x4000  }
0x5a: {  	[sflag:s20] =	ssyncset.done $0x0  }
0x5b: {  	[sflag:s20] =	ssyncadd.s32 $0xFFFFC000  }
0x5c: {  	_ =	swait.ge [sflag:s20], $0x4000  }
0x5d: {  	[sflag:s20] =	ssyncset.done $0x0  }
0x5e: {  	[sflag:s20] =	ssyncadd.s32 $0xFFFFC000  }
0x5f: {  	_ =	swait.ge [sflag:s20], $0x4000  }
0x60: {  	[sflag:s20] =	ssyncset.done $0x0  }
0x61: {  	[sflag:s20] =	ssyncadd.s32 $0xFFFFC000  }
0x62: {  	_ =	swait.ge [sflag:s20], $0x4000  }
0x63: {  	[sflag:s20] =	ssyncset.done $0x0  }
0x64: {  	[sflag:s20] =	ssyncadd.s32 $0xFFFFC000  }
0x65: {  	_ =	swait.ge [sflag:s20], $0x4000  }
0x66: {  	[sflag:s20] =	ssyncset.done $0x0  }
0x67: {  	s22 =	simm.s32 $0x1;
	[sflag:s20] =	ssyncadd.s32 $0xFFFFC000  }
0x68: {  	_ =	swait.ge [sflag:s22], $0x100  }
0x69: {  	[sflag:s22] =	ssyncset.done $0x0  }
0x6a: {  	s23 =	simm.s32 $0x0;
	s26 =	simm.s32 $0x2;
	[sflag:s22] =	ssyncadd.s32 $0xFFFFFF00  }
0x6b: {  	[tilespmem:s29], [sflag:$0x6] =	stream.indirect.gather [hbm4b:s1+s0], $0x80, s23, s0, $0xb8;
	[tilespmem:$0x1FD80] =	vst v63  }
0x6c: {  	_ =	swait.ge [sflag:s26], $0x100  }
0x6d: {  	[sflag:s26] =	ssyncset.done $0x0  }
0x6e: {  	s30 =	simm.s32 $0x3;
	[sflag:s26] =	ssyncadd.s32 $0xFFFFFF00  }
0x6f: {  	[tilespmem:s21], [sflag:$0x7] =	stream.indirect.gather [hbm4b:s1+s0], $0x80, s7, s0, $0xb8;
	[tilespmem:$0x1FD80] =	vst v63  }
0x70: {  	_ =	swait.ge [sflag:s30], $0x100  }
0x71: {  	[sflag:s30] =	ssyncset.done $0x0  }
0x72: {  	[sflag:s30] =	ssyncadd.s32 $0xFFFFFF00  }
0x73: {  	[tilespmem:s24], [sflag:$0x8] =	stream.indirect.gather [hbm4b:s1+s0], $0x80, s6, s0, $0xb8;
	[tilespmem:$0x1FD80] =	vst v63  }
0x74: {  	[bflag:$0x0] =	sbarrier.arrive $0xFFFF  }
0x75: {  	s31 =	sld [smem:$0x7FD];
	_ =	sdelay $0x2  }
0x76: {  	p0 =	seq.s32 s31, $0x1  }
.Ltmp3:
0x77: {  	_ = 	snop;
	(pc) =	sbr.rel @p0 .LBB2_7-.Ltmp3, $1  }
0x78: {  	_ =	sdelay $0x3  }
0x79: {  	_ =	swait.ge [sflag:s8], $0x4000  }
0x7a: {  	[sflag:s8] =	ssyncset.done $0x0  }
0x7b: {  	[sflag:s8] =	ssyncadd.s32 $0xFFFFC000  }
0x7c: {  	[spmem:s2] =	stream.indirect.scatter.add.f32 [tilespmem:s29], [sflag:$0xA], $0x80, s0, s0, $0xb8;
	[tilespmem:$0x1FD80] =	vst v63  }
0x7d: {  	p4 =	sle.u32 s5, $0x5;
	_ =	swait.ge [sflag:s9], $0x4000  }
0x7e: {  	p2 =	sle.u32 s11, $0x0;
	[sflag:s9] =	ssyncset.done $0x0;
	s23 =	rddreg [dreg:$0x15]  }
0x7f: {  	s4 =	simm.s32 @!p4 $0x0;
	[sflag:s9] =	ssyncadd.s32 $0xFFFFC000;
	s3 =	sadd.s32 @!p4 $0xFFFFFE40, s23  }
0x80: {  	[tilespmem:s4], [sflag:$0x1] =	stream.linear.gather @!p4 [hbm4b:s3+s4], $0x100, $0x38;
	[tilespmem:$0x1FD80] =	vst v63  }
0x81: {  	s3 =	simm.s32 @!p2 $0x4  }
0x82: {  	_ =	swait.ge @!p2 [sflag:s3], $0x100  }
0x83: {  	s6 =	simm.s32 @!p2 $0x500;
	[sflag:s3] =	ssyncset.done @!p2 $0x0  }
0x84: {  	s7 =	simm.s32 @!p2 $0x80;
	s15 =	simm.s32 @!p2 $0x300;
	[sflag:s3] =	ssyncadd.s32 @!p2 $0xFFFFFF00  }
0x85: {  	[tilespmem:s6], [sflag:$0x6] =	stream.indirect.gather @!p2 [hbm4b:s1+s7], $0x80, s15, s7, $0xb8;
	[tilespmem:$0x1FD80] =	vst v63  }
0x86: {  	_ =	swait.ge [sflag:s25], $0x4000  }
0x87: {  	[sflag:s25] =	ssyncset.done $0x0  }
0x88: {  	[sflag:s25] =	ssyncadd.s32 $0xFFFFC000  }
0x89: {  	[spmem:s2] =	stream.indirect.scatter.add.f32 [tilespmem:s21], [sflag:$0xA], $0x80, s10, s0, $0xb8;
	[tilespmem:$0x1FD80] =	vst v63  }
0x8a: {  	p5 =	sle.u32 s5, $0x6;
	p3 =	sle.u32 s12, $0x0;
	_ =	swait.ge [sflag:s9], $0x4000  }
0x8b: {  	s16 =	simm.s32 @!p5 $0x0;
	s17 =	simm.s32 @!p3 $0x5;
	[sflag:s9] =	ssyncset.done $0x0  }
0x8c: {  	s3 =	sadd.s32 @!p5 $0xFFFFFE60, s23;
	s15 =	simm.s32 @!p5 $0x100;
	[sflag:s9] =	ssyncadd.s32 $0xFFFFC000  }
0x8d: {  	[tilespmem:s15], [sflag:$0x2] =	stream.linear.gather @!p5 [hbm4b:s3+s16], $0x100, $0x38;
	[tilespmem:$0x1FD80] =	vst v63  }
0x8e: {  	_ =	swait.ge @!p3 [sflag:s17], $0x100  }
0x8f: {  	s18 =	simm.s32 @!p3 $0x400;
	[sflag:s17] =	ssyncset.done @!p3 $0x0  }
0x90: {  	s3 =	simm.s32 @!p3 $0x4500;
	s16 =	simm.s32 @!p3 $0x80;
	[sflag:s17] =	ssyncadd.s32 @!p3 $0xFFFFFF00  }
0x91: {  	[tilespmem:s3], [sflag:$0x7] =	stream.indirect.gather @!p3 [hbm4b:s1+s16], $0x80, s18, s16, $0xb8;
	[tilespmem:$0x1FD80] =	vst v63  }
0x92: {  	_ =	swait.ge [sflag:s13], $0x4000  }
0x93: {  	[sflag:s13] =	ssyncset.done $0x0  }
0x94: {  	[sflag:s13] =	ssyncadd.s32 $0xFFFFC000  }
0x95: {  	[spmem:s2] =	stream.indirect.scatter.add.f32 [tilespmem:s24], [sflag:$0xA], $0x80, s14, s0, $0xb8;
	[tilespmem:$0x1FD80] =	vst v63  }
0x96: {  	p0 =	sle.u32 s5, $0x7;
	_ =	swait.ge [sflag:s9], $0x4000  }
0x97: {  	s19 =	simm.s32 @!p0 $0x0;
	[sflag:s9] =	ssyncset.done $0x0  }
0x98: {  	s17 =	sadd.s32 @!p0 $0xFFFFFE80, s23;
	s18 =	simm.s32 @!p0 $0x200;
	[sflag:s9] =	ssyncadd.s32 $0xFFFFC000  }
0x99: {  	[tilespmem:s18], [sflag:$0x3] =	stream.linear.gather @!p0 [hbm4b:s17+s19], $0x100, $0x38;
	[tilespmem:$0x1FD80] =	vst v63  }
0x9a: {  	s17 =	simm.s32 @!p4 $0x1  }
0x9b: {  	_ =	swait.ge @!p4 [sflag:s17], $0x100  }
0x9c: {  	[sflag:s17] =	ssyncset.done @!p4 $0x0  }
0x9d: {  	s19 =	simm.s32 @!p4 $0x80;
	[sflag:s17] =	ssyncadd.s32 @!p4 $0xFFFFFF00;
	s17 =	simm.s32 @!p4 $0x8500  }
0x9e: {  	[tilespmem:s17], [sflag:$0x8] =	stream.indirect.gather @!p4 [hbm4b:s1+s19], $0x80, s4, s19, $0xb8;
	[tilespmem:$0x1FD80] =	vst v63  }
0x9f: {  	s4 =	simm.s32 @!p2 $0x6  }
0xa0: {  	_ =	swait.ge @!p2 [sflag:s4], $0x4000  }
0xa1: {  	[sflag:s4] =	ssyncset.done @!p2 $0x0  }
0xa2: {  	[sflag:s4] =	ssyncadd.s32 @!p2 $0xFFFFC000;
	s4 =	simm.s32 @!p2 $0x380  }
0xa3: {  	[spmem:s2] =	stream.indirect.scatter.add.f32 @!p2 [tilespmem:s6], [sflag:$0xA], $0x80, s4, s7, $0xb8;
	[tilespmem:$0x1FD80] =	vst v63  }
0xa4: {  	s4 =	simm.s32 @!p2 $0xA  }
0xa5: {  	p1 =	sle.u32 s5, $0x8;
	_ =	swait.ge @!p2 [sflag:s4], $0x4000  }
0xa6: {  	s6 =	sadd.s32 @!p1 $0xFFFFFEA0, s23;
	[sflag:s4] =	ssyncset.done @!p2 $0x0  }
0xa7: {  	s7 =	simm.s32 @!p1 $0x300;
	[sflag:s4] =	ssyncadd.s32 @!p2 $0xFFFFC000;
	s4 =	simm.s32 @!p1 $0x0  }
0xa8: {  	[tilespmem:s7], [sflag:$0x4] =	stream.linear.gather @!p1 [hbm4b:s6+s4], $0x100, $0x38;
	[tilespmem:$0x1FD80] =	vst v63  }
0xa9: {  	s4 =	simm.s32 @!p5 $0x2  }
0xaa: {  	_ =	swait.ge @!p5 [sflag:s4], $0x100  }
0xab: {  	[sflag:s4] =	ssyncset.done @!p5 $0x0  }
0xac: {  	s6 =	simm.s32 @!p5 $0x80;
	[sflag:s4] =	ssyncadd.s32 @!p5 $0xFFFFFF00;
	s4 =	simm.s32 @!p5 $0x500  }
0xad: {  	[tilespmem:s4], [sflag:$0x6] =	stream.indirect.gather @!p5 [hbm4b:s1+s6], $0x80, s15, s6, $0xb8;
	[tilespmem:$0x1FD80] =	vst v63  }
0xae: {  	s15 =	simm.s32 @!p3 $0x7  }
0xaf: {  	_ =	swait.ge @!p3 [sflag:s15], $0x4000  }
0xb0: {  	[sflag:s15] =	ssyncset.done @!p3 $0x0  }
0xb1: {  	[sflag:s15] =	ssyncadd.s32 @!p3 $0xFFFFC000;
	s15 =	simm.s32 @!p3 $0x480  }
0xb2: {  	[spmem:s2] =	stream.indirect.scatter.add.f32 @!p3 [tilespmem:s3], [sflag:$0xA], $0x80, s15, s16, $0xb8;
	[tilespmem:$0x1FD80] =	vst v63  }
0xb3: {  	s3 =	simm.s32 @!p3 $0xA  }
0xb4: {  	p2 =	sle.u32 s5, $0x9;
	_ =	swait.ge @!p3 [sflag:s3], $0x4000  }
0xb5: {  	s15 =	sadd.s32 @!p2 $0xFFFFFEC0, s23;
	[sflag:s3] =	ssyncset.done @!p3 $0x0  }
0xb6: {  	s16 =	simm.s32 @!p2 $0x400;
	[sflag:s3] =	ssyncadd.s32 @!p3 $0xFFFFC000;
	s3 =	simm.s32 @!p2 $0x0  }
0xb7: {  	[tilespmem:s16], [sflag:$0x5] =	stream.linear.gather @!p2 [hbm4b:s15+s3], $0x100, $0x38;
	[tilespmem:$0x1FD80] =	vst v63  }
0xb8: {  	s3 =	simm.s32 @!p0 $0x3  }
0xb9: {  	_ =	swait.ge @!p0 [sflag:s3], $0x100  }
0xba: {  	[sflag:s3] =	ssyncset.done @!p0 $0x0  }
0xbb: {  	s15 =	simm.s32 @!p0 $0x80;
	[sflag:s3] =	ssyncadd.s32 @!p0 $0xFFFFFF00;
	s3 =	simm.s32 @!p0 $0x4500  }
0xbc: {  	[tilespmem:s3], [sflag:$0x7] =	stream.indirect.gather @!p0 [hbm4b:s1+s15], $0x80, s18, s15, $0xb8;
	[tilespmem:$0x1FD80] =	vst v63  }
0xbd: {  	s18 =	simm.s32 @!p4 $0x8  }
0xbe: {  	_ =	swait.ge @!p4 [sflag:s18], $0x4000  }
0xbf: {  	[sflag:s18] =	ssyncset.done @!p4 $0x0  }
0xc0: {  	[sflag:s18] =	ssyncadd.s32 @!p4 $0xFFFFC000;
	s18 =	simm.s32 @!p4 $0xA  }
0xc1: {  	[spmem:s2] =	stream.indirect.scatter.add.f32 @!p4 [tilespmem:s17], [sflag:$0xA], $0x80, s19, s19, $0xb8;
	[tilespmem:$0x1FD80] =	vst v63  }
0xc2: {  	p3 =	sle.u32 s5, $0xA;
	_ =	swait.ge @!p4 [sflag:s18], $0x4000  }
0xc3: {  	s17 =	sadd.s32 @!p3 $0xFFFFFEE0, s23;
	[sflag:s18] =	ssyncset.done @!p4 $0x0  }
0xc4: {  	s19 =	simm.s32 @!p3 $0x0;
	[sflag:s18] =	ssyncadd.s32 @!p4 $0xFFFFC000;
	s18 =	simm.s32 @!p1 $0x4  }
0xc5: {  	[tilespmem:s19], [sflag:$0x1] =	stream.linear.gather @!p3 [hbm4b:s17+s19], $0x100, $0x38;
	[tilespmem:$0x1FD80] =	vst v63  }
0xc6: {  	_ =	swait.ge @!p1 [sflag:s18], $0x100  }
0xc7: {  	[sflag:s18] =	ssyncset.done @!p1 $0x0  }
0xc8: {  	s17 =	simm.s32 @!p1 $0x80;
	[sflag:s18] =	ssyncadd.s32 @!p1 $0xFFFFFF00;
	s18 =	simm.s32 @!p1 $0x8500  }
0xc9: {  	[tilespmem:s18], [sflag:$0x8] =	stream.indirect.gather @!p1 [hbm4b:s1+s17], $0x80, s7, s17, $0xb8;
	[tilespmem:$0x1FD80] =	vst v63  }
0xca: {  	s7 =	simm.s32 @!p5 $0x6  }
0xcb: {  	_ =	swait.ge @!p5 [sflag:s7], $0x4000  }
0xcc: {  	[sflag:s7] =	ssyncset.done @!p5 $0x0  }
0xcd: {  	[sflag:s7] =	ssyncadd.s32 @!p5 $0xFFFFC000;
	s7 =	simm.s32 @!p5 $0x180  }
0xce: {  	[spmem:s2] =	stream.indirect.scatter.add.f32 @!p5 [tilespmem:s4], [sflag:$0xA], $0x80, s7, s6, $0xb8;
	[tilespmem:$0x1FD80] =	vst v63  }
0xcf: {  	s4 =	simm.s32 @!p5 $0xA  }
0xd0: {  	p4 =	sle.u32 s5, $0xB;
	_ =	swait.ge @!p5 [sflag:s4], $0x4000  }
0xd1: {  	s6 =	sadd.s32 @!p4 $0xFFFFFF00, s23;
	[sflag:s4] =	ssyncset.done @!p5 $0x0  }
0xd2: {  	s7 =	simm.s32 @!p4 $0x100;
	[sflag:s4] =	ssyncadd.s32 @!p5 $0xFFFFC000;
	s4 =	simm.s32 @!p4 $0x0  }
0xd3: {  	[tilespmem:s7], [sflag:$0x2] =	stream.linear.gather @!p4 [hbm4b:s6+s4], $0x100, $0x38;
	[tilespmem:$0x1FD80] =	vst v63  }
0xd4: {  	s4 =	simm.s32 @!p2 $0x5  }
0xd5: {  	_ =	swait.ge @!p2 [sflag:s4], $0x100  }
0xd6: {  	[sflag:s4] =	ssyncset.done @!p2 $0x0  }
0xd7: {  	s6 =	simm.s32 @!p2 $0x80;
	[sflag:s4] =	ssyncadd.s32 @!p2 $0xFFFFFF00;
	s4 =	simm.s32 @!p2 $0x500  }
0xd8: {  	[tilespmem:s4], [sflag:$0x6] =	stream.indirect.gather @!p2 [hbm4b:s1+s6], $0x80, s16, s6, $0xb8;
	[tilespmem:$0x1FD80] =	vst v63  }
0xd9: {  	s16 =	simm.s32 @!p0 $0x7  }
0xda: {  	_ =	swait.ge @!p0 [sflag:s16], $0x4000  }
0xdb: {  	[sflag:s16] =	ssyncset.done @!p0 $0x0  }
0xdc: {  	[sflag:s16] =	ssyncadd.s32 @!p0 $0xFFFFC000;
	s16 =	simm.s32 @!p0 $0x280  }
0xdd: {  	[spmem:s2] =	stream.indirect.scatter.add.f32 @!p0 [tilespmem:s3], [sflag:$0xA], $0x80, s16, s15, $0xb8;
	[tilespmem:$0x1FD80] =	vst v63  }
0xde: {  	s3 =	simm.s32 @!p0 $0xA  }
0xdf: {  	p5 =	sle.u32 s5, $0xC;
	_ =	swait.ge @!p0 [sflag:s3], $0x4000  }
0xe0: {  	s15 =	sadd.s32 @!p5 $0xFFFFFF20, s23;
	[sflag:s3] =	ssyncset.done @!p0 $0x0  }
0xe1: {  	s16 =	simm.s32 @!p5 $0x200;
	[sflag:s3] =	ssyncadd.s32 @!p0 $0xFFFFC000;
	s3 =	simm.s32 @!p5 $0x0  }
0xe2: {  	[tilespmem:s16], [sflag:$0x3] =	stream.linear.gather @!p5 [hbm4b:s15+s3], $0x100, $0x38;
	[tilespmem:$0x1FD80] =	vst v63  }
0xe3: {  	s3 =	simm.s32 @!p3 $0x1  }
0xe4: {  	_ =	swait.ge @!p3 [sflag:s3], $0x100  }
0xe5: {  	[sflag:s3] =	ssyncset.done @!p3 $0x0  }
0xe6: {  	s15 =	simm.s32 @!p3 $0x80;
	[sflag:s3] =	ssyncadd.s32 @!p3 $0xFFFFFF00;
	s3 =	simm.s32 @!p3 $0x4500  }
0xe7: {  	[tilespmem:s3], [sflag:$0x7] =	stream.indirect.gather @!p3 [hbm4b:s1+s15], $0x80, s19, s15, $0xb8;
	[tilespmem:$0x1FD80] =	vst v63  }
0xe8: {  	s19 =	simm.s32 @!p1 $0x8  }
0xe9: {  	_ =	swait.ge @!p1 [sflag:s19], $0x4000  }
0xea: {  	[sflag:s19] =	ssyncset.done @!p1 $0x0  }
0xeb: {  	[sflag:s19] =	ssyncadd.s32 @!p1 $0xFFFFC000;
	s19 =	simm.s32 @!p1 $0x380  }
0xec: {  	[spmem:s2] =	stream.indirect.scatter.add.f32 @!p1 [tilespmem:s18], [sflag:$0xA], $0x80, s19, s17, $0xb8;
	[tilespmem:$0x1FD80] =	vst v63  }
0xed: {  	s17 =	simm.s32 @!p1 $0xA  }
0xee: {  	p0 =	sle.u32 s5, $0xD;
	_ =	swait.ge @!p1 [sflag:s17], $0x4000  }
0xef: {  	s18 =	sadd.s32 @!p0 $0xFFFFFF40, s23;
	[sflag:s17] =	ssyncset.done @!p1 $0x0  }
0xf0: {  	s19 =	simm.s32 @!p0 $0x300;
	[sflag:s17] =	ssyncadd.s32 @!p1 $0xFFFFC000;
	s17 =	simm.s32 @!p0 $0x0  }
0xf1: {  	[tilespmem:s19], [sflag:$0x4] =	stream.linear.gather @!p0 [hbm4b:s18+s17], $0x100, $0x38;
	[tilespmem:$0x1FD80] =	vst v63  }
0xf2: {  	s17 =	simm.s32 @!p4 $0x2  }
0xf3: {  	_ =	swait.ge @!p4 [sflag:s17], $0x100  }
0xf4: {  	[sflag:s17] =	ssyncset.done @!p4 $0x0  }
0xf5: {  	s18 =	simm.s32 @!p4 $0x80;
	[sflag:s17] =	ssyncadd.s32 @!p4 $0xFFFFFF00;
	s17 =	simm.s32 @!p4 $0x8500  }
0xf6: {  	[tilespmem:s17], [sflag:$0x8] =	stream.indirect.gather @!p4 [hbm4b:s1+s18], $0x80, s7, s18, $0xb8;
	[tilespmem:$0x1FD80] =	vst v63  }
0xf7: {  	s7 =	simm.s32 @!p2 $0x6  }
0xf8: {  	_ =	swait.ge @!p2 [sflag:s7], $0x4000  }
0xf9: {  	[sflag:s7] =	ssyncset.done @!p2 $0x0  }
0xfa: {  	[sflag:s7] =	ssyncadd.s32 @!p2 $0xFFFFC000;
	s7 =	simm.s32 @!p2 $0x480  }
0xfb: {  	[spmem:s2] =	stream.indirect.scatter.add.f32 @!p2 [tilespmem:s4], [sflag:$0xA], $0x80, s7, s6, $0xb8;
	[tilespmem:$0x1FD80] =	vst v63  }
0xfc: {  	s4 =	simm.s32 @!p2 $0xA  }
0xfd: {  	p1 =	sle.u32 s5, $0xE;
	_ =	swait.ge @!p2 [sflag:s4], $0x4000  }
0xfe: {  	s6 =	sadd.s32 @!p1 $0xFFFFFF60, s23;
	[sflag:s4] =	ssyncset.done @!p2 $0x0  }
0xff: {  	s7 =	simm.s32 @!p1 $0x400;
	[sflag:s4] =	ssyncadd.s32 @!p2 $0xFFFFC000;
	s4 =	simm.s32 @!p1 $0x0  }
0x100: {  	[tilespmem:s7], [sflag:$0x5] =	stream.linear.gather @!p1 [hbm4b:s6+s4], $0x100, $0x38;
	[tilespmem:$0x1FD80] =	vst v63  }
0x101: {  	s4 =	simm.s32 @!p5 $0x3  }
0x102: {  	_ =	swait.ge @!p5 [sflag:s4], $0x100  }
0x103: {  	[sflag:s4] =	ssyncset.done @!p5 $0x0  }
0x104: {  	s6 =	simm.s32 @!p5 $0x80;
	[sflag:s4] =	ssyncadd.s32 @!p5 $0xFFFFFF00;
	s4 =	simm.s32 @!p5 $0x500  }
0x105: {  	[tilespmem:s4], [sflag:$0x6] =	stream.indirect.gather @!p5 [hbm4b:s1+s6], $0x80, s16, s6, $0xb8;
	[tilespmem:$0x1FD80] =	vst v63  }
0x106: {  	s16 =	simm.s32 @!p3 $0x7  }
0x107: {  	_ =	swait.ge @!p3 [sflag:s16], $0x4000  }
0x108: {  	[sflag:s16] =	ssyncset.done @!p3 $0x0  }
0x109: {  	[sflag:s16] =	ssyncadd.s32 @!p3 $0xFFFFC000;
	s16 =	simm.s32 @!p3 $0xA  }
0x10a: {  	[spmem:s2] =	stream.indirect.scatter.add.f32 @!p3 [tilespmem:s3], [sflag:$0xA], $0x80, s15, s15, $0xb8;
	[tilespmem:$0x1FD80] =	vst v63  }
0x10b: {  	p6 =	sle.u32 s5, $0xF;
	_ =	swait.ge @!p3 [sflag:s16], $0x4000  }
0x10c: {  	s3 =	sadd.s32 @!p6 $0xFFFFFF80, s23;
	[sflag:s16] =	ssyncset.done @!p3 $0x0  }
0x10d: {  	s15 =	simm.s32 @!p6 $0x0;
	[sflag:s16] =	ssyncadd.s32 @!p3 $0xFFFFC000;
	s16 =	simm.s32 @!p0 $0x4  }
0x10e: {  	[tilespmem:s15], [sflag:$0x1] =	stream.linear.gather @!p6 [hbm4b:s3+s15], $0x100, $0x38;
	[tilespmem:$0x1FD80] =	vst v63  }
0x10f: {  	_ =	swait.ge @!p0 [sflag:s16], $0x100  }
0x110: {  	[sflag:s16] =	ssyncset.done @!p0 $0x0  }
0x111: {  	s3 =	simm.s32 @!p0 $0x80;
	[sflag:s16] =	ssyncadd.s32 @!p0 $0xFFFFFF00;
	s16 =	simm.s32 @!p0 $0x4500  }
0x112: {  	[tilespmem:s16], [sflag:$0x7] =	stream.indirect.gather @!p0 [hbm4b:s1+s3], $0x80, s19, s3, $0xb8;
	[tilespmem:$0x1FD80] =	vst v63  }
0x113: {  	s19 =	simm.s32 @!p4 $0x8  }
0x114: {  	_ =	swait.ge @!p4 [sflag:s19], $0x4000  }
0x115: {  	[sflag:s19] =	ssyncset.done @!p4 $0x0  }
0x116: {  	[sflag:s19] =	ssyncadd.s32 @!p4 $0xFFFFC000;
	s19 =	simm.s32 @!p4 $0x180  }
0x117: {  	[spmem:s2] =	stream.indirect.scatter.add.f32 @!p4 [tilespmem:s17], [sflag:$0xA], $0x80, s19, s18, $0xb8;
	[tilespmem:$0x1FD80] =	vst v63  }
0x118: {  	s17 =	simm.s32 @!p4 $0xA  }
0x119: {  	p2 =	sle.u32 s5, $0x10;
	_ =	swait.ge @!p4 [sflag:s17], $0x4000  }
0x11a: {  	s18 =	sadd.s32 @!p2 $0xFFFFFFA0, s23;
	[sflag:s17] =	ssyncset.done @!p4 $0x0  }
0x11b: {  	s19 =	simm.s32 @!p2 $0x100;
	[sflag:s17] =	ssyncadd.s32 @!p4 $0xFFFFC000;
	s17 =	simm.s32 @!p2 $0x0  }
0x11c: {  	[tilespmem:s19], [sflag:$0x2] =	stream.linear.gather @!p2 [hbm4b:s18+s17], $0x100, $0x38;
	[tilespmem:$0x1FD80] =	vst v63  }
0x11d: {  	s17 =	simm.s32 @!p1 $0x5  }
0x11e: {  	_ =	swait.ge @!p1 [sflag:s17], $0x100  }
0x11f: {  	[sflag:s17] =	ssyncset.done @!p1 $0x0  }
0x120: {  	s18 =	simm.s32 @!p1 $0x80;
	[sflag:s17] =	ssyncadd.s32 @!p1 $0xFFFFFF00;
	s17 =	simm.s32 @!p1 $0x8500  }
0x121: {  	[tilespmem:s17], [sflag:$0x8] =	stream.indirect.gather @!p1 [hbm4b:s1+s18], $0x80, s7, s18, $0xb8;
	[tilespmem:$0x1FD80] =	vst v63  }
0x122: {  	s7 =	simm.s32 @!p5 $0x6  }
0x123: {  	_ =	swait.ge @!p5 [sflag:s7], $0x4000  }
0x124: {  	[sflag:s7] =	ssyncset.done @!p5 $0x0  }
0x125: {  	[sflag:s7] =	ssyncadd.s32 @!p5 $0xFFFFC000;
	s7 =	simm.s32 @!p5 $0x280  }
0x126: {  	[spmem:s2] =	stream.indirect.scatter.add.f32 @!p5 [tilespmem:s4], [sflag:$0xA], $0x80, s7, s6, $0xb8;
	[tilespmem:$0x1FD80] =	vst v63  }
0x127: {  	s4 =	simm.s32 @!p5 $0xA  }
0x128: {  	p4 =	sle.u32 s5, $0x11;
	_ =	swait.ge @!p5 [sflag:s4], $0x4000  }
0x129: {  	s20 =	simm.s32 @!p4 $0x200;
	[sflag:s4] =	ssyncset.done @!p5 $0x0  }
0x12a: {  	s6 =	sadd.s32 @!p4 $0xFFFFFFC0, s23;
	[sflag:s4] =	ssyncadd.s32 @!p5 $0xFFFFC000;
	s4 =	simm.s32 @!p4 $0x0  }
0x12b: {  	[tilespmem:s20], [sflag:$0x3] =	stream.linear.gather @!p4 [hbm4b:s6+s4], $0x100, $0x38;
	[tilespmem:$0x1FD80] =	vst v63  }
0x12c: {  	s4 =	simm.s32 @!p6 $0x1  }
0x12d: {  	_ =	swait.ge @!p6 [sflag:s4], $0x100  }
0x12e: {  	[sflag:s4] =	ssyncset.done @!p6 $0x0  }
0x12f: {  	s6 =	simm.s32 @!p6 $0x80;
	[sflag:s4] =	ssyncadd.s32 @!p6 $0xFFFFFF00;
	s4 =	simm.s32 @!p6 $0x500  }
0x130: {  	[tilespmem:s4], [sflag:$0x6] =	stream.indirect.gather @!p6 [hbm4b:s1+s6], $0x80, s15, s6, $0xb8;
	[tilespmem:$0x1FD80] =	vst v63  }
0x131: {  	s4 =	simm.s32 @!p0 $0x7  }
0x132: {  	_ =	swait.ge @!p0 [sflag:s4], $0x4000  }
0x133: {  	[sflag:s4] =	ssyncset.done @!p0 $0x0  }
0x134: {  	[sflag:s4] =	ssyncadd.s32 @!p0 $0xFFFFC000;
	s4 =	simm.s32 @!p0 $0x380  }
0x135: {  	[spmem:s2] =	stream.indirect.scatter.add.f32 @!p0 [tilespmem:s16], [sflag:$0xA], $0x80, s4, s3, $0xb8;
	[tilespmem:$0x1FD80] =	vst v63  }
0x136: {  	s3 =	simm.s32 @!p0 $0xA  }
0x137: {  	p3 =	sle.u32 s5, $0x12;
	_ =	swait.ge @!p0 [sflag:s3], $0x4000  }
0x138: {  	s6 =	simm.s32 @!p3 $0x300;
	[sflag:s3] =	ssyncset.done @!p0 $0x0  }
0x139: {  	s4 =	sadd.s32 @!p3 $0xFFFFFFE0, s23;
	[sflag:s3] =	ssyncadd.s32 @!p0 $0xFFFFC000;
	s3 =	simm.s32 @!p3 $0x0  }
0x13a: {  	[tilespmem:s6], [sflag:$0x4] =	stream.linear.gather @!p3 [hbm4b:s4+s3], $0x100, $0x38;
	[tilespmem:$0x1FD80] =	vst v63  }
0x13b: {  	s3 =	simm.s32 @!p2 $0x2  }
0x13c: {  	_ =	swait.ge @!p2 [sflag:s3], $0x100  }
0x13d: {  	[sflag:s3] =	ssyncset.done @!p2 $0x0  }
0x13e: {  	s4 =	simm.s32 @!p2 $0x80;
	[sflag:s3] =	ssyncadd.s32 @!p2 $0xFFFFFF00;
	s3 =	simm.s32 @!p2 $0x4500  }
0x13f: {  	[tilespmem:s3], [sflag:$0x7] =	stream.indirect.gather @!p2 [hbm4b:s1+s4], $0x80, s19, s4, $0xb8;
	[tilespmem:$0x1FD80] =	vst v63  }
0x140: {  	s3 =	simm.s32 @!p1 $0x8  }
0x141: {  	_ =	swait.ge @!p1 [sflag:s3], $0x4000  }
0x142: {  	[sflag:s3] =	ssyncset.done @!p1 $0x0  }
0x143: {  	s4 =	simm.s32 @!p1 $0x480;
	[sflag:s3] =	ssyncadd.s32 @!p1 $0xFFFFC000;
	s3 =	simm.s32 @!p1 $0xA  }
0x144: {  	[spmem:s2] =	stream.indirect.scatter.add.f32 @!p1 [tilespmem:s17], [sflag:$0xA], $0x80, s4, s18, $0xb8;
	[tilespmem:$0x1FD80] =	vst v63  }
0x145: {  	p0 =	sle.u32 s5, $0x13;
	_ =	swait.ge @!p1 [sflag:s3], $0x4000  }
0x146: {  	s6 =	simm.s32 @!p0 $0x400;
	[sflag:s3] =	ssyncset.done @!p1 $0x0  }
0x147: {  	s4 =	simm.s32 @!p0 $0x0;
	[sflag:s3] =	ssyncadd.s32 @!p1 $0xFFFFC000;
	s3 =	simm.s32 @!p4 $0x3  }
0x148: {  	[tilespmem:s6], [sflag:$0x5] =	stream.linear.gather @!p0 [hbm4b:s23+s4], $0x100, $0x38;
	[tilespmem:$0x1FD80] =	vst v63  }
0x149: {  	s17 =	simm.s32 $0xF;
	_ =	swait.ge @!p4 [sflag:s3], $0x100  }
0x14a: {  	s4 =	simm.s32 @!p4 $0x80;
	s6 =	simm.s32 @!p4 $0x8500;
	[sflag:s3] =	ssyncset.done @!p4 $0x0  }
.LBB2_5:
0x14b: {  	[sflag:s3] =	ssyncadd.s32 @!p4 $0xFFFFFF00;
	s19 =	smov.u32 s17;
	s17 =	sadd.s32 $0xF, s17  }
0x14c: {  	[tilespmem:s6], [sflag:$0x8] =	stream.indirect.gather @!p4 [hbm4b:s1+s4], $0x80, s20, s4, $0xb8;
	[tilespmem:$0x1FD80] =	vst v63  }
0x14d: {  	p0 =	seq.s32 s17, $0x5A  }
0x14e: {  	_ =	swait.ge [sflag:s8], $0x4000;
	s3 =	simm.s32 @!p0 $0x0  }
0x14f: {  	s3 =	simm.s32 @p0 $0x1;
	[sflag:s8] =	ssyncset.done $0x0  }
0x150: {  	[smem:$0x7FC] =	sst s3;
	[sflag:s8] =	ssyncadd.s32 $0xFFFFC000  }
0x151: {  	[spmem:s2] =	stream.indirect.scatter.add.f32 [tilespmem:s29], [sflag:$0xA], $0x80, s0, s0, $0xb8;
	[tilespmem:$0x1FD80] =	vst v63  }
0x152: {  	s23 =	sadd.s32 $0x1E0, s23;
	s22 =	sadd.s32 $0x5, s19;
	_ =	swait.ge [sflag:s9], $0x4000  }
0x153: {  	p4 =	sge.u32 s19, s11;
	p6 =	sge.u32 s22, s5;
	[sflag:s9] =	ssyncset.done $0x0  }
0x154: {  	s18 =	simm.s32 @!p6 $0x0;
	s3 =	sadd.s32 @!p6 $0xFFFFFE40, s23;
	[sflag:s9] =	ssyncadd.s32 $0xFFFFC000  }
0x155: {  	[tilespmem:s18], [sflag:$0x1] =	stream.linear.gather @!p6 [hbm4b:s3+s18], $0x100, $0x38;
	[tilespmem:$0x1FD80] =	vst v63  }
0x156: {  	s3 =	simm.s32 @!p4 $0x4  }
0x157: {  	_ =	swait.ge @!p4 [sflag:s3], $0x100  }
0x158: {  	s7 =	simm.s32 @!p4 $0x500;
	[sflag:s3] =	ssyncset.done @!p4 $0x0  }
0x159: {  	s16 =	simm.s32 @!p4 $0x80;
	s4 =	simm.s32 @!p4 $0x300;
	[sflag:s3] =	ssyncadd.s32 @!p4 $0xFFFFFF00  }
0x15a: {  	[tilespmem:s7], [sflag:$0x6] =	stream.indirect.gather @!p4 [hbm4b:s1+s16], $0x80, s4, s16, $0xb8;
	[tilespmem:$0x1FD80] =	vst v63  }
0x15b: {  	_ =	swait.ge [sflag:s25], $0x4000  }
0x15c: {  	[sflag:s25] =	ssyncset.done $0x0  }
0x15d: {  	s26 =	sadd.s32 $0x6, s19;
	[sflag:s25] =	ssyncadd.s32 $0xFFFFC000  }
0x15e: {  	[spmem:s2] =	stream.indirect.scatter.add.f32 [tilespmem:s21], [sflag:$0xA], $0x80, s10, s0, $0xb8;
	[tilespmem:$0x1FD80] =	vst v63  }
0x15f: {  	p5 =	sge.u32 s19, s12;
	p0 =	sge.u32 s26, s5;
	_ =	swait.ge [sflag:s9], $0x4000  }
0x160: {  	s15 =	simm.s32 @!p5 $0x5;
	s6 =	simm.s32 @!p0 $0x0;
	[sflag:s9] =	ssyncset.done $0x0  }
0x161: {  	s3 =	simm.s32 @!p0 $0x100;
	s4 =	sadd.s32 @!p0 $0xFFFFFE60, s23;
	[sflag:s9] =	ssyncadd.s32 $0xFFFFC000  }
0x162: {  	[tilespmem:s3], [sflag:$0x2] =	stream.linear.gather @!p0 [hbm4b:s4+s6], $0x100, $0x38;
	[tilespmem:$0x1FD80] =	vst v63  }
0x163: {  	_ =	swait.ge @!p5 [sflag:s15], $0x100  }
0x164: {  	s22 =	simm.s32 @!p5 $0x80;
	[sflag:s15] =	ssyncset.done @!p5 $0x0  }
0x165: {  	s4 =	simm.s32 @!p5 $0x4500;
	s6 =	simm.s32 @!p5 $0x400;
	[sflag:s15] =	ssyncadd.s32 @!p5 $0xFFFFFF00  }
0x166: {  	[tilespmem:s4], [sflag:$0x7] =	stream.indirect.gather @!p5 [hbm4b:s1+s22], $0x80, s6, s22, $0xb8;
	[tilespmem:$0x1FD80] =	vst v63  }
0x167: {  	_ =	swait.ge [sflag:s13], $0x4000  }
0x168: {  	[sflag:s13] =	ssyncset.done $0x0  }
0x169: {  	s28 =	sadd.s32 $0x7, s19;
	[sflag:s13] =	ssyncadd.s32 $0xFFFFC000  }
0x16a: {  	[spmem:s2] =	stream.indirect.scatter.add.f32 [tilespmem:s24], [sflag:$0xA], $0x80, s14, s0, $0xb8;
	[tilespmem:$0x1FD80] =	vst v63  }
0x16b: {  	p2 =	sge.u32 s28, s5;
	_ =	swait.ge [sflag:s9], $0x4000  }
0x16c: {  	s20 =	simm.s32 @!p2 $0x0;
	s21 =	simm.s32 @!p6 $0x1;
	[sflag:s9] =	ssyncset.done $0x0  }
0x16d: {  	s15 =	simm.s32 @!p2 $0x200;
	s6 =	sadd.s32 @!p2 $0xFFFFFE80, s23;
	[sflag:s9] =	ssyncadd.s32 $0xFFFFC000  }
0x16e: {  	[tilespmem:s15], [sflag:$0x3] =	stream.linear.gather @!p2 [hbm4b:s6+s20], $0x100, $0x38;
	[tilespmem:$0x1FD80] =	vst v63  }
0x16f: {  	_ =	swait.ge @!p6 [sflag:s21], $0x100  }
0x170: {  	s20 =	simm.s32 @!p6 $0x80;
	[sflag:s21] =	ssyncset.done @!p6 $0x0  }
0x171: {  	s6 =	simm.s32 @!p6 $0x8500;
	[sflag:s21] =	ssyncadd.s32 @!p6 $0xFFFFFF00;
	s21 =	simm.s32 @!p4 $0x6  }
0x172: {  	[tilespmem:s6], [sflag:$0x8] =	stream.indirect.gather @!p6 [hbm4b:s1+s20], $0x80, s18, s20, $0xb8;
	[tilespmem:$0x1FD80] =	vst v63  }
0x173: {  	_ =	swait.ge @!p4 [sflag:s21], $0x4000  }
0x174: {  	s26 =	sadd.s32 $0x8, s19;
	[sflag:s21] =	ssyncset.done @!p4 $0x0  }
0x175: {  	s18 =	simm.s32 @!p4 $0x380;
	[sflag:s21] =	ssyncadd.s32 @!p4 $0xFFFFC000;
	s21 =	simm.s32 @!p4 $0xA  }
0x176: {  	[spmem:s2] =	stream.indirect.scatter.add.f32 @!p4 [tilespmem:s7], [sflag:$0xA], $0x80, s18, s16, $0xb8;
	[tilespmem:$0x1FD80] =	vst v63  }
0x177: {  	p3 =	sge.u32 s26, s5;
	_ =	swait.ge @!p4 [sflag:s21], $0x4000  }
0x178: {  	s26 =	simm.s32 @!p0 $0x2;
	s7 =	sadd.s32 @!p3 $0xFFFFFEA0, s23;
	[sflag:s21] =	ssyncset.done @!p4 $0x0  }
0x179: {  	s16 =	simm.s32 @!p3 $0x300;
	s18 =	simm.s32 @!p3 $0x0;
	[sflag:s21] =	ssyncadd.s32 @!p4 $0xFFFFC000  }
0x17a: {  	[tilespmem:s16], [sflag:$0x4] =	stream.linear.gather @!p3 [hbm4b:s7+s18], $0x100, $0x38;
	[tilespmem:$0x1FD80] =	vst v63  }
0x17b: {  	_ =	swait.ge @!p0 [sflag:s26], $0x100  }
0x17c: {  	s31 =	simm.s32 @!p0 $0x500;
	[sflag:s26] =	ssyncset.done @!p0 $0x0  }
0x17d: {  	s21 =	simm.s32 @!p0 $0x80;
	s7 =	simm.s32 @!p5 $0x7;
	[sflag:s26] =	ssyncadd.s32 @!p0 $0xFFFFFF00  }
0x17e: {  	[tilespmem:s31], [sflag:$0x6] =	stream.indirect.gather @!p0 [hbm4b:s1+s21], $0x80, s3, s21, $0xb8;
	[tilespmem:$0x1FD80] =	vst v63  }
0x17f: {  	_ =	swait.ge @!p5 [sflag:s7], $0x4000  }
0x180: {  	s30 =	sadd.s32 $0x9, s19;
	[sflag:s7] =	ssyncset.done @!p5 $0x0  }
0x181: {  	s3 =	simm.s32 @!p5 $0x480;
	[sflag:s7] =	ssyncadd.s32 @!p5 $0xFFFFC000;
	s7 =	simm.s32 @!p5 $0xA  }
0x182: {  	[spmem:s2] =	stream.indirect.scatter.add.f32 @!p5 [tilespmem:s4], [sflag:$0xA], $0x80, s3, s22, $0xb8;
	[tilespmem:$0x1FD80] =	vst v63  }
0x183: {  	p4 =	sge.u32 s30, s5;
	_ =	swait.ge @!p5 [sflag:s7], $0x4000  }
0x184: {  	s18 =	simm.s32 @!p2 $0x3;
	s4 =	sadd.s32 @!p4 $0xFFFFFEC0, s23;
	[sflag:s7] =	ssyncset.done @!p5 $0x0  }
0x185: {  	s3 =	simm.s32 @!p4 $0x400;
	[sflag:s7] =	ssyncadd.s32 @!p5 $0xFFFFC000;
	s7 =	simm.s32 @!p4 $0x0  }
0x186: {  	[tilespmem:s3], [sflag:$0x5] =	stream.linear.gather @!p4 [hbm4b:s4+s7], $0x100, $0x38;
	[tilespmem:$0x1FD80] =	vst v63  }
0x187: {  	_ =	swait.ge @!p2 [sflag:s18], $0x100  }
0x188: {  	s30 =	simm.s32 @!p2 $0x80;
	[sflag:s18] =	ssyncset.done @!p2 $0x0  }
0x189: {  	s22 =	simm.s32 @!p2 $0x4500;
	s4 =	simm.s32 @!p6 $0x8;
	[sflag:s18] =	ssyncadd.s32 @!p2 $0xFFFFFF00  }
0x18a: {  	[tilespmem:s22], [sflag:$0x7] =	stream.indirect.gather @!p2 [hbm4b:s1+s30], $0x80, s15, s30, $0xb8;
	[tilespmem:$0x1FD80] =	vst v63  }
0x18b: {  	_ =	swait.ge @!p6 [sflag:s4], $0x4000  }
0x18c: {  	[sflag:s4] =	ssyncset.done @!p6 $0x0  }
0x18d: {  	[sflag:s4] =	ssyncadd.s32 @!p6 $0xFFFFC000;
	s4 =	simm.s32 @!p6 $0xA  }
0x18e: {  	[spmem:s2] =	stream.indirect.scatter.add.f32 @!p6 [tilespmem:s6], [sflag:$0xA], $0x80, s20, s20, $0xb8;
	[tilespmem:$0x1FD80] =	vst v63  }
0x18f: {  	s18 =	sadd.s32 $0xA, s19;
	_ =	swait.ge @!p6 [sflag:s4], $0x4000  }
0x190: {  	p5 =	sge.u32 s18, s5;
	s15 =	simm.s32 @!p3 $0x4;
	[sflag:s4] =	ssyncset.done @!p6 $0x0  }
0x191: {  	s7 =	simm.s32 @!p5 $0x0;
	s6 =	sadd.s32 @!p5 $0xFFFFFEE0, s23;
	[sflag:s4] =	ssyncadd.s32 @!p6 $0xFFFFC000  }
0x192: {  	[tilespmem:s7], [sflag:$0x1] =	stream.linear.gather @!p5 [hbm4b:s6+s7], $0x100, $0x38;
	[tilespmem:$0x1FD80] =	vst v63  }
0x193: {  	_ =	swait.ge @!p3 [sflag:s15], $0x100  }
0x194: {  	s26 =	simm.s32 @!p3 $0x8500;
	[sflag:s15] =	ssyncset.done @!p3 $0x0  }
0x195: {  	s4 =	simm.s32 @!p3 $0x80;
	s6 =	simm.s32 @!p0 $0x6;
	[sflag:s15] =	ssyncadd.s32 @!p3 $0xFFFFFF00  }
0x196: {  	[tilespmem:s26], [sflag:$0x8] =	stream.indirect.gather @!p3 [hbm4b:s1+s4], $0x80, s16, s4, $0xb8;
	[tilespmem:$0x1FD80] =	vst v63  }
0x197: {  	_ =	swait.ge @!p0 [sflag:s6], $0x4000  }
0x198: {  	s20 =	sadd.s32 $0xB, s19;
	[sflag:s6] =	ssyncset.done @!p0 $0x0  }
0x199: {  	s15 =	simm.s32 @!p0 $0x180;
	[sflag:s6] =	ssyncadd.s32 @!p0 $0xFFFFC000;
	s6 =	simm.s32 @!p0 $0xA  }
0x19a: {  	[spmem:s2] =	stream.indirect.scatter.add.f32 @!p0 [tilespmem:s31], [sflag:$0xA], $0x80, s15, s21, $0xb8;
	[tilespmem:$0x1FD80] =	vst v63  }
0x19b: {  	p6 =	sge.u32 s20, s5;
	_ =	swait.ge @!p0 [sflag:s6], $0x4000  }
0x19c: {  	s18 =	simm.s32 @!p4 $0x5;
	s16 =	sadd.s32 @!p6 $0xFFFFFF00, s23;
	[sflag:s6] =	ssyncset.done @!p0 $0x0  }
0x19d: {  	s15 =	simm.s32 @!p6 $0x100;
	[sflag:s6] =	ssyncadd.s32 @!p0 $0xFFFFC000;
	s6 =	simm.s32 @!p6 $0x0  }
0x19e: {  	[tilespmem:s15], [sflag:$0x2] =	stream.linear.gather @!p6 [hbm4b:s16+s6], $0x100, $0x38;
	[tilespmem:$0x1FD80] =	vst v63  }
0x19f: {  	_ =	swait.ge @!p4 [sflag:s18], $0x100  }
0x1a0: {  	s20 =	simm.s32 @!p4 $0x80;
	[sflag:s18] =	ssyncset.done @!p4 $0x0  }
0x1a1: {  	s31 =	simm.s32 @!p4 $0x500;
	s6 =	simm.s32 @!p2 $0x7;
	[sflag:s18] =	ssyncadd.s32 @!p4 $0xFFFFFF00  }
0x1a2: {  	[tilespmem:s31], [sflag:$0x6] =	stream.indirect.gather @!p4 [hbm4b:s1+s20], $0x80, s3, s20, $0xb8;
	[tilespmem:$0x1FD80] =	vst v63  }
0x1a3: {  	_ =	swait.ge @!p2 [sflag:s6], $0x4000  }
0x1a4: {  	s21 =	sadd.s32 $0xC, s19;
	[sflag:s6] =	ssyncset.done @!p2 $0x0  }
0x1a5: {  	s3 =	simm.s32 @!p2 $0x280;
	[sflag:s6] =	ssyncadd.s32 @!p2 $0xFFFFC000;
	s6 =	simm.s32 @!p2 $0xA  }
0x1a6: {  	[spmem:s2] =	stream.indirect.scatter.add.f32 @!p2 [tilespmem:s22], [sflag:$0xA], $0x80, s3, s30, $0xb8;
	[tilespmem:$0x1FD80] =	vst v63  }
0x1a7: {  	p0 =	sge.u32 s21, s5;
	_ =	swait.ge @!p2 [sflag:s6], $0x4000  }
0x1a8: {  	s21 =	simm.s32 @!p0 $0x200;
	s16 =	simm.s32 @!p5 $0x1;
	[sflag:s6] =	ssyncset.done @!p2 $0x0  }
0x1a9: {  	s3 =	sadd.s32 @!p0 $0xFFFFFF20, s23;
	[sflag:s6] =	ssyncadd.s32 @!p2 $0xFFFFC000;
	s6 =	simm.s32 @!p0 $0x0  }
0x1aa: {  	[tilespmem:s21], [sflag:$0x3] =	stream.linear.gather @!p0 [hbm4b:s3+s6], $0x100, $0x38;
	[tilespmem:$0x1FD80] =	vst v63  }
0x1ab: {  	_ =	swait.ge @!p5 [sflag:s16], $0x100  }
0x1ac: {  	s3 =	simm.s32 @!p5 $0x80;
	[sflag:s16] =	ssyncset.done @!p5 $0x0  }
0x1ad: {  	s6 =	simm.s32 @!p5 $0x4500;
	[sflag:s16] =	ssyncadd.s32 @!p5 $0xFFFFFF00;
	s16 =	simm.s32 @!p3 $0x8  }
0x1ae: {  	[tilespmem:s6], [sflag:$0x7] =	stream.indirect.gather @!p5 [hbm4b:s1+s3], $0x80, s7, s3, $0xb8;
	[tilespmem:$0x1FD80] =	vst v63  }
0x1af: {  	_ =	swait.ge @!p3 [sflag:s16], $0x4000  }
0x1b0: {  	s28 =	sadd.s32 $0xD, s19;
	[sflag:s16] =	ssyncset.done @!p3 $0x0  }
0x1b1: {  	s18 =	simm.s32 @!p3 $0xA;
	s7 =	simm.s32 @!p3 $0x380;
	[sflag:s16] =	ssyncadd.s32 @!p3 $0xFFFFC000  }
0x1b2: {  	[spmem:s2] =	stream.indirect.scatter.add.f32 @!p3 [tilespmem:s26], [sflag:$0xA], $0x80, s7, s4, $0xb8;
	[tilespmem:$0x1FD80] =	vst v63  }
0x1b3: {  	p2 =	sge.u32 s28, s5;
	_ =	swait.ge @!p3 [sflag:s18], $0x4000  }
0x1b4: {  	s16 =	simm.s32 @!p2 $0x300;
	s4 =	sadd.s32 @!p2 $0xFFFFFF40, s23;
	[sflag:s18] =	ssyncset.done @!p3 $0x0  }
0x1b5: {  	s7 =	simm.s32 @!p2 $0x0;
	s26 =	simm.s32 @!p6 $0x2;
	[sflag:s18] =	ssyncadd.s32 @!p3 $0xFFFFC000  }
0x1b6: {  	[tilespmem:s16], [sflag:$0x4] =	stream.linear.gather @!p2 [hbm4b:s4+s7], $0x100, $0x38;
	[tilespmem:$0x1FD80] =	vst v63  }
0x1b7: {  	_ =	swait.ge @!p6 [sflag:s26], $0x100  }
0x1b8: {  	s22 =	simm.s32 @!p6 $0x80;
	[sflag:s26] =	ssyncset.done @!p6 $0x0  }
0x1b9: {  	s18 =	simm.s32 @!p6 $0x8500;
	s4 =	simm.s32 @!p4 $0x6;
	[sflag:s26] =	ssyncadd.s32 @!p6 $0xFFFFFF00  }
0x1ba: {  	[tilespmem:s18], [sflag:$0x8] =	stream.indirect.gather @!p6 [hbm4b:s1+s22], $0x80, s15, s22, $0xb8;
	[tilespmem:$0x1FD80] =	vst v63  }
0x1bb: {  	_ =	swait.ge @!p4 [sflag:s4], $0x4000  }
0x1bc: {  	s30 =	sadd.s32 $0xE, s19;
	[sflag:s4] =	ssyncset.done @!p4 $0x0  }
0x1bd: {  	s7 =	simm.s32 @!p4 $0x480;
	[sflag:s4] =	ssyncadd.s32 @!p4 $0xFFFFC000;
	s4 =	simm.s32 @!p4 $0xA  }
0x1be: {  	[spmem:s2] =	stream.indirect.scatter.add.f32 @!p4 [tilespmem:s31], [sflag:$0xA], $0x80, s7, s20, $0xb8;
	[tilespmem:$0x1FD80] =	vst v63  }
0x1bf: {  	p3 =	sge.u32 s30, s5;
	_ =	swait.ge @!p4 [sflag:s4], $0x4000  }
0x1c0: {  	s15 =	simm.s32 @!p0 $0x3;
	s7 =	sadd.s32 @!p3 $0xFFFFFF60, s23;
	[sflag:s4] =	ssyncset.done @!p4 $0x0  }
0x1c1: {  	s20 =	simm.s32 @!p3 $0x400;
	[sflag:s4] =	ssyncadd.s32 @!p4 $0xFFFFC000;
	s4 =	simm.s32 @!p3 $0x0  }
0x1c2: {  	[tilespmem:s20], [sflag:$0x5] =	stream.linear.gather @!p3 [hbm4b:s7+s4], $0x100, $0x38;
	[tilespmem:$0x1FD80] =	vst v63  }
0x1c3: {  	_ =	swait.ge @!p0 [sflag:s15], $0x100  }
0x1c4: {  	s28 =	simm.s32 @!p0 $0x500;
	[sflag:s15] =	ssyncset.done @!p0 $0x0  }
0x1c5: {  	s30 =	simm.s32 @!p0 $0x80;
	s4 =	simm.s32 @!p5 $0x7;
	[sflag:s15] =	ssyncadd.s32 @!p0 $0xFFFFFF00  }
0x1c6: {  	[tilespmem:s28], [sflag:$0x6] =	stream.indirect.gather @!p0 [hbm4b:s1+s30], $0x80, s21, s30, $0xb8;
	[tilespmem:$0x1FD80] =	vst v63  }
0x1c7: {  	_ =	swait.ge @!p5 [sflag:s4], $0x4000  }
0x1c8: {  	[sflag:s4] =	ssyncset.done @!p5 $0x0  }
0x1c9: {  	[sflag:s4] =	ssyncadd.s32 @!p5 $0xFFFFC000;
	s4 =	simm.s32 @!p5 $0xA  }
0x1ca: {  	[spmem:s2] =	stream.indirect.scatter.add.f32 @!p5 [tilespmem:s6], [sflag:$0xA], $0x80, s3, s3, $0xb8;
	[tilespmem:$0x1FD80] =	vst v63  }
0x1cb: {  	p1 =	sge.u32 s17, s5;
	_ =	swait.ge @!p5 [sflag:s4], $0x4000  }
0x1cc: {  	s7 =	simm.s32 @!p1 $0x0;
	[sflag:s4] =	ssyncset.done @!p5 $0x0  }
0x1cd: {  	s3 =	sadd.s32 @!p1 $0xFFFFFF80, s23;
	s6 =	simm.s32 @!p2 $0x4;
	[sflag:s4] =	ssyncadd.s32 @!p5 $0xFFFFC000  }
0x1ce: {  	[tilespmem:s7], [sflag:$0x1] =	stream.linear.gather @!p1 [hbm4b:s3+s7], $0x100, $0x38;
	[tilespmem:$0x1FD80] =	vst v63  }
0x1cf: {  	_ =	swait.ge @!p2 [sflag:s6], $0x100  }
0x1d0: {  	s26 =	simm.s32 @!p2 $0x4500;
	[sflag:s6] =	ssyncset.done @!p2 $0x0  }
0x1d1: {  	s4 =	simm.s32 @!p2 $0x80;
	s3 =	simm.s32 @!p6 $0x8;
	[sflag:s6] =	ssyncadd.s32 @!p2 $0xFFFFFF00  }
0x1d2: {  	[tilespmem:s26], [sflag:$0x7] =	stream.indirect.gather @!p2 [hbm4b:s1+s4], $0x80, s16, s4, $0xb8;
	[tilespmem:$0x1FD80] =	vst v63  }
0x1d3: {  	_ =	swait.ge @!p6 [sflag:s3], $0x4000  }
0x1d4: {  	s21 =	sadd.s32 $0x10, s19;
	[sflag:s3] =	ssyncset.done @!p6 $0x0  }
0x1d5: {  	s6 =	simm.s32 @!p6 $0x180;
	[sflag:s3] =	ssyncadd.s32 @!p6 $0xFFFFC000;
	s3 =	simm.s32 @!p6 $0xA  }
0x1d6: {  	[spmem:s2] =	stream.indirect.scatter.add.f32 @!p6 [tilespmem:s18], [sflag:$0xA], $0x80, s6, s22, $0xb8;
	[tilespmem:$0x1FD80] =	vst v63  }
0x1d7: {  	p5 =	sge.u32 s21, s5;
	_ =	swait.ge @!p6 [sflag:s3], $0x4000  }
0x1d8: {  	s15 =	simm.s32 @!p5 $0x100;
	s16 =	simm.s32 @!p3 $0x5;
	[sflag:s3] =	ssyncset.done @!p6 $0x0  }
0x1d9: {  	s6 =	sadd.s32 @!p5 $0xFFFFFFA0, s23;
	[sflag:s3] =	ssyncadd.s32 @!p6 $0xFFFFC000;
	s3 =	simm.s32 @!p5 $0x0  }
0x1da: {  	[tilespmem:s15], [sflag:$0x2] =	stream.linear.gather @!p5 [hbm4b:s6+s3], $0x100, $0x38;
	[tilespmem:$0x1FD80] =	vst v63  }
0x1db: {  	_ =	swait.ge @!p3 [sflag:s16], $0x100  }
0x1dc: {  	s31 =	simm.s32 @!p3 $0x8500;
	[sflag:s16] =	ssyncset.done @!p3 $0x0  }
0x1dd: {  	s21 =	simm.s32 @!p3 $0x80;
	s3 =	simm.s32 @!p0 $0x6;
	[sflag:s16] =	ssyncadd.s32 @!p3 $0xFFFFFF00  }
0x1de: {  	[tilespmem:s31], [sflag:$0x8] =	stream.indirect.gather @!p3 [hbm4b:s1+s21], $0x80, s20, s21, $0xb8;
	[tilespmem:$0x1FD80] =	vst v63  }
0x1df: {  	_ =	swait.ge @!p0 [sflag:s3], $0x4000  }
0x1e0: {  	s22 =	sadd.s32 $0x11, s19;
	[sflag:s3] =	ssyncset.done @!p0 $0x0  }
0x1e1: {  	s6 =	simm.s32 @!p0 $0x280;
	[sflag:s3] =	ssyncadd.s32 @!p0 $0xFFFFC000;
	s3 =	simm.s32 @!p0 $0xA  }
0x1e2: {  	[spmem:s2] =	stream.indirect.scatter.add.f32 @!p0 [tilespmem:s28], [sflag:$0xA], $0x80, s6, s30, $0xb8;
	[tilespmem:$0x1FD80] =	vst v63  }
0x1e3: {  	p4 =	sge.u32 s22, s5;
	_ =	swait.ge @!p0 [sflag:s3], $0x4000  }
0x1e4: {  	s16 =	simm.s32 @!p1 $0x1;
	s20 =	simm.s32 @!p4 $0x200;
	[sflag:s3] =	ssyncset.done @!p0 $0x0  }
0x1e5: {  	s6 =	sadd.s32 @!p4 $0xFFFFFFC0, s23;
	[sflag:s3] =	ssyncadd.s32 @!p0 $0xFFFFC000;
	s3 =	simm.s32 @!p4 $0x0  }
0x1e6: {  	[tilespmem:s20], [sflag:$0x3] =	stream.linear.gather @!p4 [hbm4b:s6+s3], $0x100, $0x38;
	[tilespmem:$0x1FD80] =	vst v63  }
0x1e7: {  	_ =	swait.ge @!p1 [sflag:s16], $0x100  }
0x1e8: {  	s3 =	simm.s32 @!p1 $0x80;
	[sflag:s16] =	ssyncset.done @!p1 $0x0  }
0x1e9: {  	s6 =	simm.s32 @!p1 $0x500;
	[sflag:s16] =	ssyncadd.s32 @!p1 $0xFFFFFF00;
	s16 =	simm.s32 @!p2 $0x7  }
0x1ea: {  	[tilespmem:s6], [sflag:$0x6] =	stream.indirect.gather @!p1 [hbm4b:s1+s3], $0x80, s7, s3, $0xb8;
	[tilespmem:$0x1FD80] =	vst v63  }
0x1eb: {  	_ =	swait.ge @!p2 [sflag:s16], $0x4000  }
0x1ec: {  	s28 =	sadd.s32 $0x12, s19;
	[sflag:s16] =	ssyncset.done @!p2 $0x0  }
0x1ed: {  	s3 =	simm.s32 @!p2 $0x380;
	s6 =	simm.s32 @!p2 $0xA;
	[sflag:s16] =	ssyncadd.s32 @!p2 $0xFFFFC000  }
0x1ee: {  	[spmem:s2] =	stream.indirect.scatter.add.f32 @!p2 [tilespmem:s26], [sflag:$0xA], $0x80, s3, s4, $0xb8;
	[tilespmem:$0x1FD80] =	vst v63  }
0x1ef: {  	p0 =	sge.u32 s28, s5;
	_ =	swait.ge @!p2 [sflag:s6], $0x4000  }
0x1f0: {  	s7 =	simm.s32 @!p5 $0x2;
	s3 =	sadd.s32 @!p0 $0xFFFFFFE0, s23;
	[sflag:s6] =	ssyncset.done @!p2 $0x0  }
0x1f1: {  	s4 =	simm.s32 @!p0 $0x300;
	[sflag:s6] =	ssyncadd.s32 @!p2 $0xFFFFC000;
	s6 =	simm.s32 @!p0 $0x0  }
0x1f2: {  	[tilespmem:s4], [sflag:$0x4] =	stream.linear.gather @!p0 [hbm4b:s3+s6], $0x100, $0x38;
	[tilespmem:$0x1FD80] =	vst v63  }
0x1f3: {  	_ =	swait.ge @!p5 [sflag:s7], $0x100  }
0x1f4: {  	s3 =	simm.s32 @!p5 $0x80;
	[sflag:s7] =	ssyncset.done @!p5 $0x0  }
0x1f5: {  	s4 =	simm.s32 @!p5 $0x4500;
	s6 =	simm.s32 @!p3 $0x8;
	[sflag:s7] =	ssyncadd.s32 @!p5 $0xFFFFFF00  }
0x1f6: {  	[tilespmem:s4], [sflag:$0x7] =	stream.indirect.gather @!p5 [hbm4b:s1+s3], $0x80, s15, s3, $0xb8;
	[tilespmem:$0x1FD80] =	vst v63  }
0x1f7: {  	_ =	swait.ge @!p3 [sflag:s6], $0x4000  }
0x1f8: {  	s30 =	sadd.s32 $0x13, s19;
	[sflag:s6] =	ssyncset.done @!p3 $0x0  }
0x1f9: {  	s3 =	simm.s32 @!p3 $0x480;
	s4 =	simm.s32 @!p3 $0xA;
	[sflag:s6] =	ssyncadd.s32 @!p3 $0xFFFFC000  }
0x1fa: {  	[spmem:s2] =	stream.indirect.scatter.add.f32 @!p3 [tilespmem:s31], [sflag:$0xA], $0x80, s3, s21, $0xb8;
	[tilespmem:$0x1FD80] =	vst v63  }
0x1fb: {  	p0 =	sge.u32 s30, s5;
	_ =	swait.ge @!p3 [sflag:s4], $0x4000  }
0x1fc: {  	s7 =	simm.s32 @!p0 $0x400;
	[sflag:s4] =	ssyncset.done @!p3 $0x0  }
0x1fd: {  	s6 =	simm.s32 @!p0 $0x0;
	s3 =	simm.s32 @!p4 $0x3;
	[sflag:s4] =	ssyncadd.s32 @!p3 $0xFFFFC000  }
0x1fe: {  	[tilespmem:s7], [sflag:$0x5] =	stream.linear.gather @!p0 [hbm4b:s23+s6], $0x100, $0x38;
	[tilespmem:$0x1FD80] =	vst v63  }
0x1ff: {  	_ =	swait.ge @!p4 [sflag:s3], $0x100  }
0x200: {  	s31 =	sld [smem:$0x7FC];
	_ =	sdelay $0x2  }
0x201: {  	p0 =	seq.s32 s31, $0x1  }
.Ltmp4:
0x202: {  	_ = 	snop;
	(pc) =	sbr.rel @!p0 .LBB2_5-.Ltmp4, $3  }
0x203: {  	_ =	sdelay $0x1  }
0x204: {  	s21 =	simm.s32 $0x4500  }
0x205: {  	s4 =	simm.s32 @!p4 $0x80;
	s6 =	simm.s32 @!p4 $0x8500;
	[sflag:s3] =	ssyncset.done @!p4 $0x0  }
.Ltmp5:
0x206: {  	(pc) =	sbr.rel .LBB2_10-.Ltmp5, $4  }
0x207: {  	_ = 	snop  }
0x208: {  	s16 =	rddreg [dreg:$0x6]  }
0x209: {  	[sflag:s3] =	ssyncadd.s32 @!p4 $0xFFFFFF00;
	s28 =	simm.s32 $0x0;
	s15 =	rddreg [dreg:$0x16]  }
0x20a: {  	[tilespmem:s6], [sflag:$0x8] =	stream.indirect.gather @!p4 [hbm4b:s1+s4], $0x80, s20, s4, $0xb8;
	[tilespmem:$0x1FD80] =	vst v63  }
.LBB2_7:
0x20b: {  	_ =	swait.ge [sflag:s8], $0x4000  }
0x20c: {  	[sflag:s8] =	ssyncset.done $0x0  }
0x20d: {  	[sflag:s8] =	ssyncadd.s32 $0xFFFFC000  }
0x20e: {  	[spmem:s2] =	stream.indirect.scatter.add.f32 [tilespmem:s29], [sflag:$0xA], $0x80, s0, s0, $0xb8;
	[tilespmem:$0x1FD80] =	vst v63  }
0x20f: {  	p4 =	sle.u32 s5, $0x5;
	_ =	swait.ge [sflag:s9], $0x4000  }
0x210: {  	p2 =	sle.u32 s11, $0x0;
	[sflag:s9] =	ssyncset.done $0x0;
	s23 =	rddreg [dreg:$0x14]  }
0x211: {  	s4 =	simm.s32 @!p4 $0x0;
	[sflag:s9] =	ssyncadd.s32 $0xFFFFC000;
	s3 =	sadd.s32 @!p4 $0xFFFFFE40, s23  }
0x212: {  	[tilespmem:s4], [sflag:$0x1] =	stream.linear.gather @!p4 [hbm4b:s3+s4], $0x100, $0x38;
	[tilespmem:$0x1FD80] =	vst v63  }
0x213: {  	s3 =	simm.s32 @!p2 $0x4  }
0x214: {  	_ =	swait.ge @!p2 [sflag:s3], $0x100  }
0x215: {  	s6 =	simm.s32 @!p2 $0x500;
	[sflag:s3] =	ssyncset.done @!p2 $0x0  }
0x216: {  	s7 =	simm.s32 @!p2 $0x80;
	s15 =	simm.s32 @!p2 $0x300;
	[sflag:s3] =	ssyncadd.s32 @!p2 $0xFFFFFF00  }
0x217: {  	[tilespmem:s6], [sflag:$0x6] =	stream.indirect.gather @!p2 [hbm4b:s1+s7], $0x80, s15, s7, $0xb8;
	[tilespmem:$0x1FD80] =	vst v63  }
0x218: {  	_ =	swait.ge [sflag:s25], $0x4000  }
0x219: {  	[sflag:s25] =	ssyncset.done $0x0  }
0x21a: {  	[sflag:s25] =	ssyncadd.s32 $0xFFFFC000  }
0x21b: {  	[spmem:s2] =	stream.indirect.scatter.add.f32 [tilespmem:s21], [sflag:$0xA], $0x80, s10, s0, $0xb8;
	[tilespmem:$0x1FD80] =	vst v63  }
0x21c: {  	p5 =	sle.u32 s5, $0x6;
	p3 =	sle.u32 s12, $0x0;
	_ =	swait.ge [sflag:s9], $0x4000  }
0x21d: {  	s16 =	simm.s32 @!p5 $0x0;
	s17 =	simm.s32 @!p3 $0x5;
	[sflag:s9] =	ssyncset.done $0x0  }
0x21e: {  	s3 =	sadd.s32 @!p5 $0xFFFFFE60, s23;
	s15 =	simm.s32 @!p5 $0x100;
	[sflag:s9] =	ssyncadd.s32 $0xFFFFC000  }
0x21f: {  	[tilespmem:s15], [sflag:$0x2] =	stream.linear.gather @!p5 [hbm4b:s3+s16], $0x100, $0x38;
	[tilespmem:$0x1FD80] =	vst v63  }
0x220: {  	_ =	swait.ge @!p3 [sflag:s17], $0x100  }
0x221: {  	s18 =	simm.s32 @!p3 $0x400;
	[sflag:s17] =	ssyncset.done @!p3 $0x0  }
0x222: {  	s3 =	simm.s32 @!p3 $0x4500;
	s16 =	simm.s32 @!p3 $0x80;
	[sflag:s17] =	ssyncadd.s32 @!p3 $0xFFFFFF00  }
0x223: {  	[tilespmem:s3], [sflag:$0x7] =	stream.indirect.gather @!p3 [hbm4b:s1+s16], $0x80, s18, s16, $0xb8;
	[tilespmem:$0x1FD80] =	vst v63  }
0x224: {  	_ =	swait.ge [sflag:s13], $0x4000  }
0x225: {  	[sflag:s13] =	ssyncset.done $0x0  }
0x226: {  	[sflag:s13] =	ssyncadd.s32 $0xFFFFC000  }
0x227: {  	[spmem:s2] =	stream.indirect.scatter.add.f32 [tilespmem:s24], [sflag:$0xA], $0x80, s14, s0, $0xb8;
	[tilespmem:$0x1FD80] =	vst v63  }
0x228: {  	p0 =	sle.u32 s5, $0x7;
	_ =	swait.ge [sflag:s9], $0x4000  }
0x229: {  	s19 =	simm.s32 @!p0 $0x0;
	[sflag:s9] =	ssyncset.done $0x0  }
0x22a: {  	s17 =	sadd.s32 @!p0 $0xFFFFFE80, s23;
	s18 =	simm.s32 @!p0 $0x200;
	[sflag:s9] =	ssyncadd.s32 $0xFFFFC000  }
0x22b: {  	[tilespmem:s18], [sflag:$0x3] =	stream.linear.gather @!p0 [hbm4b:s17+s19], $0x100, $0x38;
	[tilespmem:$0x1FD80] =	vst v63  }
0x22c: {  	s17 =	simm.s32 @!p4 $0x1  }
0x22d: {  	_ =	swait.ge @!p4 [sflag:s17], $0x100  }
0x22e: {  	[sflag:s17] =	ssyncset.done @!p4 $0x0  }
0x22f: {  	s19 =	simm.s32 @!p4 $0x80;
	[sflag:s17] =	ssyncadd.s32 @!p4 $0xFFFFFF00;
	s17 =	simm.s32 @!p4 $0x8500  }
0x230: {  	[tilespmem:s17], [sflag:$0x8] =	stream.indirect.gather @!p4 [hbm4b:s1+s19], $0x80, s4, s19, $0xb8;
	[tilespmem:$0x1FD80] =	vst v63  }
0x231: {  	s4 =	simm.s32 @!p2 $0x6  }
0x232: {  	_ =	swait.ge @!p2 [sflag:s4], $0x4000  }
0x233: {  	[sflag:s4] =	ssyncset.done @!p2 $0x0  }
0x234: {  	[sflag:s4] =	ssyncadd.s32 @!p2 $0xFFFFC000;
	s4 =	simm.s32 @!p2 $0x380  }
0x235: {  	[spmem:s2] =	stream.indirect.scatter.add.f32 @!p2 [tilespmem:s6], [sflag:$0xA], $0x80, s4, s7, $0xb8;
	[tilespmem:$0x1FD80] =	vst v63  }
0x236: {  	s4 =	simm.s32 @!p2 $0xA  }
0x237: {  	p1 =	sle.u32 s5, $0x8;
	_ =	swait.ge @!p2 [sflag:s4], $0x4000  }
0x238: {  	s6 =	sadd.s32 @!p1 $0xFFFFFEA0, s23;
	[sflag:s4] =	ssyncset.done @!p2 $0x0  }
0x239: {  	s7 =	simm.s32 @!p1 $0x300;
	[sflag:s4] =	ssyncadd.s32 @!p2 $0xFFFFC000;
	s4 =	simm.s32 @!p1 $0x0  }
0x23a: {  	[tilespmem:s7], [sflag:$0x4] =	stream.linear.gather @!p1 [hbm4b:s6+s4], $0x100, $0x38;
	[tilespmem:$0x1FD80] =	vst v63  }
0x23b: {  	s4 =	simm.s32 @!p5 $0x2  }
0x23c: {  	_ =	swait.ge @!p5 [sflag:s4], $0x100  }
0x23d: {  	[sflag:s4] =	ssyncset.done @!p5 $0x0  }
0x23e: {  	s6 =	simm.s32 @!p5 $0x80;
	[sflag:s4] =	ssyncadd.s32 @!p5 $0xFFFFFF00;
	s4 =	simm.s32 @!p5 $0x500  }
0x23f: {  	[tilespmem:s4], [sflag:$0x6] =	stream.indirect.gather @!p5 [hbm4b:s1+s6], $0x80, s15, s6, $0xb8;
	[tilespmem:$0x1FD80] =	vst v63  }
0x240: {  	s15 =	simm.s32 @!p3 $0x7  }
0x241: {  	_ =	swait.ge @!p3 [sflag:s15], $0x4000  }
0x242: {  	[sflag:s15] =	ssyncset.done @!p3 $0x0  }
0x243: {  	[sflag:s15] =	ssyncadd.s32 @!p3 $0xFFFFC000;
	s15 =	simm.s32 @!p3 $0x480  }
0x244: {  	[spmem:s2] =	stream.indirect.scatter.add.f32 @!p3 [tilespmem:s3], [sflag:$0xA], $0x80, s15, s16, $0xb8;
	[tilespmem:$0x1FD80] =	vst v63  }
0x245: {  	s3 =	simm.s32 @!p3 $0xA  }
0x246: {  	p2 =	sle.u32 s5, $0x9;
	_ =	swait.ge @!p3 [sflag:s3], $0x4000  }
0x247: {  	s15 =	sadd.s32 @!p2 $0xFFFFFEC0, s23;
	[sflag:s3] =	ssyncset.done @!p3 $0x0  }
0x248: {  	s16 =	simm.s32 @!p2 $0x400;
	[sflag:s3] =	ssyncadd.s32 @!p3 $0xFFFFC000;
	s3 =	simm.s32 @!p2 $0x0  }
0x249: {  	[tilespmem:s16], [sflag:$0x5] =	stream.linear.gather @!p2 [hbm4b:s15+s3], $0x100, $0x38;
	[tilespmem:$0x1FD80] =	vst v63  }
0x24a: {  	s3 =	simm.s32 @!p0 $0x3  }
0x24b: {  	_ =	swait.ge @!p0 [sflag:s3], $0x100  }
0x24c: {  	[sflag:s3] =	ssyncset.done @!p0 $0x0  }
0x24d: {  	s15 =	simm.s32 @!p0 $0x80;
	[sflag:s3] =	ssyncadd.s32 @!p0 $0xFFFFFF00;
	s3 =	simm.s32 @!p0 $0x4500  }
0x24e: {  	[tilespmem:s3], [sflag:$0x7] =	stream.indirect.gather @!p0 [hbm4b:s1+s15], $0x80, s18, s15, $0xb8;
	[tilespmem:$0x1FD80] =	vst v63  }
0x24f: {  	s18 =	simm.s32 @!p4 $0x8  }
0x250: {  	_ =	swait.ge @!p4 [sflag:s18], $0x4000  }
0x251: {  	[sflag:s18] =	ssyncset.done @!p4 $0x0  }
0x252: {  	[sflag:s18] =	ssyncadd.s32 @!p4 $0xFFFFC000;
	s18 =	simm.s32 @!p4 $0xA  }
0x253: {  	[spmem:s2] =	stream.indirect.scatter.add.f32 @!p4 [tilespmem:s17], [sflag:$0xA], $0x80, s19, s19, $0xb8;
	[tilespmem:$0x1FD80] =	vst v63  }
0x254: {  	p3 =	sle.u32 s5, $0xA;
	_ =	swait.ge @!p4 [sflag:s18], $0x4000  }
0x255: {  	s17 =	sadd.s32 @!p3 $0xFFFFFEE0, s23;
	[sflag:s18] =	ssyncset.done @!p4 $0x0  }
0x256: {  	s19 =	simm.s32 @!p3 $0x0;
	[sflag:s18] =	ssyncadd.s32 @!p4 $0xFFFFC000;
	s18 =	simm.s32 @!p1 $0x4  }
0x257: {  	[tilespmem:s19], [sflag:$0x1] =	stream.linear.gather @!p3 [hbm4b:s17+s19], $0x100, $0x38;
	[tilespmem:$0x1FD80] =	vst v63  }
0x258: {  	_ =	swait.ge @!p1 [sflag:s18], $0x100  }
0x259: {  	[sflag:s18] =	ssyncset.done @!p1 $0x0  }
0x25a: {  	s17 =	simm.s32 @!p1 $0x80;
	[sflag:s18] =	ssyncadd.s32 @!p1 $0xFFFFFF00;
	s18 =	simm.s32 @!p1 $0x8500  }
0x25b: {  	[tilespmem:s18], [sflag:$0x8] =	stream.indirect.gather @!p1 [hbm4b:s1+s17], $0x80, s7, s17, $0xb8;
	[tilespmem:$0x1FD80] =	vst v63  }
0x25c: {  	s7 =	simm.s32 @!p5 $0x6  }
0x25d: {  	_ =	swait.ge @!p5 [sflag:s7], $0x4000  }
0x25e: {  	[sflag:s7] =	ssyncset.done @!p5 $0x0  }
0x25f: {  	[sflag:s7] =	ssyncadd.s32 @!p5 $0xFFFFC000;
	s7 =	simm.s32 @!p5 $0x180  }
0x260: {  	[spmem:s2] =	stream.indirect.scatter.add.f32 @!p5 [tilespmem:s4], [sflag:$0xA], $0x80, s7, s6, $0xb8;
	[tilespmem:$0x1FD80] =	vst v63  }
0x261: {  	s4 =	simm.s32 @!p5 $0xA  }
0x262: {  	p4 =	sle.u32 s5, $0xB;
	_ =	swait.ge @!p5 [sflag:s4], $0x4000  }
0x263: {  	s6 =	sadd.s32 @!p4 $0xFFFFFF00, s23;
	[sflag:s4] =	ssyncset.done @!p5 $0x0  }
0x264: {  	s7 =	simm.s32 @!p4 $0x100;
	[sflag:s4] =	ssyncadd.s32 @!p5 $0xFFFFC000;
	s4 =	simm.s32 @!p4 $0x0  }
0x265: {  	[tilespmem:s7], [sflag:$0x2] =	stream.linear.gather @!p4 [hbm4b:s6+s4], $0x100, $0x38;
	[tilespmem:$0x1FD80] =	vst v63  }
0x266: {  	s4 =	simm.s32 @!p2 $0x5  }
0x267: {  	_ =	swait.ge @!p2 [sflag:s4], $0x100  }
0x268: {  	[sflag:s4] =	ssyncset.done @!p2 $0x0  }
0x269: {  	s6 =	simm.s32 @!p2 $0x80;
	[sflag:s4] =	ssyncadd.s32 @!p2 $0xFFFFFF00;
	s4 =	simm.s32 @!p2 $0x500  }
0x26a: {  	[tilespmem:s4], [sflag:$0x6] =	stream.indirect.gather @!p2 [hbm4b:s1+s6], $0x80, s16, s6, $0xb8;
	[tilespmem:$0x1FD80] =	vst v63  }
0x26b: {  	s16 =	simm.s32 @!p0 $0x7  }
0x26c: {  	_ =	swait.ge @!p0 [sflag:s16], $0x4000  }
0x26d: {  	[sflag:s16] =	ssyncset.done @!p0 $0x0  }
0x26e: {  	[sflag:s16] =	ssyncadd.s32 @!p0 $0xFFFFC000;
	s16 =	simm.s32 @!p0 $0x280  }
0x26f: {  	[spmem:s2] =	stream.indirect.scatter.add.f32 @!p0 [tilespmem:s3], [sflag:$0xA], $0x80, s16, s15, $0xb8;
	[tilespmem:$0x1FD80] =	vst v63  }
0x270: {  	s3 =	simm.s32 @!p0 $0xA  }
0x271: {  	p5 =	sle.u32 s5, $0xC;
	_ =	swait.ge @!p0 [sflag:s3], $0x4000  }
0x272: {  	s15 =	sadd.s32 @!p5 $0xFFFFFF20, s23;
	[sflag:s3] =	ssyncset.done @!p0 $0x0  }
0x273: {  	s16 =	simm.s32 @!p5 $0x200;
	[sflag:s3] =	ssyncadd.s32 @!p0 $0xFFFFC000;
	s3 =	simm.s32 @!p5 $0x0  }
0x274: {  	[tilespmem:s16], [sflag:$0x3] =	stream.linear.gather @!p5 [hbm4b:s15+s3], $0x100, $0x38;
	[tilespmem:$0x1FD80] =	vst v63  }
0x275: {  	s3 =	simm.s32 @!p3 $0x1  }
0x276: {  	_ =	swait.ge @!p3 [sflag:s3], $0x100  }
0x277: {  	[sflag:s3] =	ssyncset.done @!p3 $0x0  }
0x278: {  	s15 =	simm.s32 @!p3 $0x80;
	[sflag:s3] =	ssyncadd.s32 @!p3 $0xFFFFFF00;
	s3 =	simm.s32 @!p3 $0x4500  }
0x279: {  	[tilespmem:s3], [sflag:$0x7] =	stream.indirect.gather @!p3 [hbm4b:s1+s15], $0x80, s19, s15, $0xb8;
	[tilespmem:$0x1FD80] =	vst v63  }
0x27a: {  	s19 =	simm.s32 @!p1 $0x8  }
0x27b: {  	_ =	swait.ge @!p1 [sflag:s19], $0x4000  }
0x27c: {  	[sflag:s19] =	ssyncset.done @!p1 $0x0  }
0x27d: {  	[sflag:s19] =	ssyncadd.s32 @!p1 $0xFFFFC000;
	s19 =	simm.s32 @!p1 $0x380  }
0x27e: {  	[spmem:s2] =	stream.indirect.scatter.add.f32 @!p1 [tilespmem:s18], [sflag:$0xA], $0x80, s19, s17, $0xb8;
	[tilespmem:$0x1FD80] =	vst v63  }
0x27f: {  	s17 =	simm.s32 @!p1 $0xA  }
0x280: {  	p6 =	sle.u32 s5, $0xD;
	_ =	swait.ge @!p1 [sflag:s17], $0x4000  }
0x281: {  	s18 =	sadd.s32 @!p6 $0xFFFFFF40, s23;
	[sflag:s17] =	ssyncset.done @!p1 $0x0  }
0x282: {  	s19 =	simm.s32 @!p6 $0x300;
	[sflag:s17] =	ssyncadd.s32 @!p1 $0xFFFFC000;
	s17 =	simm.s32 @!p6 $0x0  }
0x283: {  	[tilespmem:s19], [sflag:$0x4] =	stream.linear.gather @!p6 [hbm4b:s18+s17], $0x100, $0x38;
	[tilespmem:$0x1FD80] =	vst v63  }
0x284: {  	s17 =	simm.s32 @!p4 $0x2  }
0x285: {  	_ =	swait.ge @!p4 [sflag:s17], $0x100  }
0x286: {  	[sflag:s17] =	ssyncset.done @!p4 $0x0  }
0x287: {  	s18 =	simm.s32 @!p4 $0x80;
	[sflag:s17] =	ssyncadd.s32 @!p4 $0xFFFFFF00;
	s17 =	simm.s32 @!p4 $0x8500  }
0x288: {  	[tilespmem:s17], [sflag:$0x8] =	stream.indirect.gather @!p4 [hbm4b:s1+s18], $0x80, s7, s18, $0xb8;
	[tilespmem:$0x1FD80] =	vst v63  }
0x289: {  	s7 =	simm.s32 @!p2 $0x6  }
0x28a: {  	_ =	swait.ge @!p2 [sflag:s7], $0x4000  }
0x28b: {  	[sflag:s7] =	ssyncset.done @!p2 $0x0  }
0x28c: {  	[sflag:s7] =	ssyncadd.s32 @!p2 $0xFFFFC000;
	s7 =	simm.s32 @!p2 $0x480  }
0x28d: {  	[spmem:s2] =	stream.indirect.scatter.add.f32 @!p2 [tilespmem:s4], [sflag:$0xA], $0x80, s7, s6, $0xb8;
	[tilespmem:$0x1FD80] =	vst v63  }
0x28e: {  	s4 =	simm.s32 @!p2 $0xA  }
0x28f: {  	p1 =	sle.u32 s5, $0xE;
	_ =	swait.ge @!p2 [sflag:s4], $0x4000  }
0x290: {  	s6 =	sadd.s32 @!p1 $0xFFFFFF60, s23;
	[sflag:s4] =	ssyncset.done @!p2 $0x0  }
0x291: {  	s7 =	simm.s32 @!p1 $0x400;
	[sflag:s4] =	ssyncadd.s32 @!p2 $0xFFFFC000;
	s4 =	simm.s32 @!p1 $0x0  }
0x292: {  	[tilespmem:s7], [sflag:$0x5] =	stream.linear.gather @!p1 [hbm4b:s6+s4], $0x100, $0x38;
	[tilespmem:$0x1FD80] =	vst v63  }
0x293: {  	s4 =	simm.s32 @!p5 $0x3  }
0x294: {  	_ =	swait.ge @!p5 [sflag:s4], $0x100  }
0x295: {  	[sflag:s4] =	ssyncset.done @!p5 $0x0  }
0x296: {  	s6 =	simm.s32 @!p5 $0x80;
	[sflag:s4] =	ssyncadd.s32 @!p5 $0xFFFFFF00;
	s4 =	simm.s32 @!p5 $0x500  }
0x297: {  	[tilespmem:s4], [sflag:$0x6] =	stream.indirect.gather @!p5 [hbm4b:s1+s6], $0x80, s16, s6, $0xb8;
	[tilespmem:$0x1FD80] =	vst v63  }
0x298: {  	s16 =	simm.s32 @!p3 $0x7  }
0x299: {  	_ =	swait.ge @!p3 [sflag:s16], $0x4000  }
0x29a: {  	[sflag:s16] =	ssyncset.done @!p3 $0x0  }
0x29b: {  	[sflag:s16] =	ssyncadd.s32 @!p3 $0xFFFFC000;
	s16 =	simm.s32 @!p3 $0xA  }
0x29c: {  	[spmem:s2] =	stream.indirect.scatter.add.f32 @!p3 [tilespmem:s3], [sflag:$0xA], $0x80, s15, s15, $0xb8;
	[tilespmem:$0x1FD80] =	vst v63  }
0x29d: {  	p0 =	sle.u32 s5, $0xF;
	_ =	swait.ge @!p3 [sflag:s16], $0x4000  }
0x29e: {  	s3 =	sadd.s32 @!p0 $0xFFFFFF80, s23;
	[sflag:s16] =	ssyncset.done @!p3 $0x0  }
0x29f: {  	s15 =	simm.s32 @!p0 $0x0;
	[sflag:s16] =	ssyncadd.s32 @!p3 $0xFFFFC000;
	s16 =	simm.s32 @!p6 $0x4  }
0x2a0: {  	[tilespmem:s15], [sflag:$0x1] =	stream.linear.gather @!p0 [hbm4b:s3+s15], $0x100, $0x38;
	[tilespmem:$0x1FD80] =	vst v63  }
0x2a1: {  	_ =	swait.ge @!p6 [sflag:s16], $0x100  }
0x2a2: {  	[sflag:s16] =	ssyncset.done @!p6 $0x0  }
0x2a3: {  	s3 =	simm.s32 @!p6 $0x80;
	[sflag:s16] =	ssyncadd.s32 @!p6 $0xFFFFFF00;
	s16 =	simm.s32 @!p6 $0x4500  }
0x2a4: {  	[tilespmem:s16], [sflag:$0x7] =	stream.indirect.gather @!p6 [hbm4b:s1+s3], $0x80, s19, s3, $0xb8;
	[tilespmem:$0x1FD80] =	vst v63  }
0x2a5: {  	s19 =	simm.s32 @!p4 $0x8  }
0x2a6: {  	_ =	swait.ge @!p4 [sflag:s19], $0x4000  }
0x2a7: {  	[sflag:s19] =	ssyncset.done @!p4 $0x0  }
0x2a8: {  	[sflag:s19] =	ssyncadd.s32 @!p4 $0xFFFFC000;
	s19 =	simm.s32 @!p4 $0x180  }
0x2a9: {  	[spmem:s2] =	stream.indirect.scatter.add.f32 @!p4 [tilespmem:s17], [sflag:$0xA], $0x80, s19, s18, $0xb8;
	[tilespmem:$0x1FD80] =	vst v63  }
0x2aa: {  	s17 =	simm.s32 @!p4 $0xA  }
0x2ab: {  	p2 =	sle.u32 s5, $0x10;
	_ =	swait.ge @!p4 [sflag:s17], $0x4000  }
0x2ac: {  	s18 =	sadd.s32 @!p2 $0xFFFFFFA0, s23;
	[sflag:s17] =	ssyncset.done @!p4 $0x0  }
0x2ad: {  	s19 =	simm.s32 @!p2 $0x100;
	[sflag:s17] =	ssyncadd.s32 @!p4 $0xFFFFC000;
	s17 =	simm.s32 @!p2 $0x0  }
0x2ae: {  	[tilespmem:s19], [sflag:$0x2] =	stream.linear.gather @!p2 [hbm4b:s18+s17], $0x100, $0x38;
	[tilespmem:$0x1FD80] =	vst v63  }
0x2af: {  	s17 =	simm.s32 @!p1 $0x5  }
0x2b0: {  	_ =	swait.ge @!p1 [sflag:s17], $0x100  }
0x2b1: {  	[sflag:s17] =	ssyncset.done @!p1 $0x0  }
0x2b2: {  	s18 =	simm.s32 @!p1 $0x80;
	[sflag:s17] =	ssyncadd.s32 @!p1 $0xFFFFFF00;
	s17 =	simm.s32 @!p1 $0x8500  }
0x2b3: {  	[tilespmem:s17], [sflag:$0x8] =	stream.indirect.gather @!p1 [hbm4b:s1+s18], $0x80, s7, s18, $0xb8;
	[tilespmem:$0x1FD80] =	vst v63  }
0x2b4: {  	s7 =	simm.s32 @!p5 $0x6  }
0x2b5: {  	_ =	swait.ge @!p5 [sflag:s7], $0x4000  }
0x2b6: {  	[sflag:s7] =	ssyncset.done @!p5 $0x0  }
0x2b7: {  	[sflag:s7] =	ssyncadd.s32 @!p5 $0xFFFFC000;
	s7 =	simm.s32 @!p5 $0x280  }
0x2b8: {  	[spmem:s2] =	stream.indirect.scatter.add.f32 @!p5 [tilespmem:s4], [sflag:$0xA], $0x80, s7, s6, $0xb8;
	[tilespmem:$0x1FD80] =	vst v63  }
0x2b9: {  	s4 =	simm.s32 @!p5 $0xA  }
0x2ba: {  	p3 =	por p0, p0;
	p0 =	sle.u32 s5, $0x11;
	_ =	swait.ge @!p5 [sflag:s4], $0x4000  }
0x2bb: {  	s20 =	simm.s32 @!p0 $0x200;
	[sflag:s4] =	ssyncset.done @!p5 $0x0  }
0x2bc: {  	s6 =	sadd.s32 @!p0 $0xFFFFFFC0, s23;
	[sflag:s4] =	ssyncadd.s32 @!p5 $0xFFFFC000;
	s4 =	simm.s32 @!p0 $0x0  }
0x2bd: {  	[tilespmem:s20], [sflag:$0x3] =	stream.linear.gather @!p0 [hbm4b:s6+s4], $0x100, $0x38;
	[tilespmem:$0x1FD80] =	vst v63  }
0x2be: {  	s4 =	simm.s32 @!p3 $0x1  }
0x2bf: {  	_ =	swait.ge @!p3 [sflag:s4], $0x100  }
0x2c0: {  	[sflag:s4] =	ssyncset.done @!p3 $0x0  }
0x2c1: {  	s6 =	simm.s32 @!p3 $0x80;
	[sflag:s4] =	ssyncadd.s32 @!p3 $0xFFFFFF00;
	s4 =	simm.s32 @!p3 $0x500  }
0x2c2: {  	[tilespmem:s4], [sflag:$0x6] =	stream.indirect.gather @!p3 [hbm4b:s1+s6], $0x80, s15, s6, $0xb8;
	[tilespmem:$0x1FD80] =	vst v63  }
0x2c3: {  	s4 =	simm.s32 @!p6 $0x7  }
0x2c4: {  	_ =	swait.ge @!p6 [sflag:s4], $0x4000  }
0x2c5: {  	[sflag:s4] =	ssyncset.done @!p6 $0x0  }
0x2c6: {  	[sflag:s4] =	ssyncadd.s32 @!p6 $0xFFFFC000;
	s4 =	simm.s32 @!p6 $0x380  }
0x2c7: {  	[spmem:s2] =	stream.indirect.scatter.add.f32 @!p6 [tilespmem:s16], [sflag:$0xA], $0x80, s4, s3, $0xb8;
	[tilespmem:$0x1FD80] =	vst v63  }
0x2c8: {  	s3 =	simm.s32 @!p6 $0xA  }
0x2c9: {  	p3 =	sle.u32 s5, $0x12;
	_ =	swait.ge @!p6 [sflag:s3], $0x4000  }
0x2ca: {  	s6 =	simm.s32 @!p3 $0x300;
	[sflag:s3] =	ssyncset.done @!p6 $0x0  }
0x2cb: {  	s4 =	sadd.s32 @!p3 $0xFFFFFFE0, s23;
	[sflag:s3] =	ssyncadd.s32 @!p6 $0xFFFFC000;
	s3 =	simm.s32 @!p3 $0x0  }
0x2cc: {  	[tilespmem:s6], [sflag:$0x4] =	stream.linear.gather @!p3 [hbm4b:s4+s3], $0x100, $0x38;
	[tilespmem:$0x1FD80] =	vst v63  }
0x2cd: {  	s3 =	simm.s32 @!p2 $0x2  }
0x2ce: {  	_ =	swait.ge @!p2 [sflag:s3], $0x100  }
0x2cf: {  	[sflag:s3] =	ssyncset.done @!p2 $0x0  }
0x2d0: {  	s4 =	simm.s32 @!p2 $0x80;
	[sflag:s3] =	ssyncadd.s32 @!p2 $0xFFFFFF00;
	s3 =	simm.s32 @!p2 $0x4500  }
0x2d1: {  	[tilespmem:s3], [sflag:$0x7] =	stream.indirect.gather @!p2 [hbm4b:s1+s4], $0x80, s19, s4, $0xb8;
	[tilespmem:$0x1FD80] =	vst v63  }
0x2d2: {  	s3 =	simm.s32 @!p1 $0x8  }
0x2d3: {  	_ =	swait.ge @!p1 [sflag:s3], $0x4000  }
0x2d4: {  	[sflag:s3] =	ssyncset.done @!p1 $0x0  }
0x2d5: {  	s4 =	simm.s32 @!p1 $0x480;
	[sflag:s3] =	ssyncadd.s32 @!p1 $0xFFFFC000;
	s3 =	simm.s32 @!p1 $0xA  }
0x2d6: {  	[spmem:s2] =	stream.indirect.scatter.add.f32 @!p1 [tilespmem:s17], [sflag:$0xA], $0x80, s4, s18, $0xb8;
	[tilespmem:$0x1FD80] =	vst v63  }
0x2d7: {  	p2 =	sle.u32 s5, $0x13;
	_ =	swait.ge @!p1 [sflag:s3], $0x4000  }
0x2d8: {  	s6 =	simm.s32 @!p2 $0x400;
	[sflag:s3] =	ssyncset.done @!p1 $0x0  }
0x2d9: {  	s4 =	simm.s32 @!p2 $0x0;
	[sflag:s3] =	ssyncadd.s32 @!p1 $0xFFFFC000;
	s3 =	simm.s32 @!p0 $0x3  }
0x2da: {  	[tilespmem:s6], [sflag:$0x5] =	stream.linear.gather @!p2 [hbm4b:s23+s4], $0x100, $0x38;
	[tilespmem:$0x1FD80] =	vst v63  }
0x2db: {  	s17 =	simm.s32 $0xF;
	_ =	swait.ge @!p0 [sflag:s3], $0x100  }
0x2dc: {  	s4 =	simm.s32 @!p0 $0x80;
	s6 =	simm.s32 @!p0 $0x8500;
	[sflag:s3] =	ssyncset.done @!p0 $0x0  }
.LBB2_8:
0x2dd: {  	[sflag:s3] =	ssyncadd.s32 @!p0 $0xFFFFFF00;
	s19 =	smov.u32 s17;
	s17 =	sadd.s32 $0xF, s17  }
0x2de: {  	[tilespmem:s6], [sflag:$0x8] =	stream.indirect.gather @!p0 [hbm4b:s1+s4], $0x80, s20, s4, $0xb8;
	[tilespmem:$0x1FD80] =	vst v63  }
0x2df: {  	p0 =	sne.s32 s17, $0x5A  }
0x2e0: {  	_ =	swait.ge [sflag:s8], $0x4000;
	s3 =	simm.s32 @!p0 $0x0  }
0x2e1: {  	s3 =	simm.s32 @p0 $0x1;
	[sflag:s8] =	ssyncset.done $0x0  }
0x2e2: {  	[smem:$0x7FB] =	sst s3;
	[sflag:s8] =	ssyncadd.s32 $0xFFFFC000  }
0x2e3: {  	[spmem:s2] =	stream.indirect.scatter.add.f32 [tilespmem:s29], [sflag:$0xA], $0x80, s0, s0, $0xb8;
	[tilespmem:$0x1FD80] =	vst v63  }
0x2e4: {  	s23 =	sadd.s32 $0x1E0, s23;
	s20 =	sadd.s32 $0x5, s19;
	_ =	swait.ge [sflag:s9], $0x4000  }
0x2e5: {  	p4 =	sge.u32 s19, s11;
	p0 =	sge.u32 s20, s5;
	[sflag:s9] =	ssyncset.done $0x0  }
0x2e6: {  	s3 =	sadd.s32 @!p0 $0xFFFFFE40, s23;
	s16 =	simm.s32 @!p0 $0x0;
	[sflag:s9] =	ssyncadd.s32 $0xFFFFC000  }
0x2e7: {  	[tilespmem:s16], [sflag:$0x1] =	stream.linear.gather @!p0 [hbm4b:s3+s16], $0x100, $0x38;
	[tilespmem:$0x1FD80] =	vst v63  }
0x2e8: {  	s3 =	simm.s32 @!p4 $0x4  }
0x2e9: {  	_ =	swait.ge @!p4 [sflag:s3], $0x100  }
0x2ea: {  	s4 =	simm.s32 @!p4 $0x500;
	[sflag:s3] =	ssyncset.done @!p4 $0x0  }
0x2eb: {  	s6 =	simm.s32 @!p4 $0x80;
	s7 =	simm.s32 @!p4 $0x300;
	[sflag:s3] =	ssyncadd.s32 @!p4 $0xFFFFFF00  }
0x2ec: {  	[tilespmem:s4], [sflag:$0x6] =	stream.indirect.gather @!p4 [hbm4b:s1+s6], $0x80, s7, s6, $0xb8;
	[tilespmem:$0x1FD80] =	vst v63  }
0x2ed: {  	_ =	swait.ge [sflag:s25], $0x4000  }
0x2ee: {  	[sflag:s25] =	ssyncset.done $0x0  }
0x2ef: {  	s22 =	sadd.s32 $0x6, s19;
	[sflag:s25] =	ssyncadd.s32 $0xFFFFC000  }
0x2f0: {  	[spmem:s2] =	stream.indirect.scatter.add.f32 [tilespmem:s21], [sflag:$0xA], $0x80, s10, s0, $0xb8;
	[tilespmem:$0x1FD80] =	vst v63  }
0x2f1: {  	p6 =	sge.u32 s19, s12;
	p5 =	sge.u32 s22, s5;
	_ =	swait.ge [sflag:s9], $0x4000  }
0x2f2: {  	s18 =	simm.s32 @!p6 $0x5;
	s15 =	simm.s32 @!p5 $0x0;
	[sflag:s9] =	ssyncset.done $0x0  }
0x2f3: {  	s3 =	sadd.s32 @!p5 $0xFFFFFE60, s23;
	s7 =	simm.s32 @!p5 $0x100;
	[sflag:s9] =	ssyncadd.s32 $0xFFFFC000  }
0x2f4: {  	[tilespmem:s7], [sflag:$0x2] =	stream.linear.gather @!p5 [hbm4b:s3+s15], $0x100, $0x38;
	[tilespmem:$0x1FD80] =	vst v63  }
0x2f5: {  	_ =	swait.ge @!p6 [sflag:s18], $0x100  }
0x2f6: {  	s20 =	simm.s32 @!p6 $0x4500;
	[sflag:s18] =	ssyncset.done @!p6 $0x0  }
0x2f7: {  	s3 =	simm.s32 @!p6 $0x80;
	s15 =	simm.s32 @!p6 $0x400;
	[sflag:s18] =	ssyncadd.s32 @!p6 $0xFFFFFF00  }
0x2f8: {  	[tilespmem:s20], [sflag:$0x7] =	stream.indirect.gather @!p6 [hbm4b:s1+s3], $0x80, s15, s3, $0xb8;
	[tilespmem:$0x1FD80] =	vst v63  }
0x2f9: {  	_ =	swait.ge [sflag:s13], $0x4000  }
0x2fa: {  	[sflag:s13] =	ssyncset.done $0x0  }
0x2fb: {  	s26 =	sadd.s32 $0x7, s19;
	[sflag:s13] =	ssyncadd.s32 $0xFFFFC000  }
0x2fc: {  	[spmem:s2] =	stream.indirect.scatter.add.f32 [tilespmem:s24], [sflag:$0xA], $0x80, s14, s0, $0xb8;
	[tilespmem:$0x1FD80] =	vst v63  }
0x2fd: {  	p2 =	sge.u32 s26, s5;
	_ =	swait.ge [sflag:s9], $0x4000  }
0x2fe: {  	s22 =	simm.s32 @!p0 $0x1;
	s21 =	simm.s32 @!p2 $0x200;
	[sflag:s9] =	ssyncset.done $0x0  }
0x2ff: {  	s18 =	simm.s32 @!p2 $0x0;
	s15 =	sadd.s32 @!p2 $0xFFFFFE80, s23;
	[sflag:s9] =	ssyncadd.s32 $0xFFFFC000  }
0x300: {  	[tilespmem:s21], [sflag:$0x3] =	stream.linear.gather @!p2 [hbm4b:s15+s18], $0x100, $0x38;
	[tilespmem:$0x1FD80] =	vst v63  }
0x301: {  	_ =	swait.ge @!p0 [sflag:s22], $0x100  }
0x302: {  	s26 =	simm.s32 @!p0 $0x8500;
	[sflag:s22] =	ssyncset.done @!p0 $0x0  }
0x303: {  	s15 =	simm.s32 @!p0 $0x80;
	s18 =	simm.s32 @!p4 $0x6;
	[sflag:s22] =	ssyncadd.s32 @!p0 $0xFFFFFF00  }
0x304: {  	[tilespmem:s26], [sflag:$0x8] =	stream.indirect.gather @!p0 [hbm4b:s1+s15], $0x80, s16, s15, $0xb8;
	[tilespmem:$0x1FD80] =	vst v63  }
0x305: {  	_ =	swait.ge @!p4 [sflag:s18], $0x4000  }
0x306: {  	s30 =	sadd.s32 $0x8, s19;
	[sflag:s18] =	ssyncset.done @!p4 $0x0  }
0x307: {  	s16 =	simm.s32 @!p4 $0x380;
	[sflag:s18] =	ssyncadd.s32 @!p4 $0xFFFFC000;
	s18 =	simm.s32 @!p4 $0xA  }
0x308: {  	[spmem:s2] =	stream.indirect.scatter.add.f32 @!p4 [tilespmem:s4], [sflag:$0xA], $0x80, s16, s6, $0xb8;
	[tilespmem:$0x1FD80] =	vst v63  }
0x309: {  	p3 =	sge.u32 s30, s5;
	_ =	swait.ge @!p4 [sflag:s18], $0x4000  }
0x30a: {  	s6 =	sadd.s32 @!p3 $0xFFFFFEA0, s23;
	s4 =	simm.s32 @!p3 $0x300;
	[sflag:s18] =	ssyncset.done @!p4 $0x0  }
0x30b: {  	s16 =	simm.s32 @!p3 $0x0;
	[sflag:s18] =	ssyncadd.s32 @!p4 $0xFFFFC000;
	s18 =	simm.s32 @!p5 $0x2  }
0x30c: {  	[tilespmem:s4], [sflag:$0x4] =	stream.linear.gather @!p3 [hbm4b:s6+s16], $0x100, $0x38;
	[tilespmem:$0x1FD80] =	vst v63  }
0x30d: {  	_ =	swait.ge @!p5 [sflag:s18], $0x100  }
0x30e: {  	s30 =	simm.s32 @!p5 $0x500;
	[sflag:s18] =	ssyncset.done @!p5 $0x0  }
0x30f: {  	s6 =	simm.s32 @!p5 $0x80;
	s16 =	simm.s32 @!p6 $0x7;
	[sflag:s18] =	ssyncadd.s32 @!p5 $0xFFFFFF00  }
0x310: {  	[tilespmem:s30], [sflag:$0x6] =	stream.indirect.gather @!p5 [hbm4b:s1+s6], $0x80, s7, s6, $0xb8;
	[tilespmem:$0x1FD80] =	vst v63  }
0x311: {  	_ =	swait.ge @!p6 [sflag:s16], $0x4000  }
0x312: {  	s31 =	sadd.s32 $0x9, s19;
	[sflag:s16] =	ssyncset.done @!p6 $0x0  }
0x313: {  	s7 =	simm.s32 @!p6 $0x480;
	[sflag:s16] =	ssyncadd.s32 @!p6 $0xFFFFC000;
	s16 =	simm.s32 @!p6 $0xA  }
0x314: {  	[spmem:s2] =	stream.indirect.scatter.add.f32 @!p6 [tilespmem:s20], [sflag:$0xA], $0x80, s7, s3, $0xb8;
	[tilespmem:$0x1FD80] =	vst v63  }
0x315: {  	p4 =	sge.u32 s31, s5;
	_ =	swait.ge @!p6 [sflag:s16], $0x4000  }
0x316: {  	s18 =	simm.s32 @!p2 $0x3;
	s7 =	sadd.s32 @!p4 $0xFFFFFEC0, s23;
	[sflag:s16] =	ssyncset.done @!p6 $0x0  }
0x317: {  	s3 =	simm.s32 @!p4 $0x400;
	[sflag:s16] =	ssyncadd.s32 @!p6 $0xFFFFC000;
	s16 =	simm.s32 @!p4 $0x0  }
0x318: {  	[tilespmem:s3], [sflag:$0x5] =	stream.linear.gather @!p4 [hbm4b:s7+s16], $0x100, $0x38;
	[tilespmem:$0x1FD80] =	vst v63  }
0x319: {  	_ =	swait.ge @!p2 [sflag:s18], $0x100  }
0x31a: {  	s22 =	simm.s32 @!p2 $0x4500;
	[sflag:s18] =	ssyncset.done @!p2 $0x0  }
0x31b: {  	s16 =	simm.s32 @!p2 $0x80;
	s7 =	simm.s32 @!p0 $0x8;
	[sflag:s18] =	ssyncadd.s32 @!p2 $0xFFFFFF00  }
0x31c: {  	[tilespmem:s22], [sflag:$0x7] =	stream.indirect.gather @!p2 [hbm4b:s1+s16], $0x80, s21, s16, $0xb8;
	[tilespmem:$0x1FD80] =	vst v63  }
0x31d: {  	_ =	swait.ge @!p0 [sflag:s7], $0x4000  }
0x31e: {  	[sflag:s7] =	ssyncset.done @!p0 $0x0  }
0x31f: {  	s20 =	sadd.s32 $0xA, s19;
	[sflag:s7] =	ssyncadd.s32 @!p0 $0xFFFFC000;
	s7 =	simm.s32 @!p0 $0xA  }
0x320: {  	[spmem:s2] =	stream.indirect.scatter.add.f32 @!p0 [tilespmem:s26], [sflag:$0xA], $0x80, s15, s15, $0xb8;
	[tilespmem:$0x1FD80] =	vst v63  }
0x321: {  	p6 =	sge.u32 s20, s5;
	_ =	swait.ge @!p0 [sflag:s7], $0x4000  }
0x322: {  	s31 =	simm.s32 @!p6 $0x0;
	[sflag:s7] =	ssyncset.done @!p0 $0x0  }
0x323: {  	s15 =	sadd.s32 @!p6 $0xFFFFFEE0, s23;
	[sflag:s7] =	ssyncadd.s32 @!p0 $0xFFFFC000;
	s7 =	simm.s32 @!p3 $0x4  }
0x324: {  	[tilespmem:s31], [sflag:$0x1] =	stream.linear.gather @!p6 [hbm4b:s15+s31], $0x100, $0x38;
	[tilespmem:$0x1FD80] =	vst v63  }
0x325: {  	_ =	swait.ge @!p3 [sflag:s7], $0x100  }
0x326: {  	s20 =	simm.s32 @!p3 $0x80;
	[sflag:s7] =	ssyncset.done @!p3 $0x0  }
0x327: {  	s26 =	simm.s32 @!p3 $0x8500;
	[sflag:s7] =	ssyncadd.s32 @!p3 $0xFFFFFF00;
	s7 =	simm.s32 @!p5 $0x6  }
0x328: {  	[tilespmem:s26], [sflag:$0x8] =	stream.indirect.gather @!p3 [hbm4b:s1+s20], $0x80, s4, s20, $0xb8;
	[tilespmem:$0x1FD80] =	vst v63  }
0x329: {  	_ =	swait.ge @!p5 [sflag:s7], $0x4000  }
0x32a: {  	s21 =	sadd.s32 $0xB, s19;
	[sflag:s7] =	ssyncset.done @!p5 $0x0  }
0x32b: {  	s4 =	simm.s32 @!p5 $0x180;
	[sflag:s7] =	ssyncadd.s32 @!p5 $0xFFFFC000;
	s7 =	simm.s32 @!p5 $0xA  }
0x32c: {  	[spmem:s2] =	stream.indirect.scatter.add.f32 @!p5 [tilespmem:s30], [sflag:$0xA], $0x80, s4, s6, $0xb8;
	[tilespmem:$0x1FD80] =	vst v63  }
0x32d: {  	p0 =	sge.u32 s21, s5;
	_ =	swait.ge @!p5 [sflag:s7], $0x4000  }
0x32e: {  	s21 =	simm.s32 @!p0 $0x100;
	s15 =	simm.s32 @!p4 $0x5;
	[sflag:s7] =	ssyncset.done @!p5 $0x0  }
0x32f: {  	s4 =	sadd.s32 @!p0 $0xFFFFFF00, s23;
	s6 =	simm.s32 @!p0 $0x0;
	[sflag:s7] =	ssyncadd.s32 @!p5 $0xFFFFC000  }
0x330: {  	[tilespmem:s21], [sflag:$0x2] =	stream.linear.gather @!p0 [hbm4b:s4+s6], $0x100, $0x38;
	[tilespmem:$0x1FD80] =	vst v63  }
0x331: {  	_ =	swait.ge @!p4 [sflag:s15], $0x100  }
0x332: {  	s7 =	simm.s32 @!p4 $0x500;
	[sflag:s15] =	ssyncset.done @!p4 $0x0  }
0x333: {  	s4 =	simm.s32 @!p4 $0x80;
	s6 =	simm.s32 @!p2 $0x7;
	[sflag:s15] =	ssyncadd.s32 @!p4 $0xFFFFFF00  }
0x334: {  	[tilespmem:s7], [sflag:$0x6] =	stream.indirect.gather @!p4 [hbm4b:s1+s4], $0x80, s3, s4, $0xb8;
	[tilespmem:$0x1FD80] =	vst v63  }
0x335: {  	_ =	swait.ge @!p2 [sflag:s6], $0x4000  }
0x336: {  	s30 =	sadd.s32 $0xC, s19;
	[sflag:s6] =	ssyncset.done @!p2 $0x0  }
0x337: {  	s3 =	simm.s32 @!p2 $0x280;
	[sflag:s6] =	ssyncadd.s32 @!p2 $0xFFFFC000;
	s6 =	simm.s32 @!p2 $0xA  }
0x338: {  	[spmem:s2] =	stream.indirect.scatter.add.f32 @!p2 [tilespmem:s22], [sflag:$0xA], $0x80, s3, s16, $0xb8;
	[tilespmem:$0x1FD80] =	vst v63  }
0x339: {  	p5 =	sge.u32 s30, s5;
	_ =	swait.ge @!p2 [sflag:s6], $0x4000  }
0x33a: {  	s15 =	simm.s32 @!p5 $0x200;
	s3 =	sadd.s32 @!p5 $0xFFFFFF20, s23;
	[sflag:s6] =	ssyncset.done @!p2 $0x0  }
0x33b: {  	s16 =	simm.s32 @!p6 $0x1;
	[sflag:s6] =	ssyncadd.s32 @!p2 $0xFFFFC000;
	s6 =	simm.s32 @!p5 $0x0  }
0x33c: {  	[tilespmem:s15], [sflag:$0x3] =	stream.linear.gather @!p5 [hbm4b:s3+s6], $0x100, $0x38;
	[tilespmem:$0x1FD80] =	vst v63  }
0x33d: {  	_ =	swait.ge @!p6 [sflag:s16], $0x100  }
0x33e: {  	s3 =	simm.s32 @!p6 $0x80;
	[sflag:s16] =	ssyncset.done @!p6 $0x0  }
0x33f: {  	s6 =	simm.s32 @!p6 $0x4500;
	[sflag:s16] =	ssyncadd.s32 @!p6 $0xFFFFFF00;
	s16 =	simm.s32 @!p3 $0x8  }
0x340: {  	[tilespmem:s6], [sflag:$0x7] =	stream.indirect.gather @!p6 [hbm4b:s1+s3], $0x80, s31, s3, $0xb8;
	[tilespmem:$0x1FD80] =	vst v63  }
0x341: {  	_ =	swait.ge @!p3 [sflag:s16], $0x4000  }
0x342: {  	s18 =	simm.s32 @!p3 $0x380;
	[sflag:s16] =	ssyncset.done @!p3 $0x0  }
0x343: {  	s22 =	simm.s32 @!p3 $0xA;
	s31 =	sadd.s32 $0xD, s19;
	[sflag:s16] =	ssyncadd.s32 @!p3 $0xFFFFC000  }
0x344: {  	[spmem:s2] =	stream.indirect.scatter.add.f32 @!p3 [tilespmem:s26], [sflag:$0xA], $0x80, s18, s20, $0xb8;
	[tilespmem:$0x1FD80] =	vst v63  }
0x345: {  	p2 =	sge.u32 s31, s5;
	_ =	swait.ge @!p3 [sflag:s22], $0x4000  }
0x346: {  	s16 =	simm.s32 @!p2 $0x300;
	s18 =	sadd.s32 @!p2 $0xFFFFFF40, s23;
	[sflag:s22] =	ssyncset.done @!p3 $0x0  }
0x347: {  	s20 =	simm.s32 @!p2 $0x0;
	[sflag:s22] =	ssyncadd.s32 @!p3 $0xFFFFC000;
	s22 =	simm.s32 @!p0 $0x2  }
0x348: {  	[tilespmem:s16], [sflag:$0x4] =	stream.linear.gather @!p2 [hbm4b:s18+s20], $0x100, $0x38;
	[tilespmem:$0x1FD80] =	vst v63  }
0x349: {  	_ =	swait.ge @!p0 [sflag:s22], $0x100  }
0x34a: {  	s31 =	simm.s32 @!p0 $0x8500;
	[sflag:s22] =	ssyncset.done @!p0 $0x0  }
0x34b: {  	s20 =	simm.s32 @!p0 $0x80;
	s18 =	simm.s32 @!p4 $0x6;
	[sflag:s22] =	ssyncadd.s32 @!p0 $0xFFFFFF00  }
0x34c: {  	[tilespmem:s31], [sflag:$0x8] =	stream.indirect.gather @!p0 [hbm4b:s1+s20], $0x80, s21, s20, $0xb8;
	[tilespmem:$0x1FD80] =	vst v63  }
0x34d: {  	_ =	swait.ge @!p4 [sflag:s18], $0x4000  }
0x34e: {  	s30 =	sadd.s32 $0xE, s19;
	[sflag:s18] =	ssyncset.done @!p4 $0x0  }
0x34f: {  	s21 =	simm.s32 @!p4 $0x480;
	[sflag:s18] =	ssyncadd.s32 @!p4 $0xFFFFC000;
	s18 =	simm.s32 @!p4 $0xA  }
0x350: {  	[spmem:s2] =	stream.indirect.scatter.add.f32 @!p4 [tilespmem:s7], [sflag:$0xA], $0x80, s21, s4, $0xb8;
	[tilespmem:$0x1FD80] =	vst v63  }
0x351: {  	p3 =	sge.u32 s30, s5;
	_ =	swait.ge @!p4 [sflag:s18], $0x4000  }
0x352: {  	s22 =	simm.s32 @!p3 $0x400;
	s4 =	sadd.s32 @!p3 $0xFFFFFF60, s23;
	[sflag:s18] =	ssyncset.done @!p4 $0x0  }
0x353: {  	s7 =	simm.s32 @!p3 $0x0;
	s21 =	simm.s32 @!p5 $0x3;
	[sflag:s18] =	ssyncadd.s32 @!p4 $0xFFFFC000  }
0x354: {  	[tilespmem:s22], [sflag:$0x5] =	stream.linear.gather @!p3 [hbm4b:s4+s7], $0x100, $0x38;
	[tilespmem:$0x1FD80] =	vst v63  }
0x355: {  	_ =	swait.ge @!p5 [sflag:s21], $0x100  }
0x356: {  	s30 =	simm.s32 @!p5 $0x80;
	[sflag:s21] =	ssyncset.done @!p5 $0x0  }
0x357: {  	s18 =	simm.s32 @!p5 $0x500;
	s4 =	simm.s32 @!p6 $0x7;
	[sflag:s21] =	ssyncadd.s32 @!p5 $0xFFFFFF00  }
0x358: {  	[tilespmem:s18], [sflag:$0x6] =	stream.indirect.gather @!p5 [hbm4b:s1+s30], $0x80, s15, s30, $0xb8;
	[tilespmem:$0x1FD80] =	vst v63  }
0x359: {  	_ =	swait.ge @!p6 [sflag:s4], $0x4000  }
0x35a: {  	[sflag:s4] =	ssyncset.done @!p6 $0x0  }
0x35b: {  	[sflag:s4] =	ssyncadd.s32 @!p6 $0xFFFFC000;
	s4 =	simm.s32 @!p6 $0xA  }
0x35c: {  	[spmem:s2] =	stream.indirect.scatter.add.f32 @!p6 [tilespmem:s6], [sflag:$0xA], $0x80, s3, s3, $0xb8;
	[tilespmem:$0x1FD80] =	vst v63  }
0x35d: {  	p1 =	sge.u32 s17, s5;
	_ =	swait.ge @!p6 [sflag:s4], $0x4000  }
0x35e: {  	s7 =	simm.s32 @!p1 $0x0;
	[sflag:s4] =	ssyncset.done @!p6 $0x0  }
0x35f: {  	s3 =	sadd.s32 @!p1 $0xFFFFFF80, s23;
	s6 =	simm.s32 @!p2 $0x4;
	[sflag:s4] =	ssyncadd.s32 @!p6 $0xFFFFC000  }
0x360: {  	[tilespmem:s7], [sflag:$0x1] =	stream.linear.gather @!p1 [hbm4b:s3+s7], $0x100, $0x38;
	[tilespmem:$0x1FD80] =	vst v63  }
0x361: {  	_ =	swait.ge @!p2 [sflag:s6], $0x100  }
0x362: {  	s26 =	simm.s32 @!p2 $0x4500;
	[sflag:s6] =	ssyncset.done @!p2 $0x0  }
0x363: {  	s4 =	simm.s32 @!p2 $0x80;
	s3 =	simm.s32 @!p0 $0x8;
	[sflag:s6] =	ssyncadd.s32 @!p2 $0xFFFFFF00  }
0x364: {  	[tilespmem:s26], [sflag:$0x7] =	stream.indirect.gather @!p2 [hbm4b:s1+s4], $0x80, s16, s4, $0xb8;
	[tilespmem:$0x1FD80] =	vst v63  }
0x365: {  	_ =	swait.ge @!p0 [sflag:s3], $0x4000  }
0x366: {  	s6 =	simm.s32 @!p0 $0x180;
	[sflag:s3] =	ssyncset.done @!p0 $0x0  }
0x367: {  	s16 =	sadd.s32 $0x10, s19;
	[sflag:s3] =	ssyncadd.s32 @!p0 $0xFFFFC000;
	s3 =	simm.s32 @!p0 $0xA  }
0x368: {  	[spmem:s2] =	stream.indirect.scatter.add.f32 @!p0 [tilespmem:s31], [sflag:$0xA], $0x80, s6, s20, $0xb8;
	[tilespmem:$0x1FD80] =	vst v63  }
0x369: {  	p4 =	sge.u32 s16, s5;
	_ =	swait.ge @!p0 [sflag:s3], $0x4000  }
0x36a: {  	s16 =	simm.s32 @!p3 $0x5;
	s15 =	simm.s32 @!p4 $0x100;
	[sflag:s3] =	ssyncset.done @!p0 $0x0  }
0x36b: {  	s6 =	sadd.s32 @!p4 $0xFFFFFFA0, s23;
	[sflag:s3] =	ssyncadd.s32 @!p0 $0xFFFFC000;
	s3 =	simm.s32 @!p4 $0x0  }
0x36c: {  	[tilespmem:s15], [sflag:$0x2] =	stream.linear.gather @!p4 [hbm4b:s6+s3], $0x100, $0x38;
	[tilespmem:$0x1FD80] =	vst v63  }
0x36d: {  	_ =	swait.ge @!p3 [sflag:s16], $0x100  }
0x36e: {  	s21 =	simm.s32 @!p3 $0x80;
	[sflag:s16] =	ssyncset.done @!p3 $0x0  }
0x36f: {  	s31 =	simm.s32 @!p3 $0x8500;
	s3 =	simm.s32 @!p5 $0x6;
	[sflag:s16] =	ssyncadd.s32 @!p3 $0xFFFFFF00  }
0x370: {  	[tilespmem:s31], [sflag:$0x8] =	stream.indirect.gather @!p3 [hbm4b:s1+s21], $0x80, s22, s21, $0xb8;
	[tilespmem:$0x1FD80] =	vst v63  }
0x371: {  	_ =	swait.ge @!p5 [sflag:s3], $0x4000  }
0x372: {  	s20 =	sadd.s32 $0x11, s19;
	[sflag:s3] =	ssyncset.done @!p5 $0x0  }
0x373: {  	s6 =	simm.s32 @!p5 $0x280;
	[sflag:s3] =	ssyncadd.s32 @!p5 $0xFFFFC000;
	s3 =	simm.s32 @!p5 $0xA  }
0x374: {  	[spmem:s2] =	stream.indirect.scatter.add.f32 @!p5 [tilespmem:s18], [sflag:$0xA], $0x80, s6, s30, $0xb8;
	[tilespmem:$0x1FD80] =	vst v63  }
0x375: {  	p0 =	sge.u32 s20, s5;
	_ =	swait.ge @!p5 [sflag:s3], $0x4000  }
0x376: {  	s20 =	simm.s32 @!p0 $0x200;
	s16 =	simm.s32 @!p1 $0x1;
	[sflag:s3] =	ssyncset.done @!p5 $0x0  }
0x377: {  	s6 =	sadd.s32 @!p0 $0xFFFFFFC0, s23;
	[sflag:s3] =	ssyncadd.s32 @!p5 $0xFFFFC000;
	s3 =	simm.s32 @!p0 $0x0  }
0x378: {  	[tilespmem:s20], [sflag:$0x3] =	stream.linear.gather @!p0 [hbm4b:s6+s3], $0x100, $0x38;
	[tilespmem:$0x1FD80] =	vst v63  }
0x379: {  	_ =	swait.ge @!p1 [sflag:s16], $0x100  }
0x37a: {  	s3 =	simm.s32 @!p1 $0x80;
	[sflag:s16] =	ssyncset.done @!p1 $0x0  }
0x37b: {  	s6 =	simm.s32 @!p1 $0x500;
	[sflag:s16] =	ssyncadd.s32 @!p1 $0xFFFFFF00;
	s16 =	simm.s32 @!p2 $0x7  }
0x37c: {  	[tilespmem:s6], [sflag:$0x6] =	stream.indirect.gather @!p1 [hbm4b:s1+s3], $0x80, s7, s3, $0xb8;
	[tilespmem:$0x1FD80] =	vst v63  }
0x37d: {  	_ =	swait.ge @!p2 [sflag:s16], $0x4000  }
0x37e: {  	s22 =	sadd.s32 $0x12, s19;
	[sflag:s16] =	ssyncset.done @!p2 $0x0  }
0x37f: {  	s3 =	simm.s32 @!p2 $0x380;
	s6 =	simm.s32 @!p2 $0xA;
	[sflag:s16] =	ssyncadd.s32 @!p2 $0xFFFFC000  }
0x380: {  	[spmem:s2] =	stream.indirect.scatter.add.f32 @!p2 [tilespmem:s26], [sflag:$0xA], $0x80, s3, s4, $0xb8;
	[tilespmem:$0x1FD80] =	vst v63  }
0x381: {  	p1 =	sge.u32 s22, s5;
	_ =	swait.ge @!p2 [sflag:s6], $0x4000  }
0x382: {  	s7 =	simm.s32 @!p4 $0x2;
	s3 =	sadd.s32 @!p1 $0xFFFFFFE0, s23;
	[sflag:s6] =	ssyncset.done @!p2 $0x0  }
0x383: {  	s4 =	simm.s32 @!p1 $0x300;
	[sflag:s6] =	ssyncadd.s32 @!p2 $0xFFFFC000;
	s6 =	simm.s32 @!p1 $0x0  }
0x384: {  	[tilespmem:s4], [sflag:$0x4] =	stream.linear.gather @!p1 [hbm4b:s3+s6], $0x100, $0x38;
	[tilespmem:$0x1FD80] =	vst v63  }
0x385: {  	_ =	swait.ge @!p4 [sflag:s7], $0x100  }
0x386: {  	s3 =	simm.s32 @!p4 $0x80;
	[sflag:s7] =	ssyncset.done @!p4 $0x0  }
0x387: {  	s4 =	simm.s32 @!p4 $0x4500;
	s6 =	simm.s32 @!p3 $0x8;
	[sflag:s7] =	ssyncadd.s32 @!p4 $0xFFFFFF00  }
0x388: {  	[tilespmem:s4], [sflag:$0x7] =	stream.indirect.gather @!p4 [hbm4b:s1+s3], $0x80, s15, s3, $0xb8;
	[tilespmem:$0x1FD80] =	vst v63  }
0x389: {  	_ =	swait.ge @!p3 [sflag:s6], $0x4000  }
0x38a: {  	s30 =	sadd.s32 $0x13, s19;
	[sflag:s6] =	ssyncset.done @!p3 $0x0  }
0x38b: {  	s3 =	simm.s32 @!p3 $0x480;
	s4 =	simm.s32 @!p3 $0xA;
	[sflag:s6] =	ssyncadd.s32 @!p3 $0xFFFFC000  }
0x38c: {  	[spmem:s2] =	stream.indirect.scatter.add.f32 @!p3 [tilespmem:s31], [sflag:$0xA], $0x80, s3, s21, $0xb8;
	[tilespmem:$0x1FD80] =	vst v63  }
0x38d: {  	p1 =	sge.u32 s30, s5;
	_ =	swait.ge @!p3 [sflag:s4], $0x4000  }
0x38e: {  	s7 =	simm.s32 @!p1 $0x400;
	[sflag:s4] =	ssyncset.done @!p3 $0x0  }
0x38f: {  	s6 =	simm.s32 @!p1 $0x0;
	s3 =	simm.s32 @!p0 $0x3;
	[sflag:s4] =	ssyncadd.s32 @!p3 $0xFFFFC000  }
0x390: {  	[tilespmem:s7], [sflag:$0x5] =	stream.linear.gather @!p1 [hbm4b:s23+s6], $0x100, $0x38;
	[tilespmem:$0x1FD80] =	vst v63  }
0x391: {  	_ =	swait.ge @!p0 [sflag:s3], $0x100  }
0x392: {  	s31 =	sld [smem:$0x7FB];
	_ =	sdelay $0x2  }
0x393: {  	p1 =	seq.s32 s31, $0x1  }
.Ltmp6:
0x394: {  	_ = 	snop;
	(pc) =	sbr.rel @p1 .LBB2_8-.Ltmp6, $3  }
0x395: {  	_ =	sdelay $0x1  }
0x396: {  	s21 =	simm.s32 $0x4500  }
0x397: {  	s4 =	simm.s32 @!p0 $0x80;
	s6 =	simm.s32 @!p0 $0x8500;
	[sflag:s3] =	ssyncset.done @!p0 $0x0  }
.Ltmp7:
0x398: {  	_ = 	snop;
	(pc) =	sbr.rel .LBB2_9-.Ltmp7, $1  }
0x399: {  	_ =	sdelay $0x3  }
.LBB2_11:
0x39a: {  	_ =	sfence.sel $0x180000  }
0x39b: {  	[bflag:$0x0] =	sbarrier.arrive $0xFFFF  }
0x39c: {  	_ =	strace $0x90000047  }
0x39d: {  	[bflag:$0x2] =	sbarrier.arrive $0xFFFF  }
0x39e: {  	s0 =	rddreg [dreg:$0x5]  }
0x39f: {  	s0 =	sadd.s32 @!p0 $0x100000, s0  }
0x3a0: {  	[sflag:s0] =	ssyncadd.tile.s32 @!p0 $0x1;
	_ =	shalt  }
.Lfunc_end2:
_tile_overlayer_lowered:
.L_overlay_start_2:
0x3a1: {  	(tag) =	ssettag $0x2  }
0x3a2: {  	s0 =	rddreg [dreg:$0x0];
	s2 =	stileid.u32  }
0x3a3: {  	s1 =	rddreg [dreg:$0x1];
	p0 =	sne.s32 s2, $0x0  }
0x3a4: {  	s3 =	rddreg [dreg:$0x2];
	[bflag:$0x3] =	sbarrier.arrive $0xFFFF;
	s2 =	simm.s32 @!p0 $0x1C0A  }
0x3a5: {  	[timem:s3], [sflag:s2] =	dma.local @!p0 [hbm:s0], s1  }
0x3a6: {  	s0 =	simm.s32 @!p0 $0xA  }
0x3a7: {  	_ =	swait.ge @!p0 [sflag:s0], s1  }
0x3a8: {  	s1 =	ssub.s32 @!p0 $0x0, s1;
	[sflag:s0] =	ssyncset.done @!p0 $0x0  }
0x3a9: {  	[sflag:s0] =	ssyncadd.s32 @!p0 s1  }
0x3aa: {  	[bflag:$0x3] =	sbarrier.arrive $0xFFFF  }
0x3ab: {  	_ =	shalt  }

</sc_bundles>
